<compile_context>
chip_gen: v7x
topology: tpu7x:2x2x1
jax: 0.10.2.dev20260603
libtpu: 0.0.44.dev20260713+nightly
codegen_flags: <defaults>
</compile_context>

<pallas_src>
import functools

import jax
import jax.numpy as jnp
from jax import lax
from jax.experimental import pallas as pl
from jax.experimental.pallas import tpu as pltpu
from jax.experimental.pallas import tpu_sc as plsc

NC = 2
NS = 16
NW = NC * NS
CH = 128

NUM_STEPS = 6


def _proj_kernel(nf_ref, w_ref, b_ref, o_ref):
    v = jax.nn.relu(
        jnp.dot(nf_ref[...], w_ref[...], preferred_element_type=jnp.float32)
        + b_ref[...]
    )
    o_ref[...] = jnp.concatenate([v, v, v, v], axis=1)


def _project(nf, w, b, blk=1000):
    n, d_in = nf.shape
    d_out = w.shape[1]
    return pl.pallas_call(
        _proj_kernel,
        grid=(n // blk,),
        in_specs=[
            pl.BlockSpec((blk, d_in), lambda i: (i, 0)),
            pl.BlockSpec((d_in, d_out), lambda i: (0, 0)),
            pl.BlockSpec((1, d_out), lambda i: (0, 0)),
        ],
        out_specs=pl.BlockSpec((blk, 4 * d_out), lambda i: (i, 0)),
        out_shape=jax.ShapeDtypeStruct((n, 4 * d_out), jnp.float32),
    )(nf, w, b.reshape(1, d_out))


def _ew_kernel(ef_ref, w1_ref, b1_ref, w2_ref, b2_ref, o_ref):
    z = jax.nn.relu(
        jnp.dot(ef_ref[...], w1_ref[...], preferred_element_type=jnp.float32)
        + b1_ref[...]
    )
    o_ref[...] = (
        jnp.dot(z.astype(jnp.bfloat16), w2_ref[...].astype(jnp.bfloat16),
                preferred_element_type=jnp.float32) + b2_ref[...]
    ).astype(jnp.bfloat16)


def _edge_net(ef, w1, b1, w2, b2, blk=1000):
    e, d_e = ef.shape
    d_hid = w1.shape[1]
    d_oo = w2.shape[1]
    return pl.pallas_call(
        _ew_kernel,
        grid=(e // blk,),
        in_specs=[
            pl.BlockSpec((blk, d_e), lambda i: (i, 0)),
            pl.BlockSpec((d_e, d_hid), lambda i: (0, 0)),
            pl.BlockSpec((1, d_hid), lambda i: (0, 0)),
            pl.BlockSpec((d_hid, d_oo), lambda i: (0, 0)),
            pl.BlockSpec((1, d_oo), lambda i: (0, 0)),
        ],
        out_specs=pl.BlockSpec((blk, d_oo), lambda i: (i, 0)),
        out_shape=jax.ShapeDtypeStruct((e, d_oo), jnp.bfloat16),
    )(ef, w1, b1.reshape(1, d_hid), w2, b2.reshape(1, d_oo))


def _sc_gather(h, src_idx):
    e = src_idx.shape[0]
    d = h.shape[1]
    nchunk = e // CH
    iters = (nchunk + NW - 1) // NW
    mesh = plsc.VectorSubcoreMesh(core_axis_name="c", subcore_axis_name="s")

    @functools.partial(
        pl.kernel,
        mesh=mesh,
        out_type=jax.ShapeDtypeStruct((e, d), jnp.float32),
        scratch_types=[
            pltpu.VMEM((CH,), jnp.int32),
            pltpu.VMEM((CH, d), jnp.float32),
            pltpu.SemaphoreType.DMA,
        ],
    )
    def k(h_hbm, idx_hbm, out_hbm, idx_v, rows_v, sem):
        wid = lax.axis_index("s") * NC + lax.axis_index("c")

        @pl.loop(0, iters)
        def _(t):
            cid = t * NW + wid

            @pl.when(cid < nchunk)
            def _():
                off = pl.multiple_of(cid * CH, CH)
                pltpu.sync_copy(idx_hbm.at[pl.ds(off, CH)], idx_v)
                pltpu.async_copy(h_hbm.at[idx_v], rows_v, sem).wait()
                pltpu.sync_copy(rows_v, out_hbm.at[pl.ds(off, CH)])

    return k(h, src_idx)


def _sc_scatter(m, dst_idx, zeros_n):
    e, d = m.shape
    n = zeros_n.shape[0]
    nchunk = e // CH
    per_core = nchunk // NC
    iters = (per_core + NS - 1) // NS
    rows_per_sub = ((n // NS + 7) // 8) * 8
    last_rows = n - rows_per_sub * (NS - 1)
    mesh = plsc.VectorSubcoreMesh(core_axis_name="c", subcore_axis_name="s")

    @functools.partial(
        pl.kernel,
        mesh=mesh,
        out_type=jax.ShapeDtypeStruct((NC, n, d), jnp.float32),
        scratch_types=[
            pltpu.VMEM((CH,), jnp.int32),
            pltpu.VMEM((CH, d), jnp.float32),
            pltpu.VMEM_SHARED((n, d), jnp.float32),
            pltpu.SemaphoreType.DMA,
        ],
    )
    def k(m_hbm, idx_hbm, z_hbm, out_hbm, idx_v, rows_v, acc_sh, sem):
        c = lax.axis_index("c")
        s = lax.axis_index("s")
        off_r = pl.multiple_of(s * rows_per_sub, 8)

        @pl.when(s < NS - 1)
        def _():
            pltpu.sync_copy(z_hbm.at[pl.ds(off_r, rows_per_sub)],
                            acc_sh.at[pl.ds(off_r, rows_per_sub)])

        @pl.when(s == NS - 1)
        def _():
            pltpu.sync_copy(z_hbm.at[pl.ds(off_r, last_rows)],
                            acc_sh.at[pl.ds(off_r, last_rows)])

        plsc.subcore_barrier()

        @pl.loop(0, iters)
        def _(t):
            lc = t * NS + s

            @pl.when(lc < per_core)
            def _():
                off = pl.multiple_of((c * per_core + lc) * CH, CH)
                pltpu.sync_copy(idx_hbm.at[pl.ds(off, CH)], idx_v)
                pltpu.sync_copy(m_hbm.at[pl.ds(off, CH)], rows_v)
                pltpu.sync_copy(rows_v, acc_sh.at[idx_v], add=True)

        plsc.subcore_barrier()

        @pl.when(s < NS - 1)
        def _():
            pltpu.sync_copy(acc_sh.at[pl.ds(off_r, rows_per_sub)],
                            out_hbm.at[c].at[pl.ds(off_r, rows_per_sub)])

        @pl.when(s == NS - 1)
        def _():
            pltpu.sync_copy(acc_sh.at[pl.ds(off_r, last_rows)],
                            out_hbm.at[c].at[pl.ds(off_r, last_rows)])

    return k(m, dst_idx, zeros_n)


def _msg_kernel(hs_ref, w_ref, r_ref, m_ref):
    hsq = hs_ref[...][:, :32].astype(jnp.bfloat16)
    rep = jnp.dot(hsq, r_ref[...], preferred_element_type=jnp.float32)
    mw = rep * w_ref[...].astype(jnp.float32)
    m = mw[:, 0:32]
    for i in range(1, 32):
        m = m + mw[:, i * 32:(i + 1) * 32]
    m_ref[...] = jnp.concatenate([m, m, m, m], axis=1)


def _messages(hs, w_edge, rep_mat, blk=1000):
    e = hs.shape[0]
    d = 32
    return pl.pallas_call(
        _msg_kernel,
        grid=(e // blk,),
        in_specs=[
            pl.BlockSpec((blk, 4 * d), lambda i: (i, 0)),
            pl.BlockSpec((blk, d * d), lambda i: (i, 0)),
            pl.BlockSpec((d, d * d), lambda i: (0, 0)),
        ],
        out_specs=pl.BlockSpec((blk, 4 * d), lambda i: (i, 0)),
        out_shape=jax.ShapeDtypeStruct((e, 4 * d), jnp.float32),
    )(hs, w_edge, rep_mat)


def _tanh_rational(x):
    xc = jnp.clip(x, -7.90531110763549805, 7.90531110763549805)
    x2 = xc * xc
    p = x2 * (-2.76076847742355e-16) + 2.00018790482477e-13
    p = x2 * p + (-8.60467152213735e-11)
    p = x2 * p + 5.12229709037114e-08
    p = x2 * p + 1.48572235717979e-05
    p = x2 * p + 6.37261928875436e-04
    p = x2 * p + 4.89352455891786e-03
    p = xc * p
    q = x2 * 1.19825839466702e-06 + 1.18534705686654e-04
    q = x2 * q + 2.26843463243900e-03
    q = x2 * q + 4.89352518554385e-03
    r = p / q
    return jnp.where(jnp.abs(x) < 0.0004, x, r)


def _sigmoid_via_tanh(x):
    return 0.5 * _tanh_rational(0.5 * x) + 0.5


def _gru_kernel(agg_ref, h_ref, wih_ref, whh_ref, bih_ref, bhh_ref, cb_ref, o_ref):
    d = 32
    agg = (agg_ref[0][:, :d] + agg_ref[1][:, :d] + cb_ref[...]).astype(
        jnp.bfloat16).astype(jnp.float32)
    x = jax.nn.relu(agg)
    h = h_ref[...][:, :d]
    gi = jnp.dot(x, wih_ref[...], preferred_element_type=jnp.float32) + bih_ref[...]
    gh = jnp.dot(h, whh_ref[...], preferred_element_type=jnp.float32) + bhh_ref[...]
    r = jax.nn.sigmoid(gi[:, :d] + gh[:, :d])
    z = jax.nn.sigmoid(gi[:, d:2 * d] + gh[:, d:2 * d])
    n = jnp.tanh(gi[:, 2 * d:] + r * gh[:, 2 * d:])
    hn = (1.0 - z) * n + z * h
    o_ref[...] = jnp.concatenate([hn, hn, hn, hn], axis=1)


def _gru(agg2, h, wih_t, whh_t, bih, bhh, cb, blk=1000):
    n = h.shape[0]
    d = 32
    return pl.pallas_call(
        _gru_kernel,
        grid=(n // blk,),
        in_specs=[
            pl.BlockSpec((NC, blk, 4 * d), lambda i: (0, i, 0)),
            pl.BlockSpec((blk, 4 * d), lambda i: (i, 0)),
            pl.BlockSpec((d, 3 * d), lambda i: (0, 0)),
            pl.BlockSpec((d, 3 * d), lambda i: (0, 0)),
            pl.BlockSpec((1, 3 * d), lambda i: (0, 0)),
            pl.BlockSpec((1, 3 * d), lambda i: (0, 0)),
            pl.BlockSpec((1, d), lambda i: (0, 0)),
        ],
        out_specs=pl.BlockSpec((blk, 4 * d), lambda i: (i, 0)),
        out_shape=jax.ShapeDtypeStruct((n, 4 * d), jnp.float32),
    )(agg2, h, wih_t, whh_t, bih.reshape(1, 3 * d), bhh.reshape(1, 3 * d),
      cb.reshape(1, d))


def kernel(node_feats, edge_feats, edge_index, W_proj, b_proj, W_e1, b_e1,
           W_e2, b_e2, conv_bias, W_ih, W_hh, b_ih, b_hh):
    n = node_feats.shape[0]
    d = W_proj.shape[1]
    src = edge_index[0].astype(jnp.int32)
    dst = edge_index[1].astype(jnp.int32)
    zeros_n = jnp.zeros((n, 4 * d), jnp.float32)
    wih_t = W_ih.T
    whh_t = W_hh.T
    rep_mat = jnp.kron(jnp.eye(d, dtype=jnp.float32),
                       jnp.ones((1, d), jnp.float32)).astype(jnp.bfloat16)

    h = _project(node_feats, W_proj, b_proj)
    w_edge = _edge_net(edge_feats, W_e1, b_e1, W_e2, b_e2)

    for _ in range(NUM_STEPS):
        hs = _sc_gather(h, src)
        m = _messages(hs, w_edge, rep_mat)
        agg2 = _sc_scatter(m, dst, zeros_n)
        h = _gru(agg2, h, wih_t, whh_t, b_ih, b_hh, conv_bias)
    return h[:, :d]

# --- scband reference (transcript-rebuilt; emitter-appended) ---
"""Pipeline reference for scband-mpnngnn-1881195675865 (READ-ONLY COPY).

The authoritative reference and input builder live on the scoring server;
editing this copy changes nothing except your own understanding.
"""

import jax, jax.numpy as jnp
import numpy as np

N = 10000
E = 160000
D_IN = 128
D_EDGE = 16
D_OUT = 32
D_HID = 128
NUM_STEPS = 6


def setup_inputs(seed: int = 0) -> dict:
    key = jax.random.key(seed)
    ks = jax.random.split(key, 16)
    node_feats = jax.random.normal(ks[0], (N, D_IN), dtype=jnp.float32)
    edge_feats = jax.random.normal(ks[1], (E, D_EDGE), dtype=jnp.float32)
    edge_index = jax.random.randint(ks[2], (2, E), 0, N, dtype=jnp.int64)
    s_in = 1.0 / np.sqrt(D_IN)
    s_edge = 1.0 / np.sqrt(D_EDGE)
    s_hid = 1.0 / np.sqrt(D_HID)
    s_out = 1.0 / np.sqrt(D_OUT)
    W_proj = jax.random.normal(ks[3], (D_IN, D_OUT), dtype=jnp.float32) * s_in
    b_proj = jnp.zeros((D_OUT,), dtype=jnp.float32)
    W_e1 = jax.random.normal(ks[4], (D_EDGE, D_HID), dtype=jnp.float32) * s_edge
    b_e1 = jnp.zeros((D_HID,), dtype=jnp.float32)
    W_e2 = jax.random.normal(ks[5], (D_HID, D_OUT * D_OUT), dtype=jnp.float32) * s_hid
    b_e2 = jnp.zeros((D_OUT * D_OUT,), dtype=jnp.float32)
    conv_bias = jnp.zeros((D_OUT,), dtype=jnp.float32)
    W_ih = jax.random.normal(ks[6], (3 * D_OUT, D_OUT), dtype=jnp.float32) * s_out
    W_hh = jax.random.normal(ks[7], (3 * D_OUT, D_OUT), dtype=jnp.float32) * s_out
    b_ih = jnp.zeros((3 * D_OUT,), dtype=jnp.float32)
    b_hh = jnp.zeros((3 * D_OUT,), dtype=jnp.float32)
    return {
        "node_feats": node_feats,
        "edge_feats": edge_feats,
        "edge_index": edge_index,
        "W_proj": W_proj, "b_proj": b_proj,
        "W_e1": W_e1, "b_e1": b_e1,
        "W_e2": W_e2, "b_e2": b_e2,
        "conv_bias": conv_bias,
        "W_ih": W_ih, "W_hh": W_hh, "b_ih": b_ih, "b_hh": b_hh,
    }


def _gru_step(x, hidden, W_ih, W_hh, b_ih, b_hh):
    # single-layer, single-timestep GRU (PyTorch gate ordering r, z, n)
    gi = x @ W_ih.T + b_ih
    gh = hidden @ W_hh.T + b_hh
    i_r, i_z, i_n = jnp.split(gi, 3, axis=1)
    h_r, h_z, h_n = jnp.split(gh, 3, axis=1)
    r = jax.nn.sigmoid(i_r + h_r)
    z = jax.nn.sigmoid(i_z + h_z)
    n = jnp.tanh(i_n + r * h_n)
    return (1.0 - z) * n + z * hidden


def reference(node_feats, edge_feats, edge_index, W_proj, b_proj, W_e1, b_e1,
              W_e2, b_e2, conv_bias, W_ih, W_hh, b_ih, b_hh):
    n_nodes = node_feats.shape[0]
    d_out = W_proj.shape[1]
    src = edge_index[0]
    dst = edge_index[1]
    # project_node_feats
    h = jax.nn.relu(node_feats @ W_proj + b_proj)
    hidden = h
    # NNConv edge network: edge_feats constant across steps, so edge weight
    # matrices are identical each iteration; compute once (same math).
    ew = jax.nn.relu(edge_feats @ W_e1 + b_e1) @ W_e2 + b_e2
    W_edge = ew.reshape(-1, d_out, d_out)
    for _ in range(NUM_STEPS):
        # NNConv with sum aggregator: m_e = h_src @ W_e, then scatter-add at dst
        m = jnp.einsum('ei,eio->eo', h[src], W_edge)
        agg = jax.ops.segment_sum(m, dst, num_segments=n_nodes) + conv_bias
        x = jax.nn.relu(agg)
        hidden = _gru_step(x, hidden, W_ih, W_hh, b_ih, b_hh)
        h = hidden
    return h

if __name__ == "__main__":
    import jax
    _d = setup_inputs()
    print(jax.jit(kernel)(*tuple(_d.values())))

</pallas_src>

<mosaic_0001>
#map = affine_map<(d0, d1) -> (0, 0)>
#map1 = affine_map<(d0, d1) -> (0)>
module attributes {stable_mosaic.version = 14 : i64} {
  func.func @k(%arg0: i32, %arg1: i32, %arg2: memref<10000x128xf32, #tpu.memory_space<hbm>>, %arg3: memref<160000xi32, #tpu.memory_space<hbm>>, %arg4: memref<160000x128xf32, #tpu.memory_space<hbm>>, %arg5: memref<128xi32, #tpu.memory_space<vmem>>, %arg6: memref<128x128xf32, #tpu.memory_space<vmem>>, %arg7: memref<!tpu.dma_semaphore, #tpu.memory_space<semaphore_mem>>) attributes {dimension_semantics = [#tpu.dimension_semantics<core_parallel>, #tpu.dimension_semantics<subcore_parallel>], iteration_bounds = array<i64: 2, 16>, scalar_prefetch = 0 : i64, scratch_operands = 3 : i64, tpu.core_type = #tpu.core_type<sc_vector_subcore>, window_params = [{transform_indices = #map}, {transform_indices = #map1}, {transform_indices = #map}]} {
    %mul3A = arith.constant 2 : i32
    %mul3A_0 = arith.muli %arg1, %mul3A : i32
    %add3A = arith.addi %mul3A_0, %arg0 : i32
    %scan3A = arith.constant 0 : i32
    %scan3A_1 = arith.constant 40 : i32
    %scan3A_2 = arith.addi %scan3A, %scan3A_1 : i32
    %scan3A_3 = arith.constant 1 : i32
    scf.for %scan3A_5 = %scan3A to %scan3A_2 step %scan3A_3  : i32 {
      %mul3A_6 = arith.constant 1 : i32
      %mul3A_7 = arith.muli %scan3A_5, %mul3A_6 : i32
      %add3A_8 = arith.constant 0 : i32
      %add3A_9 = arith.addi %add3A_8, %mul3A_7 : i32
      %mul3A_10 = arith.constant 32 : i32
      %mul3A_11 = arith.muli %add3A_9, %mul3A_10 : i32
      %add3A_12 = arith.addi %mul3A_11, %add3A : i32
      %lt3A = arith.constant 1250 : i32
      %lt3A_13 = arith.cmpi slt, %add3A_12, %lt3A : i32
      %convert_element_type3A = arith.extui %lt3A_13 : i1 to i32
      %cond3A = arith.constant 0 : i32
      %cond3A_14 = arith.cmpi ne, %convert_element_type3A, %cond3A : i32
      scf.if %cond3A_14 {
        %mul3A_15 = arith.constant 128 : i32
        %mul3A_16 = arith.muli %add3A_12, %mul3A_15 : i32
        %multiple_of3A = tpu.assume_multiple %mul3A_16, 128 : i32
        "tpu.region"() ({
          %run_scoped3A = tpu.sem_alloc : memref<!tpu.dma_semaphore, #tpu.memory_space<semaphore_mem>>
          %dma_start3A_21 = tpu.memref_slice %arg3[%multiple_of3A] : memref<160000xi32, #tpu.memory_space<hbm>> -> memref<128xi32, #tpu.memory_space<hbm>>
          %dma_start3A_22 = tpu.memref_slice %arg3[%multiple_of3A] : memref<160000xi32, #tpu.memory_space<hbm>> -> memref<128xi32, #tpu.memory_space<hbm>>
          tpu.enqueue_dma source(%dma_start3A_22 : memref<128xi32, #tpu.memory_space<hbm>>) target(%arg5 : memref<128xi32, #tpu.memory_space<vmem>>) target_semaphore(%run_scoped3A : memref<!tpu.dma_semaphore, #tpu.memory_space<semaphore_mem>>)
          %dma_wait3A_23 = tpu.memref_slice %arg3[%multiple_of3A] : memref<160000xi32, #tpu.memory_space<hbm>> -> memref<128xi32, #tpu.memory_space<hbm>>
          %dma_wait3A_24 = tpu.memref_slice %arg3[%multiple_of3A] : memref<160000xi32, #tpu.memory_space<hbm>> -> memref<128xi32, #tpu.memory_space<hbm>>
          tpu.wait_dma2 semaphore(%run_scoped3A : memref<!tpu.dma_semaphore, #tpu.memory_space<semaphore_mem>>) src(%dma_wait3A_24 : memref<128xi32, #tpu.memory_space<hbm>>) dst(%arg5 : memref<128xi32, #tpu.memory_space<vmem>>)
          tpu.yield
        }) : () -> ()
        %dma_start3A = arith.constant 0 : i32
        %dma_start3A_17 = arith.constant 0 : i32
        %dma_start3A_18 = tpu.memref_slice %arg2[%dma_start3A, %dma_start3A_17] : memref<10000x128xf32, #tpu.memory_space<hbm>> -> memref<10000x128xf32, #tpu.memory_space<hbm>>
        tpu.enqueue_indirect_dma source(%dma_start3A_18 : memref<10000x128xf32, #tpu.memory_space<hbm>>) target(%arg6 : memref<128x128xf32, #tpu.memory_space<vmem>>) offsets(%arg5 : memref<128xi32, #tpu.memory_space<vmem>>) semaphore(%arg7 : memref<!tpu.dma_semaphore, #tpu.memory_space<semaphore_mem>>)
        %dma_wait3A = arith.constant 0 : i32
        %dma_wait3A_19 = arith.constant 0 : i32
        %dma_wait3A_20 = tpu.memref_slice %arg2[%dma_wait3A, %dma_wait3A_19] : memref<10000x128xf32, #tpu.memory_space<hbm>> -> memref<10000x128xf32, #tpu.memory_space<hbm>>
        tpu.wait_indirect_dma semaphore(%arg7 : memref<!tpu.dma_semaphore, #tpu.memory_space<semaphore_mem>>) src(%dma_wait3A_20 : memref<10000x128xf32, #tpu.memory_space<hbm>>) dst(%arg6 : memref<128x128xf32, #tpu.memory_space<vmem>>)
        "tpu.region"() ({
          %run_scoped3A = tpu.sem_alloc : memref<!tpu.dma_semaphore, #tpu.memory_space<semaphore_mem>>
          %dma_start3A_21 = arith.constant 0 : i32
          %dma_start3A_22 = tpu.memref_slice %arg4[%multiple_of3A, %dma_start3A_21] : memref<160000x128xf32, #tpu.memory_space<hbm>> -> memref<128x128xf32, #tpu.memory_space<hbm>>
          %dma_start3A_23 = arith.constant 0 : i32
          %dma_start3A_24 = tpu.memref_slice %arg4[%multiple_of3A, %dma_start3A_23] : memref<160000x128xf32, #tpu.memory_space<hbm>> -> memref<128x128xf32, #tpu.memory_space<hbm>>
          tpu.enqueue_dma source(%arg6 : memref<128x128xf32, #tpu.memory_space<vmem>>) target(%dma_start3A_24 : memref<128x128xf32, #tpu.memory_space<hbm>>) target_semaphore(%run_scoped3A : memref<!tpu.dma_semaphore, #tpu.memory_space<semaphore_mem>>)
          %dma_wait3A_25 = arith.constant 0 : i32
          %dma_wait3A_26 = tpu.memref_slice %arg4[%multiple_of3A, %dma_wait3A_25] : memref<160000x128xf32, #tpu.memory_space<hbm>> -> memref<128x128xf32, #tpu.memory_space<hbm>>
          %dma_wait3A_27 = arith.constant 0 : i32
          %dma_wait3A_28 = tpu.memref_slice %arg4[%multiple_of3A, %dma_wait3A_27] : memref<160000x128xf32, #tpu.memory_space<hbm>> -> memref<128x128xf32, #tpu.memory_space<hbm>>
          tpu.wait_dma2 semaphore(%run_scoped3A : memref<!tpu.dma_semaphore, #tpu.memory_space<semaphore_mem>>) src(%arg6 : memref<128x128xf32, #tpu.memory_space<vmem>>) dst(%dma_wait3A_28 : memref<128x128xf32, #tpu.memory_space<hbm>>)
          tpu.yield
        }) : () -> ()
      } else {
      }
    }
    %scan3A_4 = arith.constant 40 : i32
    return
  }
}

#map = affine_map<(d0, d1) -> (0, 0)>
#map1 = affine_map<(d0, d1) -> (0)>
module attributes {stable_mosaic.version = 14 : i64} {
  func.func @k(%arg0: i32, %arg1: i32, %arg2: memref<10000x128xf32, #tpu.memory_space<hbm>>, %arg3: memref<160000xi32, #tpu.memory_space<hbm>>, %arg4: memref<160000x128xf32, #tpu.memory_space<hbm>>, %arg5: memref<128xi32, #tpu.memory_space<vmem>>, %arg6: memref<128x128xf32, #tpu.memory_space<vmem>>, %arg7: memref<!tpu.dma_semaphore, #tpu.memory_space<semaphore_mem>>) attributes {dimension_semantics = [#tpu.dimension_semantics<core_parallel>, #tpu.dimension_semantics<subcore_parallel>], iteration_bounds = array<i64: 2, 16>, scalar_prefetch = 0 : i64, scratch_operands = 3 : i64, tpu.core_type = #tpu.core_type<sc_vector_subcore>, window_params = [{transform_indices = #map}, {transform_indices = #map1}, {transform_indices = #map}]} {
    %mul3A = arith.constant 2 : i32
    %mul3A_0 = arith.muli %arg1, %mul3A : i32
    %add3A = arith.addi %mul3A_0, %arg0 : i32
    %scan3A = arith.constant 0 : i32
    %scan3A_1 = arith.constant 40 : i32
    %scan3A_2 = arith.addi %scan3A, %scan3A_1 : i32
    %scan3A_3 = arith.constant 1 : i32
    scf.for %scan3A_5 = %scan3A to %scan3A_2 step %scan3A_3  : i32 {
      %mul3A_6 = arith.constant 1 : i32
      %mul3A_7 = arith.muli %scan3A_5, %mul3A_6 : i32
      %add3A_8 = arith.constant 0 : i32
      %add3A_9 = arith.addi %add3A_8, %mul3A_7 : i32
      %mul3A_10 = arith.constant 32 : i32
      %mul3A_11 = arith.muli %add3A_9, %mul3A_10 : i32
      %add3A_12 = arith.addi %mul3A_11, %add3A : i32
      %lt3A = arith.constant 1250 : i32
      %lt3A_13 = arith.cmpi slt, %add3A_12, %lt3A : i32
      %convert_element_type3A = arith.extui %lt3A_13 : i1 to i32
      %cond3A = arith.constant 0 : i32
      %cond3A_14 = arith.cmpi ne, %convert_element_type3A, %cond3A : i32
      scf.if %cond3A_14 {
        %mul3A_15 = arith.constant 128 : i32
        %mul3A_16 = arith.muli %add3A_12, %mul3A_15 : i32
        %multiple_of3A = tpu.assume_multiple %mul3A_16, 128 : i32
        "tpu.region"() ({
          %run_scoped3A = tpu.sem_alloc : memref<!tpu.dma_semaphore, #tpu.memory_space<semaphore_mem>>
          %dma_start3A_21 = tpu.memref_slice %arg3[%multiple_of3A] : memref<160000xi32, #tpu.memory_space<hbm>> -> memref<128xi32, #tpu.memory_space<hbm>>
          %dma_start3A_22 = tpu.memref_slice %arg3[%multiple_of3A] : memref<160000xi32, #tpu.memory_space<hbm>> -> memref<128xi32, #tpu.memory_space<hbm>>
          tpu.enqueue_dma source(%dma_start3A_22 : memref<128xi32, #tpu.memory_space<hbm>>) target(%arg5 : memref<128xi32, #tpu.memory_space<vmem>>) target_semaphore(%run_scoped3A : memref<!tpu.dma_semaphore, #tpu.memory_space<semaphore_mem>>)
          %dma_wait3A_23 = tpu.memref_slice %arg3[%multiple_of3A] : memref<160000xi32, #tpu.memory_space<hbm>> -> memref<128xi32, #tpu.memory_space<hbm>>
          %dma_wait3A_24 = tpu.memref_slice %arg3[%multiple_of3A] : memref<160000xi32, #tpu.memory_space<hbm>> -> memref<128xi32, #tpu.memory_space<hbm>>
          tpu.wait_dma2 semaphore(%run_scoped3A : memref<!tpu.dma_semaphore, #tpu.memory_space<semaphore_mem>>) src(%dma_wait3A_24 : memref<128xi32, #tpu.memory_space<hbm>>) dst(%arg5 : memref<128xi32, #tpu.memory_space<vmem>>)
          tpu.yield
        }) : () -> ()
        %dma_start3A = arith.constant 0 : i32
        %dma_start3A_17 = arith.constant 0 : i32
        %dma_start3A_18 = tpu.memref_slice %arg2[%dma_start3A, %dma_start3A_17] : memref<10000x128xf32, #tpu.memory_space<hbm>> -> memref<10000x128xf32, #tpu.memory_space<hbm>>
        tpu.enqueue_indirect_dma source(%dma_start3A_18 : memref<10000x128xf32, #tpu.memory_space<hbm>>) target(%arg6 : memref<128x128xf32, #tpu.memory_space<vmem>>) offsets(%arg5 : memref<128xi32, #tpu.memory_space<vmem>>) semaphore(%arg7 : memref<!tpu.dma_semaphore, #tpu.memory_space<semaphore_mem>>)
        %dma_wait3A = arith.constant 0 : i32
        %dma_wait3A_19 = arith.constant 0 : i32
        %dma_wait3A_20 = tpu.memref_slice %arg2[%dma_wait3A, %dma_wait3A_19] : memref<10000x128xf32, #tpu.memory_space<hbm>> -> memref<10000x128xf32, #tpu.memory_space<hbm>>
        tpu.wait_indirect_dma semaphore(%arg7 : memref<!tpu.dma_semaphore, #tpu.memory_space<semaphore_mem>>) src(%dma_wait3A_20 : memref<10000x128xf32, #tpu.memory_space<hbm>>) dst(%arg6 : memref<128x128xf32, #tpu.memory_space<vmem>>)
        "tpu.region"() ({
          %run_scoped3A = tpu.sem_alloc : memref<!tpu.dma_semaphore, #tpu.memory_space<semaphore_mem>>
          %dma_start3A_21 = arith.constant 0 : i32
          %dma_start3A_22 = tpu.memref_slice %arg4[%multiple_of3A, %dma_start3A_21] : memref<160000x128xf32, #tpu.memory_space<hbm>> -> memref<128x128xf32, #tpu.memory_space<hbm>>
          %dma_start3A_23 = arith.constant 0 : i32
          %dma_start3A_24 = tpu.memref_slice %arg4[%multiple_of3A, %dma_start3A_23] : memref<160000x128xf32, #tpu.memory_space<hbm>> -> memref<128x128xf32, #tpu.memory_space<hbm>>
          tpu.enqueue_dma source(%arg6 : memref<128x128xf32, #tpu.memory_space<vmem>>) target(%dma_start3A_24 : memref<128x128xf32, #tpu.memory_space<hbm>>) target_semaphore(%run_scoped3A : memref<!tpu.dma_semaphore, #tpu.memory_space<semaphore_mem>>)
          %dma_wait3A_25 = arith.constant 0 : i32
          %dma_wait3A_26 = tpu.memref_slice %arg4[%multiple_of3A, %dma_wait3A_25] : memref<160000x128xf32, #tpu.memory_space<hbm>> -> memref<128x128xf32, #tpu.memory_space<hbm>>
          %dma_wait3A_27 = arith.constant 0 : i32
          %dma_wait3A_28 = tpu.memref_slice %arg4[%multiple_of3A, %dma_wait3A_27] : memref<160000x128xf32, #tpu.memory_space<hbm>> -> memref<128x128xf32, #tpu.memory_space<hbm>>
          tpu.wait_dma2 semaphore(%run_scoped3A : memref<!tpu.dma_semaphore, #tpu.memory_space<semaphore_mem>>) src(%arg6 : memref<128x128xf32, #tpu.memory_space<vmem>>) dst(%dma_wait3A_28 : memref<128x128xf32, #tpu.memory_space<hbm>>)
          tpu.yield
        }) : () -> ()
      } else {
      }
    }
    %scan3A_4 = arith.constant 40 : i32
    return
  }
}

#map = affine_map<(d0, d1) -> (0, 0)>
#map1 = affine_map<(d0, d1) -> (0)>
#map2 = affine_map<(d0, d1) -> (0, 0, 0)>
module attributes {stable_mosaic.version = 14 : i64} {
  func.func @k(%arg0: i32, %arg1: i32, %arg2: memref<160000x128xf32, #tpu.memory_space<hbm>>, %arg3: memref<160000xi32, #tpu.memory_space<hbm>>, %arg4: memref<10000x128xf32, #tpu.memory_space<hbm>>, %arg5: memref<2x10000x128xf32, #tpu.memory_space<hbm>>, %arg6: memref<128xi32, #tpu.memory_space<vmem>>, %arg7: memref<128x128xf32, #tpu.memory_space<vmem>>, %arg8: memref<10000x128xf32, #tpu.memory_space<vmem_shared>>, %arg9: memref<!tpu.dma_semaphore, #tpu.memory_space<semaphore_mem>>) attributes {dimension_semantics = [#tpu.dimension_semantics<core_parallel>, #tpu.dimension_semantics<subcore_parallel>], iteration_bounds = array<i64: 2, 16>, scalar_prefetch = 0 : i64, scratch_operands = 4 : i64, tpu.core_type = #tpu.core_type<sc_vector_subcore>, window_params = [{transform_indices = #map}, {transform_indices = #map1}, {transform_indices = #map}, {transform_indices = #map2}]} {
    %mul3A = arith.constant 632 : i32
    %mul3A_0 = arith.muli %arg1, %mul3A : i32
    %multiple_of3A = tpu.assume_multiple %mul3A_0, 8 : i32
    %lt3A = arith.constant 15 : i32
    %lt3A_1 = arith.cmpi slt, %arg1, %lt3A : i32
    %convert_element_type3A = arith.extui %lt3A_1 : i1 to i32
    %cond3A = arith.constant 0 : i32
    %cond3A_2 = arith.cmpi ne, %convert_element_type3A, %cond3A : i32
    scf.if %cond3A_2 {
      "tpu.region"() ({
        %run_scoped3A = tpu.sem_alloc : memref<!tpu.dma_semaphore, #tpu.memory_space<semaphore_mem>>
        %dma_start3A = arith.constant 0 : i32
        %dma_start3A_22 = tpu.memref_slice %arg8[%multiple_of3A, %dma_start3A] : memref<10000x128xf32, #tpu.memory_space<vmem_shared>> -> memref<632x128xf32, #tpu.memory_space<vmem_shared>>
        %dma_start3A_23 = arith.constant 0 : i32
        %dma_start3A_24 = tpu.memref_slice %arg4[%multiple_of3A, %dma_start3A_23] : memref<10000x128xf32, #tpu.memory_space<hbm>> -> memref<632x128xf32, #tpu.memory_space<hbm>>
        tpu.enqueue_dma source(%dma_start3A_24 : memref<632x128xf32, #tpu.memory_space<hbm>>) target(%dma_start3A_22 : memref<632x128xf32, #tpu.memory_space<vmem_shared>>) target_semaphore(%run_scoped3A : memref<!tpu.dma_semaphore, #tpu.memory_space<semaphore_mem>>)
        %dma_wait3A = arith.constant 0 : i32
        %dma_wait3A_25 = tpu.memref_slice %arg8[%multiple_of3A, %dma_wait3A] : memref<10000x128xf32, #tpu.memory_space<vmem_shared>> -> memref<632x128xf32, #tpu.memory_space<vmem_shared>>
        %dma_wait3A_26 = arith.constant 0 : i32
        %dma_wait3A_27 = tpu.memref_slice %arg4[%multiple_of3A, %dma_wait3A_26] : memref<10000x128xf32, #tpu.memory_space<hbm>> -> memref<632x128xf32, #tpu.memory_space<hbm>>
        tpu.wait_dma2 semaphore(%run_scoped3A : memref<!tpu.dma_semaphore, #tpu.memory_space<semaphore_mem>>) src(%dma_wait3A_27 : memref<632x128xf32, #tpu.memory_space<hbm>>) dst(%dma_wait3A_25 : memref<632x128xf32, #tpu.memory_space<vmem_shared>>)
        tpu.yield
      }) : () -> ()
    } else {
    }
    %eq3A = arith.constant 15 : i32
    %eq3A_3 = arith.cmpi eq, %arg1, %eq3A : i32
    %convert_element_type3A_4 = arith.extui %eq3A_3 : i1 to i32
    %cond3A_5 = arith.constant 0 : i32
    %cond3A_6 = arith.cmpi ne, %convert_element_type3A_4, %cond3A_5 : i32
    scf.if %cond3A_6 {
      "tpu.region"() ({
        %run_scoped3A = tpu.sem_alloc : memref<!tpu.dma_semaphore, #tpu.memory_space<semaphore_mem>>
        %dma_start3A = arith.constant 0 : i32
        %dma_start3A_22 = tpu.memref_slice %arg8[%multiple_of3A, %dma_start3A] : memref<10000x128xf32, #tpu.memory_space<vmem_shared>> -> memref<520x128xf32, #tpu.memory_space<vmem_shared>>
        %dma_start3A_23 = arith.constant 0 : i32
        %dma_start3A_24 = tpu.memref_slice %arg4[%multiple_of3A, %dma_start3A_23] : memref<10000x128xf32, #tpu.memory_space<hbm>> -> memref<520x128xf32, #tpu.memory_space<hbm>>
        tpu.enqueue_dma source(%dma_start3A_24 : memref<520x128xf32, #tpu.memory_space<hbm>>) target(%dma_start3A_22 : memref<520x128xf32, #tpu.memory_space<vmem_shared>>) target_semaphore(%run_scoped3A : memref<!tpu.dma_semaphore, #tpu.memory_space<semaphore_mem>>)
        %dma_wait3A = arith.constant 0 : i32
        %dma_wait3A_25 = tpu.memref_slice %arg8[%multiple_of3A, %dma_wait3A] : memref<10000x128xf32, #tpu.memory_space<vmem_shared>> -> memref<520x128xf32, #tpu.memory_space<vmem_shared>>
        %dma_wait3A_26 = arith.constant 0 : i32
        %dma_wait3A_27 = tpu.memref_slice %arg4[%multiple_of3A, %dma_wait3A_26] : memref<10000x128xf32, #tpu.memory_space<hbm>> -> memref<520x128xf32, #tpu.memory_space<hbm>>
        tpu.wait_dma2 semaphore(%run_scoped3A : memref<!tpu.dma_semaphore, #tpu.memory_space<semaphore_mem>>) src(%dma_wait3A_27 : memref<520x128xf32, #tpu.memory_space<hbm>>) dst(%dma_wait3A_25 : memref<520x128xf32, #tpu.memory_space<vmem_shared>>)
        tpu.yield
      }) : () -> ()
    } else {
    }
    %barrier3A = arith.constant 0 : index
    tpu.barrier barrier_id(%barrier3A)
    %scan3A = arith.constant 0 : i32
    %scan3A_7 = arith.constant 40 : i32
    %scan3A_8 = arith.addi %scan3A, %scan3A_7 : i32
    %scan3A_9 = arith.constant 1 : i32
    scf.for %scan3A_22 = %scan3A to %scan3A_8 step %scan3A_9  : i32 {
      %mul3A_23 = arith.constant 1 : i32
      %mul3A_24 = arith.muli %scan3A_22, %mul3A_23 : i32
      %add3A = arith.constant 0 : i32
      %add3A_25 = arith.addi %add3A, %mul3A_24 : i32
      %mul3A_26 = arith.constant 16 : i32
      %mul3A_27 = arith.muli %add3A_25, %mul3A_26 : i32
      %add3A_28 = arith.addi %mul3A_27, %arg1 : i32
      %lt3A_29 = arith.constant 625 : i32
      %lt3A_30 = arith.cmpi slt, %add3A_28, %lt3A_29 : i32
      %convert_element_type3A_31 = arith.extui %lt3A_30 : i1 to i32
      %cond3A_32 = arith.constant 0 : i32
      %cond3A_33 = arith.cmpi ne, %convert_element_type3A_31, %cond3A_32 : i32
      scf.if %cond3A_33 {
        %mul3A_34 = arith.constant 625 : i32
        %mul3A_35 = arith.muli %arg0, %mul3A_34 : i32
        %add3A_36 = arith.addi %mul3A_35, %add3A_28 : i32
        %mul3A_37 = arith.constant 128 : i32
        %mul3A_38 = arith.muli %add3A_36, %mul3A_37 : i32
        %multiple_of3A_39 = tpu.assume_multiple %mul3A_38, 128 : i32
        "tpu.region"() ({
          %run_scoped3A = tpu.sem_alloc : memref<!tpu.dma_semaphore, #tpu.memory_space<semaphore_mem>>
          %dma_start3A = tpu.memref_slice %arg3[%multiple_of3A_39] : memref<160000xi32, #tpu.memory_space<hbm>> -> memref<128xi32, #tpu.memory_space<hbm>>
          %dma_start3A_40 = tpu.memref_slice %arg3[%multiple_of3A_39] : memref<160000xi32, #tpu.memory_space<hbm>> -> memref<128xi32, #tpu.memory_space<hbm>>
          tpu.enqueue_dma source(%dma_start3A_40 : memref<128xi32, #tpu.memory_space<hbm>>) target(%arg6 : memref<128xi32, #tpu.memory_space<vmem>>) target_semaphore(%run_scoped3A : memref<!tpu.dma_semaphore, #tpu.memory_space<semaphore_mem>>)
          %dma_wait3A = tpu.memref_slice %arg3[%multiple_of3A_39] : memref<160000xi32, #tpu.memory_space<hbm>> -> memref<128xi32, #tpu.memory_space<hbm>>
          %dma_wait3A_41 = tpu.memref_slice %arg3[%multiple_of3A_39] : memref<160000xi32, #tpu.memory_space<hbm>> -> memref<128xi32, #tpu.memory_space<hbm>>
          tpu.wait_dma2 semaphore(%run_scoped3A : memref<!tpu.dma_semaphore, #tpu.memory_space<semaphore_mem>>) src(%dma_wait3A_41 : memref<128xi32, #tpu.memory_space<hbm>>) dst(%arg6 : memref<128xi32, #tpu.memory_space<vmem>>)
          tpu.yield
        }) : () -> ()
        "tpu.region"() ({
          %run_scoped3A = tpu.sem_alloc : memref<!tpu.dma_semaphore, #tpu.memory_space<semaphore_mem>>
          %dma_start3A = arith.constant 0 : i32
          %dma_start3A_40 = tpu.memref_slice %arg2[%multiple_of3A_39, %dma_start3A] : memref<160000x128xf32, #tpu.memory_space<hbm>> -> memref<128x128xf32, #tpu.memory_space<hbm>>
          %dma_start3A_41 = arith.constant 0 : i32
          %dma_start3A_42 = tpu.memref_slice %arg2[%multiple_of3A_39, %dma_start3A_41] : memref<160000x128xf32, #tpu.memory_space<hbm>> -> memref<128x128xf32, #tpu.memory_space<hbm>>
          tpu.enqueue_dma source(%dma_start3A_42 : memref<128x128xf32, #tpu.memory_space<hbm>>) target(%arg7 : memref<128x128xf32, #tpu.memory_space<vmem>>) target_semaphore(%run_scoped3A : memref<!tpu.dma_semaphore, #tpu.memory_space<semaphore_mem>>)
          %dma_wait3A = arith.constant 0 : i32
          %dma_wait3A_43 = tpu.memref_slice %arg2[%multiple_of3A_39, %dma_wait3A] : memref<160000x128xf32, #tpu.memory_space<hbm>> -> memref<128x128xf32, #tpu.memory_space<hbm>>
          %dma_wait3A_44 = arith.constant 0 : i32
          %dma_wait3A_45 = tpu.memref_slice %arg2[%multiple_of3A_39, %dma_wait3A_44] : memref<160000x128xf32, #tpu.memory_space<hbm>> -> memref<128x128xf32, #tpu.memory_space<hbm>>
          tpu.wait_dma2 semaphore(%run_scoped3A : memref<!tpu.dma_semaphore, #tpu.memory_space<semaphore_mem>>) src(%dma_wait3A_45 : memref<128x128xf32, #tpu.memory_space<hbm>>) dst(%arg7 : memref<128x128xf32, #tpu.memory_space<vmem>>)
          tpu.yield
        }) : () -> ()
        "tpu.region"() ({
          %run_scoped3A = tpu.sem_alloc : memref<!tpu.dma_semaphore, #tpu.memory_space<semaphore_mem>>
          %dma_start3A = arith.constant 0 : i32
          %dma_start3A_40 = arith.constant 0 : i32
          %dma_start3A_41 = tpu.memref_slice %arg8[%dma_start3A, %dma_start3A_40] : memref<10000x128xf32, #tpu.memory_space<vmem_shared>> -> memref<10000x128xf32, #tpu.memory_space<vmem_shared>>
          tpu.enqueue_indirect_dma source(%arg7 : memref<128x128xf32, #tpu.memory_space<vmem>>) target(%dma_start3A_41 : memref<10000x128xf32, #tpu.memory_space<vmem_shared>>) offsets(%arg6 : memref<128xi32, #tpu.memory_space<vmem>>) semaphore(%run_scoped3A : memref<!tpu.dma_semaphore, #tpu.memory_space<semaphore_mem>>) {add = true}
          %dma_wait3A = arith.constant 0 : i32
          %dma_wait3A_42 = arith.constant 0 : i32
          %dma_wait3A_43 = tpu.memref_slice %arg8[%dma_wait3A, %dma_wait3A_42] : memref<10000x128xf32, #tpu.memory_space<vmem_shared>> -> memref<10000x128xf32, #tpu.memory_space<vmem_shared>>
          tpu.wait_indirect_dma semaphore(%run_scoped3A : memref<!tpu.dma_semaphore, #tpu.memory_space<semaphore_mem>>) src(%arg7 : memref<128x128xf32, #tpu.memory_space<vmem>>) dst(%dma_wait3A_43 : memref<10000x128xf32, #tpu.memory_space<vmem_shared>>)
          tpu.yield
        }) : () -> ()
      } else {
      }
    }
    %scan3A_10 = arith.constant 40 : i32
    %barrier3A_11 = arith.constant 0 : index
    tpu.barrier barrier_id(%barrier3A_11)
    %lt3A_12 = arith.constant 15 : i32
    %lt3A_13 = arith.cmpi slt, %arg1, %lt3A_12 : i32
    %convert_element_type3A_14 = arith.extui %lt3A_13 : i1 to i32
    %cond3A_15 = arith.constant 0 : i32
    %cond3A_16 = arith.cmpi ne, %convert_element_type3A_14, %cond3A_15 : i32
    scf.if %cond3A_16 {
      "tpu.region"() ({
        %run_scoped3A = tpu.sem_alloc : memref<!tpu.dma_semaphore, #tpu.memory_space<semaphore_mem>>
        %dma_start3A = arith.constant 0 : i32
        %dma_start3A_22 = arith.constant 0 : i32
        %dma_start3A_23 = tpu.memref_slice %arg5[%arg0, %dma_start3A, %dma_start3A_22] : memref<2x10000x128xf32, #tpu.memory_space<hbm>> -> memref<1x10000x128xf32, #tpu.memory_space<hbm>>
        %dma_start3A_24 = tpu.memref_squeeze %dma_start3A_23 : memref<1x10000x128xf32, #tpu.memory_space<hbm>> -> memref<10000x128xf32, #tpu.memory_space<hbm>>
        %dma_start3A_25 = arith.constant 0 : i32
        %dma_start3A_26 = tpu.memref_slice %dma_start3A_24[%multiple_of3A, %dma_start3A_25] : memref<10000x128xf32, #tpu.memory_space<hbm>> -> memref<632x128xf32, #tpu.memory_space<hbm>>
        %dma_start3A_27 = arith.constant 0 : i32
        %dma_start3A_28 = tpu.memref_slice %arg8[%multiple_of3A, %dma_start3A_27] : memref<10000x128xf32, #tpu.memory_space<vmem_shared>> -> memref<632x128xf32, #tpu.memory_space<vmem_shared>>
        tpu.enqueue_dma source(%dma_start3A_28 : memref<632x128xf32, #tpu.memory_space<vmem_shared>>) target(%dma_start3A_26 : memref<632x128xf32, #tpu.memory_space<hbm>>) target_semaphore(%run_scoped3A : memref<!tpu.dma_semaphore, #tpu.memory_space<semaphore_mem>>)
        %dma_wait3A = arith.constant 0 : i32
        %dma_wait3A_29 = arith.constant 0 : i32
        %dma_wait3A_30 = tpu.memref_slice %arg5[%arg0, %dma_wait3A, %dma_wait3A_29] : memref<2x10000x128xf32, #tpu.memory_space<hbm>> -> memref<1x10000x128xf32, #tpu.memory_space<hbm>>
        %dma_wait3A_31 = tpu.memref_squeeze %dma_wait3A_30 : memref<1x10000x128xf32, #tpu.memory_space<hbm>> -> memref<10000x128xf32, #tpu.memory_space<hbm>>
        %dma_wait3A_32 = arith.constant 0 : i32
        %dma_wait3A_33 = tpu.memref_slice %dma_wait3A_31[%multiple_of3A, %dma_wait3A_32] : memref<10000x128xf32, #tpu.memory_space<hbm>> -> memref<632x128xf32, #tpu.memory_space<hbm>>
        %dma_wait3A_34 = arith.constant 0 : i32
        %dma_wait3A_35 = tpu.memref_slice %arg8[%multiple_of3A, %dma_wait3A_34] : memref<10000x128xf32, #tpu.memory_space<vmem_shared>> -> memref<632x128xf32, #tpu.memory_space<vmem_shared>>
        tpu.wait_dma2 semaphore(%run_scoped3A : memref<!tpu.dma_semaphore, #tpu.memory_space<semaphore_mem>>) src(%dma_wait3A_35 : memref<632x128xf32, #tpu.memory_space<vmem_shared>>) dst(%dma_wait3A_33 : memref<632x128xf32, #tpu.memory_space<hbm>>)
        tpu.yield
      }) : () -> ()
    } else {
    }
    %eq3A_17 = arith.constant 15 : i32
    %eq3A_18 = arith.cmpi eq, %arg1, %eq3A_17 : i32
    %convert_element_type3A_19 = arith.extui %eq3A_18 : i1 to i32
    %cond3A_20 = arith.constant 0 : i32
    %cond3A_21 = arith.cmpi ne, %convert_element_type3A_19, %cond3A_20 : i32
    scf.if %cond3A_21 {
      "tpu.region"() ({
        %run_scoped3A = tpu.sem_alloc : memref<!tpu.dma_semaphore, #tpu.memory_space<semaphore_mem>>
        %dma_start3A = arith.constant 0 : i32
        %dma_start3A_22 = arith.constant 0 : i32
        %dma_start3A_23 = tpu.memref_slice %arg5[%arg0, %dma_start3A, %dma_start3A_22] : memref<2x10000x128xf32, #tpu.memory_space<hbm>> -> memref<1x10000x128xf32, #tpu.memory_space<hbm>>
        %dma_start3A_24 = tpu.memref_squeeze %dma_start3A_23 : memref<1x10000x128xf32, #tpu.memory_space<hbm>> -> memref<10000x128xf32, #tpu.memory_space<hbm>>
        %dma_start3A_25 = arith.constant 0 : i32
        %dma_start3A_26 = tpu.memref_slice %dma_start3A_24[%multiple_of3A, %dma_start3A_25] : memref<10000x128xf32, #tpu.memory_space<hbm>> -> memref<520x128xf32, #tpu.memory_space<hbm>>
        %dma_start3A_27 = arith.constant 0 : i32
        %dma_start3A_28 = tpu.memref_slice %arg8[%multiple_of3A, %dma_start3A_27] : memref<10000x128xf32, #tpu.memory_space<vmem_shared>> -> memref<520x128xf32, #tpu.memory_space<vmem_shared>>
        tpu.enqueue_dma source(%dma_start3A_28 : memref<520x128xf32, #tpu.memory_space<vmem_shared>>) target(%dma_start3A_26 : memref<520x128xf32, #tpu.memory_space<hbm>>) target_semaphore(%run_scoped3A : memref<!tpu.dma_semaphore, #tpu.memory_space<semaphore_mem>>)
        %dma_wait3A = arith.constant 0 : i32
        %dma_wait3A_29 = arith.constant 0 : i32
        %dma_wait3A_30 = tpu.memref_slice %arg5[%arg0, %dma_wait3A, %dma_wait3A_29] : memref<2x10000x128xf32, #tpu.memory_space<hbm>> -> memref<1x10000x128xf32, #tpu.memory_space<hbm>>
        %dma_wait3A_31 = tpu.memref_squeeze %dma_wait3A_30 : memref<1x10000x128xf32, #tpu.memory_space<hbm>> -> memref<10000x128xf32, #tpu.memory_space<hbm>>
        %dma_wait3A_32 = arith.constant 0 : i32
        %dma_wait3A_33 = tpu.memref_slice %dma_wait3A_31[%multiple_of3A, %dma_wait3A_32] : memref<10000x128xf32, #tpu.memory_space<hbm>> -> memref<520x128xf32, #tpu.memory_space<hbm>>
        %dma_wait3A_34 = arith.constant 0 : i32
        %dma_wait3A_35 = tpu.memref_slice %arg8[%multiple_of3A, %dma_wait3A_34] : memref<10000x128xf32, #tpu.memory_space<vmem_shared>> -> memref<520x128xf32, #tpu.memory_space<vmem_shared>>
        tpu.wait_dma2 semaphore(%run_scoped3A : memref<!tpu.dma_semaphore, #tpu.memory_space<semaphore_mem>>) src(%dma_wait3A_35 : memref<520x128xf32, #tpu.memory_space<vmem_shared>>) dst(%dma_wait3A_33 : memref<520x128xf32, #tpu.memory_space<hbm>>)
        tpu.yield
      }) : () -> ()
    } else {
    }
    return
  }
}

#map = affine_map<(d0, d1) -> (0, 0)>
#map1 = affine_map<(d0, d1) -> (0)>
#map2 = affine_map<(d0, d1) -> (0, 0, 0)>
module attributes {stable_mosaic.version = 14 : i64} {
  func.func @k(%arg0: i32, %arg1: i32, %arg2: memref<160000x128xf32, #tpu.memory_space<hbm>>, %arg3: memref<160000xi32, #tpu.memory_space<hbm>>, %arg4: memref<10000x128xf32, #tpu.memory_space<hbm>>, %arg5: memref<2x10000x128xf32, #tpu.memory_space<hbm>>, %arg6: memref<128xi32, #tpu.memory_space<vmem>>, %arg7: memref<128x128xf32, #tpu.memory_space<vmem>>, %arg8: memref<10000x128xf32, #tpu.memory_space<vmem_shared>>, %arg9: memref<!tpu.dma_semaphore, #tpu.memory_space<semaphore_mem>>) attributes {dimension_semantics = [#tpu.dimension_semantics<core_parallel>, #tpu.dimension_semantics<subcore_parallel>], iteration_bounds = array<i64: 2, 16>, scalar_prefetch = 0 : i64, scratch_operands = 4 : i64, tpu.core_type = #tpu.core_type<sc_vector_subcore>, window_params = [{transform_indices = #map}, {transform_indices = #map1}, {transform_indices = #map}, {transform_indices = #map2}]} {
    %mul3A = arith.constant 632 : i32
    %mul3A_0 = arith.muli %arg1, %mul3A : i32
    %multiple_of3A = tpu.assume_multiple %mul3A_0, 8 : i32
    %lt3A = arith.constant 15 : i32
    %lt3A_1 = arith.cmpi slt, %arg1, %lt3A : i32
    %convert_element_type3A = arith.extui %lt3A_1 : i1 to i32
    %cond3A = arith.constant 0 : i32
    %cond3A_2 = arith.cmpi ne, %convert_element_type3A, %cond3A : i32
    scf.if %cond3A_2 {
      "tpu.region"() ({
        %run_scoped3A = tpu.sem_alloc : memref<!tpu.dma_semaphore, #tpu.memory_space<semaphore_mem>>
        %dma_start3A = arith.constant 0 : i32
        %dma_start3A_22 = tpu.memref_slice %arg8[%multiple_of3A, %dma_start3A] : memref<10000x128xf32, #tpu.memory_space<vmem_shared>> -> memref<632x128xf32, #tpu.memory_space<vmem_shared>>
        %dma_start3A_23 = arith.constant 0 : i32
        %dma_start3A_24 = tpu.memref_slice %arg4[%multiple_of3A, %dma_start3A_23] : memref<10000x128xf32, #tpu.memory_space<hbm>> -> memref<632x128xf32, #tpu.memory_space<hbm>>
        tpu.enqueue_dma source(%dma_start3A_24 : memref<632x128xf32, #tpu.memory_space<hbm>>) target(%dma_start3A_22 : memref<632x128xf32, #tpu.memory_space<vmem_shared>>) target_semaphore(%run_scoped3A : memref<!tpu.dma_semaphore, #tpu.memory_space<semaphore_mem>>)
        %dma_wait3A = arith.constant 0 : i32
        %dma_wait3A_25 = tpu.memref_slice %arg8[%multiple_of3A, %dma_wait3A] : memref<10000x128xf32, #tpu.memory_space<vmem_shared>> -> memref<632x128xf32, #tpu.memory_space<vmem_shared>>
        %dma_wait3A_26 = arith.constant 0 : i32
        %dma_wait3A_27 = tpu.memref_slice %arg4[%multiple_of3A, %dma_wait3A_26] : memref<10000x128xf32, #tpu.memory_space<hbm>> -> memref<632x128xf32, #tpu.memory_space<hbm>>
        tpu.wait_dma2 semaphore(%run_scoped3A : memref<!tpu.dma_semaphore, #tpu.memory_space<semaphore_mem>>) src(%dma_wait3A_27 : memref<632x128xf32, #tpu.memory_space<hbm>>) dst(%dma_wait3A_25 : memref<632x128xf32, #tpu.memory_space<vmem_shared>>)
        tpu.yield
      }) : () -> ()
    } else {
    }
    %eq3A = arith.constant 15 : i32
    %eq3A_3 = arith.cmpi eq, %arg1, %eq3A : i32
    %convert_element_type3A_4 = arith.extui %eq3A_3 : i1 to i32
    %cond3A_5 = arith.constant 0 : i32
    %cond3A_6 = arith.cmpi ne, %convert_element_type3A_4, %cond3A_5 : i32
    scf.if %cond3A_6 {
      "tpu.region"() ({
        %run_scoped3A = tpu.sem_alloc : memref<!tpu.dma_semaphore, #tpu.memory_space<semaphore_mem>>
        %dma_start3A = arith.constant 0 : i32
        %dma_start3A_22 = tpu.memref_slice %arg8[%multiple_of3A, %dma_start3A] : memref<10000x128xf32, #tpu.memory_space<vmem_shared>> -> memref<520x128xf32, #tpu.memory_space<vmem_shared>>
        %dma_start3A_23 = arith.constant 0 : i32
        %dma_start3A_24 = tpu.memref_slice %arg4[%multiple_of3A, %dma_start3A_23] : memref<10000x128xf32, #tpu.memory_space<hbm>> -> memref<520x128xf32, #tpu.memory_space<hbm>>
        tpu.enqueue_dma source(%dma_start3A_24 : memref<520x128xf32, #tpu.memory_space<hbm>>) target(%dma_start3A_22 : memref<520x128xf32, #tpu.memory_space<vmem_shared>>) target_semaphore(%run_scoped3A : memref<!tpu.dma_semaphore, #tpu.memory_space<semaphore_mem>>)
        %dma_wait3A = arith.constant 0 : i32
        %dma_wait3A_25 = tpu.memref_slice %arg8[%multiple_of3A, %dma_wait3A] : memref<10000x128xf32, #tpu.memory_space<vmem_shared>> -> memref<520x128xf32, #tpu.memory_space<vmem_shared>>
        %dma_wait3A_26 = arith.constant 0 : i32
        %dma_wait3A_27 = tpu.memref_slice %arg4[%multiple_of3A, %dma_wait3A_26] : memref<10000x128xf32, #tpu.memory_space<hbm>> -> memref<520x128xf32, #tpu.memory_space<hbm>>
        tpu.wait_dma2 semaphore(%run_scoped3A : memref<!tpu.dma_semaphore, #tpu.memory_space<semaphore_mem>>) src(%dma_wait3A_27 : memref<520x128xf32, #tpu.memory_space<hbm>>) dst(%dma_wait3A_25 : memref<520x128xf32, #tpu.memory_space<vmem_shared>>)
        tpu.yield
      }) : () -> ()
    } else {
    }
    %barrier3A = arith.constant 0 : index
    tpu.barrier barrier_id(%barrier3A)
    %scan3A = arith.constant 0 : i32
    %scan3A_7 = arith.constant 40 : i32
    %scan3A_8 = arith.addi %scan3A, %scan3A_7 : i32
    %scan3A_9 = arith.constant 1 : i32
    scf.for %scan3A_22 = %scan3A to %scan3A_8 step %scan3A_9  : i32 {
      %mul3A_23 = arith.constant 1 : i32
      %mul3A_24 = arith.muli %scan3A_22, %mul3A_23 : i32
      %add3A = arith.constant 0 : i32
      %add3A_25 = arith.addi %add3A, %mul3A_24 : i32
      %mul3A_26 = arith.constant 16 : i32
      %mul3A_27 = arith.muli %add3A_25, %mul3A_26 : i32
      %add3A_28 = arith.addi %mul3A_27, %arg1 : i32
      %lt3A_29 = arith.constant 625 : i32
      %lt3A_30 = arith.cmpi slt, %add3A_28, %lt3A_29 : i32
      %convert_element_type3A_31 = arith.extui %lt3A_30 : i1 to i32
      %cond3A_32 = arith.constant 0 : i32
      %cond3A_33 = arith.cmpi ne, %convert_element_type3A_31, %cond3A_32 : i32
      scf.if %cond3A_33 {
        %mul3A_34 = arith.constant 625 : i32
        %mul3A_35 = arith.muli %arg0, %mul3A_34 : i32
        %add3A_36 = arith.addi %mul3A_35, %add3A_28 : i32
        %mul3A_37 = arith.constant 128 : i32
        %mul3A_38 = arith.muli %add3A_36, %mul3A_37 : i32
        %multiple_of3A_39 = tpu.assume_multiple %mul3A_38, 128 : i32
        "tpu.region"() ({
          %run_scoped3A = tpu.sem_alloc : memref<!tpu.dma_semaphore, #tpu.memory_space<semaphore_mem>>
          %dma_start3A = tpu.memref_slice %arg3[%multiple_of3A_39] : memref<160000xi32, #tpu.memory_space<hbm>> -> memref<128xi32, #tpu.memory_space<hbm>>
          %dma_start3A_40 = tpu.memref_slice %arg3[%multiple_of3A_39] : memref<160000xi32, #tpu.memory_space<hbm>> -> memref<128xi32, #tpu.memory_space<hbm>>
          tpu.enqueue_dma source(%dma_start3A_40 : memref<128xi32, #tpu.memory_space<hbm>>) target(%arg6 : memref<128xi32, #tpu.memory_space<vmem>>) target_semaphore(%run_scoped3A : memref<!tpu.dma_semaphore, #tpu.memory_space<semaphore_mem>>)
          %dma_wait3A = tpu.memref_slice %arg3[%multiple_of3A_39] : memref<160000xi32, #tpu.memory_space<hbm>> -> memref<128xi32, #tpu.memory_space<hbm>>
          %dma_wait3A_41 = tpu.memref_slice %arg3[%multiple_of3A_39] : memref<160000xi32, #tpu.memory_space<hbm>> -> memref<128xi32, #tpu.memory_space<hbm>>
          tpu.wait_dma2 semaphore(%run_scoped3A : memref<!tpu.dma_semaphore, #tpu.memory_space<semaphore_mem>>) src(%dma_wait3A_41 : memref<128xi32, #tpu.memory_space<hbm>>) dst(%arg6 : memref<128xi32, #tpu.memory_space<vmem>>)
          tpu.yield
        }) : () -> ()
        "tpu.region"() ({
          %run_scoped3A = tpu.sem_alloc : memref<!tpu.dma_semaphore, #tpu.memory_space<semaphore_mem>>
          %dma_start3A = arith.constant 0 : i32
          %dma_start3A_40 = tpu.memref_slice %arg2[%multiple_of3A_39, %dma_start3A] : memref<160000x128xf32, #tpu.memory_space<hbm>> -> memref<128x128xf32, #tpu.memory_space<hbm>>
          %dma_start3A_41 = arith.constant 0 : i32
          %dma_start3A_42 = tpu.memref_slice %arg2[%multiple_of3A_39, %dma_start3A_41] : memref<160000x128xf32, #tpu.memory_space<hbm>> -> memref<128x128xf32, #tpu.memory_space<hbm>>
          tpu.enqueue_dma source(%dma_start3A_42 : memref<128x128xf32, #tpu.memory_space<hbm>>) target(%arg7 : memref<128x128xf32, #tpu.memory_space<vmem>>) target_semaphore(%run_scoped3A : memref<!tpu.dma_semaphore, #tpu.memory_space<semaphore_mem>>)
          %dma_wait3A = arith.constant 0 : i32
          %dma_wait3A_43 = tpu.memref_slice %arg2[%multiple_of3A_39, %dma_wait3A] : memref<160000x128xf32, #tpu.memory_space<hbm>> -> memref<128x128xf32, #tpu.memory_space<hbm>>
          %dma_wait3A_44 = arith.constant 0 : i32
          %dma_wait3A_45 = tpu.memref_slice %arg2[%multiple_of3A_39, %dma_wait3A_44] : memref<160000x128xf32, #tpu.memory_space<hbm>> -> memref<128x128xf32, #tpu.memory_space<hbm>>
          tpu.wait_dma2 semaphore(%run_scoped3A : memref<!tpu.dma_semaphore, #tpu.memory_space<semaphore_mem>>) src(%dma_wait3A_45 : memref<128x128xf32, #tpu.memory_space<hbm>>) dst(%arg7 : memref<128x128xf32, #tpu.memory_space<vmem>>)
          tpu.yield
        }) : () -> ()
        "tpu.region"() ({
          %run_scoped3A = tpu.sem_alloc : memref<!tpu.dma_semaphore, #tpu.memory_space<semaphore_mem>>
          %dma_start3A = arith.constant 0 : i32
          %dma_start3A_40 = arith.constant 0 : i32
          %dma_start3A_41 = tpu.memref_slice %arg8[%dma_start3A, %dma_start3A_40] : memref<10000x128xf32, #tpu.memory_space<vmem_shared>> -> memref<10000x128xf32, #tpu.memory_space<vmem_shared>>
          tpu.enqueue_indirect_dma source(%arg7 : memref<128x128xf32, #tpu.memory_space<vmem>>) target(%dma_start3A_41 : memref<10000x128xf32, #tpu.memory_space<vmem_shared>>) offsets(%arg6 : memref<128xi32, #tpu.memory_space<vmem>>) semaphore(%run_scoped3A : memref<!tpu.dma_semaphore, #tpu.memory_space<semaphore_mem>>) {add = true}
          %dma_wait3A = arith.constant 0 : i32
          %dma_wait3A_42 = arith.constant 0 : i32
          %dma_wait3A_43 = tpu.memref_slice %arg8[%dma_wait3A, %dma_wait3A_42] : memref<10000x128xf32, #tpu.memory_space<vmem_shared>> -> memref<10000x128xf32, #tpu.memory_space<vmem_shared>>
          tpu.wait_indirect_dma semaphore(%run_scoped3A : memref<!tpu.dma_semaphore, #tpu.memory_space<semaphore_mem>>) src(%arg7 : memref<128x128xf32, #tpu.memory_space<vmem>>) dst(%dma_wait3A_43 : memref<10000x128xf32, #tpu.memory_space<vmem_shared>>)
          tpu.yield
        }) : () -> ()
      } else {
      }
    }
    %scan3A_10 = arith.constant 40 : i32
    %barrier3A_11 = arith.constant 0 : index
    tpu.barrier barrier_id(%barrier3A_11)
    %lt3A_12 = arith.constant 15 : i32
    %lt3A_13 = arith.cmpi slt, %arg1, %lt3A_12 : i32
    %convert_element_type3A_14 = arith.extui %lt3A_13 : i1 to i32
    %cond3A_15 = arith.constant 0 : i32
    %cond3A_16 = arith.cmpi ne, %convert_element_type3A_14, %cond3A_15 : i32
    scf.if %cond3A_16 {
      "tpu.region"() ({
        %run_scoped3A = tpu.sem_alloc : memref<!tpu.dma_semaphore, #tpu.memory_space<semaphore_mem>>
        %dma_start3A = arith.constant 0 : i32
        %dma_start3A_22 = arith.constant 0 : i32
        %dma_start3A_23 = tpu.memref_slice %arg5[%arg0, %dma_start3A, %dma_start3A_22] : memref<2x10000x128xf32, #tpu.memory_space<hbm>> -> memref<1x10000x128xf32, #tpu.memory_space<hbm>>
        %dma_start3A_24 = tpu.memref_squeeze %dma_start3A_23 : memref<1x10000x128xf32, #tpu.memory_space<hbm>> -> memref<10000x128xf32, #tpu.memory_space<hbm>>
        %dma_start3A_25 = arith.constant 0 : i32
        %dma_start3A_26 = tpu.memref_slice %dma_start3A_24[%multiple_of3A, %dma_start3A_25] : memref<10000x128xf32, #tpu.memory_space<hbm>> -> memref<632x128xf32, #tpu.memory_space<hbm>>
        %dma_start3A_27 = arith.constant 0 : i32
        %dma_start3A_28 = tpu.memref_slice %arg8[%multiple_of3A, %dma_start3A_27] : memref<10000x128xf32, #tpu.memory_space<vmem_shared>> -> memref<632x128xf32, #tpu.memory_space<vmem_shared>>
        tpu.enqueue_dma source(%dma_start3A_28 : memref<632x128xf32, #tpu.memory_space<vmem_shared>>) target(%dma_start3A_26 : memref<632x128xf32, #tpu.memory_space<hbm>>) target_semaphore(%run_scoped3A : memref<!tpu.dma_semaphore, #tpu.memory_space<semaphore_mem>>)
        %dma_wait3A = arith.constant 0 : i32
        %dma_wait3A_29 = arith.constant 0 : i32
        %dma_wait3A_30 = tpu.memref_slice %arg5[%arg0, %dma_wait3A, %dma_wait3A_29] : memref<2x10000x128xf32, #tpu.memory_space<hbm>> -> memref<1x10000x128xf32, #tpu.memory_space<hbm>>
        %dma_wait3A_31 = tpu.memref_squeeze %dma_wait3A_30 : memref<1x10000x128xf32, #tpu.memory_space<hbm>> -> memref<10000x128xf32, #tpu.memory_space<hbm>>
        %dma_wait3A_32 = arith.constant 0 : i32
        %dma_wait3A_33 = tpu.memref_slice %dma_wait3A_31[%multiple_of3A, %dma_wait3A_32] : memref<10000x128xf32, #tpu.memory_space<hbm>> -> memref<632x128xf32, #tpu.memory_space<hbm>>
        %dma_wait3A_34 = arith.constant 0 : i32
        %dma_wait3A_35 = tpu.memref_slice %arg8[%multiple_of3A, %dma_wait3A_34] : memref<10000x128xf32, #tpu.memory_space<vmem_shared>> -> memref<632x128xf32, #tpu.memory_space<vmem_shared>>
        tpu.wait_dma2 semaphore(%run_scoped3A : memref<!tpu.dma_semaphore, #tpu.memory_space<semaphore_mem>>) src(%dma_wait3A_35 : memref<632x128xf32, #tpu.memory_space<vmem_shared>>) dst(%dma_wait3A_33 : memref<632x128xf32, #tpu.memory_space<hbm>>)
        tpu.yield
      }) : () -> ()
    } else {
    }
    %eq3A_17 = arith.constant 15 : i32
    %eq3A_18 = arith.cmpi eq, %arg1, %eq3A_17 : i32
    %convert_element_type3A_19 = arith.extui %eq3A_18 : i1 to i32
    %cond3A_20 = arith.constant 0 : i32
    %cond3A_21 = arith.cmpi ne, %convert_element_type3A_19, %cond3A_20 : i32
    scf.if %cond3A_21 {
      "tpu.region"() ({
        %run_scoped3A = tpu.sem_alloc : memref<!tpu.dma_semaphore, #tpu.memory_space<semaphore_mem>>
        %dma_start3A = arith.constant 0 : i32
        %dma_start3A_22 = arith.constant 0 : i32
        %dma_start3A_23 = tpu.memref_slice %arg5[%arg0, %dma_start3A, %dma_start3A_22] : memref<2x10000x128xf32, #tpu.memory_space<hbm>> -> memref<1x10000x128xf32, #tpu.memory_space<hbm>>
        %dma_start3A_24 = tpu.memref_squeeze %dma_start3A_23 : memref<1x10000x128xf32, #tpu.memory_space<hbm>> -> memref<10000x128xf32, #tpu.memory_space<hbm>>
        %dma_start3A_25 = arith.constant 0 : i32
        %dma_start3A_26 = tpu.memref_slice %dma_start3A_24[%multiple_of3A, %dma_start3A_25] : memref<10000x128xf32, #tpu.memory_space<hbm>> -> memref<520x128xf32, #tpu.memory_space<hbm>>
        %dma_start3A_27 = arith.constant 0 : i32
        %dma_start3A_28 = tpu.memref_slice %arg8[%multiple_of3A, %dma_start3A_27] : memref<10000x128xf32, #tpu.memory_space<vmem_shared>> -> memref<520x128xf32, #tpu.memory_space<vmem_shared>>
        tpu.enqueue_dma source(%dma_start3A_28 : memref<520x128xf32, #tpu.memory_space<vmem_shared>>) target(%dma_start3A_26 : memref<520x128xf32, #tpu.memory_space<hbm>>) target_semaphore(%run_scoped3A : memref<!tpu.dma_semaphore, #tpu.memory_space<semaphore_mem>>)
        %dma_wait3A = arith.constant 0 : i32
        %dma_wait3A_29 = arith.constant 0 : i32
        %dma_wait3A_30 = tpu.memref_slice %arg5[%arg0, %dma_wait3A, %dma_wait3A_29] : memref<2x10000x128xf32, #tpu.memory_space<hbm>> -> memref<1x10000x128xf32, #tpu.memory_space<hbm>>
        %dma_wait3A_31 = tpu.memref_squeeze %dma_wait3A_30 : memref<1x10000x128xf32, #tpu.memory_space<hbm>> -> memref<10000x128xf32, #tpu.memory_space<hbm>>
        %dma_wait3A_32 = arith.constant 0 : i32
        %dma_wait3A_33 = tpu.memref_slice %dma_wait3A_31[%multiple_of3A, %dma_wait3A_32] : memref<10000x128xf32, #tpu.memory_space<hbm>> -> memref<520x128xf32, #tpu.memory_space<hbm>>
        %dma_wait3A_34 = arith.constant 0 : i32
        %dma_wait3A_35 = tpu.memref_slice %arg8[%multiple_of3A, %dma_wait3A_34] : memref<10000x128xf32, #tpu.memory_space<vmem_shared>> -> memref<520x128xf32, #tpu.memory_space<vmem_shared>>
        tpu.wait_dma2 semaphore(%run_scoped3A : memref<!tpu.dma_semaphore, #tpu.memory_space<semaphore_mem>>) src(%dma_wait3A_35 : memref<520x128xf32, #tpu.memory_space<vmem_shared>>) dst(%dma_wait3A_33 : memref<520x128xf32, #tpu.memory_space<hbm>>)
        tpu.yield
      }) : () -> ()
    } else {
    }
    return
  }
}

#map = affine_map<(d0, d1) -> (0, 0)>
#map1 = affine_map<(d0, d1) -> (0)>
module attributes {stable_mosaic.version = 14 : i64} {
  func.func @k(%arg0: i32, %arg1: i32, %arg2: memref<10000x128xf32, #tpu.memory_space<hbm>>, %arg3: memref<160000xi32, #tpu.memory_space<hbm>>, %arg4: memref<160000x128xf32, #tpu.memory_space<hbm>>, %arg5: memref<128xi32, #tpu.memory_space<vmem>>, %arg6: memref<128x128xf32, #tpu.memory_space<vmem>>, %arg7: memref<!tpu.dma_semaphore, #tpu.memory_space<semaphore_mem>>) attributes {dimension_semantics = [#tpu.dimension_semantics<core_parallel>, #tpu.dimension_semantics<subcore_parallel>], iteration_bounds = array<i64: 2, 16>, scalar_prefetch = 0 : i64, scratch_operands = 3 : i64, tpu.core_type = #tpu.core_type<sc_vector_subcore>, window_params = [{transform_indices = #map}, {transform_indices = #map1}, {transform_indices = #map}]} {
    %mul3A = arith.constant 2 : i32
    %mul3A_0 = arith.muli %arg1, %mul3A : i32
    %add3A = arith.addi %mul3A_0, %arg0 : i32
    %scan3A = arith.constant 0 : i32
    %scan3A_1 = arith.constant 40 : i32
    %scan3A_2 = arith.addi %scan3A, %scan3A_1 : i32
    %scan3A_3 = arith.constant 1 : i32
    scf.for %scan3A_5 = %scan3A to %scan3A_2 step %scan3A_3  : i32 {
      %mul3A_6 = arith.constant 1 : i32
      %mul3A_7 = arith.muli %scan3A_5, %mul3A_6 : i32
      %add3A_8 = arith.constant 0 : i32
      %add3A_9 = arith.addi %add3A_8, %mul3A_7 : i32
      %mul3A_10 = arith.constant 32 : i32
      %mul3A_11 = arith.muli %add3A_9, %mul3A_10 : i32
      %add3A_12 = arith.addi %mul3A_11, %add3A : i32
      %lt3A = arith.constant 1250 : i32
      %lt3A_13 = arith.cmpi slt, %add3A_12, %lt3A : i32
      %convert_element_type3A = arith.extui %lt3A_13 : i1 to i32
      %cond3A = arith.constant 0 : i32
      %cond3A_14 = arith.cmpi ne, %convert_element_type3A, %cond3A : i32
      scf.if %cond3A_14 {
        %mul3A_15 = arith.constant 128 : i32
        %mul3A_16 = arith.muli %add3A_12, %mul3A_15 : i32
        %multiple_of3A = tpu.assume_multiple %mul3A_16, 128 : i32
        "tpu.region"() ({
          %run_scoped3A = tpu.sem_alloc : memref<!tpu.dma_semaphore, #tpu.memory_space<semaphore_mem>>
          %dma_start3A_21 = tpu.memref_slice %arg3[%multiple_of3A] : memref<160000xi32, #tpu.memory_space<hbm>> -> memref<128xi32, #tpu.memory_space<hbm>>
          %dma_start3A_22 = tpu.memref_slice %arg3[%multiple_of3A] : memref<160000xi32, #tpu.memory_space<hbm>> -> memref<128xi32, #tpu.memory_space<hbm>>
          tpu.enqueue_dma source(%dma_start3A_22 : memref<128xi32, #tpu.memory_space<hbm>>) target(%arg5 : memref<128xi32, #tpu.memory_space<vmem>>) target_semaphore(%run_scoped3A : memref<!tpu.dma_semaphore, #tpu.memory_space<semaphore_mem>>)
          %dma_wait3A_23 = tpu.memref_slice %arg3[%multiple_of3A] : memref<160000xi32, #tpu.memory_space<hbm>> -> memref<128xi32, #tpu.memory_space<hbm>>
          %dma_wait3A_24 = tpu.memref_slice %arg3[%multiple_of3A] : memref<160000xi32, #tpu.memory_space<hbm>> -> memref<128xi32, #tpu.memory_space<hbm>>
          tpu.wait_dma2 semaphore(%run_scoped3A : memref<!tpu.dma_semaphore, #tpu.memory_space<semaphore_mem>>) src(%dma_wait3A_24 : memref<128xi32, #tpu.memory_space<hbm>>) dst(%arg5 : memref<128xi32, #tpu.memory_space<vmem>>)
          tpu.yield
        }) : () -> ()
        %dma_start3A = arith.constant 0 : i32
        %dma_start3A_17 = arith.constant 0 : i32
        %dma_start3A_18 = tpu.memref_slice %arg2[%dma_start3A, %dma_start3A_17] : memref<10000x128xf32, #tpu.memory_space<hbm>> -> memref<10000x128xf32, #tpu.memory_space<hbm>>
        tpu.enqueue_indirect_dma source(%dma_start3A_18 : memref<10000x128xf32, #tpu.memory_space<hbm>>) target(%arg6 : memref<128x128xf32, #tpu.memory_space<vmem>>) offsets(%arg5 : memref<128xi32, #tpu.memory_space<vmem>>) semaphore(%arg7 : memref<!tpu.dma_semaphore, #tpu.memory_space<semaphore_mem>>)
        %dma_wait3A = arith.constant 0 : i32
        %dma_wait3A_19 = arith.constant 0 : i32
        %dma_wait3A_20 = tpu.memref_slice %arg2[%dma_wait3A, %dma_wait3A_19] : memref<10000x128xf32, #tpu.memory_space<hbm>> -> memref<10000x128xf32, #tpu.memory_space<hbm>>
        tpu.wait_indirect_dma semaphore(%arg7 : memref<!tpu.dma_semaphore, #tpu.memory_space<semaphore_mem>>) src(%dma_wait3A_20 : memref<10000x128xf32, #tpu.memory_space<hbm>>) dst(%arg6 : memref<128x128xf32, #tpu.memory_space<vmem>>)
        "tpu.region"() ({
          %run_scoped3A = tpu.sem_alloc : memref<!tpu.dma_semaphore, #tpu.memory_space<semaphore_mem>>
          %dma_start3A_21 = arith.constant 0 : i32
          %dma_start3A_22 = tpu.memref_slice %arg4[%multiple_of3A, %dma_start3A_21] : memref<160000x128xf32, #tpu.memory_space<hbm>> -> memref<128x128xf32, #tpu.memory_space<hbm>>
          %dma_start3A_23 = arith.constant 0 : i32
          %dma_start3A_24 = tpu.memref_slice %arg4[%multiple_of3A, %dma_start3A_23] : memref<160000x128xf32, #tpu.memory_space<hbm>> -> memref<128x128xf32, #tpu.memory_space<hbm>>
          tpu.enqueue_dma source(%arg6 : memref<128x128xf32, #tpu.memory_space<vmem>>) target(%dma_start3A_24 : memref<128x128xf32, #tpu.memory_space<hbm>>) target_semaphore(%run_scoped3A : memref<!tpu.dma_semaphore, #tpu.memory_space<semaphore_mem>>)
          %dma_wait3A_25 = arith.constant 0 : i32
          %dma_wait3A_26 = tpu.memref_slice %arg4[%multiple_of3A, %dma_wait3A_25] : memref<160000x128xf32, #tpu.memory_space<hbm>> -> memref<128x128xf32, #tpu.memory_space<hbm>>
          %dma_wait3A_27 = arith.constant 0 : i32
          %dma_wait3A_28 = tpu.memref_slice %arg4[%multiple_of3A, %dma_wait3A_27] : memref<160000x128xf32, #tpu.memory_space<hbm>> -> memref<128x128xf32, #tpu.memory_space<hbm>>
          tpu.wait_dma2 semaphore(%run_scoped3A : memref<!tpu.dma_semaphore, #tpu.memory_space<semaphore_mem>>) src(%arg6 : memref<128x128xf32, #tpu.memory_space<vmem>>) dst(%dma_wait3A_28 : memref<128x128xf32, #tpu.memory_space<hbm>>)
          tpu.yield
        }) : () -> ()
      } else {
      }
    }
    %scan3A_4 = arith.constant 40 : i32
    return
  }
}

#map = affine_map<(d0, d1) -> (0, 0)>
#map1 = affine_map<(d0, d1) -> (0)>
#map2 = affine_map<(d0, d1) -> (0, 0, 0)>
module attributes {stable_mosaic.version = 14 : i64} {
  func.func @k(%arg0: i32, %arg1: i32, %arg2: memref<160000x128xf32, #tpu.memory_space<hbm>>, %arg3: memref<160000xi32, #tpu.memory_space<hbm>>, %arg4: memref<10000x128xf32, #tpu.memory_space<hbm>>, %arg5: memref<2x10000x128xf32, #tpu.memory_space<hbm>>, %arg6: memref<128xi32, #tpu.memory_space<vmem>>, %arg7: memref<128x128xf32, #tpu.memory_space<vmem>>, %arg8: memref<10000x128xf32, #tpu.memory_space<vmem_shared>>, %arg9: memref<!tpu.dma_semaphore, #tpu.memory_space<semaphore_mem>>) attributes {dimension_semantics = [#tpu.dimension_semantics<core_parallel>, #tpu.dimension_semantics<subcore_parallel>], iteration_bounds = array<i64: 2, 16>, scalar_prefetch = 0 : i64, scratch_operands = 4 : i64, tpu.core_type = #tpu.core_type<sc_vector_subcore>, window_params = [{transform_indices = #map}, {transform_indices = #map1}, {transform_indices = #map}, {transform_indices = #map2}]} {
    %mul3A = arith.constant 632 : i32
    %mul3A_0 = arith.muli %arg1, %mul3A : i32
    %multiple_of3A = tpu.assume_multiple %mul3A_0, 8 : i32
    %lt3A = arith.constant 15 : i32
    %lt3A_1 = arith.cmpi slt, %arg1, %lt3A : i32
    %convert_element_type3A = arith.extui %lt3A_1 : i1 to i32
    %cond3A = arith.constant 0 : i32
    %cond3A_2 = arith.cmpi ne, %convert_element_type3A, %cond3A : i32
    scf.if %cond3A_2 {
      "tpu.region"() ({
        %run_scoped3A = tpu.sem_alloc : memref<!tpu.dma_semaphore, #tpu.memory_space<semaphore_mem>>
        %dma_start3A = arith.constant 0 : i32
        %dma_start3A_22 = tpu.memref_slice %arg8[%multiple_of3A, %dma_start3A] : memref<10000x128xf32, #tpu.memory_space<vmem_shared>> -> memref<632x128xf32, #tpu.memory_space<vmem_shared>>
        %dma_start3A_23 = arith.constant 0 : i32
        %dma_start3A_24 = tpu.memref_slice %arg4[%multiple_of3A, %dma_start3A_23] : memref<10000x128xf32, #tpu.memory_space<hbm>> -> memref<632x128xf32, #tpu.memory_space<hbm>>
        tpu.enqueue_dma source(%dma_start3A_24 : memref<632x128xf32, #tpu.memory_space<hbm>>) target(%dma_start3A_22 : memref<632x128xf32, #tpu.memory_space<vmem_shared>>) target_semaphore(%run_scoped3A : memref<!tpu.dma_semaphore, #tpu.memory_space<semaphore_mem>>)
        %dma_wait3A = arith.constant 0 : i32
        %dma_wait3A_25 = tpu.memref_slice %arg8[%multiple_of3A, %dma_wait3A] : memref<10000x128xf32, #tpu.memory_space<vmem_shared>> -> memref<632x128xf32, #tpu.memory_space<vmem_shared>>
        %dma_wait3A_26 = arith.constant 0 : i32
        %dma_wait3A_27 = tpu.memref_slice %arg4[%multiple_of3A, %dma_wait3A_26] : memref<10000x128xf32, #tpu.memory_space<hbm>> -> memref<632x128xf32, #tpu.memory_space<hbm>>
        tpu.wait_dma2 semaphore(%run_scoped3A : memref<!tpu.dma_semaphore, #tpu.memory_space<semaphore_mem>>) src(%dma_wait3A_27 : memref<632x128xf32, #tpu.memory_space<hbm>>) dst(%dma_wait3A_25 : memref<632x128xf32, #tpu.memory_space<vmem_shared>>)
        tpu.yield
      }) : () -> ()
    } else {
    }
    %eq3A = arith.constant 15 : i32
    %eq3A_3 = arith.cmpi eq, %arg1, %eq3A : i32
    %convert_element_type3A_4 = arith.extui %eq3A_3 : i1 to i32
    %cond3A_5 = arith.constant 0 : i32
    %cond3A_6 = arith.cmpi ne, %convert_element_type3A_4, %cond3A_5 : i32
    scf.if %cond3A_6 {
      "tpu.region"() ({
        %run_scoped3A = tpu.sem_alloc : memref<!tpu.dma_semaphore, #tpu.memory_space<semaphore_mem>>
        %dma_start3A = arith.constant 0 : i32
        %dma_start3A_22 = tpu.memref_slice %arg8[%multiple_of3A, %dma_start3A] : memref<10000x128xf32, #tpu.memory_space<vmem_shared>> -> memref<520x128xf32, #tpu.memory_space<vmem_shared>>
        %dma_start3A_23 = arith.constant 0 : i32
        %dma_start3A_24 = tpu.memref_slice %arg4[%multiple_of3A, %dma_start3A_23] : memref<10000x128xf32, #tpu.memory_space<hbm>> -> memref<520x128xf32, #tpu.memory_space<hbm>>
        tpu.enqueue_dma source(%dma_start3A_24 : memref<520x128xf32, #tpu.memory_space<hbm>>) target(%dma_start3A_22 : memref<520x128xf32, #tpu.memory_space<vmem_shared>>) target_semaphore(%run_scoped3A : memref<!tpu.dma_semaphore, #tpu.memory_space<semaphore_mem>>)
        %dma_wait3A = arith.constant 0 : i32
        %dma_wait3A_25 = tpu.memref_slice %arg8[%multiple_of3A, %dma_wait3A] : memref<10000x128xf32, #tpu.memory_space<vmem_shared>> -> memref<520x128xf32, #tpu.memory_space<vmem_shared>>
        %dma_wait3A_26 = arith.constant 0 : i32
        %dma_wait3A_27 = tpu.memref_slice %arg4[%multiple_of3A, %dma_wait3A_26] : memref<10000x128xf32, #tpu.memory_space<hbm>> -> memref<520x128xf32, #tpu.memory_space<hbm>>
        tpu.wait_dma2 semaphore(%run_scoped3A : memref<!tpu.dma_semaphore, #tpu.memory_space<semaphore_mem>>) src(%dma_wait3A_27 : memref<520x128xf32, #tpu.memory_space<hbm>>) dst(%dma_wait3A_25 : memref<520x128xf32, #tpu.memory_space<vmem_shared>>)
        tpu.yield
      }) : () -> ()
    } else {
    }
    %barrier3A = arith.constant 0 : index
    tpu.barrier barrier_id(%barrier3A)
    %scan3A = arith.constant 0 : i32
    %scan3A_7 = arith.constant 40 : i32
    %scan3A_8 = arith.addi %scan3A, %scan3A_7 : i32
    %scan3A_9 = arith.constant 1 : i32
    scf.for %scan3A_22 = %scan3A to %scan3A_8 step %scan3A_9  : i32 {
      %mul3A_23 = arith.constant 1 : i32
      %mul3A_24 = arith.muli %scan3A_22, %mul3A_23 : i32
      %add3A = arith.constant 0 : i32
      %add3A_25 = arith.addi %add3A, %mul3A_24 : i32
      %mul3A_26 = arith.constant 16 : i32
      %mul3A_27 = arith.muli %add3A_25, %mul3A_26 : i32
      %add3A_28 = arith.addi %mul3A_27, %arg1 : i32
      %lt3A_29 = arith.constant 625 : i32
      %lt3A_30 = arith.cmpi slt, %add3A_28, %lt3A_29 : i32
      %convert_element_type3A_31 = arith.extui %lt3A_30 : i1 to i32
      %cond3A_32 = arith.constant 0 : i32
      %cond3A_33 = arith.cmpi ne, %convert_element_type3A_31, %cond3A_32 : i32
      scf.if %cond3A_33 {
        %mul3A_34 = arith.constant 625 : i32
        %mul3A_35 = arith.muli %arg0, %mul3A_34 : i32
        %add3A_36 = arith.addi %mul3A_35, %add3A_28 : i32
        %mul3A_37 = arith.constant 128 : i32
        %mul3A_38 = arith.muli %add3A_36, %mul3A_37 : i32
        %multiple_of3A_39 = tpu.assume_multiple %mul3A_38, 128 : i32
        "tpu.region"() ({
          %run_scoped3A = tpu.sem_alloc : memref<!tpu.dma_semaphore, #tpu.memory_space<semaphore_mem>>
          %dma_start3A = tpu.memref_slice %arg3[%multiple_of3A_39] : memref<160000xi32, #tpu.memory_space<hbm>> -> memref<128xi32, #tpu.memory_space<hbm>>
          %dma_start3A_40 = tpu.memref_slice %arg3[%multiple_of3A_39] : memref<160000xi32, #tpu.memory_space<hbm>> -> memref<128xi32, #tpu.memory_space<hbm>>
          tpu.enqueue_dma source(%dma_start3A_40 : memref<128xi32, #tpu.memory_space<hbm>>) target(%arg6 : memref<128xi32, #tpu.memory_space<vmem>>) target_semaphore(%run_scoped3A : memref<!tpu.dma_semaphore, #tpu.memory_space<semaphore_mem>>)
          %dma_wait3A = tpu.memref_slice %arg3[%multiple_of3A_39] : memref<160000xi32, #tpu.memory_space<hbm>> -> memref<128xi32, #tpu.memory_space<hbm>>
          %dma_wait3A_41 = tpu.memref_slice %arg3[%multiple_of3A_39] : memref<160000xi32, #tpu.memory_space<hbm>> -> memref<128xi32, #tpu.memory_space<hbm>>
          tpu.wait_dma2 semaphore(%run_scoped3A : memref<!tpu.dma_semaphore, #tpu.memory_space<semaphore_mem>>) src(%dma_wait3A_41 : memref<128xi32, #tpu.memory_space<hbm>>) dst(%arg6 : memref<128xi32, #tpu.memory_space<vmem>>)
          tpu.yield
        }) : () -> ()
        "tpu.region"() ({
          %run_scoped3A = tpu.sem_alloc : memref<!tpu.dma_semaphore, #tpu.memory_space<semaphore_mem>>
          %dma_start3A = arith.constant 0 : i32
          %dma_start3A_40 = tpu.memref_slice %arg2[%multiple_of3A_39, %dma_start3A] : memref<160000x128xf32, #tpu.memory_space<hbm>> -> memref<128x128xf32, #tpu.memory_space<hbm>>
          %dma_start3A_41 = arith.constant 0 : i32
          %dma_start3A_42 = tpu.memref_slice %arg2[%multiple_of3A_39, %dma_start3A_41] : memref<160000x128xf32, #tpu.memory_space<hbm>> -> memref<128x128xf32, #tpu.memory_space<hbm>>
          tpu.enqueue_dma source(%dma_start3A_42 : memref<128x128xf32, #tpu.memory_space<hbm>>) target(%arg7 : memref<128x128xf32, #tpu.memory_space<vmem>>) target_semaphore(%run_scoped3A : memref<!tpu.dma_semaphore, #tpu.memory_space<semaphore_mem>>)
          %dma_wait3A = arith.constant 0 : i32
          %dma_wait3A_43 = tpu.memref_slice %arg2[%multiple_of3A_39, %dma_wait3A] : memref<160000x128xf32, #tpu.memory_space<hbm>> -> memref<128x128xf32, #tpu.memory_space<hbm>>
          %dma_wait3A_44 = arith.constant 0 : i32
          %dma_wait3A_45 = tpu.memref_slice %arg2[%multiple_of3A_39, %dma_wait3A_44] : memref<160000x128xf32, #tpu.memory_space<hbm>> -> memref<128x128xf32, #tpu.memory_space<hbm>>
          tpu.wait_dma2 semaphore(%run_scoped3A : memref<!tpu.dma_semaphore, #tpu.memory_space<semaphore_mem>>) src(%dma_wait3A_45 : memref<128x128xf32, #tpu.memory_space<hbm>>) dst(%arg7 : memref<128x128xf32, #tpu.memory_space<vmem>>)
          tpu.yield
        }) : () -> ()
        "tpu.region"() ({
          %run_scoped3A = tpu.sem_alloc : memref<!tpu.dma_semaphore, #tpu.memory_space<semaphore_mem>>
          %dma_start3A = arith.constant 0 : i32
          %dma_start3A_40 = arith.constant 0 : i32
          %dma_start3A_41 = tpu.memref_slice %arg8[%dma_start3A, %dma_start3A_40] : memref<10000x128xf32, #tpu.memory_space<vmem_shared>> -> memref<10000x128xf32, #tpu.memory_space<vmem_shared>>
          tpu.enqueue_indirect_dma source(%arg7 : memref<128x128xf32, #tpu.memory_space<vmem>>) target(%dma_start3A_41 : memref<10000x128xf32, #tpu.memory_space<vmem_shared>>) offsets(%arg6 : memref<128xi32, #tpu.memory_space<vmem>>) semaphore(%run_scoped3A : memref<!tpu.dma_semaphore, #tpu.memory_space<semaphore_mem>>) {add = true}
          %dma_wait3A = arith.constant 0 : i32
          %dma_wait3A_42 = arith.constant 0 : i32
          %dma_wait3A_43 = tpu.memref_slice %arg8[%dma_wait3A, %dma_wait3A_42] : memref<10000x128xf32, #tpu.memory_space<vmem_shared>> -> memref<10000x128xf32, #tpu.memory_space<vmem_shared>>
          tpu.wait_indirect_dma semaphore(%run_scoped3A : memref<!tpu.dma_semaphore, #tpu.memory_space<semaphore_mem>>) src(%arg7 : memref<128x128xf32, #tpu.memory_space<vmem>>) dst(%dma_wait3A_43 : memref<10000x128xf32, #tpu.memory_space<vmem_shared>>)
          tpu.yield
        }) : () -> ()
      } else {
      }
    }
    %scan3A_10 = arith.constant 40 : i32
    %barrier3A_11 = arith.constant 0 : index
    tpu.barrier barrier_id(%barrier3A_11)
    %lt3A_12 = arith.constant 15 : i32
    %lt3A_13 = arith.cmpi slt, %arg1, %lt3A_12 : i32
    %convert_element_type3A_14 = arith.extui %lt3A_13 : i1 to i32
    %cond3A_15 = arith.constant 0 : i32
    %cond3A_16 = arith.cmpi ne, %convert_element_type3A_14, %cond3A_15 : i32
    scf.if %cond3A_16 {
      "tpu.region"() ({
        %run_scoped3A = tpu.sem_alloc : memref<!tpu.dma_semaphore, #tpu.memory_space<semaphore_mem>>
        %dma_start3A = arith.constant 0 : i32
        %dma_start3A_22 = arith.constant 0 : i32
        %dma_start3A_23 = tpu.memref_slice %arg5[%arg0, %dma_start3A, %dma_start3A_22] : memref<2x10000x128xf32, #tpu.memory_space<hbm>> -> memref<1x10000x128xf32, #tpu.memory_space<hbm>>
        %dma_start3A_24 = tpu.memref_squeeze %dma_start3A_23 : memref<1x10000x128xf32, #tpu.memory_space<hbm>> -> memref<10000x128xf32, #tpu.memory_space<hbm>>
        %dma_start3A_25 = arith.constant 0 : i32
        %dma_start3A_26 = tpu.memref_slice %dma_start3A_24[%multiple_of3A, %dma_start3A_25] : memref<10000x128xf32, #tpu.memory_space<hbm>> -> memref<632x128xf32, #tpu.memory_space<hbm>>
        %dma_start3A_27 = arith.constant 0 : i32
        %dma_start3A_28 = tpu.memref_slice %arg8[%multiple_of3A, %dma_start3A_27] : memref<10000x128xf32, #tpu.memory_space<vmem_shared>> -> memref<632x128xf32, #tpu.memory_space<vmem_shared>>
        tpu.enqueue_dma source(%dma_start3A_28 : memref<632x128xf32, #tpu.memory_space<vmem_shared>>) target(%dma_start3A_26 : memref<632x128xf32, #tpu.memory_space<hbm>>) target_semaphore(%run_scoped3A : memref<!tpu.dma_semaphore, #tpu.memory_space<semaphore_mem>>)
        %dma_wait3A = arith.constant 0 : i32
        %dma_wait3A_29 = arith.constant 0 : i32
        %dma_wait3A_30 = tpu.memref_slice %arg5[%arg0, %dma_wait3A, %dma_wait3A_29] : memref<2x10000x128xf32, #tpu.memory_space<hbm>> -> memref<1x10000x128xf32, #tpu.memory_space<hbm>>
        %dma_wait3A_31 = tpu.memref_squeeze %dma_wait3A_30 : memref<1x10000x128xf32, #tpu.memory_space<hbm>> -> memref<10000x128xf32, #tpu.memory_space<hbm>>
        %dma_wait3A_32 = arith.constant 0 : i32
        %dma_wait3A_33 = tpu.memref_slice %dma_wait3A_31[%multiple_of3A, %dma_wait3A_32] : memref<10000x128xf32, #tpu.memory_space<hbm>> -> memref<632x128xf32, #tpu.memory_space<hbm>>
        %dma_wait3A_34 = arith.constant 0 : i32
        %dma_wait3A_35 = tpu.memref_slice %arg8[%multiple_of3A, %dma_wait3A_34] : memref<10000x128xf32, #tpu.memory_space<vmem_shared>> -> memref<632x128xf32, #tpu.memory_space<vmem_shared>>
        tpu.wait_dma2 semaphore(%run_scoped3A : memref<!tpu.dma_semaphore, #tpu.memory_space<semaphore_mem>>) src(%dma_wait3A_35 : memref<632x128xf32, #tpu.memory_space<vmem_shared>>) dst(%dma_wait3A_33 : memref<632x128xf32, #tpu.memory_space<hbm>>)
        tpu.yield
      }) : () -> ()
    } else {
    }
    %eq3A_17 = arith.constant 15 : i32
    %eq3A_18 = arith.cmpi eq, %arg1, %eq3A_17 : i32
    %convert_element_type3A_19 = arith.extui %eq3A_18 : i1 to i32
    %cond3A_20 = arith.constant 0 : i32
    %cond3A_21 = arith.cmpi ne, %convert_element_type3A_19, %cond3A_20 : i32
    scf.if %cond3A_21 {
      "tpu.region"() ({
        %run_scoped3A = tpu.sem_alloc : memref<!tpu.dma_semaphore, #tpu.memory_space<semaphore_mem>>
        %dma_start3A = arith.constant 0 : i32
        %dma_start3A_22 = arith.constant 0 : i32
        %dma_start3A_23 = tpu.memref_slice %arg5[%arg0, %dma_start3A, %dma_start3A_22] : memref<2x10000x128xf32, #tpu.memory_space<hbm>> -> memref<1x10000x128xf32, #tpu.memory_space<hbm>>
        %dma_start3A_24 = tpu.memref_squeeze %dma_start3A_23 : memref<1x10000x128xf32, #tpu.memory_space<hbm>> -> memref<10000x128xf32, #tpu.memory_space<hbm>>
        %dma_start3A_25 = arith.constant 0 : i32
        %dma_start3A_26 = tpu.memref_slice %dma_start3A_24[%multiple_of3A, %dma_start3A_25] : memref<10000x128xf32, #tpu.memory_space<hbm>> -> memref<520x128xf32, #tpu.memory_space<hbm>>
        %dma_start3A_27 = arith.constant 0 : i32
        %dma_start3A_28 = tpu.memref_slice %arg8[%multiple_of3A, %dma_start3A_27] : memref<10000x128xf32, #tpu.memory_space<vmem_shared>> -> memref<520x128xf32, #tpu.memory_space<vmem_shared>>
        tpu.enqueue_dma source(%dma_start3A_28 : memref<520x128xf32, #tpu.memory_space<vmem_shared>>) target(%dma_start3A_26 : memref<520x128xf32, #tpu.memory_space<hbm>>) target_semaphore(%run_scoped3A : memref<!tpu.dma_semaphore, #tpu.memory_space<semaphore_mem>>)
        %dma_wait3A = arith.constant 0 : i32
        %dma_wait3A_29 = arith.constant 0 : i32
        %dma_wait3A_30 = tpu.memref_slice %arg5[%arg0, %dma_wait3A, %dma_wait3A_29] : memref<2x10000x128xf32, #tpu.memory_space<hbm>> -> memref<1x10000x128xf32, #tpu.memory_space<hbm>>
        %dma_wait3A_31 = tpu.memref_squeeze %dma_wait3A_30 : memref<1x10000x128xf32, #tpu.memory_space<hbm>> -> memref<10000x128xf32, #tpu.memory_space<hbm>>
        %dma_wait3A_32 = arith.constant 0 : i32
        %dma_wait3A_33 = tpu.memref_slice %dma_wait3A_31[%multiple_of3A, %dma_wait3A_32] : memref<10000x128xf32, #tpu.memory_space<hbm>> -> memref<520x128xf32, #tpu.memory_space<hbm>>
        %dma_wait3A_34 = arith.constant 0 : i32
        %dma_wait3A_35 = tpu.memref_slice %arg8[%multiple_of3A, %dma_wait3A_34] : memref<10000x128xf32, #tpu.memory_space<vmem_shared>> -> memref<520x128xf32, #tpu.memory_space<vmem_shared>>
        tpu.wait_dma2 semaphore(%run_scoped3A : memref<!tpu.dma_semaphore, #tpu.memory_space<semaphore_mem>>) src(%dma_wait3A_35 : memref<520x128xf32, #tpu.memory_space<vmem_shared>>) dst(%dma_wait3A_33 : memref<520x128xf32, #tpu.memory_space<hbm>>)
        tpu.yield
      }) : () -> ()
    } else {
    }
    return
  }
}

#map = affine_map<(d0, d1) -> (0, 0)>
#map1 = affine_map<(d0, d1) -> (0)>
module attributes {stable_mosaic.version = 14 : i64} {
  func.func @k(%arg0: i32, %arg1: i32, %arg2: memref<10000x128xf32, #tpu.memory_space<hbm>>, %arg3: memref<160000xi32, #tpu.memory_space<hbm>>, %arg4: memref<160000x128xf32, #tpu.memory_space<hbm>>, %arg5: memref<128xi32, #tpu.memory_space<vmem>>, %arg6: memref<128x128xf32, #tpu.memory_space<vmem>>, %arg7: memref<!tpu.dma_semaphore, #tpu.memory_space<semaphore_mem>>) attributes {dimension_semantics = [#tpu.dimension_semantics<core_parallel>, #tpu.dimension_semantics<subcore_parallel>], iteration_bounds = array<i64: 2, 16>, scalar_prefetch = 0 : i64, scratch_operands = 3 : i64, tpu.core_type = #tpu.core_type<sc_vector_subcore>, window_params = [{transform_indices = #map}, {transform_indices = #map1}, {transform_indices = #map}]} {
    %mul3A = arith.constant 2 : i32
    %mul3A_0 = arith.muli %arg1, %mul3A : i32
    %add3A = arith.addi %mul3A_0, %arg0 : i32
    %scan3A = arith.constant 0 : i32
    %scan3A_1 = arith.constant 40 : i32
    %scan3A_2 = arith.addi %scan3A, %scan3A_1 : i32
    %scan3A_3 = arith.constant 1 : i32
    scf.for %scan3A_5 = %scan3A to %scan3A_2 step %scan3A_3  : i32 {
      %mul3A_6 = arith.constant 1 : i32
      %mul3A_7 = arith.muli %scan3A_5, %mul3A_6 : i32
      %add3A_8 = arith.constant 0 : i32
      %add3A_9 = arith.addi %add3A_8, %mul3A_7 : i32
      %mul3A_10 = arith.constant 32 : i32
      %mul3A_11 = arith.muli %add3A_9, %mul3A_10 : i32
      %add3A_12 = arith.addi %mul3A_11, %add3A : i32
      %lt3A = arith.constant 1250 : i32
      %lt3A_13 = arith.cmpi slt, %add3A_12, %lt3A : i32
      %convert_element_type3A = arith.extui %lt3A_13 : i1 to i32
      %cond3A = arith.constant 0 : i32
      %cond3A_14 = arith.cmpi ne, %convert_element_type3A, %cond3A : i32
      scf.if %cond3A_14 {
        %mul3A_15 = arith.constant 128 : i32
        %mul3A_16 = arith.muli %add3A_12, %mul3A_15 : i32
        %multiple_of3A = tpu.assume_multiple %mul3A_16, 128 : i32
        "tpu.region"() ({
          %run_scoped3A = tpu.sem_alloc : memref<!tpu.dma_semaphore, #tpu.memory_space<semaphore_mem>>
          %dma_start3A_21 = tpu.memref_slice %arg3[%multiple_of3A] : memref<160000xi32, #tpu.memory_space<hbm>> -> memref<128xi32, #tpu.memory_space<hbm>>
          %dma_start3A_22 = tpu.memref_slice %arg3[%multiple_of3A] : memref<160000xi32, #tpu.memory_space<hbm>> -> memref<128xi32, #tpu.memory_space<hbm>>
          tpu.enqueue_dma source(%dma_start3A_22 : memref<128xi32, #tpu.memory_space<hbm>>) target(%arg5 : memref<128xi32, #tpu.memory_space<vmem>>) target_semaphore(%run_scoped3A : memref<!tpu.dma_semaphore, #tpu.memory_space<semaphore_mem>>)
          %dma_wait3A_23 = tpu.memref_slice %arg3[%multiple_of3A] : memref<160000xi32, #tpu.memory_space<hbm>> -> memref<128xi32, #tpu.memory_space<hbm>>
          %dma_wait3A_24 = tpu.memref_slice %arg3[%multiple_of3A] : memref<160000xi32, #tpu.memory_space<hbm>> -> memref<128xi32, #tpu.memory_space<hbm>>
          tpu.wait_dma2 semaphore(%run_scoped3A : memref<!tpu.dma_semaphore, #tpu.memory_space<semaphore_mem>>) src(%dma_wait3A_24 : memref<128xi32, #tpu.memory_space<hbm>>) dst(%arg5 : memref<128xi32, #tpu.memory_space<vmem>>)
          tpu.yield
        }) : () -> ()
        %dma_start3A = arith.constant 0 : i32
        %dma_start3A_17 = arith.constant 0 : i32
        %dma_start3A_18 = tpu.memref_slice %arg2[%dma_start3A, %dma_start3A_17] : memref<10000x128xf32, #tpu.memory_space<hbm>> -> memref<10000x128xf32, #tpu.memory_space<hbm>>
        tpu.enqueue_indirect_dma source(%dma_start3A_18 : memref<10000x128xf32, #tpu.memory_space<hbm>>) target(%arg6 : memref<128x128xf32, #tpu.memory_space<vmem>>) offsets(%arg5 : memref<128xi32, #tpu.memory_space<vmem>>) semaphore(%arg7 : memref<!tpu.dma_semaphore, #tpu.memory_space<semaphore_mem>>)
        %dma_wait3A = arith.constant 0 : i32
        %dma_wait3A_19 = arith.constant 0 : i32
        %dma_wait3A_20 = tpu.memref_slice %arg2[%dma_wait3A, %dma_wait3A_19] : memref<10000x128xf32, #tpu.memory_space<hbm>> -> memref<10000x128xf32, #tpu.memory_space<hbm>>
        tpu.wait_indirect_dma semaphore(%arg7 : memref<!tpu.dma_semaphore, #tpu.memory_space<semaphore_mem>>) src(%dma_wait3A_20 : memref<10000x128xf32, #tpu.memory_space<hbm>>) dst(%arg6 : memref<128x128xf32, #tpu.memory_space<vmem>>)
        "tpu.region"() ({
          %run_scoped3A = tpu.sem_alloc : memref<!tpu.dma_semaphore, #tpu.memory_space<semaphore_mem>>
          %dma_start3A_21 = arith.constant 0 : i32
          %dma_start3A_22 = tpu.memref_slice %arg4[%multiple_of3A, %dma_start3A_21] : memref<160000x128xf32, #tpu.memory_space<hbm>> -> memref<128x128xf32, #tpu.memory_space<hbm>>
          %dma_start3A_23 = arith.constant 0 : i32
          %dma_start3A_24 = tpu.memref_slice %arg4[%multiple_of3A, %dma_start3A_23] : memref<160000x128xf32, #tpu.memory_space<hbm>> -> memref<128x128xf32, #tpu.memory_space<hbm>>
          tpu.enqueue_dma source(%arg6 : memref<128x128xf32, #tpu.memory_space<vmem>>) target(%dma_start3A_24 : memref<128x128xf32, #tpu.memory_space<hbm>>) target_semaphore(%run_scoped3A : memref<!tpu.dma_semaphore, #tpu.memory_space<semaphore_mem>>)
          %dma_wait3A_25 = arith.constant 0 : i32
          %dma_wait3A_26 = tpu.memref_slice %arg4[%multiple_of3A, %dma_wait3A_25] : memref<160000x128xf32, #tpu.memory_space<hbm>> -> memref<128x128xf32, #tpu.memory_space<hbm>>
          %dma_wait3A_27 = arith.constant 0 : i32
          %dma_wait3A_28 = tpu.memref_slice %arg4[%multiple_of3A, %dma_wait3A_27] : memref<160000x128xf32, #tpu.memory_space<hbm>> -> memref<128x128xf32, #tpu.memory_space<hbm>>
          tpu.wait_dma2 semaphore(%run_scoped3A : memref<!tpu.dma_semaphore, #tpu.memory_space<semaphore_mem>>) src(%arg6 : memref<128x128xf32, #tpu.memory_space<vmem>>) dst(%dma_wait3A_28 : memref<128x128xf32, #tpu.memory_space<hbm>>)
          tpu.yield
        }) : () -> ()
      } else {
      }
    }
    %scan3A_4 = arith.constant 40 : i32
    return
  }
}

#map = affine_map<(d0, d1) -> (0, 0)>
#map1 = affine_map<(d0, d1) -> (0)>
#map2 = affine_map<(d0, d1) -> (0, 0, 0)>
module attributes {stable_mosaic.version = 14 : i64} {
  func.func @k(%arg0: i32, %arg1: i32, %arg2: memref<160000x128xf32, #tpu.memory_space<hbm>>, %arg3: memref<160000xi32, #tpu.memory_space<hbm>>, %arg4: memref<10000x128xf32, #tpu.memory_space<hbm>>, %arg5: memref<2x10000x128xf32, #tpu.memory_space<hbm>>, %arg6: memref<128xi32, #tpu.memory_space<vmem>>, %arg7: memref<128x128xf32, #tpu.memory_space<vmem>>, %arg8: memref<10000x128xf32, #tpu.memory_space<vmem_shared>>, %arg9: memref<!tpu.dma_semaphore, #tpu.memory_space<semaphore_mem>>) attributes {dimension_semantics = [#tpu.dimension_semantics<core_parallel>, #tpu.dimension_semantics<subcore_parallel>], iteration_bounds = array<i64: 2, 16>, scalar_prefetch = 0 : i64, scratch_operands = 4 : i64, tpu.core_type = #tpu.core_type<sc_vector_subcore>, window_params = [{transform_indices = #map}, {transform_indices = #map1}, {transform_indices = #map}, {transform_indices = #map2}]} {
    %mul3A = arith.constant 632 : i32
    %mul3A_0 = arith.muli %arg1, %mul3A : i32
    %multiple_of3A = tpu.assume_multiple %mul3A_0, 8 : i32
    %lt3A = arith.constant 15 : i32
    %lt3A_1 = arith.cmpi slt, %arg1, %lt3A : i32
    %convert_element_type3A = arith.extui %lt3A_1 : i1 to i32
    %cond3A = arith.constant 0 : i32
    %cond3A_2 = arith.cmpi ne, %convert_element_type3A, %cond3A : i32
    scf.if %cond3A_2 {
      "tpu.region"() ({
        %run_scoped3A = tpu.sem_alloc : memref<!tpu.dma_semaphore, #tpu.memory_space<semaphore_mem>>
        %dma_start3A = arith.constant 0 : i32
        %dma_start3A_22 = tpu.memref_slice %arg8[%multiple_of3A, %dma_start3A] : memref<10000x128xf32, #tpu.memory_space<vmem_shared>> -> memref<632x128xf32, #tpu.memory_space<vmem_shared>>
        %dma_start3A_23 = arith.constant 0 : i32
        %dma_start3A_24 = tpu.memref_slice %arg4[%multiple_of3A, %dma_start3A_23] : memref<10000x128xf32, #tpu.memory_space<hbm>> -> memref<632x128xf32, #tpu.memory_space<hbm>>
        tpu.enqueue_dma source(%dma_start3A_24 : memref<632x128xf32, #tpu.memory_space<hbm>>) target(%dma_start3A_22 : memref<632x128xf32, #tpu.memory_space<vmem_shared>>) target_semaphore(%run_scoped3A : memref<!tpu.dma_semaphore, #tpu.memory_space<semaphore_mem>>)
        %dma_wait3A = arith.constant 0 : i32
        %dma_wait3A_25 = tpu.memref_slice %arg8[%multiple_of3A, %dma_wait3A] : memref<10000x128xf32, #tpu.memory_space<vmem_shared>> -> memref<632x128xf32, #tpu.memory_space<vmem_shared>>
        %dma_wait3A_26 = arith.constant 0 : i32
        %dma_wait3A_27 = tpu.memref_slice %arg4[%multiple_of3A, %dma_wait3A_26] : memref<10000x128xf32, #tpu.memory_space<hbm>> -> memref<632x128xf32, #tpu.memory_space<hbm>>
        tpu.wait_dma2 semaphore(%run_scoped3A : memref<!tpu.dma_semaphore, #tpu.memory_space<semaphore_mem>>) src(%dma_wait3A_27 : memref<632x128xf32, #tpu.memory_space<hbm>>) dst(%dma_wait3A_25 : memref<632x128xf32, #tpu.memory_space<vmem_shared>>)
        tpu.yield
      }) : () -> ()
    } else {
    }
    %eq3A = arith.constant 15 : i32
    %eq3A_3 = arith.cmpi eq, %arg1, %eq3A : i32
    %convert_element_type3A_4 = arith.extui %eq3A_3 : i1 to i32
    %cond3A_5 = arith.constant 0 : i32
    %cond3A_6 = arith.cmpi ne, %convert_element_type3A_4, %cond3A_5 : i32
    scf.if %cond3A_6 {
      "tpu.region"() ({
        %run_scoped3A = tpu.sem_alloc : memref<!tpu.dma_semaphore, #tpu.memory_space<semaphore_mem>>
        %dma_start3A = arith.constant 0 : i32
        %dma_start3A_22 = tpu.memref_slice %arg8[%multiple_of3A, %dma_start3A] : memref<10000x128xf32, #tpu.memory_space<vmem_shared>> -> memref<520x128xf32, #tpu.memory_space<vmem_shared>>
        %dma_start3A_23 = arith.constant 0 : i32
        %dma_start3A_24 = tpu.memref_slice %arg4[%multiple_of3A, %dma_start3A_23] : memref<10000x128xf32, #tpu.memory_space<hbm>> -> memref<520x128xf32, #tpu.memory_space<hbm>>
        tpu.enqueue_dma source(%dma_start3A_24 : memref<520x128xf32, #tpu.memory_space<hbm>>) target(%dma_start3A_22 : memref<520x128xf32, #tpu.memory_space<vmem_shared>>) target_semaphore(%run_scoped3A : memref<!tpu.dma_semaphore, #tpu.memory_space<semaphore_mem>>)
        %dma_wait3A = arith.constant 0 : i32
        %dma_wait3A_25 = tpu.memref_slice %arg8[%multiple_of3A, %dma_wait3A] : memref<10000x128xf32, #tpu.memory_space<vmem_shared>> -> memref<520x128xf32, #tpu.memory_space<vmem_shared>>
        %dma_wait3A_26 = arith.constant 0 : i32
        %dma_wait3A_27 = tpu.memref_slice %arg4[%multiple_of3A, %dma_wait3A_26] : memref<10000x128xf32, #tpu.memory_space<hbm>> -> memref<520x128xf32, #tpu.memory_space<hbm>>
        tpu.wait_dma2 semaphore(%run_scoped3A : memref<!tpu.dma_semaphore, #tpu.memory_space<semaphore_mem>>) src(%dma_wait3A_27 : memref<520x128xf32, #tpu.memory_space<hbm>>) dst(%dma_wait3A_25 : memref<520x128xf32, #tpu.memory_space<vmem_shared>>)
        tpu.yield
      }) : () -> ()
    } else {
    }
    %barrier3A = arith.constant 0 : index
    tpu.barrier barrier_id(%barrier3A)
    %scan3A = arith.constant 0 : i32
    %scan3A_7 = arith.constant 40 : i32
    %scan3A_8 = arith.addi %scan3A, %scan3A_7 : i32
    %scan3A_9 = arith.constant 1 : i32
    scf.for %scan3A_22 = %scan3A to %scan3A_8 step %scan3A_9  : i32 {
      %mul3A_23 = arith.constant 1 : i32
      %mul3A_24 = arith.muli %scan3A_22, %mul3A_23 : i32
      %add3A = arith.constant 0 : i32
      %add3A_25 = arith.addi %add3A, %mul3A_24 : i32
      %mul3A_26 = arith.constant 16 : i32
      %mul3A_27 = arith.muli %add3A_25, %mul3A_26 : i32
      %add3A_28 = arith.addi %mul3A_27, %arg1 : i32
      %lt3A_29 = arith.constant 625 : i32
      %lt3A_30 = arith.cmpi slt, %add3A_28, %lt3A_29 : i32
      %convert_element_type3A_31 = arith.extui %lt3A_30 : i1 to i32
      %cond3A_32 = arith.constant 0 : i32
      %cond3A_33 = arith.cmpi ne, %convert_element_type3A_31, %cond3A_32 : i32
      scf.if %cond3A_33 {
        %mul3A_34 = arith.constant 625 : i32
        %mul3A_35 = arith.muli %arg0, %mul3A_34 : i32
        %add3A_36 = arith.addi %mul3A_35, %add3A_28 : i32
        %mul3A_37 = arith.constant 128 : i32
        %mul3A_38 = arith.muli %add3A_36, %mul3A_37 : i32
        %multiple_of3A_39 = tpu.assume_multiple %mul3A_38, 128 : i32
        "tpu.region"() ({
          %run_scoped3A = tpu.sem_alloc : memref<!tpu.dma_semaphore, #tpu.memory_space<semaphore_mem>>
          %dma_start3A = tpu.memref_slice %arg3[%multiple_of3A_39] : memref<160000xi32, #tpu.memory_space<hbm>> -> memref<128xi32, #tpu.memory_space<hbm>>
          %dma_start3A_40 = tpu.memref_slice %arg3[%multiple_of3A_39] : memref<160000xi32, #tpu.memory_space<hbm>> -> memref<128xi32, #tpu.memory_space<hbm>>
          tpu.enqueue_dma source(%dma_start3A_40 : memref<128xi32, #tpu.memory_space<hbm>>) target(%arg6 : memref<128xi32, #tpu.memory_space<vmem>>) target_semaphore(%run_scoped3A : memref<!tpu.dma_semaphore, #tpu.memory_space<semaphore_mem>>)
          %dma_wait3A = tpu.memref_slice %arg3[%multiple_of3A_39] : memref<160000xi32, #tpu.memory_space<hbm>> -> memref<128xi32, #tpu.memory_space<hbm>>
          %dma_wait3A_41 = tpu.memref_slice %arg3[%multiple_of3A_39] : memref<160000xi32, #tpu.memory_space<hbm>> -> memref<128xi32, #tpu.memory_space<hbm>>
          tpu.wait_dma2 semaphore(%run_scoped3A : memref<!tpu.dma_semaphore, #tpu.memory_space<semaphore_mem>>) src(%dma_wait3A_41 : memref<128xi32, #tpu.memory_space<hbm>>) dst(%arg6 : memref<128xi32, #tpu.memory_space<vmem>>)
          tpu.yield
        }) : () -> ()
        "tpu.region"() ({
          %run_scoped3A = tpu.sem_alloc : memref<!tpu.dma_semaphore, #tpu.memory_space<semaphore_mem>>
          %dma_start3A = arith.constant 0 : i32
          %dma_start3A_40 = tpu.memref_slice %arg2[%multiple_of3A_39, %dma_start3A] : memref<160000x128xf32, #tpu.memory_space<hbm>> -> memref<128x128xf32, #tpu.memory_space<hbm>>
          %dma_start3A_41 = arith.constant 0 : i32
          %dma_start3A_42 = tpu.memref_slice %arg2[%multiple_of3A_39, %dma_start3A_41] : memref<160000x128xf32, #tpu.memory_space<hbm>> -> memref<128x128xf32, #tpu.memory_space<hbm>>
          tpu.enqueue_dma source(%dma_start3A_42 : memref<128x128xf32, #tpu.memory_space<hbm>>) target(%arg7 : memref<128x128xf32, #tpu.memory_space<vmem>>) target_semaphore(%run_scoped3A : memref<!tpu.dma_semaphore, #tpu.memory_space<semaphore_mem>>)
          %dma_wait3A = arith.constant 0 : i32
          %dma_wait3A_43 = tpu.memref_slice %arg2[%multiple_of3A_39, %dma_wait3A] : memref<160000x128xf32, #tpu.memory_space<hbm>> -> memref<128x128xf32, #tpu.memory_space<hbm>>
          %dma_wait3A_44 = arith.constant 0 : i32
          %dma_wait3A_45 = tpu.memref_slice %arg2[%multiple_of3A_39, %dma_wait3A_44] : memref<160000x128xf32, #tpu.memory_space<hbm>> -> memref<128x128xf32, #tpu.memory_space<hbm>>
          tpu.wait_dma2 semaphore(%run_scoped3A : memref<!tpu.dma_semaphore, #tpu.memory_space<semaphore_mem>>) src(%dma_wait3A_45 : memref<128x128xf32, #tpu.memory_space<hbm>>) dst(%arg7 : memref<128x128xf32, #tpu.memory_space<vmem>>)
          tpu.yield
        }) : () -> ()
        "tpu.region"() ({
          %run_scoped3A = tpu.sem_alloc : memref<!tpu.dma_semaphore, #tpu.memory_space<semaphore_mem>>
          %dma_start3A = arith.constant 0 : i32
          %dma_start3A_40 = arith.constant 0 : i32
          %dma_start3A_41 = tpu.memref_slice %arg8[%dma_start3A, %dma_start3A_40] : memref<10000x128xf32, #tpu.memory_space<vmem_shared>> -> memref<10000x128xf32, #tpu.memory_space<vmem_shared>>
          tpu.enqueue_indirect_dma source(%arg7 : memref<128x128xf32, #tpu.memory_space<vmem>>) target(%dma_start3A_41 : memref<10000x128xf32, #tpu.memory_space<vmem_shared>>) offsets(%arg6 : memref<128xi32, #tpu.memory_space<vmem>>) semaphore(%run_scoped3A : memref<!tpu.dma_semaphore, #tpu.memory_space<semaphore_mem>>) {add = true}
          %dma_wait3A = arith.constant 0 : i32
          %dma_wait3A_42 = arith.constant 0 : i32
          %dma_wait3A_43 = tpu.memref_slice %arg8[%dma_wait3A, %dma_wait3A_42] : memref<10000x128xf32, #tpu.memory_space<vmem_shared>> -> memref<10000x128xf32, #tpu.memory_space<vmem_shared>>
          tpu.wait_indirect_dma semaphore(%run_scoped3A : memref<!tpu.dma_semaphore, #tpu.memory_space<semaphore_mem>>) src(%arg7 : memref<128x128xf32, #tpu.memory_space<vmem>>) dst(%dma_wait3A_43 : memref<10000x128xf32, #tpu.memory_space<vmem_shared>>)
          tpu.yield
        }) : () -> ()
      } else {
      }
    }
    %scan3A_10 = arith.constant 40 : i32
    %barrier3A_11 = arith.constant 0 : index
    tpu.barrier barrier_id(%barrier3A_11)
    %lt3A_12 = arith.constant 15 : i32
    %lt3A_13 = arith.cmpi slt, %arg1, %lt3A_12 : i32
    %convert_element_type3A_14 = arith.extui %lt3A_13 : i1 to i32
    %cond3A_15 = arith.constant 0 : i32
    %cond3A_16 = arith.cmpi ne, %convert_element_type3A_14, %cond3A_15 : i32
    scf.if %cond3A_16 {
      "tpu.region"() ({
        %run_scoped3A = tpu.sem_alloc : memref<!tpu.dma_semaphore, #tpu.memory_space<semaphore_mem>>
        %dma_start3A = arith.constant 0 : i32
        %dma_start3A_22 = arith.constant 0 : i32
        %dma_start3A_23 = tpu.memref_slice %arg5[%arg0, %dma_start3A, %dma_start3A_22] : memref<2x10000x128xf32, #tpu.memory_space<hbm>> -> memref<1x10000x128xf32, #tpu.memory_space<hbm>>
        %dma_start3A_24 = tpu.memref_squeeze %dma_start3A_23 : memref<1x10000x128xf32, #tpu.memory_space<hbm>> -> memref<10000x128xf32, #tpu.memory_space<hbm>>
        %dma_start3A_25 = arith.constant 0 : i32
        %dma_start3A_26 = tpu.memref_slice %dma_start3A_24[%multiple_of3A, %dma_start3A_25] : memref<10000x128xf32, #tpu.memory_space<hbm>> -> memref<632x128xf32, #tpu.memory_space<hbm>>
        %dma_start3A_27 = arith.constant 0 : i32
        %dma_start3A_28 = tpu.memref_slice %arg8[%multiple_of3A, %dma_start3A_27] : memref<10000x128xf32, #tpu.memory_space<vmem_shared>> -> memref<632x128xf32, #tpu.memory_space<vmem_shared>>
        tpu.enqueue_dma source(%dma_start3A_28 : memref<632x128xf32, #tpu.memory_space<vmem_shared>>) target(%dma_start3A_26 : memref<632x128xf32, #tpu.memory_space<hbm>>) target_semaphore(%run_scoped3A : memref<!tpu.dma_semaphore, #tpu.memory_space<semaphore_mem>>)
        %dma_wait3A = arith.constant 0 : i32
        %dma_wait3A_29 = arith.constant 0 : i32
        %dma_wait3A_30 = tpu.memref_slice %arg5[%arg0, %dma_wait3A, %dma_wait3A_29] : memref<2x10000x128xf32, #tpu.memory_space<hbm>> -> memref<1x10000x128xf32, #tpu.memory_space<hbm>>
        %dma_wait3A_31 = tpu.memref_squeeze %dma_wait3A_30 : memref<1x10000x128xf32, #tpu.memory_space<hbm>> -> memref<10000x128xf32, #tpu.memory_space<hbm>>
        %dma_wait3A_32 = arith.constant 0 : i32
        %dma_wait3A_33 = tpu.memref_slice %dma_wait3A_31[%multiple_of3A, %dma_wait3A_32] : memref<10000x128xf32, #tpu.memory_space<hbm>> -> memref<632x128xf32, #tpu.memory_space<hbm>>
        %dma_wait3A_34 = arith.constant 0 : i32
        %dma_wait3A_35 = tpu.memref_slice %arg8[%multiple_of3A, %dma_wait3A_34] : memref<10000x128xf32, #tpu.memory_space<vmem_shared>> -> memref<632x128xf32, #tpu.memory_space<vmem_shared>>
        tpu.wait_dma2 semaphore(%run_scoped3A : memref<!tpu.dma_semaphore, #tpu.memory_space<semaphore_mem>>) src(%dma_wait3A_35 : memref<632x128xf32, #tpu.memory_space<vmem_shared>>) dst(%dma_wait3A_33 : memref<632x128xf32, #tpu.memory_space<hbm>>)
        tpu.yield
      }) : () -> ()
    } else {
    }
    %eq3A_17 = arith.constant 15 : i32
    %eq3A_18 = arith.cmpi eq, %arg1, %eq3A_17 : i32
    %convert_element_type3A_19 = arith.extui %eq3A_18 : i1 to i32
    %cond3A_20 = arith.constant 0 : i32
    %cond3A_21 = arith.cmpi ne, %convert_element_type3A_19, %cond3A_20 : i32
    scf.if %cond3A_21 {
      "tpu.region"() ({
        %run_scoped3A = tpu.sem_alloc : memref<!tpu.dma_semaphore, #tpu.memory_space<semaphore_mem>>
        %dma_start3A = arith.constant 0 : i32
        %dma_start3A_22 = arith.constant 0 : i32
        %dma_start3A_23 = tpu.memref_slice %arg5[%arg0, %dma_start3A, %dma_start3A_22] : memref<2x10000x128xf32, #tpu.memory_space<hbm>> -> memref<1x10000x128xf32, #tpu.memory_space<hbm>>
        %dma_start3A_24 = tpu.memref_squeeze %dma_start3A_23 : memref<1x10000x128xf32, #tpu.memory_space<hbm>> -> memref<10000x128xf32, #tpu.memory_space<hbm>>
        %dma_start3A_25 = arith.constant 0 : i32
        %dma_start3A_26 = tpu.memref_slice %dma_start3A_24[%multiple_of3A, %dma_start3A_25] : memref<10000x128xf32, #tpu.memory_space<hbm>> -> memref<520x128xf32, #tpu.memory_space<hbm>>
        %dma_start3A_27 = arith.constant 0 : i32
        %dma_start3A_28 = tpu.memref_slice %arg8[%multiple_of3A, %dma_start3A_27] : memref<10000x128xf32, #tpu.memory_space<vmem_shared>> -> memref<520x128xf32, #tpu.memory_space<vmem_shared>>
        tpu.enqueue_dma source(%dma_start3A_28 : memref<520x128xf32, #tpu.memory_space<vmem_shared>>) target(%dma_start3A_26 : memref<520x128xf32, #tpu.memory_space<hbm>>) target_semaphore(%run_scoped3A : memref<!tpu.dma_semaphore, #tpu.memory_space<semaphore_mem>>)
        %dma_wait3A = arith.constant 0 : i32
        %dma_wait3A_29 = arith.constant 0 : i32
        %dma_wait3A_30 = tpu.memref_slice %arg5[%arg0, %dma_wait3A, %dma_wait3A_29] : memref<2x10000x128xf32, #tpu.memory_space<hbm>> -> memref<1x10000x128xf32, #tpu.memory_space<hbm>>
        %dma_wait3A_31 = tpu.memref_squeeze %dma_wait3A_30 : memref<1x10000x128xf32, #tpu.memory_space<hbm>> -> memref<10000x128xf32, #tpu.memory_space<hbm>>
        %dma_wait3A_32 = arith.constant 0 : i32
        %dma_wait3A_33 = tpu.memref_slice %dma_wait3A_31[%multiple_of3A, %dma_wait3A_32] : memref<10000x128xf32, #tpu.memory_space<hbm>> -> memref<520x128xf32, #tpu.memory_space<hbm>>
        %dma_wait3A_34 = arith.constant 0 : i32
        %dma_wait3A_35 = tpu.memref_slice %arg8[%multiple_of3A, %dma_wait3A_34] : memref<10000x128xf32, #tpu.memory_space<vmem_shared>> -> memref<520x128xf32, #tpu.memory_space<vmem_shared>>
        tpu.wait_dma2 semaphore(%run_scoped3A : memref<!tpu.dma_semaphore, #tpu.memory_space<semaphore_mem>>) src(%dma_wait3A_35 : memref<520x128xf32, #tpu.memory_space<vmem_shared>>) dst(%dma_wait3A_33 : memref<520x128xf32, #tpu.memory_space<hbm>>)
        tpu.yield
      }) : () -> ()
    } else {
    }
    return
  }
}

#map = affine_map<(d0, d1) -> (0, 0)>
#map1 = affine_map<(d0, d1) -> (0)>
module attributes {stable_mosaic.version = 14 : i64} {
  func.func @k(%arg0: i32, %arg1: i32, %arg2: memref<10000x128xf32, #tpu.memory_space<hbm>>, %arg3: memref<160000xi32, #tpu.memory_space<hbm>>, %arg4: memref<160000x128xf32, #tpu.memory_space<hbm>>, %arg5: memref<128xi32, #tpu.memory_space<vmem>>, %arg6: memref<128x128xf32, #tpu.memory_space<vmem>>, %arg7: memref<!tpu.dma_semaphore, #tpu.memory_space<semaphore_mem>>) attributes {dimension_semantics = [#tpu.dimension_semantics<core_parallel>, #tpu.dimension_semantics<subcore_parallel>], iteration_bounds = array<i64: 2, 16>, scalar_prefetch = 0 : i64, scratch_operands = 3 : i64, tpu.core_type = #tpu.core_type<sc_vector_subcore>, window_params = [{transform_indices = #map}, {transform_indices = #map1}, {transform_indices = #map}]} {
    %mul3A = arith.constant 2 : i32
    %mul3A_0 = arith.muli %arg1, %mul3A : i32
    %add3A = arith.addi %mul3A_0, %arg0 : i32
    %scan3A = arith.constant 0 : i32
    %scan3A_1 = arith.constant 40 : i32
    %scan3A_2 = arith.addi %scan3A, %scan3A_1 : i32
    %scan3A_3 = arith.constant 1 : i32
    scf.for %scan3A_5 = %scan3A to %scan3A_2 step %scan3A_3  : i32 {
      %mul3A_6 = arith.constant 1 : i32
      %mul3A_7 = arith.muli %scan3A_5, %mul3A_6 : i32
      %add3A_8 = arith.constant 0 : i32
      %add3A_9 = arith.addi %add3A_8, %mul3A_7 : i32
      %mul3A_10 = arith.constant 32 : i32
      %mul3A_11 = arith.muli %add3A_9, %mul3A_10 : i32
      %add3A_12 = arith.addi %mul3A_11, %add3A : i32
      %lt3A = arith.constant 1250 : i32
      %lt3A_13 = arith.cmpi slt, %add3A_12, %lt3A : i32
      %convert_element_type3A = arith.extui %lt3A_13 : i1 to i32
      %cond3A = arith.constant 0 : i32
      %cond3A_14 = arith.cmpi ne, %convert_element_type3A, %cond3A : i32
      scf.if %cond3A_14 {
        %mul3A_15 = arith.constant 128 : i32
        %mul3A_16 = arith.muli %add3A_12, %mul3A_15 : i32
        %multiple_of3A = tpu.assume_multiple %mul3A_16, 128 : i32
        "tpu.region"() ({
          %run_scoped3A = tpu.sem_alloc : memref<!tpu.dma_semaphore, #tpu.memory_space<semaphore_mem>>
          %dma_start3A_21 = tpu.memref_slice %arg3[%multiple_of3A] : memref<160000xi32, #tpu.memory_space<hbm>> -> memref<128xi32, #tpu.memory_space<hbm>>
          %dma_start3A_22 = tpu.memref_slice %arg3[%multiple_of3A] : memref<160000xi32, #tpu.memory_space<hbm>> -> memref<128xi32, #tpu.memory_space<hbm>>
          tpu.enqueue_dma source(%dma_start3A_22 : memref<128xi32, #tpu.memory_space<hbm>>) target(%arg5 : memref<128xi32, #tpu.memory_space<vmem>>) target_semaphore(%run_scoped3A : memref<!tpu.dma_semaphore, #tpu.memory_space<semaphore_mem>>)
          %dma_wait3A_23 = tpu.memref_slice %arg3[%multiple_of3A] : memref<160000xi32, #tpu.memory_space<hbm>> -> memref<128xi32, #tpu.memory_space<hbm>>
          %dma_wait3A_24 = tpu.memref_slice %arg3[%multiple_of3A] : memref<160000xi32, #tpu.memory_space<hbm>> -> memref<128xi32, #tpu.memory_space<hbm>>
          tpu.wait_dma2 semaphore(%run_scoped3A : memref<!tpu.dma_semaphore, #tpu.memory_space<semaphore_mem>>) src(%dma_wait3A_24 : memref<128xi32, #tpu.memory_space<hbm>>) dst(%arg5 : memref<128xi32, #tpu.memory_space<vmem>>)
          tpu.yield
        }) : () -> ()
        %dma_start3A = arith.constant 0 : i32
        %dma_start3A_17 = arith.constant 0 : i32
        %dma_start3A_18 = tpu.memref_slice %arg2[%dma_start3A, %dma_start3A_17] : memref<10000x128xf32, #tpu.memory_space<hbm>> -> memref<10000x128xf32, #tpu.memory_space<hbm>>
        tpu.enqueue_indirect_dma source(%dma_start3A_18 : memref<10000x128xf32, #tpu.memory_space<hbm>>) target(%arg6 : memref<128x128xf32, #tpu.memory_space<vmem>>) offsets(%arg5 : memref<128xi32, #tpu.memory_space<vmem>>) semaphore(%arg7 : memref<!tpu.dma_semaphore, #tpu.memory_space<semaphore_mem>>)
        %dma_wait3A = arith.constant 0 : i32
        %dma_wait3A_19 = arith.constant 0 : i32
        %dma_wait3A_20 = tpu.memref_slice %arg2[%dma_wait3A, %dma_wait3A_19] : memref<10000x128xf32, #tpu.memory_space<hbm>> -> memref<10000x128xf32, #tpu.memory_space<hbm>>
        tpu.wait_indirect_dma semaphore(%arg7 : memref<!tpu.dma_semaphore, #tpu.memory_space<semaphore_mem>>) src(%dma_wait3A_20 : memref<10000x128xf32, #tpu.memory_space<hbm>>) dst(%arg6 : memref<128x128xf32, #tpu.memory_space<vmem>>)
        "tpu.region"() ({
          %run_scoped3A = tpu.sem_alloc : memref<!tpu.dma_semaphore, #tpu.memory_space<semaphore_mem>>
          %dma_start3A_21 = arith.constant 0 : i32
          %dma_start3A_22 = tpu.memref_slice %arg4[%multiple_of3A, %dma_start3A_21] : memref<160000x128xf32, #tpu.memory_space<hbm>> -> memref<128x128xf32, #tpu.memory_space<hbm>>
          %dma_start3A_23 = arith.constant 0 : i32
          %dma_start3A_24 = tpu.memref_slice %arg4[%multiple_of3A, %dma_start3A_23] : memref<160000x128xf32, #tpu.memory_space<hbm>> -> memref<128x128xf32, #tpu.memory_space<hbm>>
          tpu.enqueue_dma source(%arg6 : memref<128x128xf32, #tpu.memory_space<vmem>>) target(%dma_start3A_24 : memref<128x128xf32, #tpu.memory_space<hbm>>) target_semaphore(%run_scoped3A : memref<!tpu.dma_semaphore, #tpu.memory_space<semaphore_mem>>)
          %dma_wait3A_25 = arith.constant 0 : i32
          %dma_wait3A_26 = tpu.memref_slice %arg4[%multiple_of3A, %dma_wait3A_25] : memref<160000x128xf32, #tpu.memory_space<hbm>> -> memref<128x128xf32, #tpu.memory_space<hbm>>
          %dma_wait3A_27 = arith.constant 0 : i32
          %dma_wait3A_28 = tpu.memref_slice %arg4[%multiple_of3A, %dma_wait3A_27] : memref<160000x128xf32, #tpu.memory_space<hbm>> -> memref<128x128xf32, #tpu.memory_space<hbm>>
          tpu.wait_dma2 semaphore(%run_scoped3A : memref<!tpu.dma_semaphore, #tpu.memory_space<semaphore_mem>>) src(%arg6 : memref<128x128xf32, #tpu.memory_space<vmem>>) dst(%dma_wait3A_28 : memref<128x128xf32, #tpu.memory_space<hbm>>)
          tpu.yield
        }) : () -> ()
      } else {
      }
    }
    %scan3A_4 = arith.constant 40 : i32
    return
  }
}

#map = affine_map<(d0, d1) -> (0, 0)>
#map1 = affine_map<(d0, d1) -> (0)>
#map2 = affine_map<(d0, d1) -> (0, 0, 0)>
module attributes {stable_mosaic.version = 14 : i64} {
  func.func @k(%arg0: i32, %arg1: i32, %arg2: memref<160000x128xf32, #tpu.memory_space<hbm>>, %arg3: memref<160000xi32, #tpu.memory_space<hbm>>, %arg4: memref<10000x128xf32, #tpu.memory_space<hbm>>, %arg5: memref<2x10000x128xf32, #tpu.memory_space<hbm>>, %arg6: memref<128xi32, #tpu.memory_space<vmem>>, %arg7: memref<128x128xf32, #tpu.memory_space<vmem>>, %arg8: memref<10000x128xf32, #tpu.memory_space<vmem_shared>>, %arg9: memref<!tpu.dma_semaphore, #tpu.memory_space<semaphore_mem>>) attributes {dimension_semantics = [#tpu.dimension_semantics<core_parallel>, #tpu.dimension_semantics<subcore_parallel>], iteration_bounds = array<i64: 2, 16>, scalar_prefetch = 0 : i64, scratch_operands = 4 : i64, tpu.core_type = #tpu.core_type<sc_vector_subcore>, window_params = [{transform_indices = #map}, {transform_indices = #map1}, {transform_indices = #map}, {transform_indices = #map2}]} {
    %mul3A = arith.constant 632 : i32
    %mul3A_0 = arith.muli %arg1, %mul3A : i32
    %multiple_of3A = tpu.assume_multiple %mul3A_0, 8 : i32
    %lt3A = arith.constant 15 : i32
    %lt3A_1 = arith.cmpi slt, %arg1, %lt3A : i32
    %convert_element_type3A = arith.extui %lt3A_1 : i1 to i32
    %cond3A = arith.constant 0 : i32
    %cond3A_2 = arith.cmpi ne, %convert_element_type3A, %cond3A : i32
    scf.if %cond3A_2 {
      "tpu.region"() ({
        %run_scoped3A = tpu.sem_alloc : memref<!tpu.dma_semaphore, #tpu.memory_space<semaphore_mem>>
        %dma_start3A = arith.constant 0 : i32
        %dma_start3A_22 = tpu.memref_slice %arg8[%multiple_of3A, %dma_start3A] : memref<10000x128xf32, #tpu.memory_space<vmem_shared>> -> memref<632x128xf32, #tpu.memory_space<vmem_shared>>
        %dma_start3A_23 = arith.constant 0 : i32
        %dma_start3A_24 = tpu.memref_slice %arg4[%multiple_of3A, %dma_start3A_23] : memref<10000x128xf32, #tpu.memory_space<hbm>> -> memref<632x128xf32, #tpu.memory_space<hbm>>
        tpu.enqueue_dma source(%dma_start3A_24 : memref<632x128xf32, #tpu.memory_space<hbm>>) target(%dma_start3A_22 : memref<632x128xf32, #tpu.memory_space<vmem_shared>>) target_semaphore(%run_scoped3A : memref<!tpu.dma_semaphore, #tpu.memory_space<semaphore_mem>>)
        %dma_wait3A = arith.constant 0 : i32
        %dma_wait3A_25 = tpu.memref_slice %arg8[%multiple_of3A, %dma_wait3A] : memref<10000x128xf32, #tpu.memory_space<vmem_shared>> -> memref<632x128xf32, #tpu.memory_space<vmem_shared>>
        %dma_wait3A_26 = arith.constant 0 : i32
        %dma_wait3A_27 = tpu.memref_slice %arg4[%multiple_of3A, %dma_wait3A_26] : memref<10000x128xf32, #tpu.memory_space<hbm>> -> memref<632x128xf32, #tpu.memory_space<hbm>>
        tpu.wait_dma2 semaphore(%run_scoped3A : memref<!tpu.dma_semaphore, #tpu.memory_space<semaphore_mem>>) src(%dma_wait3A_27 : memref<632x128xf32, #tpu.memory_space<hbm>>) dst(%dma_wait3A_25 : memref<632x128xf32, #tpu.memory_space<vmem_shared>>)
        tpu.yield
      }) : () -> ()
    } else {
    }
    %eq3A = arith.constant 15 : i32
    %eq3A_3 = arith.cmpi eq, %arg1, %eq3A : i32
    %convert_element_type3A_4 = arith.extui %eq3A_3 : i1 to i32
    %cond3A_5 = arith.constant 0 : i32
    %cond3A_6 = arith.cmpi ne, %convert_element_type3A_4, %cond3A_5 : i32
    scf.if %cond3A_6 {
      "tpu.region"() ({
        %run_scoped3A = tpu.sem_alloc : memref<!tpu.dma_semaphore, #tpu.memory_space<semaphore_mem>>
        %dma_start3A = arith.constant 0 : i32
        %dma_start3A_22 = tpu.memref_slice %arg8[%multiple_of3A, %dma_start3A] : memref<10000x128xf32, #tpu.memory_space<vmem_shared>> -> memref<520x128xf32, #tpu.memory_space<vmem_shared>>
        %dma_start3A_23 = arith.constant 0 : i32
        %dma_start3A_24 = tpu.memref_slice %arg4[%multiple_of3A, %dma_start3A_23] : memref<10000x128xf32, #tpu.memory_space<hbm>> -> memref<520x128xf32, #tpu.memory_space<hbm>>
        tpu.enqueue_dma source(%dma_start3A_24 : memref<520x128xf32, #tpu.memory_space<hbm>>) target(%dma_start3A_22 : memref<520x128xf32, #tpu.memory_space<vmem_shared>>) target_semaphore(%run_scoped3A : memref<!tpu.dma_semaphore, #tpu.memory_space<semaphore_mem>>)
        %dma_wait3A = arith.constant 0 : i32
        %dma_wait3A_25 = tpu.memref_slice %arg8[%multiple_of3A, %dma_wait3A] : memref<10000x128xf32, #tpu.memory_space<vmem_shared>> -> memref<520x128xf32, #tpu.memory_space<vmem_shared>>
        %dma_wait3A_26 = arith.constant 0 : i32
        %dma_wait3A_27 = tpu.memref_slice %arg4[%multiple_of3A, %dma_wait3A_26] : memref<10000x128xf32, #tpu.memory_space<hbm>> -> memref<520x128xf32, #tpu.memory_space<hbm>>
        tpu.wait_dma2 semaphore(%run_scoped3A : memref<!tpu.dma_semaphore, #tpu.memory_space<semaphore_mem>>) src(%dma_wait3A_27 : memref<520x128xf32, #tpu.memory_space<hbm>>) dst(%dma_wait3A_25 : memref<520x128xf32, #tpu.memory_space<vmem_shared>>)
        tpu.yield
      }) : () -> ()
    } else {
    }
    %barrier3A = arith.constant 0 : index
    tpu.barrier barrier_id(%barrier3A)
    %scan3A = arith.constant 0 : i32
    %scan3A_7 = arith.constant 40 : i32
    %scan3A_8 = arith.addi %scan3A, %scan3A_7 : i32
    %scan3A_9 = arith.constant 1 : i32
    scf.for %scan3A_22 = %scan3A to %scan3A_8 step %scan3A_9  : i32 {
      %mul3A_23 = arith.constant 1 : i32
      %mul3A_24 = arith.muli %scan3A_22, %mul3A_23 : i32
      %add3A = arith.constant 0 : i32
      %add3A_25 = arith.addi %add3A, %mul3A_24 : i32
      %mul3A_26 = arith.constant 16 : i32
      %mul3A_27 = arith.muli %add3A_25, %mul3A_26 : i32
      %add3A_28 = arith.addi %mul3A_27, %arg1 : i32
      %lt3A_29 = arith.constant 625 : i32
      %lt3A_30 = arith.cmpi slt, %add3A_28, %lt3A_29 : i32
      %convert_element_type3A_31 = arith.extui %lt3A_30 : i1 to i32
      %cond3A_32 = arith.constant 0 : i32
      %cond3A_33 = arith.cmpi ne, %convert_element_type3A_31, %cond3A_32 : i32
      scf.if %cond3A_33 {
        %mul3A_34 = arith.constant 625 : i32
        %mul3A_35 = arith.muli %arg0, %mul3A_34 : i32
        %add3A_36 = arith.addi %mul3A_35, %add3A_28 : i32
        %mul3A_37 = arith.constant 128 : i32
        %mul3A_38 = arith.muli %add3A_36, %mul3A_37 : i32
        %multiple_of3A_39 = tpu.assume_multiple %mul3A_38, 128 : i32
        "tpu.region"() ({
          %run_scoped3A = tpu.sem_alloc : memref<!tpu.dma_semaphore, #tpu.memory_space<semaphore_mem>>
          %dma_start3A = tpu.memref_slice %arg3[%multiple_of3A_39] : memref<160000xi32, #tpu.memory_space<hbm>> -> memref<128xi32, #tpu.memory_space<hbm>>
          %dma_start3A_40 = tpu.memref_slice %arg3[%multiple_of3A_39] : memref<160000xi32, #tpu.memory_space<hbm>> -> memref<128xi32, #tpu.memory_space<hbm>>
          tpu.enqueue_dma source(%dma_start3A_40 : memref<128xi32, #tpu.memory_space<hbm>>) target(%arg6 : memref<128xi32, #tpu.memory_space<vmem>>) target_semaphore(%run_scoped3A : memref<!tpu.dma_semaphore, #tpu.memory_space<semaphore_mem>>)
          %dma_wait3A = tpu.memref_slice %arg3[%multiple_of3A_39] : memref<160000xi32, #tpu.memory_space<hbm>> -> memref<128xi32, #tpu.memory_space<hbm>>
          %dma_wait3A_41 = tpu.memref_slice %arg3[%multiple_of3A_39] : memref<160000xi32, #tpu.memory_space<hbm>> -> memref<128xi32, #tpu.memory_space<hbm>>
          tpu.wait_dma2 semaphore(%run_scoped3A : memref<!tpu.dma_semaphore, #tpu.memory_space<semaphore_mem>>) src(%dma_wait3A_41 : memref<128xi32, #tpu.memory_space<hbm>>) dst(%arg6 : memref<128xi32, #tpu.memory_space<vmem>>)
          tpu.yield
        }) : () -> ()
        "tpu.region"() ({
          %run_scoped3A = tpu.sem_alloc : memref<!tpu.dma_semaphore, #tpu.memory_space<semaphore_mem>>
          %dma_start3A = arith.constant 0 : i32
          %dma_start3A_40 = tpu.memref_slice %arg2[%multiple_of3A_39, %dma_start3A] : memref<160000x128xf32, #tpu.memory_space<hbm>> -> memref<128x128xf32, #tpu.memory_space<hbm>>
          %dma_start3A_41 = arith.constant 0 : i32
          %dma_start3A_42 = tpu.memref_slice %arg2[%multiple_of3A_39, %dma_start3A_41] : memref<160000x128xf32, #tpu.memory_space<hbm>> -> memref<128x128xf32, #tpu.memory_space<hbm>>
          tpu.enqueue_dma source(%dma_start3A_42 : memref<128x128xf32, #tpu.memory_space<hbm>>) target(%arg7 : memref<128x128xf32, #tpu.memory_space<vmem>>) target_semaphore(%run_scoped3A : memref<!tpu.dma_semaphore, #tpu.memory_space<semaphore_mem>>)
          %dma_wait3A = arith.constant 0 : i32
          %dma_wait3A_43 = tpu.memref_slice %arg2[%multiple_of3A_39, %dma_wait3A] : memref<160000x128xf32, #tpu.memory_space<hbm>> -> memref<128x128xf32, #tpu.memory_space<hbm>>
          %dma_wait3A_44 = arith.constant 0 : i32
          %dma_wait3A_45 = tpu.memref_slice %arg2[%multiple_of3A_39, %dma_wait3A_44] : memref<160000x128xf32, #tpu.memory_space<hbm>> -> memref<128x128xf32, #tpu.memory_space<hbm>>
          tpu.wait_dma2 semaphore(%run_scoped3A : memref<!tpu.dma_semaphore, #tpu.memory_space<semaphore_mem>>) src(%dma_wait3A_45 : memref<128x128xf32, #tpu.memory_space<hbm>>) dst(%arg7 : memref<128x128xf32, #tpu.memory_space<vmem>>)
          tpu.yield
        }) : () -> ()
        "tpu.region"() ({
          %run_scoped3A = tpu.sem_alloc : memref<!tpu.dma_semaphore, #tpu.memory_space<semaphore_mem>>
          %dma_start3A = arith.constant 0 : i32
          %dma_start3A_40 = arith.constant 0 : i32
          %dma_start3A_41 = tpu.memref_slice %arg8[%dma_start3A, %dma_start3A_40] : memref<10000x128xf32, #tpu.memory_space<vmem_shared>> -> memref<10000x128xf32, #tpu.memory_space<vmem_shared>>
          tpu.enqueue_indirect_dma source(%arg7 : memref<128x128xf32, #tpu.memory_space<vmem>>) target(%dma_start3A_41 : memref<10000x128xf32, #tpu.memory_space<vmem_shared>>) offsets(%arg6 : memref<128xi32, #tpu.memory_space<vmem>>) semaphore(%run_scoped3A : memref<!tpu.dma_semaphore, #tpu.memory_space<semaphore_mem>>) {add = true}
          %dma_wait3A = arith.constant 0 : i32
          %dma_wait3A_42 = arith.constant 0 : i32
          %dma_wait3A_43 = tpu.memref_slice %arg8[%dma_wait3A, %dma_wait3A_42] : memref<10000x128xf32, #tpu.memory_space<vmem_shared>> -> memref<10000x128xf32, #tpu.memory_space<vmem_shared>>
          tpu.wait_indirect_dma semaphore(%run_scoped3A : memref<!tpu.dma_semaphore, #tpu.memory_space<semaphore_mem>>) src(%arg7 : memref<128x128xf32, #tpu.memory_space<vmem>>) dst(%dma_wait3A_43 : memref<10000x128xf32, #tpu.memory_space<vmem_shared>>)
          tpu.yield
        }) : () -> ()
      } else {
      }
    }
    %scan3A_10 = arith.constant 40 : i32
    %barrier3A_11 = arith.constant 0 : index
    tpu.barrier barrier_id(%barrier3A_11)
    %lt3A_12 = arith.constant 15 : i32
    %lt3A_13 = arith.cmpi slt, %arg1, %lt3A_12 : i32
    %convert_element_type3A_14 = arith.extui %lt3A_13 : i1 to i32
    %cond3A_15 = arith.constant 0 : i32
    %cond3A_16 = arith.cmpi ne, %convert_element_type3A_14, %cond3A_15 : i32
    scf.if %cond3A_16 {
      "tpu.region"() ({
        %run_scoped3A = tpu.sem_alloc : memref<!tpu.dma_semaphore, #tpu.memory_space<semaphore_mem>>
        %dma_start3A = arith.constant 0 : i32
        %dma_start3A_22 = arith.constant 0 : i32
        %dma_start3A_23 = tpu.memref_slice %arg5[%arg0, %dma_start3A, %dma_start3A_22] : memref<2x10000x128xf32, #tpu.memory_space<hbm>> -> memref<1x10000x128xf32, #tpu.memory_space<hbm>>
        %dma_start3A_24 = tpu.memref_squeeze %dma_start3A_23 : memref<1x10000x128xf32, #tpu.memory_space<hbm>> -> memref<10000x128xf32, #tpu.memory_space<hbm>>
        %dma_start3A_25 = arith.constant 0 : i32
        %dma_start3A_26 = tpu.memref_slice %dma_start3A_24[%multiple_of3A, %dma_start3A_25] : memref<10000x128xf32, #tpu.memory_space<hbm>> -> memref<632x128xf32, #tpu.memory_space<hbm>>
        %dma_start3A_27 = arith.constant 0 : i32
        %dma_start3A_28 = tpu.memref_slice %arg8[%multiple_of3A, %dma_start3A_27] : memref<10000x128xf32, #tpu.memory_space<vmem_shared>> -> memref<632x128xf32, #tpu.memory_space<vmem_shared>>
        tpu.enqueue_dma source(%dma_start3A_28 : memref<632x128xf32, #tpu.memory_space<vmem_shared>>) target(%dma_start3A_26 : memref<632x128xf32, #tpu.memory_space<hbm>>) target_semaphore(%run_scoped3A : memref<!tpu.dma_semaphore, #tpu.memory_space<semaphore_mem>>)
        %dma_wait3A = arith.constant 0 : i32
        %dma_wait3A_29 = arith.constant 0 : i32
        %dma_wait3A_30 = tpu.memref_slice %arg5[%arg0, %dma_wait3A, %dma_wait3A_29] : memref<2x10000x128xf32, #tpu.memory_space<hbm>> -> memref<1x10000x128xf32, #tpu.memory_space<hbm>>
        %dma_wait3A_31 = tpu.memref_squeeze %dma_wait3A_30 : memref<1x10000x128xf32, #tpu.memory_space<hbm>> -> memref<10000x128xf32, #tpu.memory_space<hbm>>
        %dma_wait3A_32 = arith.constant 0 : i32
        %dma_wait3A_33 = tpu.memref_slice %dma_wait3A_31[%multiple_of3A, %dma_wait3A_32] : memref<10000x128xf32, #tpu.memory_space<hbm>> -> memref<632x128xf32, #tpu.memory_space<hbm>>
        %dma_wait3A_34 = arith.constant 0 : i32
        %dma_wait3A_35 = tpu.memref_slice %arg8[%multiple_of3A, %dma_wait3A_34] : memref<10000x128xf32, #tpu.memory_space<vmem_shared>> -> memref<632x128xf32, #tpu.memory_space<vmem_shared>>
        tpu.wait_dma2 semaphore(%run_scoped3A : memref<!tpu.dma_semaphore, #tpu.memory_space<semaphore_mem>>) src(%dma_wait3A_35 : memref<632x128xf32, #tpu.memory_space<vmem_shared>>) dst(%dma_wait3A_33 : memref<632x128xf32, #tpu.memory_space<hbm>>)
        tpu.yield
      }) : () -> ()
    } else {
    }
    %eq3A_17 = arith.constant 15 : i32
    %eq3A_18 = arith.cmpi eq, %arg1, %eq3A_17 : i32
    %convert_element_type3A_19 = arith.extui %eq3A_18 : i1 to i32
    %cond3A_20 = arith.constant 0 : i32
    %cond3A_21 = arith.cmpi ne, %convert_element_type3A_19, %cond3A_20 : i32
    scf.if %cond3A_21 {
      "tpu.region"() ({
        %run_scoped3A = tpu.sem_alloc : memref<!tpu.dma_semaphore, #tpu.memory_space<semaphore_mem>>
        %dma_start3A = arith.constant 0 : i32
        %dma_start3A_22 = arith.constant 0 : i32
        %dma_start3A_23 = tpu.memref_slice %arg5[%arg0, %dma_start3A, %dma_start3A_22] : memref<2x10000x128xf32, #tpu.memory_space<hbm>> -> memref<1x10000x128xf32, #tpu.memory_space<hbm>>
        %dma_start3A_24 = tpu.memref_squeeze %dma_start3A_23 : memref<1x10000x128xf32, #tpu.memory_space<hbm>> -> memref<10000x128xf32, #tpu.memory_space<hbm>>
        %dma_start3A_25 = arith.constant 0 : i32
        %dma_start3A_26 = tpu.memref_slice %dma_start3A_24[%multiple_of3A, %dma_start3A_25] : memref<10000x128xf32, #tpu.memory_space<hbm>> -> memref<520x128xf32, #tpu.memory_space<hbm>>
        %dma_start3A_27 = arith.constant 0 : i32
        %dma_start3A_28 = tpu.memref_slice %arg8[%multiple_of3A, %dma_start3A_27] : memref<10000x128xf32, #tpu.memory_space<vmem_shared>> -> memref<520x128xf32, #tpu.memory_space<vmem_shared>>
        tpu.enqueue_dma source(%dma_start3A_28 : memref<520x128xf32, #tpu.memory_space<vmem_shared>>) target(%dma_start3A_26 : memref<520x128xf32, #tpu.memory_space<hbm>>) target_semaphore(%run_scoped3A : memref<!tpu.dma_semaphore, #tpu.memory_space<semaphore_mem>>)
        %dma_wait3A = arith.constant 0 : i32
        %dma_wait3A_29 = arith.constant 0 : i32
        %dma_wait3A_30 = tpu.memref_slice %arg5[%arg0, %dma_wait3A, %dma_wait3A_29] : memref<2x10000x128xf32, #tpu.memory_space<hbm>> -> memref<1x10000x128xf32, #tpu.memory_space<hbm>>
        %dma_wait3A_31 = tpu.memref_squeeze %dma_wait3A_30 : memref<1x10000x128xf32, #tpu.memory_space<hbm>> -> memref<10000x128xf32, #tpu.memory_space<hbm>>
        %dma_wait3A_32 = arith.constant 0 : i32
        %dma_wait3A_33 = tpu.memref_slice %dma_wait3A_31[%multiple_of3A, %dma_wait3A_32] : memref<10000x128xf32, #tpu.memory_space<hbm>> -> memref<520x128xf32, #tpu.memory_space<hbm>>
        %dma_wait3A_34 = arith.constant 0 : i32
        %dma_wait3A_35 = tpu.memref_slice %arg8[%multiple_of3A, %dma_wait3A_34] : memref<10000x128xf32, #tpu.memory_space<vmem_shared>> -> memref<520x128xf32, #tpu.memory_space<vmem_shared>>
        tpu.wait_dma2 semaphore(%run_scoped3A : memref<!tpu.dma_semaphore, #tpu.memory_space<semaphore_mem>>) src(%dma_wait3A_35 : memref<520x128xf32, #tpu.memory_space<vmem_shared>>) dst(%dma_wait3A_33 : memref<520x128xf32, #tpu.memory_space<hbm>>)
        tpu.yield
      }) : () -> ()
    } else {
    }
    return
  }
}

#map = affine_map<(d0, d1) -> (0, 0)>
#map1 = affine_map<(d0, d1) -> (0)>
module attributes {stable_mosaic.version = 14 : i64} {
  func.func @k(%arg0: i32, %arg1: i32, %arg2: memref<10000x128xf32, #tpu.memory_space<hbm>>, %arg3: memref<160000xi32, #tpu.memory_space<hbm>>, %arg4: memref<160000x128xf32, #tpu.memory_space<hbm>>, %arg5: memref<128xi32, #tpu.memory_space<vmem>>, %arg6: memref<128x128xf32, #tpu.memory_space<vmem>>, %arg7: memref<!tpu.dma_semaphore, #tpu.memory_space<semaphore_mem>>) attributes {dimension_semantics = [#tpu.dimension_semantics<core_parallel>, #tpu.dimension_semantics<subcore_parallel>], iteration_bounds = array<i64: 2, 16>, scalar_prefetch = 0 : i64, scratch_operands = 3 : i64, tpu.core_type = #tpu.core_type<sc_vector_subcore>, window_params = [{transform_indices = #map}, {transform_indices = #map1}, {transform_indices = #map}]} {
    %mul3A = arith.constant 2 : i32
    %mul3A_0 = arith.muli %arg1, %mul3A : i32
    %add3A = arith.addi %mul3A_0, %arg0 : i32
    %scan3A = arith.constant 0 : i32
    %scan3A_1 = arith.constant 40 : i32
    %scan3A_2 = arith.addi %scan3A, %scan3A_1 : i32
    %scan3A_3 = arith.constant 1 : i32
    scf.for %scan3A_5 = %scan3A to %scan3A_2 step %scan3A_3  : i32 {
      %mul3A_6 = arith.constant 1 : i32
      %mul3A_7 = arith.muli %scan3A_5, %mul3A_6 : i32
      %add3A_8 = arith.constant 0 : i32
      %add3A_9 = arith.addi %add3A_8, %mul3A_7 : i32
      %mul3A_10 = arith.constant 32 : i32
      %mul3A_11 = arith.muli %add3A_9, %mul3A_10 : i32
      %add3A_12 = arith.addi %mul3A_11, %add3A : i32
      %lt3A = arith.constant 1250 : i32
      %lt3A_13 = arith.cmpi slt, %add3A_12, %lt3A : i32
      %convert_element_type3A = arith.extui %lt3A_13 : i1 to i32
      %cond3A = arith.constant 0 : i32
      %cond3A_14 = arith.cmpi ne, %convert_element_type3A, %cond3A : i32
      scf.if %cond3A_14 {
        %mul3A_15 = arith.constant 128 : i32
        %mul3A_16 = arith.muli %add3A_12, %mul3A_15 : i32
        %multiple_of3A = tpu.assume_multiple %mul3A_16, 128 : i32
        "tpu.region"() ({
          %run_scoped3A = tpu.sem_alloc : memref<!tpu.dma_semaphore, #tpu.memory_space<semaphore_mem>>
          %dma_start3A_21 = tpu.memref_slice %arg3[%multiple_of3A] : memref<160000xi32, #tpu.memory_space<hbm>> -> memref<128xi32, #tpu.memory_space<hbm>>
          %dma_start3A_22 = tpu.memref_slice %arg3[%multiple_of3A] : memref<160000xi32, #tpu.memory_space<hbm>> -> memref<128xi32, #tpu.memory_space<hbm>>
          tpu.enqueue_dma source(%dma_start3A_22 : memref<128xi32, #tpu.memory_space<hbm>>) target(%arg5 : memref<128xi32, #tpu.memory_space<vmem>>) target_semaphore(%run_scoped3A : memref<!tpu.dma_semaphore, #tpu.memory_space<semaphore_mem>>)
          %dma_wait3A_23 = tpu.memref_slice %arg3[%multiple_of3A] : memref<160000xi32, #tpu.memory_space<hbm>> -> memref<128xi32, #tpu.memory_space<hbm>>
          %dma_wait3A_24 = tpu.memref_slice %arg3[%multiple_of3A] : memref<160000xi32, #tpu.memory_space<hbm>> -> memref<128xi32, #tpu.memory_space<hbm>>
          tpu.wait_dma2 semaphore(%run_scoped3A : memref<!tpu.dma_semaphore, #tpu.memory_space<semaphore_mem>>) src(%dma_wait3A_24 : memref<128xi32, #tpu.memory_space<hbm>>) dst(%arg5 : memref<128xi32, #tpu.memory_space<vmem>>)
          tpu.yield
        }) : () -> ()
        %dma_start3A = arith.constant 0 : i32
        %dma_start3A_17 = arith.constant 0 : i32
        %dma_start3A_18 = tpu.memref_slice %arg2[%dma_start3A, %dma_start3A_17] : memref<10000x128xf32, #tpu.memory_space<hbm>> -> memref<10000x128xf32, #tpu.memory_space<hbm>>
        tpu.enqueue_indirect_dma source(%dma_start3A_18 : memref<10000x128xf32, #tpu.memory_space<hbm>>) target(%arg6 : memref<128x128xf32, #tpu.memory_space<vmem>>) offsets(%arg5 : memref<128xi32, #tpu.memory_space<vmem>>) semaphore(%arg7 : memref<!tpu.dma_semaphore, #tpu.memory_space<semaphore_mem>>)
        %dma_wait3A = arith.constant 0 : i32
        %dma_wait3A_19 = arith.constant 0 : i32
        %dma_wait3A_20 = tpu.memref_slice %arg2[%dma_wait3A, %dma_wait3A_19] : memref<10000x128xf32, #tpu.memory_space<hbm>> -> memref<10000x128xf32, #tpu.memory_space<hbm>>
        tpu.wait_indirect_dma semaphore(%arg7 : memref<!tpu.dma_semaphore, #tpu.memory_space<semaphore_mem>>) src(%dma_wait3A_20 : memref<10000x128xf32, #tpu.memory_space<hbm>>) dst(%arg6 : memref<128x128xf32, #tpu.memory_space<vmem>>)
        "tpu.region"() ({
          %run_scoped3A = tpu.sem_alloc : memref<!tpu.dma_semaphore, #tpu.memory_space<semaphore_mem>>
          %dma_start3A_21 = arith.constant 0 : i32
          %dma_start3A_22 = tpu.memref_slice %arg4[%multiple_of3A, %dma_start3A_21] : memref<160000x128xf32, #tpu.memory_space<hbm>> -> memref<128x128xf32, #tpu.memory_space<hbm>>
          %dma_start3A_23 = arith.constant 0 : i32
          %dma_start3A_24 = tpu.memref_slice %arg4[%multiple_of3A, %dma_start3A_23] : memref<160000x128xf32, #tpu.memory_space<hbm>> -> memref<128x128xf32, #tpu.memory_space<hbm>>
          tpu.enqueue_dma source(%arg6 : memref<128x128xf32, #tpu.memory_space<vmem>>) target(%dma_start3A_24 : memref<128x128xf32, #tpu.memory_space<hbm>>) target_semaphore(%run_scoped3A : memref<!tpu.dma_semaphore, #tpu.memory_space<semaphore_mem>>)
          %dma_wait3A_25 = arith.constant 0 : i32
          %dma_wait3A_26 = tpu.memref_slice %arg4[%multiple_of3A, %dma_wait3A_25] : memref<160000x128xf32, #tpu.memory_space<hbm>> -> memref<128x128xf32, #tpu.memory_space<hbm>>
          %dma_wait3A_27 = arith.constant 0 : i32
          %dma_wait3A_28 = tpu.memref_slice %arg4[%multiple_of3A, %dma_wait3A_27] : memref<160000x128xf32, #tpu.memory_space<hbm>> -> memref<128x128xf32, #tpu.memory_space<hbm>>
          tpu.wait_dma2 semaphore(%run_scoped3A : memref<!tpu.dma_semaphore, #tpu.memory_space<semaphore_mem>>) src(%arg6 : memref<128x128xf32, #tpu.memory_space<vmem>>) dst(%dma_wait3A_28 : memref<128x128xf32, #tpu.memory_space<hbm>>)
          tpu.yield
        }) : () -> ()
      } else {
      }
    }
    %scan3A_4 = arith.constant 40 : i32
    return
  }
}

#map = affine_map<(d0, d1) -> (0, 0)>
#map1 = affine_map<(d0, d1) -> (0)>
#map2 = affine_map<(d0, d1) -> (0, 0, 0)>
module attributes {stable_mosaic.version = 14 : i64} {
  func.func @k(%arg0: i32, %arg1: i32, %arg2: memref<160000x128xf32, #tpu.memory_space<hbm>>, %arg3: memref<160000xi32, #tpu.memory_space<hbm>>, %arg4: memref<10000x128xf32, #tpu.memory_space<hbm>>, %arg5: memref<2x10000x128xf32, #tpu.memory_space<hbm>>, %arg6: memref<128xi32, #tpu.memory_space<vmem>>, %arg7: memref<128x128xf32, #tpu.memory_space<vmem>>, %arg8: memref<10000x128xf32, #tpu.memory_space<vmem_shared>>, %arg9: memref<!tpu.dma_semaphore, #tpu.memory_space<semaphore_mem>>) attributes {dimension_semantics = [#tpu.dimension_semantics<core_parallel>, #tpu.dimension_semantics<subcore_parallel>], iteration_bounds = array<i64: 2, 16>, scalar_prefetch = 0 : i64, scratch_operands = 4 : i64, tpu.core_type = #tpu.core_type<sc_vector_subcore>, window_params = [{transform_indices = #map}, {transform_indices = #map1}, {transform_indices = #map}, {transform_indices = #map2}]} {
    %mul3A = arith.constant 632 : i32
    %mul3A_0 = arith.muli %arg1, %mul3A : i32
    %multiple_of3A = tpu.assume_multiple %mul3A_0, 8 : i32
    %lt3A = arith.constant 15 : i32
    %lt3A_1 = arith.cmpi slt, %arg1, %lt3A : i32
    %convert_element_type3A = arith.extui %lt3A_1 : i1 to i32
    %cond3A = arith.constant 0 : i32
    %cond3A_2 = arith.cmpi ne, %convert_element_type3A, %cond3A : i32
    scf.if %cond3A_2 {
      "tpu.region"() ({
        %run_scoped3A = tpu.sem_alloc : memref<!tpu.dma_semaphore, #tpu.memory_space<semaphore_mem>>
        %dma_start3A = arith.constant 0 : i32
        %dma_start3A_22 = tpu.memref_slice %arg8[%multiple_of3A, %dma_start3A] : memref<10000x128xf32, #tpu.memory_space<vmem_shared>> -> memref<632x128xf32, #tpu.memory_space<vmem_shared>>
        %dma_start3A_23 = arith.constant 0 : i32
        %dma_start3A_24 = tpu.memref_slice %arg4[%multiple_of3A, %dma_start3A_23] : memref<10000x128xf32, #tpu.memory_space<hbm>> -> memref<632x128xf32, #tpu.memory_space<hbm>>
        tpu.enqueue_dma source(%dma_start3A_24 : memref<632x128xf32, #tpu.memory_space<hbm>>) target(%dma_start3A_22 : memref<632x128xf32, #tpu.memory_space<vmem_shared>>) target_semaphore(%run_scoped3A : memref<!tpu.dma_semaphore, #tpu.memory_space<semaphore_mem>>)
        %dma_wait3A = arith.constant 0 : i32
        %dma_wait3A_25 = tpu.memref_slice %arg8[%multiple_of3A, %dma_wait3A] : memref<10000x128xf32, #tpu.memory_space<vmem_shared>> -> memref<632x128xf32, #tpu.memory_space<vmem_shared>>
        %dma_wait3A_26 = arith.constant 0 : i32
        %dma_wait3A_27 = tpu.memref_slice %arg4[%multiple_of3A, %dma_wait3A_26] : memref<10000x128xf32, #tpu.memory_space<hbm>> -> memref<632x128xf32, #tpu.memory_space<hbm>>
        tpu.wait_dma2 semaphore(%run_scoped3A : memref<!tpu.dma_semaphore, #tpu.memory_space<semaphore_mem>>) src(%dma_wait3A_27 : memref<632x128xf32, #tpu.memory_space<hbm>>) dst(%dma_wait3A_25 : memref<632x128xf32, #tpu.memory_space<vmem_shared>>)
        tpu.yield
      }) : () -> ()
    } else {
    }
    %eq3A = arith.constant 15 : i32
    %eq3A_3 = arith.cmpi eq, %arg1, %eq3A : i32
    %convert_element_type3A_4 = arith.extui %eq3A_3 : i1 to i32
    %cond3A_5 = arith.constant 0 : i32
    %cond3A_6 = arith.cmpi ne, %convert_element_type3A_4, %cond3A_5 : i32
    scf.if %cond3A_6 {
      "tpu.region"() ({
        %run_scoped3A = tpu.sem_alloc : memref<!tpu.dma_semaphore, #tpu.memory_space<semaphore_mem>>
        %dma_start3A = arith.constant 0 : i32
        %dma_start3A_22 = tpu.memref_slice %arg8[%multiple_of3A, %dma_start3A] : memref<10000x128xf32, #tpu.memory_space<vmem_shared>> -> memref<520x128xf32, #tpu.memory_space<vmem_shared>>
        %dma_start3A_23 = arith.constant 0 : i32
        %dma_start3A_24 = tpu.memref_slice %arg4[%multiple_of3A, %dma_start3A_23] : memref<10000x128xf32, #tpu.memory_space<hbm>> -> memref<520x128xf32, #tpu.memory_space<hbm>>
        tpu.enqueue_dma source(%dma_start3A_24 : memref<520x128xf32, #tpu.memory_space<hbm>>) target(%dma_start3A_22 : memref<520x128xf32, #tpu.memory_space<vmem_shared>>) target_semaphore(%run_scoped3A : memref<!tpu.dma_semaphore, #tpu.memory_space<semaphore_mem>>)
        %dma_wait3A = arith.constant 0 : i32
        %dma_wait3A_25 = tpu.memref_slice %arg8[%multiple_of3A, %dma_wait3A] : memref<10000x128xf32, #tpu.memory_space<vmem_shared>> -> memref<520x128xf32, #tpu.memory_space<vmem_shared>>
        %dma_wait3A_26 = arith.constant 0 : i32
        %dma_wait3A_27 = tpu.memref_slice %arg4[%multiple_of3A, %dma_wait3A_26] : memref<10000x128xf32, #tpu.memory_space<hbm>> -> memref<520x128xf32, #tpu.memory_space<hbm>>
        tpu.wait_dma2 semaphore(%run_scoped3A : memref<!tpu.dma_semaphore, #tpu.memory_space<semaphore_mem>>) src(%dma_wait3A_27 : memref<520x128xf32, #tpu.memory_space<hbm>>) dst(%dma_wait3A_25 : memref<520x128xf32, #tpu.memory_space<vmem_shared>>)
        tpu.yield
      }) : () -> ()
    } else {
    }
    %barrier3A = arith.constant 0 : index
    tpu.barrier barrier_id(%barrier3A)
    %scan3A = arith.constant 0 : i32
    %scan3A_7 = arith.constant 40 : i32
    %scan3A_8 = arith.addi %scan3A, %scan3A_7 : i32
    %scan3A_9 = arith.constant 1 : i32
    scf.for %scan3A_22 = %scan3A to %scan3A_8 step %scan3A_9  : i32 {
      %mul3A_23 = arith.constant 1 : i32
      %mul3A_24 = arith.muli %scan3A_22, %mul3A_23 : i32
      %add3A = arith.constant 0 : i32
      %add3A_25 = arith.addi %add3A, %mul3A_24 : i32
      %mul3A_26 = arith.constant 16 : i32
      %mul3A_27 = arith.muli %add3A_25, %mul3A_26 : i32
      %add3A_28 = arith.addi %mul3A_27, %arg1 : i32
      %lt3A_29 = arith.constant 625 : i32
      %lt3A_30 = arith.cmpi slt, %add3A_28, %lt3A_29 : i32
      %convert_element_type3A_31 = arith.extui %lt3A_30 : i1 to i32
      %cond3A_32 = arith.constant 0 : i32
      %cond3A_33 = arith.cmpi ne, %convert_element_type3A_31, %cond3A_32 : i32
      scf.if %cond3A_33 {
        %mul3A_34 = arith.constant 625 : i32
        %mul3A_35 = arith.muli %arg0, %mul3A_34 : i32
        %add3A_36 = arith.addi %mul3A_35, %add3A_28 : i32
        %mul3A_37 = arith.constant 128 : i32
        %mul3A_38 = arith.muli %add3A_36, %mul3A_37 : i32
        %multiple_of3A_39 = tpu.assume_multiple %mul3A_38, 128 : i32
        "tpu.region"() ({
          %run_scoped3A = tpu.sem_alloc : memref<!tpu.dma_semaphore, #tpu.memory_space<semaphore_mem>>
          %dma_start3A = tpu.memref_slice %arg3[%multiple_of3A_39] : memref<160000xi32, #tpu.memory_space<hbm>> -> memref<128xi32, #tpu.memory_space<hbm>>
          %dma_start3A_40 = tpu.memref_slice %arg3[%multiple_of3A_39] : memref<160000xi32, #tpu.memory_space<hbm>> -> memref<128xi32, #tpu.memory_space<hbm>>
          tpu.enqueue_dma source(%dma_start3A_40 : memref<128xi32, #tpu.memory_space<hbm>>) target(%arg6 : memref<128xi32, #tpu.memory_space<vmem>>) target_semaphore(%run_scoped3A : memref<!tpu.dma_semaphore, #tpu.memory_space<semaphore_mem>>)
          %dma_wait3A = tpu.memref_slice %arg3[%multiple_of3A_39] : memref<160000xi32, #tpu.memory_space<hbm>> -> memref<128xi32, #tpu.memory_space<hbm>>
          %dma_wait3A_41 = tpu.memref_slice %arg3[%multiple_of3A_39] : memref<160000xi32, #tpu.memory_space<hbm>> -> memref<128xi32, #tpu.memory_space<hbm>>
          tpu.wait_dma2 semaphore(%run_scoped3A : memref<!tpu.dma_semaphore, #tpu.memory_space<semaphore_mem>>) src(%dma_wait3A_41 : memref<128xi32, #tpu.memory_space<hbm>>) dst(%arg6 : memref<128xi32, #tpu.memory_space<vmem>>)
          tpu.yield
        }) : () -> ()
        "tpu.region"() ({
          %run_scoped3A = tpu.sem_alloc : memref<!tpu.dma_semaphore, #tpu.memory_space<semaphore_mem>>
          %dma_start3A = arith.constant 0 : i32
          %dma_start3A_40 = tpu.memref_slice %arg2[%multiple_of3A_39, %dma_start3A] : memref<160000x128xf32, #tpu.memory_space<hbm>> -> memref<128x128xf32, #tpu.memory_space<hbm>>
          %dma_start3A_41 = arith.constant 0 : i32
          %dma_start3A_42 = tpu.memref_slice %arg2[%multiple_of3A_39, %dma_start3A_41] : memref<160000x128xf32, #tpu.memory_space<hbm>> -> memref<128x128xf32, #tpu.memory_space<hbm>>
          tpu.enqueue_dma source(%dma_start3A_42 : memref<128x128xf32, #tpu.memory_space<hbm>>) target(%arg7 : memref<128x128xf32, #tpu.memory_space<vmem>>) target_semaphore(%run_scoped3A : memref<!tpu.dma_semaphore, #tpu.memory_space<semaphore_mem>>)
          %dma_wait3A = arith.constant 0 : i32
          %dma_wait3A_43 = tpu.memref_slice %arg2[%multiple_of3A_39, %dma_wait3A] : memref<160000x128xf32, #tpu.memory_space<hbm>> -> memref<128x128xf32, #tpu.memory_space<hbm>>
          %dma_wait3A_44 = arith.constant 0 : i32
          %dma_wait3A_45 = tpu.memref_slice %arg2[%multiple_of3A_39, %dma_wait3A_44] : memref<160000x128xf32, #tpu.memory_space<hbm>> -> memref<128x128xf32, #tpu.memory_space<hbm>>
          tpu.wait_dma2 semaphore(%run_scoped3A : memref<!tpu.dma_semaphore, #tpu.memory_space<semaphore_mem>>) src(%dma_wait3A_45 : memref<128x128xf32, #tpu.memory_space<hbm>>) dst(%arg7 : memref<128x128xf32, #tpu.memory_space<vmem>>)
          tpu.yield
        }) : () -> ()
        "tpu.region"() ({
          %run_scoped3A = tpu.sem_alloc : memref<!tpu.dma_semaphore, #tpu.memory_space<semaphore_mem>>
          %dma_start3A = arith.constant 0 : i32
          %dma_start3A_40 = arith.constant 0 : i32
          %dma_start3A_41 = tpu.memref_slice %arg8[%dma_start3A, %dma_start3A_40] : memref<10000x128xf32, #tpu.memory_space<vmem_shared>> -> memref<10000x128xf32, #tpu.memory_space<vmem_shared>>
          tpu.enqueue_indirect_dma source(%arg7 : memref<128x128xf32, #tpu.memory_space<vmem>>) target(%dma_start3A_41 : memref<10000x128xf32, #tpu.memory_space<vmem_shared>>) offsets(%arg6 : memref<128xi32, #tpu.memory_space<vmem>>) semaphore(%run_scoped3A : memref<!tpu.dma_semaphore, #tpu.memory_space<semaphore_mem>>) {add = true}
          %dma_wait3A = arith.constant 0 : i32
          %dma_wait3A_42 = arith.constant 0 : i32
          %dma_wait3A_43 = tpu.memref_slice %arg8[%dma_wait3A, %dma_wait3A_42] : memref<10000x128xf32, #tpu.memory_space<vmem_shared>> -> memref<10000x128xf32, #tpu.memory_space<vmem_shared>>
          tpu.wait_indirect_dma semaphore(%run_scoped3A : memref<!tpu.dma_semaphore, #tpu.memory_space<semaphore_mem>>) src(%arg7 : memref<128x128xf32, #tpu.memory_space<vmem>>) dst(%dma_wait3A_43 : memref<10000x128xf32, #tpu.memory_space<vmem_shared>>)
          tpu.yield
        }) : () -> ()
      } else {
      }
    }
    %scan3A_10 = arith.constant 40 : i32
    %barrier3A_11 = arith.constant 0 : index
    tpu.barrier barrier_id(%barrier3A_11)
    %lt3A_12 = arith.constant 15 : i32
    %lt3A_13 = arith.cmpi slt, %arg1, %lt3A_12 : i32
    %convert_element_type3A_14 = arith.extui %lt3A_13 : i1 to i32
    %cond3A_15 = arith.constant 0 : i32
    %cond3A_16 = arith.cmpi ne, %convert_element_type3A_14, %cond3A_15 : i32
    scf.if %cond3A_16 {
      "tpu.region"() ({
        %run_scoped3A = tpu.sem_alloc : memref<!tpu.dma_semaphore, #tpu.memory_space<semaphore_mem>>
        %dma_start3A = arith.constant 0 : i32
        %dma_start3A_22 = arith.constant 0 : i32
        %dma_start3A_23 = tpu.memref_slice %arg5[%arg0, %dma_start3A, %dma_start3A_22] : memref<2x10000x128xf32, #tpu.memory_space<hbm>> -> memref<1x10000x128xf32, #tpu.memory_space<hbm>>
        %dma_start3A_24 = tpu.memref_squeeze %dma_start3A_23 : memref<1x10000x128xf32, #tpu.memory_space<hbm>> -> memref<10000x128xf32, #tpu.memory_space<hbm>>
        %dma_start3A_25 = arith.constant 0 : i32
        %dma_start3A_26 = tpu.memref_slice %dma_start3A_24[%multiple_of3A, %dma_start3A_25] : memref<10000x128xf32, #tpu.memory_space<hbm>> -> memref<632x128xf32, #tpu.memory_space<hbm>>
        %dma_start3A_27 = arith.constant 0 : i32
        %dma_start3A_28 = tpu.memref_slice %arg8[%multiple_of3A, %dma_start3A_27] : memref<10000x128xf32, #tpu.memory_space<vmem_shared>> -> memref<632x128xf32, #tpu.memory_space<vmem_shared>>
        tpu.enqueue_dma source(%dma_start3A_28 : memref<632x128xf32, #tpu.memory_space<vmem_shared>>) target(%dma_start3A_26 : memref<632x128xf32, #tpu.memory_space<hbm>>) target_semaphore(%run_scoped3A : memref<!tpu.dma_semaphore, #tpu.memory_space<semaphore_mem>>)
        %dma_wait3A = arith.constant 0 : i32
        %dma_wait3A_29 = arith.constant 0 : i32
        %dma_wait3A_30 = tpu.memref_slice %arg5[%arg0, %dma_wait3A, %dma_wait3A_29] : memref<2x10000x128xf32, #tpu.memory_space<hbm>> -> memref<1x10000x128xf32, #tpu.memory_space<hbm>>
        %dma_wait3A_31 = tpu.memref_squeeze %dma_wait3A_30 : memref<1x10000x128xf32, #tpu.memory_space<hbm>> -> memref<10000x128xf32, #tpu.memory_space<hbm>>
        %dma_wait3A_32 = arith.constant 0 : i32
        %dma_wait3A_33 = tpu.memref_slice %dma_wait3A_31[%multiple_of3A, %dma_wait3A_32] : memref<10000x128xf32, #tpu.memory_space<hbm>> -> memref<632x128xf32, #tpu.memory_space<hbm>>
        %dma_wait3A_34 = arith.constant 0 : i32
        %dma_wait3A_35 = tpu.memref_slice %arg8[%multiple_of3A, %dma_wait3A_34] : memref<10000x128xf32, #tpu.memory_space<vmem_shared>> -> memref<632x128xf32, #tpu.memory_space<vmem_shared>>
        tpu.wait_dma2 semaphore(%run_scoped3A : memref<!tpu.dma_semaphore, #tpu.memory_space<semaphore_mem>>) src(%dma_wait3A_35 : memref<632x128xf32, #tpu.memory_space<vmem_shared>>) dst(%dma_wait3A_33 : memref<632x128xf32, #tpu.memory_space<hbm>>)
        tpu.yield
      }) : () -> ()
    } else {
    }
    %eq3A_17 = arith.constant 15 : i32
    %eq3A_18 = arith.cmpi eq, %arg1, %eq3A_17 : i32
    %convert_element_type3A_19 = arith.extui %eq3A_18 : i1 to i32
    %cond3A_20 = arith.constant 0 : i32
    %cond3A_21 = arith.cmpi ne, %convert_element_type3A_19, %cond3A_20 : i32
    scf.if %cond3A_21 {
      "tpu.region"() ({
        %run_scoped3A = tpu.sem_alloc : memref<!tpu.dma_semaphore, #tpu.memory_space<semaphore_mem>>
        %dma_start3A = arith.constant 0 : i32
        %dma_start3A_22 = arith.constant 0 : i32
        %dma_start3A_23 = tpu.memref_slice %arg5[%arg0, %dma_start3A, %dma_start3A_22] : memref<2x10000x128xf32, #tpu.memory_space<hbm>> -> memref<1x10000x128xf32, #tpu.memory_space<hbm>>
        %dma_start3A_24 = tpu.memref_squeeze %dma_start3A_23 : memref<1x10000x128xf32, #tpu.memory_space<hbm>> -> memref<10000x128xf32, #tpu.memory_space<hbm>>
        %dma_start3A_25 = arith.constant 0 : i32
        %dma_start3A_26 = tpu.memref_slice %dma_start3A_24[%multiple_of3A, %dma_start3A_25] : memref<10000x128xf32, #tpu.memory_space<hbm>> -> memref<520x128xf32, #tpu.memory_space<hbm>>
        %dma_start3A_27 = arith.constant 0 : i32
        %dma_start3A_28 = tpu.memref_slice %arg8[%multiple_of3A, %dma_start3A_27] : memref<10000x128xf32, #tpu.memory_space<vmem_shared>> -> memref<520x128xf32, #tpu.memory_space<vmem_shared>>
        tpu.enqueue_dma source(%dma_start3A_28 : memref<520x128xf32, #tpu.memory_space<vmem_shared>>) target(%dma_start3A_26 : memref<520x128xf32, #tpu.memory_space<hbm>>) target_semaphore(%run_scoped3A : memref<!tpu.dma_semaphore, #tpu.memory_space<semaphore_mem>>)
        %dma_wait3A = arith.constant 0 : i32
        %dma_wait3A_29 = arith.constant 0 : i32
        %dma_wait3A_30 = tpu.memref_slice %arg5[%arg0, %dma_wait3A, %dma_wait3A_29] : memref<2x10000x128xf32, #tpu.memory_space<hbm>> -> memref<1x10000x128xf32, #tpu.memory_space<hbm>>
        %dma_wait3A_31 = tpu.memref_squeeze %dma_wait3A_30 : memref<1x10000x128xf32, #tpu.memory_space<hbm>> -> memref<10000x128xf32, #tpu.memory_space<hbm>>
        %dma_wait3A_32 = arith.constant 0 : i32
        %dma_wait3A_33 = tpu.memref_slice %dma_wait3A_31[%multiple_of3A, %dma_wait3A_32] : memref<10000x128xf32, #tpu.memory_space<hbm>> -> memref<520x128xf32, #tpu.memory_space<hbm>>
        %dma_wait3A_34 = arith.constant 0 : i32
        %dma_wait3A_35 = tpu.memref_slice %arg8[%multiple_of3A, %dma_wait3A_34] : memref<10000x128xf32, #tpu.memory_space<vmem_shared>> -> memref<520x128xf32, #tpu.memory_space<vmem_shared>>
        tpu.wait_dma2 semaphore(%run_scoped3A : memref<!tpu.dma_semaphore, #tpu.memory_space<semaphore_mem>>) src(%dma_wait3A_35 : memref<520x128xf32, #tpu.memory_space<vmem_shared>>) dst(%dma_wait3A_33 : memref<520x128xf32, #tpu.memory_space<hbm>>)
        tpu.yield
      }) : () -> ()
    } else {
    }
    return
  }
}

module attributes {stable_mosaic.version = 14 : i64} {
  func.func @_proj_kernel(%arg0: i32, %arg1: memref<1000x128xf32, #tpu.memory_space<vmem>>, %arg2: memref<128x32xf32, #tpu.memory_space<vmem>>, %arg3: memref<1x32xf32, #tpu.memory_space<vmem>>, %arg4: memref<1000x128xf32, #tpu.memory_space<vmem>>) attributes {dimension_semantics = [#tpu.dimension_semantics<arbitrary>], iteration_bounds = array<i64: 10>, scalar_prefetch = 0 : i64, scratch_operands = 0 : i64, tpu.core_type = #tpu.core_type<tc>, window_params = [{transform_indices = @transform_0, window_bounds = array<i64: 1000, 128>}, {pipeline_mode = #tpu.pipeline_mode<synchronous>, transform_indices = @transform_1, window_bounds = array<i64: 128, 32>}, {pipeline_mode = #tpu.pipeline_mode<synchronous>, transform_indices = @transform_2, window_bounds = array<i64: 1, 32>}, {transform_indices = @transform_3, window_bounds = array<i64: 1000, 128>}]} {
    %get3A = arith.constant 0 : index
    %get3A_0 = arith.constant 0 : index
    %get3A_1 = vector.load %arg1[%get3A, %get3A_0] : memref<1000x128xf32, #tpu.memory_space<vmem>>, vector<1000x128xf32>
    %get3A_2 = arith.constant 0 : index
    %get3A_3 = arith.constant 0 : index
    %get3A_4 = vector.load %arg2[%get3A_2, %get3A_3] : memref<128x32xf32, #tpu.memory_space<vmem>>, vector<128x32xf32>
    %dot_general3A = arith.constant dense<0.000000e+00> : vector<1000x32xf32>
    %dot_general3A_5 = tpu.matmul %get3A_1, %get3A_4, %dot_general3A {dimension_numbers = #tpu.dot_dimension_numbers<[1], [0], [0], [1], [0, 0, 1, 1], [], []>, transpose_lhs_hint = false} : vector<1000x128xf32>, vector<128x32xf32>, vector<1000x32xf32> -> vector<1000x32xf32>
    %get3A_6 = arith.constant 0 : index
    %get3A_7 = arith.constant 0 : index
    %get3A_8 = vector.load %arg3[%get3A_6, %get3A_7] : memref<1x32xf32, #tpu.memory_space<vmem>>, vector<1x32xf32>
    %add3A = vector.broadcast %get3A_8 : vector<1x32xf32> to vector<1000x32xf32>
    %add3A_9 = arith.addf %dot_general3A_5, %add3A : vector<1000x32xf32>
    %max3A = arith.constant 0.000000e+00 : f32
    %max3A_10 = vector.broadcast %max3A : f32 to vector<1000x32xf32>
    %max3A_11 = arith.maximumf %add3A_9, %max3A_10 : vector<1000x32xf32>
    %concatenate3A = tpu.concatenate %max3A_11, %max3A_11, %max3A_11, %max3A_11 in 1 : vector<1000x32xf32>, vector<1000x32xf32>, vector<1000x32xf32>, vector<1000x32xf32> -> vector<1000x128xf32>
    %swap3A = arith.constant 0 : index
    %swap3A_12 = arith.constant 0 : index
    %swap3A_13 = vector.load %arg4[%swap3A, %swap3A_12] : memref<1000x128xf32, #tpu.memory_space<vmem>>, vector<1000x128xf32>
    tpu.vector_store %arg4[%swap3A, %swap3A_12], %concatenate3A {strides = array<i32>} : memref<1000x128xf32, #tpu.memory_space<vmem>>, vector<1000x128xf32>,
    return
  }
  func.func @transform_0(%arg0: i32) -> (i32, i32) {
    %c0_i32 = arith.constant 0 : i32
    %c0_i32_0 = arith.constant 0 : i32
    return %arg0, %c0_i32 : i32, i32
  }
  func.func @transform_1(%arg0: i32) -> (i32, i32) {
    %c0_i32 = arith.constant 0 : i32
    %c0_i32_0 = arith.constant 0 : i32
    %c0_i32_1 = arith.constant 0 : i32
    return %c0_i32, %c0_i32_0 : i32, i32
  }
  func.func @transform_2(%arg0: i32) -> (i32, i32) {
    %c0_i32 = arith.constant 0 : i32
    %c0_i32_0 = arith.constant 0 : i32
    %c0_i32_1 = arith.constant 0 : i32
    return %c0_i32, %c0_i32_0 : i32, i32
  }
  func.func @transform_3(%arg0: i32) -> (i32, i32) {
    %c0_i32 = arith.constant 0 : i32
    %c0_i32_0 = arith.constant 0 : i32
    return %arg0, %c0_i32 : i32, i32
  }
}

module attributes {stable_mosaic.version = 14 : i64} {
  func.func @_ew_kernel(%arg0: i32, %arg1: memref<1000x16xf32, #tpu.memory_space<vmem>>, %arg2: memref<16x128xf32, #tpu.memory_space<vmem>>, %arg3: memref<1x128xf32, #tpu.memory_space<vmem>>, %arg4: memref<128x1024xf32, #tpu.memory_space<vmem>>, %arg5: memref<1x1024xf32, #tpu.memory_space<vmem>>, %arg6: memref<1000x1024xbf16, #tpu.memory_space<vmem>>) attributes {dimension_semantics = [#tpu.dimension_semantics<arbitrary>], iteration_bounds = array<i64: 160>, scalar_prefetch = 0 : i64, scratch_operands = 0 : i64, tpu.core_type = #tpu.core_type<tc>, window_params = [{transform_indices = @transform_0, window_bounds = array<i64: 1000, 16>}, {pipeline_mode = #tpu.pipeline_mode<synchronous>, transform_indices = @transform_1, window_bounds = array<i64: 16, 128>}, {pipeline_mode = #tpu.pipeline_mode<synchronous>, transform_indices = @transform_2, window_bounds = array<i64: 1, 128>}, {pipeline_mode = #tpu.pipeline_mode<synchronous>, transform_indices = @transform_3, window_bounds = array<i64: 128, 1024>}, {pipeline_mode = #tpu.pipeline_mode<synchronous>, transform_indices = @transform_4, window_bounds = array<i64: 1, 1024>}, {transform_indices = @transform_5, window_bounds = array<i64: 1000, 1024>}]} {
    %get3A = arith.constant 0 : index
    %get3A_0 = arith.constant 0 : index
    %get3A_1 = vector.load %arg1[%get3A, %get3A_0] : memref<1000x16xf32, #tpu.memory_space<vmem>>, vector<1000x16xf32>
    %get3A_2 = arith.constant 0 : index
    %get3A_3 = arith.constant 0 : index
    %get3A_4 = vector.load %arg2[%get3A_2, %get3A_3] : memref<16x128xf32, #tpu.memory_space<vmem>>, vector<16x128xf32>
    %dot_general3A = arith.constant dense<0.000000e+00> : vector<1000x128xf32>
    %dot_general3A_5 = tpu.matmul %get3A_1, %get3A_4, %dot_general3A {dimension_numbers = #tpu.dot_dimension_numbers<[1], [0], [0], [1], [0, 0, 1, 1], [], []>, transpose_lhs_hint = false} : vector<1000x16xf32>, vector<16x128xf32>, vector<1000x128xf32> -> vector<1000x128xf32>
    %get3A_6 = arith.constant 0 : index
    %get3A_7 = arith.constant 0 : index
    %get3A_8 = vector.load %arg3[%get3A_6, %get3A_7] : memref<1x128xf32, #tpu.memory_space<vmem>>, vector<1x128xf32>
    %add3A = vector.broadcast %get3A_8 : vector<1x128xf32> to vector<1000x128xf32>
    %add3A_9 = arith.addf %dot_general3A_5, %add3A : vector<1000x128xf32>
    %max3A = arith.constant 0.000000e+00 : f32
    %max3A_10 = vector.broadcast %max3A : f32 to vector<1000x128xf32>
    %max3A_11 = arith.maximumf %add3A_9, %max3A_10 : vector<1000x128xf32>
    %convert_element_type3A = arith.truncf %max3A_11 : vector<1000x128xf32> to vector<1000x128xbf16>
    %get3A_12 = arith.constant 0 : index
    %get3A_13 = arith.constant 0 : index
    %get3A_14 = vector.load %arg4[%get3A_12, %get3A_13] : memref<128x1024xf32, #tpu.memory_space<vmem>>, vector<128x1024xf32>
    %convert_element_type3A_15 = arith.truncf %get3A_14 : vector<128x1024xf32> to vector<128x1024xbf16>
    %dot_general3A_16 = arith.constant dense<0.000000e+00> : vector<1000x1024xf32>
    %dot_general3A_17 = tpu.matmul %convert_element_type3A, %convert_element_type3A_15, %dot_general3A_16 {dimension_numbers = #tpu.dot_dimension_numbers<[1], [0], [0], [1], [0, 0, 1, 1], [], []>, transpose_lhs_hint = false} : vector<1000x128xbf16>, vector<128x1024xbf16>, vector<1000x1024xf32> -> vector<1000x1024xf32>
    %get3A_18 = arith.constant 0 : index
    %get3A_19 = arith.constant 0 : index
    %get3A_20 = vector.load %arg5[%get3A_18, %get3A_19] : memref<1x1024xf32, #tpu.memory_space<vmem>>, vector<1x1024xf32>
    %add3A_21 = vector.broadcast %get3A_20 : vector<1x1024xf32> to vector<1000x1024xf32>
    %add3A_22 = arith.addf %dot_general3A_17, %add3A_21 : vector<1000x1024xf32>
    %convert_element_type3A_23 = arith.truncf %add3A_22 : vector<1000x1024xf32> to vector<1000x1024xbf16>
    %swap3A = arith.constant 0 : index
    %swap3A_24 = arith.constant 0 : index
    %swap3A_25 = vector.load %arg6[%swap3A, %swap3A_24] : memref<1000x1024xbf16, #tpu.memory_space<vmem>>, vector<1000x1024xbf16>
    tpu.vector_store %arg6[%swap3A, %swap3A_24], %convert_element_type3A_23 {strides = array<i32>} : memref<1000x1024xbf16, #tpu.memory_space<vmem>>, vector<1000x1024xbf16>,
    return
  }
  func.func @transform_0(%arg0: i32) -> (i32, i32) {
    %c0_i32 = arith.constant 0 : i32
    %c0_i32_0 = arith.constant 0 : i32
    return %arg0, %c0_i32 : i32, i32
  }
  func.func @transform_1(%arg0: i32) -> (i32, i32) {
    %c0_i32 = arith.constant 0 : i32
    %c0_i32_0 = arith.constant 0 : i32
    %c0_i32_1 = arith.constant 0 : i32
    return %c0_i32, %c0_i32_0 : i32, i32
  }
  func.func @transform_2(%arg0: i32) -> (i32, i32) {
    %c0_i32 = arith.constant 0 : i32
    %c0_i32_0 = arith.constant 0 : i32
    %c0_i32_1 = arith.constant 0 : i32
    return %c0_i32, %c0_i32_0 : i32, i32
  }
  func.func @transform_3(%arg0: i32) -> (i32, i32) {
    %c0_i32 = arith.constant 0 : i32
    %c0_i32_0 = arith.constant 0 : i32
    %c0_i32_1 = arith.constant 0 : i32
    return %c0_i32, %c0_i32_0 : i32, i32
  }
  func.func @transform_4(%arg0: i32) -> (i32, i32) {
    %c0_i32 = arith.constant 0 : i32
    %c0_i32_0 = arith.constant 0 : i32
    %c0_i32_1 = arith.constant 0 : i32
    return %c0_i32, %c0_i32_0 : i32, i32
  }
  func.func @transform_5(%arg0: i32) -> (i32, i32) {
    %c0_i32 = arith.constant 0 : i32
    %c0_i32_0 = arith.constant 0 : i32
    return %arg0, %c0_i32 : i32, i32
  }
}

module attributes {stable_mosaic.version = 14 : i64} {
  func.func @_msg_kernel(%arg0: i32, %arg1: memref<1000x128xf32, #tpu.memory_space<vmem>>, %arg2: memref<1000x1024xbf16, #tpu.memory_space<vmem>>, %arg3: memref<32x1024xbf16, #tpu.memory_space<vmem>>, %arg4: memref<1000x128xf32, #tpu.memory_space<vmem>>) attributes {dimension_semantics = [#tpu.dimension_semantics<arbitrary>], iteration_bounds = array<i64: 160>, scalar_prefetch = 0 : i64, scratch_operands = 0 : i64, tpu.core_type = #tpu.core_type<tc>, window_params = [{transform_indices = @transform_0, window_bounds = array<i64: 1000, 128>}, {transform_indices = @transform_1, window_bounds = array<i64: 1000, 1024>}, {pipeline_mode = #tpu.pipeline_mode<synchronous>, transform_indices = @transform_2, window_bounds = array<i64: 32, 1024>}, {transform_indices = @transform_3, window_bounds = array<i64: 1000, 128>}]} {
    %get3A = arith.constant 0 : index
    %get3A_0 = arith.constant 0 : index
    %get3A_1 = vector.load %arg1[%get3A, %get3A_0] : memref<1000x128xf32, #tpu.memory_space<vmem>>, vector<1000x128xf32>
    %slice3A = vector.extract_strided_slice %get3A_1 {offsets = [0, 0], sizes = [1000, 32], strides = [1, 1]} : vector<1000x128xf32> to vector<1000x32xf32>
    %convert_element_type3A = arith.truncf %slice3A : vector<1000x32xf32> to vector<1000x32xbf16>
    %get3A_2 = arith.constant 0 : index
    %get3A_3 = arith.constant 0 : index
    %get3A_4 = vector.load %arg3[%get3A_2, %get3A_3] : memref<32x1024xbf16, #tpu.memory_space<vmem>>, vector<32x1024xbf16>
    %dot_general3A = arith.constant dense<0.000000e+00> : vector<1000x1024xf32>
    %dot_general3A_5 = tpu.matmul %convert_element_type3A, %get3A_4, %dot_general3A {dimension_numbers = #tpu.dot_dimension_numbers<[1], [0], [0], [1], [0, 0, 1, 1], [], []>, transpose_lhs_hint = false} : vector<1000x32xbf16>, vector<32x1024xbf16>, vector<1000x1024xf32> -> vector<1000x1024xf32>
    %get3A_6 = arith.constant 0 : index
    %get3A_7 = arith.constant 0 : index
    %get3A_8 = vector.load %arg2[%get3A_6, %get3A_7] : memref<1000x1024xbf16, #tpu.memory_space<vmem>>, vector<1000x1024xbf16>
    %convert_element_type3A_9 = arith.extf %get3A_8 : vector<1000x1024xbf16> to vector<1000x1024xf32>
    %mul3A = arith.mulf %dot_general3A_5, %convert_element_type3A_9 : vector<1000x1024xf32>
    %slice3A_10 = vector.extract_strided_slice %mul3A {offsets = [0, 0], sizes = [1000, 32], strides = [1, 1]} : vector<1000x1024xf32> to vector<1000x32xf32>
    %slice3A_11 = vector.extract_strided_slice %mul3A {offsets = [0, 32], sizes = [1000, 32], strides = [1, 1]} : vector<1000x1024xf32> to vector<1000x32xf32>
    %add3A = arith.addf %slice3A_10, %slice3A_11 : vector<1000x32xf32>
    %slice3A_12 = vector.extract_strided_slice %mul3A {offsets = [0, 64], sizes = [1000, 32], strides = [1, 1]} : vector<1000x1024xf32> to vector<1000x32xf32>
    %add3A_13 = arith.addf %add3A, %slice3A_12 : vector<1000x32xf32>
    %slice3A_14 = vector.extract_strided_slice %mul3A {offsets = [0, 96], sizes = [1000, 32], strides = [1, 1]} : vector<1000x1024xf32> to vector<1000x32xf32>
    %add3A_15 = arith.addf %add3A_13, %slice3A_14 : vector<1000x32xf32>
    %slice3A_16 = vector.extract_strided_slice %mul3A {offsets = [0, 128], sizes = [1000, 32], strides = [1, 1]} : vector<1000x1024xf32> to vector<1000x32xf32>
    %add3A_17 = arith.addf %add3A_15, %slice3A_16 : vector<1000x32xf32>
    %slice3A_18 = vector.extract_strided_slice %mul3A {offsets = [0, 160], sizes = [1000, 32], strides = [1, 1]} : vector<1000x1024xf32> to vector<1000x32xf32>
    %add3A_19 = arith.addf %add3A_17, %slice3A_18 : vector<1000x32xf32>
    %slice3A_20 = vector.extract_strided_slice %mul3A {offsets = [0, 192], sizes = [1000, 32], strides = [1, 1]} : vector<1000x1024xf32> to vector<1000x32xf32>
    %add3A_21 = arith.addf %add3A_19, %slice3A_20 : vector<1000x32xf32>
    %slice3A_22 = vector.extract_strided_slice %mul3A {offsets = [0, 224], sizes = [1000, 32], strides = [1, 1]} : vector<1000x1024xf32> to vector<1000x32xf32>
    %add3A_23 = arith.addf %add3A_21, %slice3A_22 : vector<1000x32xf32>
    %slice3A_24 = vector.extract_strided_slice %mul3A {offsets = [0, 256], sizes = [1000, 32], strides = [1, 1]} : vector<1000x1024xf32> to vector<1000x32xf32>
    %add3A_25 = arith.addf %add3A_23, %slice3A_24 : vector<1000x32xf32>
    %slice3A_26 = vector.extract_strided_slice %mul3A {offsets = [0, 288], sizes = [1000, 32], strides = [1, 1]} : vector<1000x1024xf32> to vector<1000x32xf32>
    %add3A_27 = arith.addf %add3A_25, %slice3A_26 : vector<1000x32xf32>
    %slice3A_28 = vector.extract_strided_slice %mul3A {offsets = [0, 320], sizes = [1000, 32], strides = [1, 1]} : vector<1000x1024xf32> to vector<1000x32xf32>
    %add3A_29 = arith.addf %add3A_27, %slice3A_28 : vector<1000x32xf32>
    %slice3A_30 = vector.extract_strided_slice %mul3A {offsets = [0, 352], sizes = [1000, 32], strides = [1, 1]} : vector<1000x1024xf32> to vector<1000x32xf32>
    %add3A_31 = arith.addf %add3A_29, %slice3A_30 : vector<1000x32xf32>
    %slice3A_32 = vector.extract_strided_slice %mul3A {offsets = [0, 384], sizes = [1000, 32], strides = [1, 1]} : vector<1000x1024xf32> to vector<1000x32xf32>
    %add3A_33 = arith.addf %add3A_31, %slice3A_32 : vector<1000x32xf32>
    %slice3A_34 = vector.extract_strided_slice %mul3A {offsets = [0, 416], sizes = [1000, 32], strides = [1, 1]} : vector<1000x1024xf32> to vector<1000x32xf32>
    %add3A_35 = arith.addf %add3A_33, %slice3A_34 : vector<1000x32xf32>
    %slice3A_36 = vector.extract_strided_slice %mul3A {offsets = [0, 448], sizes = [1000, 32], strides = [1, 1]} : vector<1000x1024xf32> to vector<1000x32xf32>
    %add3A_37 = arith.addf %add3A_35, %slice3A_36 : vector<1000x32xf32>
    %slice3A_38 = vector.extract_strided_slice %mul3A {offsets = [0, 480], sizes = [1000, 32], strides = [1, 1]} : vector<1000x1024xf32> to vector<1000x32xf32>
    %add3A_39 = arith.addf %add3A_37, %slice3A_38 : vector<1000x32xf32>
    %slice3A_40 = vector.extract_strided_slice %mul3A {offsets = [0, 512], sizes = [1000, 32], strides = [1, 1]} : vector<1000x1024xf32> to vector<1000x32xf32>
    %add3A_41 = arith.addf %add3A_39, %slice3A_40 : vector<1000x32xf32>
    %slice3A_42 = vector.extract_strided_slice %mul3A {offsets = [0, 544], sizes = [1000, 32], strides = [1, 1]} : vector<1000x1024xf32> to vector<1000x32xf32>
    %add3A_43 = arith.addf %add3A_41, %slice3A_42 : vector<1000x32xf32>
    %slice3A_44 = vector.extract_strided_slice %mul3A {offsets = [0, 576], sizes = [1000, 32], strides = [1, 1]} : vector<1000x1024xf32> to vector<1000x32xf32>
    %add3A_45 = arith.addf %add3A_43, %slice3A_44 : vector<1000x32xf32>
    %slice3A_46 = vector.extract_strided_slice %mul3A {offsets = [0, 608], sizes = [1000, 32], strides = [1, 1]} : vector<1000x1024xf32> to vector<1000x32xf32>
    %add3A_47 = arith.addf %add3A_45, %slice3A_46 : vector<1000x32xf32>
    %slice3A_48 = vector.extract_strided_slice %mul3A {offsets = [0, 640], sizes = [1000, 32], strides = [1, 1]} : vector<1000x1024xf32> to vector<1000x32xf32>
    %add3A_49 = arith.addf %add3A_47, %slice3A_48 : vector<1000x32xf32>
    %slice3A_50 = vector.extract_strided_slice %mul3A {offsets = [0, 672], sizes = [1000, 32], strides = [1, 1]} : vector<1000x1024xf32> to vector<1000x32xf32>
    %add3A_51 = arith.addf %add3A_49, %slice3A_50 : vector<1000x32xf32>
    %slice3A_52 = vector.extract_strided_slice %mul3A {offsets = [0, 704], sizes = [1000, 32], strides = [1, 1]} : vector<1000x1024xf32> to vector<1000x32xf32>
    %add3A_53 = arith.addf %add3A_51, %slice3A_52 : vector<1000x32xf32>
    %slice3A_54 = vector.extract_strided_slice %mul3A {offsets = [0, 736], sizes = [1000, 32], strides = [1, 1]} : vector<1000x1024xf32> to vector<1000x32xf32>
    %add3A_55 = arith.addf %add3A_53, %slice3A_54 : vector<1000x32xf32>
    %slice3A_56 = vector.extract_strided_slice %mul3A {offsets = [0, 768], sizes = [1000, 32], strides = [1, 1]} : vector<1000x1024xf32> to vector<1000x32xf32>
    %add3A_57 = arith.addf %add3A_55, %slice3A_56 : vector<1000x32xf32>
    %slice3A_58 = vector.extract_strided_slice %mul3A {offsets = [0, 800], sizes = [1000, 32], strides = [1, 1]} : vector<1000x1024xf32> to vector<1000x32xf32>
    %add3A_59 = arith.addf %add3A_57, %slice3A_58 : vector<1000x32xf32>
    %slice3A_60 = vector.extract_strided_slice %mul3A {offsets = [0, 832], sizes = [1000, 32], strides = [1, 1]} : vector<1000x1024xf32> to vector<1000x32xf32>
    %add3A_61 = arith.addf %add3A_59, %slice3A_60 : vector<1000x32xf32>
    %slice3A_62 = vector.extract_strided_slice %mul3A {offsets = [0, 864], sizes = [1000, 32], strides = [1, 1]} : vector<1000x1024xf32> to vector<1000x32xf32>
    %add3A_63 = arith.addf %add3A_61, %slice3A_62 : vector<1000x32xf32>
    %slice3A_64 = vector.extract_strided_slice %mul3A {offsets = [0, 896], sizes = [1000, 32], strides = [1, 1]} : vector<1000x1024xf32> to vector<1000x32xf32>
    %add3A_65 = arith.addf %add3A_63, %slice3A_64 : vector<1000x32xf32>
    %slice3A_66 = vector.extract_strided_slice %mul3A {offsets = [0, 928], sizes = [1000, 32], strides = [1, 1]} : vector<1000x1024xf32> to vector<1000x32xf32>
    %add3A_67 = arith.addf %add3A_65, %slice3A_66 : vector<1000x32xf32>
    %slice3A_68 = vector.extract_strided_slice %mul3A {offsets = [0, 960], sizes = [1000, 32], strides = [1, 1]} : vector<1000x1024xf32> to vector<1000x32xf32>
    %add3A_69 = arith.addf %add3A_67, %slice3A_68 : vector<1000x32xf32>
    %slice3A_70 = vector.extract_strided_slice %mul3A {offsets = [0, 992], sizes = [1000, 32], strides = [1, 1]} : vector<1000x1024xf32> to vector<1000x32xf32>
    %add3A_71 = arith.addf %add3A_69, %slice3A_70 : vector<1000x32xf32>
    %concatenate3A = tpu.concatenate %add3A_71, %add3A_71, %add3A_71, %add3A_71 in 1 : vector<1000x32xf32>, vector<1000x32xf32>, vector<1000x32xf32>, vector<1000x32xf32> -> vector<1000x128xf32>
    %swap3A = arith.constant 0 : index
    %swap3A_72 = arith.constant 0 : index
    %swap3A_73 = vector.load %arg4[%swap3A, %swap3A_72] : memref<1000x128xf32, #tpu.memory_space<vmem>>, vector<1000x128xf32>
    tpu.vector_store %arg4[%swap3A, %swap3A_72], %concatenate3A {strides = array<i32>} : memref<1000x128xf32, #tpu.memory_space<vmem>>, vector<1000x128xf32>,
    return
  }
  func.func @transform_0(%arg0: i32) -> (i32, i32) {
    %c0_i32 = arith.constant 0 : i32
    %c0_i32_0 = arith.constant 0 : i32
    return %arg0, %c0_i32 : i32, i32
  }
  func.func @transform_1(%arg0: i32) -> (i32, i32) {
    %c0_i32 = arith.constant 0 : i32
    %c0_i32_0 = arith.constant 0 : i32
    return %arg0, %c0_i32 : i32, i32
  }
  func.func @transform_2(%arg0: i32) -> (i32, i32) {
    %c0_i32 = arith.constant 0 : i32
    %c0_i32_0 = arith.constant 0 : i32
    %c0_i32_1 = arith.constant 0 : i32
    return %c0_i32, %c0_i32_0 : i32, i32
  }
  func.func @transform_3(%arg0: i32) -> (i32, i32) {
    %c0_i32 = arith.constant 0 : i32
    %c0_i32_0 = arith.constant 0 : i32
    return %arg0, %c0_i32 : i32, i32
  }
}

module attributes {stable_mosaic.version = 14 : i64} {
  func.func @_gru_kernel(%arg0: i32, %arg1: memref<2x1000x128xf32, #tpu.memory_space<vmem>>, %arg2: memref<1000x128xf32, #tpu.memory_space<vmem>>, %arg3: memref<32x96xf32, #tpu.memory_space<vmem>>, %arg4: memref<32x96xf32, #tpu.memory_space<vmem>>, %arg5: memref<1x96xf32, #tpu.memory_space<vmem>>, %arg6: memref<1x96xf32, #tpu.memory_space<vmem>>, %arg7: memref<1x32xf32, #tpu.memory_space<vmem>>, %arg8: memref<1000x128xf32, #tpu.memory_space<vmem>>) attributes {dimension_semantics = [#tpu.dimension_semantics<arbitrary>], iteration_bounds = array<i64: 10>, scalar_prefetch = 0 : i64, scratch_operands = 0 : i64, tpu.core_type = #tpu.core_type<tc>, window_params = [{transform_indices = @transform_0, window_bounds = array<i64: 2, 1000, 128>}, {transform_indices = @transform_1, window_bounds = array<i64: 1000, 128>}, {pipeline_mode = #tpu.pipeline_mode<synchronous>, transform_indices = @transform_2, window_bounds = array<i64: 32, 96>}, {pipeline_mode = #tpu.pipeline_mode<synchronous>, transform_indices = @transform_3, window_bounds = array<i64: 32, 96>}, {pipeline_mode = #tpu.pipeline_mode<synchronous>, transform_indices = @transform_4, window_bounds = array<i64: 1, 96>}, {pipeline_mode = #tpu.pipeline_mode<synchronous>, transform_indices = @transform_5, window_bounds = array<i64: 1, 96>}, {pipeline_mode = #tpu.pipeline_mode<synchronous>, transform_indices = @transform_6, window_bounds = array<i64: 1, 32>}, {transform_indices = @transform_7, window_bounds = array<i64: 1000, 128>}]} {
    %get3A = arith.constant 0 : index
    %get3A_0 = arith.constant 0 : index
    %get3A_1 = arith.constant 0 : index
    %get3A_2 = vector.load %arg1[%get3A, %get3A_0, %get3A_1] : memref<2x1000x128xf32, #tpu.memory_space<vmem>>, vector<1x1000x128xf32>
    %get3A_3 = vector.shape_cast %get3A_2 : vector<1x1000x128xf32> to vector<1000x128xf32>
    %slice3A = vector.extract_strided_slice %get3A_3 {offsets = [0, 0], sizes = [1000, 32], strides = [1, 1]} : vector<1000x128xf32> to vector<1000x32xf32>
    %get3A_4 = arith.constant 1 : index
    %get3A_5 = arith.constant 0 : index
    %get3A_6 = arith.constant 0 : index
    %get3A_7 = vector.load %arg1[%get3A_4, %get3A_5, %get3A_6] : memref<2x1000x128xf32, #tpu.memory_space<vmem>>, vector<1x1000x128xf32>
    %get3A_8 = vector.shape_cast %get3A_7 : vector<1x1000x128xf32> to vector<1000x128xf32>
    %slice3A_9 = vector.extract_strided_slice %get3A_8 {offsets = [0, 0], sizes = [1000, 32], strides = [1, 1]} : vector<1000x128xf32> to vector<1000x32xf32>
    %add3A = arith.addf %slice3A, %slice3A_9 : vector<1000x32xf32>
    %get3A_10 = arith.constant 0 : index
    %get3A_11 = arith.constant 0 : index
    %get3A_12 = vector.load %arg7[%get3A_10, %get3A_11] : memref<1x32xf32, #tpu.memory_space<vmem>>, vector<1x32xf32>
    %add3A_13 = vector.broadcast %get3A_12 : vector<1x32xf32> to vector<1000x32xf32>
    %add3A_14 = arith.addf %add3A, %add3A_13 : vector<1000x32xf32>
    %convert_element_type3A = arith.truncf %add3A_14 : vector<1000x32xf32> to vector<1000x32xbf16>
    %convert_element_type3A_15 = arith.extf %convert_element_type3A : vector<1000x32xbf16> to vector<1000x32xf32>
    %max3A = arith.constant 0.000000e+00 : f32
    %max3A_16 = vector.broadcast %max3A : f32 to vector<1000x32xf32>
    %max3A_17 = arith.maximumf %convert_element_type3A_15, %max3A_16 : vector<1000x32xf32>
    %get3A_18 = arith.constant 0 : index
    %get3A_19 = arith.constant 0 : index
    %get3A_20 = vector.load %arg2[%get3A_18, %get3A_19] : memref<1000x128xf32, #tpu.memory_space<vmem>>, vector<1000x128xf32>
    %slice3A_21 = vector.extract_strided_slice %get3A_20 {offsets = [0, 0], sizes = [1000, 32], strides = [1, 1]} : vector<1000x128xf32> to vector<1000x32xf32>
    %get3A_22 = arith.constant 0 : index
    %get3A_23 = arith.constant 0 : index
    %get3A_24 = vector.load %arg3[%get3A_22, %get3A_23] : memref<32x96xf32, #tpu.memory_space<vmem>>, vector<32x96xf32>
    %dot_general3A = arith.constant dense<0.000000e+00> : vector<1000x96xf32>
    %dot_general3A_25 = tpu.matmul %max3A_17, %get3A_24, %dot_general3A {dimension_numbers = #tpu.dot_dimension_numbers<[1], [0], [0], [1], [0, 0, 1, 1], [], []>, transpose_lhs_hint = false} : vector<1000x32xf32>, vector<32x96xf32>, vector<1000x96xf32> -> vector<1000x96xf32>
    %get3A_26 = arith.constant 0 : index
    %get3A_27 = arith.constant 0 : index
    %get3A_28 = vector.load %arg5[%get3A_26, %get3A_27] : memref<1x96xf32, #tpu.memory_space<vmem>>, vector<1x96xf32>
    %add3A_29 = vector.broadcast %get3A_28 : vector<1x96xf32> to vector<1000x96xf32>
    %add3A_30 = arith.addf %dot_general3A_25, %add3A_29 : vector<1000x96xf32>
    %get3A_31 = arith.constant 0 : index
    %get3A_32 = arith.constant 0 : index
    %get3A_33 = vector.load %arg4[%get3A_31, %get3A_32] : memref<32x96xf32, #tpu.memory_space<vmem>>, vector<32x96xf32>
    %dot_general3A_34 = arith.constant dense<0.000000e+00> : vector<1000x96xf32>
    %dot_general3A_35 = tpu.matmul %slice3A_21, %get3A_33, %dot_general3A_34 {dimension_numbers = #tpu.dot_dimension_numbers<[1], [0], [0], [1], [0, 0, 1, 1], [], []>, transpose_lhs_hint = false} : vector<1000x32xf32>, vector<32x96xf32>, vector<1000x96xf32> -> vector<1000x96xf32>
    %get3A_36 = arith.constant 0 : index
    %get3A_37 = arith.constant 0 : index
    %get3A_38 = vector.load %arg6[%get3A_36, %get3A_37] : memref<1x96xf32, #tpu.memory_space<vmem>>, vector<1x96xf32>
    %add3A_39 = vector.broadcast %get3A_38 : vector<1x96xf32> to vector<1000x96xf32>
    %add3A_40 = arith.addf %dot_general3A_35, %add3A_39 : vector<1000x96xf32>
    %slice3A_41 = vector.extract_strided_slice %add3A_30 {offsets = [0, 0], sizes = [1000, 32], strides = [1, 1]} : vector<1000x96xf32> to vector<1000x32xf32>
    %slice3A_42 = vector.extract_strided_slice %add3A_40 {offsets = [0, 0], sizes = [1000, 32], strides = [1, 1]} : vector<1000x96xf32> to vector<1000x32xf32>
    %add3A_43 = arith.addf %slice3A_41, %slice3A_42 : vector<1000x32xf32>
    %logistic3A = arith.negf %add3A_43 : vector<1000x32xf32>
    %logistic3A_44 = math.exp %logistic3A : vector<1000x32xf32>
    %logistic3A_45 = arith.constant 1.000000e+00 : f32
    %logistic3A_46 = vector.broadcast %logistic3A_45 : f32 to vector<1000x32xf32>
    %logistic3A_47 = arith.addf %logistic3A_46, %logistic3A_44 : vector<1000x32xf32>
    %logistic3A_48 = arith.divf %logistic3A_46, %logistic3A_47 : vector<1000x32xf32>
    %slice3A_49 = vector.extract_strided_slice %add3A_30 {offsets = [0, 32], sizes = [1000, 32], strides = [1, 1]} : vector<1000x96xf32> to vector<1000x32xf32>
    %slice3A_50 = vector.extract_strided_slice %add3A_40 {offsets = [0, 32], sizes = [1000, 32], strides = [1, 1]} : vector<1000x96xf32> to vector<1000x32xf32>
    %add3A_51 = arith.addf %slice3A_49, %slice3A_50 : vector<1000x32xf32>
    %logistic3A_52 = arith.negf %add3A_51 : vector<1000x32xf32>
    %logistic3A_53 = math.exp %logistic3A_52 : vector<1000x32xf32>
    %logistic3A_54 = arith.constant 1.000000e+00 : f32
    %logistic3A_55 = vector.broadcast %logistic3A_54 : f32 to vector<1000x32xf32>
    %logistic3A_56 = arith.addf %logistic3A_55, %logistic3A_53 : vector<1000x32xf32>
    %logistic3A_57 = arith.divf %logistic3A_55, %logistic3A_56 : vector<1000x32xf32>
    %slice3A_58 = vector.extract_strided_slice %add3A_30 {offsets = [0, 64], sizes = [1000, 32], strides = [1, 1]} : vector<1000x96xf32> to vector<1000x32xf32>
    %slice3A_59 = vector.extract_strided_slice %add3A_40 {offsets = [0, 64], sizes = [1000, 32], strides = [1, 1]} : vector<1000x96xf32> to vector<1000x32xf32>
    %mul3A = arith.mulf %logistic3A_48, %slice3A_59 : vector<1000x32xf32>
    %add3A_60 = arith.addf %slice3A_58, %mul3A : vector<1000x32xf32>
    %tanh3A = math.tanh %add3A_60 : vector<1000x32xf32>
    %sub3A = arith.constant 1.000000e+00 : f32
    %sub3A_61 = vector.broadcast %sub3A : f32 to vector<1000x32xf32>
    %sub3A_62 = arith.subf %sub3A_61, %logistic3A_57 : vector<1000x32xf32>
    %mul3A_63 = arith.mulf %sub3A_62, %tanh3A : vector<1000x32xf32>
    %mul3A_64 = arith.mulf %logistic3A_57, %slice3A_21 : vector<1000x32xf32>
    %add3A_65 = arith.addf %mul3A_63, %mul3A_64 : vector<1000x32xf32>
    %concatenate3A = tpu.concatenate %add3A_65, %add3A_65, %add3A_65, %add3A_65 in 1 : vector<1000x32xf32>, vector<1000x32xf32>, vector<1000x32xf32>, vector<1000x32xf32> -> vector<1000x128xf32>
    %swap3A = arith.constant 0 : index
    %swap3A_66 = arith.constant 0 : index
    %swap3A_67 = vector.load %arg8[%swap3A, %swap3A_66] : memref<1000x128xf32, #tpu.memory_space<vmem>>, vector<1000x128xf32>
    tpu.vector_store %arg8[%swap3A, %swap3A_66], %concatenate3A {strides = array<i32>} : memref<1000x128xf32, #tpu.memory_space<vmem>>, vector<1000x128xf32>,
    return
  }
  func.func @transform_0(%arg0: i32) -> (i32, i32, i32) {
    %c0_i32 = arith.constant 0 : i32
    %c0_i32_0 = arith.constant 0 : i32
    %c0_i32_1 = arith.constant 0 : i32
    return %c0_i32, %arg0, %c0_i32_0 : i32, i32, i32
  }
  func.func @transform_1(%arg0: i32) -> (i32, i32) {
    %c0_i32 = arith.constant 0 : i32
    %c0_i32_0 = arith.constant 0 : i32
    return %arg0, %c0_i32 : i32, i32
  }
  func.func @transform_2(%arg0: i32) -> (i32, i32) {
    %c0_i32 = arith.constant 0 : i32
    %c0_i32_0 = arith.constant 0 : i32
    %c0_i32_1 = arith.constant 0 : i32
    return %c0_i32, %c0_i32_0 : i32, i32
  }
  func.func @transform_3(%arg0: i32) -> (i32, i32) {
    %c0_i32 = arith.constant 0 : i32
    %c0_i32_0 = arith.constant 0 : i32
    %c0_i32_1 = arith.constant 0 : i32
    return %c0_i32, %c0_i32_0 : i32, i32
  }
  func.func @transform_4(%arg0: i32) -> (i32, i32) {
    %c0_i32 = arith.constant 0 : i32
    %c0_i32_0 = arith.constant 0 : i32
    %c0_i32_1 = arith.constant 0 : i32
    return %c0_i32, %c0_i32_0 : i32, i32
  }
  func.func @transform_5(%arg0: i32) -> (i32, i32) {
    %c0_i32 = arith.constant 0 : i32
    %c0_i32_0 = arith.constant 0 : i32
    %c0_i32_1 = arith.constant 0 : i32
    return %c0_i32, %c0_i32_0 : i32, i32
  }
  func.func @transform_6(%arg0: i32) -> (i32, i32) {
    %c0_i32 = arith.constant 0 : i32
    %c0_i32_0 = arith.constant 0 : i32
    %c0_i32_1 = arith.constant 0 : i32
    return %c0_i32, %c0_i32_0 : i32, i32
  }
  func.func @transform_7(%arg0: i32) -> (i32, i32) {
    %c0_i32 = arith.constant 0 : i32
    %c0_i32_0 = arith.constant 0 : i32
    return %arg0, %c0_i32 : i32, i32
  }
}

</mosaic_0001>

<sc_bundles>
// kernel: kernel.28.cloned.1.call-start
scs
__scs_entry_jumppad:
0x0: {  	(pc) =	sbr.rel $0x88, $3  }
0x1: {  	(tag) =	ssettag $0x0;
	lr =	simm.s32 $0x1  }
0x2: {  	[smem:$0x3F93] =	sst lr;
	_ =	strace $0xD0000000  }
0x3: {  	_ = 	snop  }
0x4: {  	_ = 	snop  }
0x5: {  	_ = 	snop  }
0x6: {  	_ = 	snop  }
0x7: {  	_ = 	snop  }
__scs_overlays_trampoline_lowered:
0x8: {  	[smem:$0x3FA2] =	sst s0  }
0x9: {  	[smem:$0x3FA3] =	sst s1  }
0xa: {  	[smem:$0x3FA4] =	sst s2  }
0xb: {  	[smem:$0x3FA5] =	sst s3  }
0xc: {  	[smem:$0x3FA6] =	sst s4  }
0xd: {  	[smem:$0x3FA7] =	sst s5  }
0xe: {  	[smem:$0x3FA8] =	sst s6  }
0xf: {  	[smem:$0x3FA9] =	sst s7  }
0x10: {  	[smem:$0x3FAA] =	sst s8  }
0x11: {  	[smem:$0x3FAB] =	sst s9;
	s0 =	simm.s32 @!p0 $0x0  }
0x12: {  	s1 =	sld [smem:$0x3F91];
	s0 =	simm.s32 @p0 $0x1  }
0x13: {  	[smem:$0x3FAC] =	sst s0;
	s0 =	simm.s32 @!p1 $0x0  }
0x14: {  	s2 =	sld [smem:$0x3F90];
	s0 =	simm.s32 @p1 $0x1  }
0x15: {  	[smem:$0x3FAD] =	sst s0;
	s0 =	simm.s32 @!p2 $0x0  }
0x16: {  	s3 =	sld [smem:$0x3FDB];
	s0 =	simm.s32 @p2 $0x1  }
0x17: {  	s4 =	simm.s32 $0x1BF5;
	[smem:$0x3FAF] =	sst s0  }
0x18: {  	s0 =	sld [smem:$0x3F92];
	_ =	swait.ge [sflag:s4], $0x0  }
0x19: {  	s7 =	sld [smem:$0x3F93]  }
0x1a: {  	s8 =	sadd.s32 $0xFFFFE003, lr  }
0x1b: {  	s9 =	sadd.s32 $0xFFFFFEF7, lr;
	s5 =	simm.s32 $0xFFFFFFFF;
	p2 =	slt.u32 s8, $0xFFFFF086  }
0x1c: {  	p1 =	slt.u32 s9, $0xF7A;
	s5 =	simm.s32 @!p2 $0x0  }
0x1d: {  	s5 =	simm.s32 @p1 $0x1;
	p0 =	seq.s32 s7, s2  }
0x1e: {  	s7 =	smul.u32 @!p0 $0xF7A, s2;
	p2 =	seq.s32 @!p0 s5, $0x0  }
0x1f: {  	s9 =	smul.u32 $0xF7A, s1;
	s8 =	simm.s32 @!p0 $0x1BF5;
	p2 =	por !p2, p0  }
0x20: {  	[sflag:s8] =	ssyncset.s32 @!p0 $0xFFFFF086;
	s6 =	sadd.s32 @!p0 s3, s7;
	s7 =	simm.s32 @!p0 $0x108  }
0x21: {  	s3 =	sadd.s32 s3, s9;
	s6 =	sadd.s32 @!p0 $0x88, s6;
	s7 =	simm.s32 @p2 $0x1082  }
0x22: {  	[simem:s7], [sflag:s8] =	dma.local @!p0 [hbm:s6], $0xF7A  }
0x23: {  	s9 =	sor.u32 $0xD0000000, s2;
	s6 =	simm.s32 $0x108;
	_ =	swait.ge @!p0 [sflag:s8], $0x0  }
0x24: {  	s3 =	sadd.s32 $0x88, s3;
	s6 =	simm.s32 @!p1 $0x1082;
	[sflag:s4] =	ssyncset.s32 $0xFFFFF086  }
0x25: {  	[simem:s6], [sflag:s4] =	dma.local [hbm:s3], $0xF7A  }
0x26: {  	[smem:$0x3F93] =	sst s1;
	(tag) =	ssettag s2;
	_ =	strace s9  }
0x27: {  	s1 =	sld [smem:$0x3FA3]  }
0x28: {  	s2 =	sld [smem:$0x3FA4]  }
0x29: {  	s4 =	sld [smem:$0x3FA6]  }
0x2a: {  	p0 =	seq.s32 s5, $0x0;
	s5 =	sld [smem:$0x3FA7]  }
0x2b: {  	s6 =	sld [smem:$0x3FA8]  }
0x2c: {  	s7 =	sld [smem:$0x3FA9]  }
0x2d: {  	s3 =	simm.s32 $0x108;
	s8 =	sld [smem:$0x3FAA]  }
0x2e: {  	s3 =	simm.s32 @!p0 $0x1082;
	s9 =	sld [smem:$0x3FAB]  }
0x2f: {  	lr =	sadd.s32 s0, s3;
	s0 =	sld [smem:$0x3FA2]  }
0x30: {  	s3 =	sld [smem:$0x3FA5]  }
0x31: {  	[smem:$0x3FAE] =	sst s10  }
0x32: {  	s10 =	sld [smem:$0x3FAC];
	_ =	sdelay $0x3  }
0x33: {  	p0 =	seq.s32 s10, $0x1;
	s10 =	sld [smem:$0x3FAE];
	_ =	sdelay $0x3  }
0x34: {  	[smem:$0x3FAE] =	sst s10  }
0x35: {  	s10 =	sld [smem:$0x3FAD];
	_ =	sdelay $0x3  }
0x36: {  	p1 =	seq.s32 s10, $0x1;
	s10 =	sld [smem:$0x3FAE];
	_ =	sdelay $0x3  }
0x37: {  	[smem:$0x3FAE] =	sst s10  }
0x38: {  	s10 =	sld [smem:$0x3FAF]  }
0x39: {  	_ = 	snop;
	(pc) =	sbr.ind lr, $3  }
0x3a: {  	_ = 	snop  }
0x3b: {  	_ = 	snop  }
0x3c: {  	p2 =	seq.s32 s10, $0x1;
	s10 =	sld [smem:$0x3FAE]  }
0x3d: {  	_ =	shalt  }
0x3e: {  	_ =	shalt  }
0x3f: {  	_ =	shalt  }
0x40: {  	_ =	shalt  }
0x41: {  	_ =	shalt  }
0x42: {  	_ =	shalt  }
0x43: {  	_ =	shalt  }
0x44: {  	_ =	shalt  }
0x45: {  	_ =	shalt  }
0x46: {  	_ =	shalt  }
0x47: {  	_ =	shalt  }
0x48: {  	_ =	shalt  }
0x49: {  	_ =	shalt  }
0x4a: {  	_ =	shalt  }
0x4b: {  	_ =	shalt  }
0x4c: {  	_ =	shalt  }
0x4d: {  	_ =	shalt  }
0x4e: {  	_ =	shalt  }
0x4f: {  	_ =	shalt  }
0x50: {  	_ =	shalt  }
0x51: {  	_ =	shalt  }
0x52: {  	_ =	shalt  }
0x53: {  	_ =	shalt  }
0x54: {  	_ =	shalt  }
0x55: {  	_ =	shalt  }
0x56: {  	_ =	shalt  }
0x57: {  	_ =	shalt  }
0x58: {  	_ =	shalt  }
0x59: {  	_ =	shalt  }
0x5a: {  	_ =	shalt  }
0x5b: {  	_ =	shalt  }
0x5c: {  	_ =	shalt  }
0x5d: {  	_ =	shalt  }
0x5e: {  	_ =	shalt  }
0x5f: {  	_ =	shalt  }
0x60: {  	_ =	shalt  }
0x61: {  	_ =	shalt  }
0x62: {  	_ =	shalt  }
0x63: {  	_ =	shalt  }
0x64: {  	_ =	shalt  }
0x65: {  	_ =	shalt  }
0x66: {  	_ =	shalt  }
0x67: {  	_ =	shalt  }
0x68: {  	_ =	shalt  }
0x69: {  	_ =	shalt  }
0x6a: {  	_ =	shalt  }
0x6b: {  	_ =	shalt  }
0x6c: {  	_ =	shalt  }
0x6d: {  	_ =	shalt  }
0x6e: {  	_ =	shalt  }
0x6f: {  	_ =	shalt  }
0x70: {  	_ =	shalt  }
0x71: {  	_ =	shalt  }
0x72: {  	_ =	shalt  }
0x73: {  	_ =	shalt  }
0x74: {  	_ =	shalt  }
0x75: {  	_ =	shalt  }
0x76: {  	_ =	shalt  }
0x77: {  	_ =	shalt  }
0x78: {  	_ =	shalt  }
0x79: {  	_ =	shalt  }
0x7a: {  	_ =	shalt  }
0x7b: {  	_ =	shalt  }
0x7c: {  	_ =	shalt  }
0x7d: {  	_ =	shalt  }
0x7e: {  	_ =	shalt  }
0x7f: {  	_ =	shalt  }
0x80: {  	_ =	shalt  }
0x81: {  	_ =	shalt  }
0x82: {  	_ =	shalt  }
0x83: {  	_ =	shalt  }
0x84: {  	_ =	shalt  }
0x85: {  	_ =	shalt  }
0x86: {  	_ =	shalt  }
0x87: {  	_ =	shalt  }
.Lfunc_end0:
.L_simem_size_0:
called_computation_lowered:
.L_overlay_start_0:
0x88: {  	s2 =	sld [smem:$0x3FD9]  }
0x89: {  	s3 =	sld [smem:$0x3FFE];
	_ =	sdelay $0x1  }
0x8a: {  	s1 =	srdreg.scid  }
0x8b: {  	s0 =	sand.u32 $0x1, s1  }
0x8c: {  	s16 =	sshll.u32 s0, $0xA;
	s2 =	sadd.s32 s3, s2  }
0x8d: {  	s2 =	sadd.s32 s2, s16  }
0x8e: {  	[smem:$0x3FBA] =	sst s2  }
0x8f: {  	_ = 	snop  }
0x90: {  	(tm) =	ssettm $0x1  }
0x91: {  	s17 =	sld [smem:$0x3FFB];
	_ =	sdelay $0x3  }
0x92: {  	_ =	strace s17  }
0x93: {  	s2 =	sld [smem:$0x3FFC];
	_ =	sdelay $0x3  }
0x94: {  	_ =	strace s2  }
0x95: {  	s2 =	sld [smem:$0x3FFD];
	_ =	sdelay $0x3  }
0x96: {  	_ =	strace s2  }
0x97: {  	_ =	strace $0x8FFFFFFF  }
0x98: {  	s18 =	sld [smem:$0x3FDB];
	_ =	sdelay $0x1  }
0x99: {  	s19 =	simm.s32 $_scs_section_size  }
0x9a: {  	s4 =	simm.s32 $_size__tile_overlayer_lowered;
	s5 =	simm.s32 $_tile_overlayer_lowered  }
0x9b: {  	s22 =	simm.s32 $0x1BFF;
	s21 =	sshll.u32 s5, $0x1;
	s2 =	sadd.s32 s19, s18  }
0x9c: {  	s6 =	simm.s32 $0x0;
	s20 =	sshll.u32 s4, $0x1;
	s4 =	sadd.s32 s21, s2  }
0x9d: {  	[timem:s6], [sflag:s22] =	dma.local [hbm:s4], s20  }
0x9e: {  	_ =	swait.ge [sflag:s22], s20  }
0x9f: {  	s3 =	ssub.s32 $0x0, s20;
	[sflag:s22] =	ssyncset.done $0x0  }
0xa0: {  	[sflag:s22] =	ssyncadd.s32 s3;
	_ =	sdelay $0x1  }
0xa1: {  	s23 =	simm.s32 $0x1B8B  }
0xa2: {  	_ =	swait.ge [sflag:s23], $0x1  }
0xa3: {  	[sflag:s23] =	ssyncset.done $0x0  }
0xa4: {  	s25 =	simm.s32 $0x1B8E;
	s24 =	sld [smem:$0x3FFE];
	[sflag:s23] =	ssyncadd.s32 $0xFFFFFFFF  }
0xa5: {  	s26 =	simm.s32 $execute0_lowered;
	[smem:$0x3FD2] =	sst s25  }
0xa6: {  	s4 =	sshll.u32 s26, $0x1;
	_ =	strace $0x80000046;
	[dreg:$0x1] =	wrdreg $0xFFFFFFFF  }
0xa7: {  	s28 =	simm.s32 $_size_execute0_lowered;
	s2 =	sadd.s32 s2, s4;
	[dreg:$0x0] =	wrdreg $0x0  }
0xa8: {  	s4 =	sshll.u32 s28, $0x1;
	[dreg:$0x2] =	wrdreg s2  }
0xa9: {  	[dreg:$0x3] =	wrdreg s4  }
0xaa: {  	[dreg:$0x4] =	wrdreg $0xC0  }
0xab: {  	_ =	task [dreg:s6], $0x5FFFF  }
0xac: {  	[dreg:$0x1] =	wrdreg $0xFFFFFFFF  }
0xad: {  	[dreg:$0x0] =	wrdreg $0x60  }
0xae: {  	[dreg:$0x2] =	wrdreg s24  }
0xaf: {  	[dreg:$0x3] =	wrdreg $0x9  }
0xb0: {  	_ =	task.clear_ibuf [dreg:s6], $0x4FFFF;
	_ =	strace $0x90000046  }
0xb1: {  	s29 =	simm.s32 $0x9;
	_ =	strace $0x80000048  }
0xb2: {  	_ =	swait.ge [sflag:s29], $0x1  }
0xb3: {  	[sflag:s29] =	ssyncadd.s32 $0xFFFFFFFF  }
0xb4: {  	_ =	strace $0x90000048  }
0xb5: {  	_ =	sfence  }
0xb6: {  	s30 =	sld [smem:$0x0];
	_ =	sdelay $0x2  }
0xb7: {  	s31 =	sshll.u32 s1, $0xD;
	s1 =	sshrl.u32 s1, $0x2  }
0xb8: {  	s3 =	sand.u32 $0x4000, s31;
	s1 =	sadd.s32 s1, s30  }
0xb9: {  	s0 =	sor.u32 s3, s0;
	s1 =	sshll.u32 s1, $0x11  }
0xba: {  	s0 =	sor.u32 s1, s0  }
0xbb: {  	s0 =	sadd.s32 $0x8F2B, s0  }
0xbc: {  	[sflag:s0] =	ssyncadd.remote.s32 $0x1  }
0xbd: {  	_ =	sfence.sel $0xFFFF  }
0xbe: {  	[dreg:$0x0] =	wrdreg $0xFFFFFFFF;
	(pc) =	sbr.abs _section_cstart, $3  }
0xbf: {  	[dreg:$0x1] =	wrdreg $0xFFFFFFFF  }
0xc0: {  	_ =	task.clear_ibuf [dreg:s6], $0x2FFFF;
	_ =	strace $0x9FFFFFFF  }
0xc1: {  	(tm) =	ssettm $0x7FFFFFFF  }
tec
execute0_lowered:
.L_overlay_start_1:
0x0: {  	(tag) =	ssettag $0x1  }
0x1: {  	s4 =	rddreg [dreg:$0x0]  }
0x2: {  	s0 =	rddreg [dreg:$0x1];
	s1 =	simm.s32 $0x0;
	s5 =	srdreg.scid  }
0x3: {  	s2 =	stileid.u32;
	[smem:$0x7FF] =	sst s1  }
0x4: {  	s3 =	sadd.s32 $0x10200, s4;
	s5 =	sand.u32 $0x1, s5;
	s6 =	sshll.u32 s2, $0x5  }
0x5: {  	s7 =	sshll.u32 s2, $0xC;
	_ =	strace $0x80000047;
	s8 =	ssub.s32 $0x2, s5  }
0x6: {  	s6 =	sadd.s32 s6, s4;
	s7 =	sadd.s32 s7, s4;
	s9 =	sshll.u32 s5, $0xB  }
0x7: {  	s5 =	sshll.u32 s5, $0x4;
	s4 =	sshll.u32 s2, $0x1;
	s30 =	sshrl.u32 s8, $0x1  }
0x8: {  	s7 =	sadd.s32 s9, s7;
	s31 =	sadd.s32 s5, s6;
	s8 =	ssub.s32 s8, s30  }
0x9: {  	s6 =	sadd.s32 $0x37400, s7;
	s7 =	sadd.s32 $0xB200, s31;
	s5 =	smax.u32 s8, $0x1  }
.LBB2_1:
0xa: {  	s8 =	sadd.s32 $0x0, s4  }
0xb: {  	p0 =	sgt.u32 s8, $0x4E1  }
0xc: {  	s8 =	simm.s32 @!p0 $0x0;
	s9 =	simm.s32 @!p0 $0x3  }
0xd: {  	[tilespmem:s8], [sflag:$0x3] =	stream.linear.gather @!p0 [hbm4b:s7+s8], $0x80, $0x38;
	[tilespmem:$0x4080] =	vst v63  }
0xe: {  	_ =	swait.ge @!p0 [sflag:s9], $0x80  }
0xf: {  	[sflag:s9] =	ssyncset.done @!p0 $0x0;
	p0 =	por p0, p0  }
0x10: {  	[sflag:s9] =	ssyncadd.s32 @!p0 $0xFFFFFF80;
	s10 =	simm.s32 @!p0 $0x80;
	s11 =	simm.s32 @!p0 $0x1  }
0x11: {  	[tilespmem:s10], [sflag:$0x1] =	stream.indirect.gather @!p0 [hbm4b:s3+s10], $0x80, s8, s10, $0xb8;
	[tilespmem:$0x4080] =	vst v63  }
0x12: {  	_ =	swait.ge @!p0 [sflag:s11], $0x4000  }
0x13: {  	[sflag:s11] =	ssyncset.done @!p0 $0x0  }
0x14: {  	s31 =	sadd.s32 $0x20, s4;
	[sflag:s11] =	ssyncadd.s32 @!p0 $0xFFFFC000;
	s11 =	simm.s32 @!p0 $0x2  }
0x15: {  	[hbm4b:s6+s8] =	stream.linear.scatter @!p0 [tilespmem:s10], [sflag:$0x2], $0x4000, $0x38;
	[tilespmem:$0x4080] =	vst v63  }
0x16: {  	p1 =	sgt.u32 s31, $0x4E1;
	s9 =	simm.s32 $0x40;
	_ =	swait.ge @!p0 [sflag:s11], $0x4000  }
0x17: {  	s10 =	sadd.s32 $0x200, s7;
	s8 =	sadd.s32 $0x10000, s6;
	[sflag:s11] =	ssyncset.done @!p0 $0x0  }
.LBB2_2:
0x18: {  	s12 =	simm.s32 @!p1 $0x0;
	s13 =	simm.s32 @!p1 $0x3;
	[sflag:s11] =	ssyncadd.s32 @!p0 $0xFFFFC000  }
0x19: {  	[tilespmem:s12], [sflag:$0x3] =	stream.linear.gather @!p1 [hbm4b:s10+s12], $0x80, $0x38;
	[tilespmem:$0x4080] =	vst v63  }
0x1a: {  	s14 =	smov.u32 s9;
	s9 =	sadd.s32 $0x20, s9;
	_ =	swait.ge @!p1 [sflag:s13], $0x80  }
0x1b: {  	p0 =	por p1, p1;
	p2 =	sne.s32 s9, $0x500;
	[sflag:s13] =	ssyncset.done @!p1 $0x0  }
0x1c: {  	s11 =	simm.s32 @!p0 $0x1;
	[sflag:s13] =	ssyncadd.s32 @!p0 $0xFFFFFF80;
	s13 =	simm.s32 @!p0 $0x80  }
0x1d: {  	[tilespmem:s13], [sflag:$0x1] =	stream.indirect.gather @!p0 [hbm4b:s3+s13], $0x80, s12, s13, $0xb8;
	[tilespmem:$0x4080] =	vst v63  }
0x1e: {  	_ =	swait.ge @!p0 [sflag:s11], $0x4000  }
.Ltmp0:
0x1f: {  	[sflag:s11] =	ssyncset.done @!p0 $0x0;
	(pc) =	sbr.rel @p2 .LBB2_2-.Ltmp0, $4  }
0x20: {  	[sflag:s11] =	ssyncadd.s32 @!p0 $0xFFFFC000;
	s11 =	simm.s32 @!p0 $0x2  }
0x21: {  	[hbm4b:s8+s12] =	stream.linear.scatter @!p0 [tilespmem:s13], [sflag:$0x2], $0x4000, $0x38;
	[tilespmem:$0x4080] =	vst v63  }
0x22: {  	s10 =	sadd.s32 $0x200, s10;
	s12 =	sadd.s32 s14, s4;
	_ =	swait.ge @!p0 [sflag:s11], $0x4000  }
0x23: {  	s8 =	sadd.s32 $0x10000, s8;
	p1 =	sgt.u32 s12, $0x4E1;
	[sflag:s11] =	ssyncset.done @!p0 $0x0  }
0x24: {  	s9 =	simm.s32 @!p1 $0x0;
	s12 =	simm.s32 @!p1 $0x3;
	[sflag:s11] =	ssyncadd.s32 @!p0 $0xFFFFC000  }
0x25: {  	[tilespmem:s9], [sflag:$0x3] =	stream.linear.gather @!p1 [hbm4b:s10+s9], $0x80, $0x38;
	[tilespmem:$0x4080] =	vst v63  }
0x26: {  	_ =	swait.ge @!p1 [sflag:s12], $0x80  }
0x27: {  	p0 =	por p1, p1;
	[sflag:s12] =	ssyncset.done @!p1 $0x0  }
0x28: {  	s10 =	simm.s32 @!p0 $0x80;
	s11 =	simm.s32 @!p0 $0x1;
	[sflag:s12] =	ssyncadd.s32 @!p0 $0xFFFFFF80  }
0x29: {  	[tilespmem:s10], [sflag:$0x1] =	stream.indirect.gather @!p0 [hbm4b:s3+s10], $0x80, s9, s10, $0xb8;
	[tilespmem:$0x4080] =	vst v63  }
0x2a: {  	s1 =	sadd.s32 $0x1, s1;
	_ =	swait.ge @!p0 [sflag:s11], $0x4000  }
0x2b: {  	p1 =	sne.s32 s1, s5;
	[sflag:s11] =	ssyncset.done @!p0 $0x0  }
.Ltmp1:
0x2c: {  	[sflag:s11] =	ssyncadd.s32 @!p0 $0xFFFFC000;
	s11 =	simm.s32 @!p0 $0x2;
	(pc) =	sbr.rel @p1 .LBB2_1-.Ltmp1, $4  }
0x2d: {  	[hbm4b:s8+s9] =	stream.linear.scatter @!p0 [tilespmem:s10], [sflag:$0x2], $0x4000, $0x38;
	[tilespmem:$0x4080] =	vst v63  }
0x2e: {  	_ =	swait.ge @!p0 [sflag:s11], $0x4000  }
0x2f: {  	[sflag:s11] =	ssyncset.done @!p0 $0x0  }
0x30: {  	[sflag:s11] =	ssyncadd.s32 @!p0 $0xFFFFC000  }
0x31: {  	_ =	sfence.sel $0x180000  }
0x32: {  	[bflag:$0x0] =	sbarrier.arrive $0xFFFF  }
0x33: {  	p0 =	sne.s32 s2, $0x0;
	_ =	strace $0x90000047  }
0x34: {  	s0 =	sadd.s32 @!p0 $0x100000, s0;
	[bflag:$0x2] =	sbarrier.arrive $0xFFFF  }
0x35: {  	[sflag:s0] =	ssyncadd.tile.s32 @!p0 $0x1;
	_ =	shalt  }
.Lfunc_end2:
_tile_overlayer_lowered:
.L_overlay_start_2:
0x36: {  	(tag) =	ssettag $0x2  }
0x37: {  	s0 =	rddreg [dreg:$0x0];
	s2 =	stileid.u32  }
0x38: {  	s1 =	rddreg [dreg:$0x1];
	p0 =	sne.s32 s2, $0x0  }
0x39: {  	s3 =	rddreg [dreg:$0x2];
	[bflag:$0x3] =	sbarrier.arrive $0xFFFF;
	s2 =	simm.s32 @!p0 $0x1C02  }
0x3a: {  	[timem:s3], [sflag:s2] =	dma.local @!p0 [hbm:s0], s1  }
0x3b: {  	s0 =	simm.s32 @!p0 $0x2  }
0x3c: {  	_ =	swait.ge @!p0 [sflag:s0], s1  }
0x3d: {  	s1 =	ssub.s32 @!p0 $0x0, s1;
	[sflag:s0] =	ssyncset.done @!p0 $0x0  }
0x3e: {  	[sflag:s0] =	ssyncadd.s32 @!p0 s1  }
0x3f: {  	[bflag:$0x3] =	sbarrier.arrive $0xFFFF  }
0x40: {  	_ =	shalt  }

// kernel: kernel.31.cloned.1.call-start
scs
__scs_entry_jumppad:
0x0: {  	(pc) =	sbr.rel $0x88, $3  }
0x1: {  	(tag) =	ssettag $0x0;
	lr =	simm.s32 $0x1  }
0x2: {  	[smem:$0x3F93] =	sst lr;
	_ =	strace $0xD0000000  }
0x3: {  	_ = 	snop  }
0x4: {  	_ = 	snop  }
0x5: {  	_ = 	snop  }
0x6: {  	_ = 	snop  }
0x7: {  	_ = 	snop  }
__scs_overlays_trampoline_lowered:
0x8: {  	[smem:$0x3FA2] =	sst s0  }
0x9: {  	[smem:$0x3FA3] =	sst s1  }
0xa: {  	[smem:$0x3FA4] =	sst s2  }
0xb: {  	[smem:$0x3FA5] =	sst s3  }
0xc: {  	[smem:$0x3FA6] =	sst s4  }
0xd: {  	[smem:$0x3FA7] =	sst s5  }
0xe: {  	[smem:$0x3FA8] =	sst s6  }
0xf: {  	[smem:$0x3FA9] =	sst s7  }
0x10: {  	[smem:$0x3FAA] =	sst s8  }
0x11: {  	[smem:$0x3FAB] =	sst s9;
	s0 =	simm.s32 @!p0 $0x0  }
0x12: {  	s1 =	sld [smem:$0x3F91];
	s0 =	simm.s32 @p0 $0x1  }
0x13: {  	[smem:$0x3FAC] =	sst s0;
	s0 =	simm.s32 @!p1 $0x0  }
0x14: {  	s2 =	sld [smem:$0x3F90];
	s0 =	simm.s32 @p1 $0x1  }
0x15: {  	[smem:$0x3FAD] =	sst s0;
	s0 =	simm.s32 @!p2 $0x0  }
0x16: {  	s3 =	sld [smem:$0x3FDB];
	s0 =	simm.s32 @p2 $0x1  }
0x17: {  	s4 =	simm.s32 $0x1BF5;
	[smem:$0x3FAF] =	sst s0  }
0x18: {  	s0 =	sld [smem:$0x3F92];
	_ =	swait.ge [sflag:s4], $0x0  }
0x19: {  	s7 =	sld [smem:$0x3F93]  }
0x1a: {  	s8 =	sadd.s32 $0xFFFFE003, lr  }
0x1b: {  	s9 =	sadd.s32 $0xFFFFFEF7, lr;
	s5 =	simm.s32 $0xFFFFFFFF;
	p2 =	slt.u32 s8, $0xFFFFF086  }
0x1c: {  	p1 =	slt.u32 s9, $0xF7A;
	s5 =	simm.s32 @!p2 $0x0  }
0x1d: {  	s5 =	simm.s32 @p1 $0x1;
	p0 =	seq.s32 s7, s2  }
0x1e: {  	s7 =	smul.u32 @!p0 $0xF7A, s2;
	p2 =	seq.s32 @!p0 s5, $0x0  }
0x1f: {  	s9 =	smul.u32 $0xF7A, s1;
	s8 =	simm.s32 @!p0 $0x1BF5;
	p2 =	por !p2, p0  }
0x20: {  	[sflag:s8] =	ssyncset.s32 @!p0 $0xFFFFF086;
	s6 =	sadd.s32 @!p0 s3, s7;
	s7 =	simm.s32 @!p0 $0x108  }
0x21: {  	s3 =	sadd.s32 s3, s9;
	s6 =	sadd.s32 @!p0 $0x88, s6;
	s7 =	simm.s32 @p2 $0x1082  }
0x22: {  	[simem:s7], [sflag:s8] =	dma.local @!p0 [hbm:s6], $0xF7A  }
0x23: {  	s9 =	sor.u32 $0xD0000000, s2;
	s6 =	simm.s32 $0x108;
	_ =	swait.ge @!p0 [sflag:s8], $0x0  }
0x24: {  	s3 =	sadd.s32 $0x88, s3;
	s6 =	simm.s32 @!p1 $0x1082;
	[sflag:s4] =	ssyncset.s32 $0xFFFFF086  }
0x25: {  	[simem:s6], [sflag:s4] =	dma.local [hbm:s3], $0xF7A  }
0x26: {  	[smem:$0x3F93] =	sst s1;
	(tag) =	ssettag s2;
	_ =	strace s9  }
0x27: {  	s1 =	sld [smem:$0x3FA3]  }
0x28: {  	s2 =	sld [smem:$0x3FA4]  }
0x29: {  	s4 =	sld [smem:$0x3FA6]  }
0x2a: {  	p0 =	seq.s32 s5, $0x0;
	s5 =	sld [smem:$0x3FA7]  }
0x2b: {  	s6 =	sld [smem:$0x3FA8]  }
0x2c: {  	s7 =	sld [smem:$0x3FA9]  }
0x2d: {  	s3 =	simm.s32 $0x108;
	s8 =	sld [smem:$0x3FAA]  }
0x2e: {  	s3 =	simm.s32 @!p0 $0x1082;
	s9 =	sld [smem:$0x3FAB]  }
0x2f: {  	lr =	sadd.s32 s0, s3;
	s0 =	sld [smem:$0x3FA2]  }
0x30: {  	s3 =	sld [smem:$0x3FA5]  }
0x31: {  	[smem:$0x3FAE] =	sst s10  }
0x32: {  	s10 =	sld [smem:$0x3FAC];
	_ =	sdelay $0x3  }
0x33: {  	p0 =	seq.s32 s10, $0x1;
	s10 =	sld [smem:$0x3FAE];
	_ =	sdelay $0x3  }
0x34: {  	[smem:$0x3FAE] =	sst s10  }
0x35: {  	s10 =	sld [smem:$0x3FAD];
	_ =	sdelay $0x3  }
0x36: {  	p1 =	seq.s32 s10, $0x1;
	s10 =	sld [smem:$0x3FAE];
	_ =	sdelay $0x3  }
0x37: {  	[smem:$0x3FAE] =	sst s10  }
0x38: {  	s10 =	sld [smem:$0x3FAF]  }
0x39: {  	_ = 	snop;
	(pc) =	sbr.ind lr, $3  }
0x3a: {  	_ = 	snop  }
0x3b: {  	_ = 	snop  }
0x3c: {  	p2 =	seq.s32 s10, $0x1;
	s10 =	sld [smem:$0x3FAE]  }
0x3d: {  	_ =	shalt  }
0x3e: {  	_ =	shalt  }
0x3f: {  	_ =	shalt  }
0x40: {  	_ =	shalt  }
0x41: {  	_ =	shalt  }
0x42: {  	_ =	shalt  }
0x43: {  	_ =	shalt  }
0x44: {  	_ =	shalt  }
0x45: {  	_ =	shalt  }
0x46: {  	_ =	shalt  }
0x47: {  	_ =	shalt  }
0x48: {  	_ =	shalt  }
0x49: {  	_ =	shalt  }
0x4a: {  	_ =	shalt  }
0x4b: {  	_ =	shalt  }
0x4c: {  	_ =	shalt  }
0x4d: {  	_ =	shalt  }
0x4e: {  	_ =	shalt  }
0x4f: {  	_ =	shalt  }
0x50: {  	_ =	shalt  }
0x51: {  	_ =	shalt  }
0x52: {  	_ =	shalt  }
0x53: {  	_ =	shalt  }
0x54: {  	_ =	shalt  }
0x55: {  	_ =	shalt  }
0x56: {  	_ =	shalt  }
0x57: {  	_ =	shalt  }
0x58: {  	_ =	shalt  }
0x59: {  	_ =	shalt  }
0x5a: {  	_ =	shalt  }
0x5b: {  	_ =	shalt  }
0x5c: {  	_ =	shalt  }
0x5d: {  	_ =	shalt  }
0x5e: {  	_ =	shalt  }
0x5f: {  	_ =	shalt  }
0x60: {  	_ =	shalt  }
0x61: {  	_ =	shalt  }
0x62: {  	_ =	shalt  }
0x63: {  	_ =	shalt  }
0x64: {  	_ =	shalt  }
0x65: {  	_ =	shalt  }
0x66: {  	_ =	shalt  }
0x67: {  	_ =	shalt  }
0x68: {  	_ =	shalt  }
0x69: {  	_ =	shalt  }
0x6a: {  	_ =	shalt  }
0x6b: {  	_ =	shalt  }
0x6c: {  	_ =	shalt  }
0x6d: {  	_ =	shalt  }
0x6e: {  	_ =	shalt  }
0x6f: {  	_ =	shalt  }
0x70: {  	_ =	shalt  }
0x71: {  	_ =	shalt  }
0x72: {  	_ =	shalt  }
0x73: {  	_ =	shalt  }
0x74: {  	_ =	shalt  }
0x75: {  	_ =	shalt  }
0x76: {  	_ =	shalt  }
0x77: {  	_ =	shalt  }
0x78: {  	_ =	shalt  }
0x79: {  	_ =	shalt  }
0x7a: {  	_ =	shalt  }
0x7b: {  	_ =	shalt  }
0x7c: {  	_ =	shalt  }
0x7d: {  	_ =	shalt  }
0x7e: {  	_ =	shalt  }
0x7f: {  	_ =	shalt  }
0x80: {  	_ =	shalt  }
0x81: {  	_ =	shalt  }
0x82: {  	_ =	shalt  }
0x83: {  	_ =	shalt  }
0x84: {  	_ =	shalt  }
0x85: {  	_ =	shalt  }
0x86: {  	_ =	shalt  }
0x87: {  	_ =	shalt  }
.Lfunc_end0:
.L_simem_size_0:
called_computation.1_lowered:
.L_overlay_start_0:
0x88: {  	s2 =	sld [smem:$0x3FD9]  }
0x89: {  	s3 =	sld [smem:$0x3FFE];
	_ =	sdelay $0x1  }
0x8a: {  	s1 =	srdreg.scid  }
0x8b: {  	s0 =	sand.u32 $0x1, s1  }
0x8c: {  	s17 =	sshll.u32 s0, $0xA;
	s2 =	sadd.s32 s3, s2  }
0x8d: {  	s2 =	sadd.s32 s2, s17  }
0x8e: {  	[smem:$0x3FBA] =	sst s2  }
0x8f: {  	_ = 	snop  }
0x90: {  	s2 =	sld [smem:$0x3FD0];
	(tm) =	ssettm $0x1  }
0x91: {  	s18 =	sld [smem:$0x3FFB];
	_ =	sdelay $0x3  }
0x92: {  	_ =	strace s18  }
0x93: {  	s3 =	sld [smem:$0x3FFC];
	_ =	sdelay $0x3  }
0x94: {  	_ =	strace s3  }
0x95: {  	s3 =	sld [smem:$0x3FFD];
	_ =	sdelay $0x3  }
0x96: {  	_ =	strace s3  }
0x97: {  	_ =	strace $0x8FFFFFFF  }
0x98: {  	s19 =	sld [smem:$0x3FDB];
	_ =	sdelay $0x1  }
0x99: {  	s4 =	simm.s32 $_scs_section_size  }
0x9a: {  	s5 =	simm.s32 $_size__tile_overlayer_lowered;
	s6 =	simm.s32 $_tile_overlayer_lowered  }
0x9b: {  	s22 =	simm.s32 $0x1BFF;
	s21 =	sshll.u32 s6, $0x1;
	s3 =	sadd.s32 s4, s19  }
0x9c: {  	s7 =	simm.s32 $0x0;
	s20 =	sshll.u32 s5, $0x1;
	s5 =	sadd.s32 s21, s3  }
0x9d: {  	[timem:s7], [sflag:s22] =	dma.local [hbm:s5], s20  }
0x9e: {  	_ =	swait.ge [sflag:s22], s20  }
0x9f: {  	s4 =	ssub.s32 $0x0, s20;
	[sflag:s22] =	ssyncset.done $0x0  }
0xa0: {  	[sflag:s22] =	ssyncadd.s32 s4;
	_ =	sdelay $0x1  }
0xa1: {  	s23 =	simm.s32 $0x1B8B  }
0xa2: {  	_ =	swait.ge [sflag:s23], $0x1  }
0xa3: {  	[sflag:s23] =	ssyncset.done $0x0  }
0xa4: {  	s25 =	simm.s32 $0x1B8E;
	s24 =	sld [smem:$0x3FFE];
	[sflag:s23] =	ssyncadd.s32 $0xFFFFFFFF  }
0xa5: {  	s26 =	simm.s32 $execute0_lowered;
	[smem:$0x3FD2] =	sst s25  }
0xa6: {  	s5 =	sshll.u32 s26, $0x1;
	_ =	strace $0x80000049;
	[dreg:$0x1] =	wrdreg $0xFFFFFFFF  }
0xa7: {  	s28 =	simm.s32 $_size_execute0_lowered;
	s3 =	sadd.s32 s3, s5;
	[dreg:$0x0] =	wrdreg $0x0  }
0xa8: {  	s5 =	sshll.u32 s28, $0x1;
	[dreg:$0x2] =	wrdreg s3  }
0xa9: {  	[dreg:$0x3] =	wrdreg s5  }
0xaa: {  	[dreg:$0x4] =	wrdreg $0xC0  }
0xab: {  	_ =	task [dreg:s7], $0x5FFFF  }
0xac: {  	[dreg:$0x1] =	wrdreg $0xFFFFFFFF  }
0xad: {  	[dreg:$0x0] =	wrdreg $0x60  }
0xae: {  	[dreg:$0x2] =	wrdreg s24  }
0xaf: {  	[dreg:$0x3] =	wrdreg s2  }
0xb0: {  	[dreg:$0x4] =	wrdreg $0x40800  }
0xb1: {  	[dreg:$0x5] =	wrdreg $0x9  }
0xb2: {  	_ =	task.clear_ibuf [dreg:s7], $0x6FFFF;
	_ =	strace $0x90000049  }
0xb3: {  	s29 =	simm.s32 $0x9;
	_ =	strace $0x8000004B  }
0xb4: {  	_ =	swait.ge [sflag:s29], $0x1  }
0xb5: {  	[sflag:s29] =	ssyncadd.s32 $0xFFFFFFFF  }
0xb6: {  	_ =	strace $0x9000004B  }
0xb7: {  	_ =	sfence  }
0xb8: {  	s30 =	sld [smem:$0x0];
	_ =	sdelay $0x2  }
0xb9: {  	s31 =	sshll.u32 s1, $0xD;
	s1 =	sshrl.u32 s1, $0x2  }
0xba: {  	s3 =	sand.u32 $0x4000, s31;
	s1 =	sadd.s32 s1, s30  }
0xbb: {  	s0 =	sor.u32 s3, s0;
	s1 =	sshll.u32 s1, $0x11  }
0xbc: {  	s0 =	sor.u32 s1, s0  }
0xbd: {  	s0 =	sadd.s32 $0x8F2B, s0  }
0xbe: {  	[sflag:s0] =	ssyncadd.remote.s32 $0x1  }
0xbf: {  	_ =	sfence.sel $0xFFFF  }
0xc0: {  	[dreg:$0x0] =	wrdreg $0xFFFFFFFF;
	(pc) =	sbr.abs _section_cstart, $3  }
0xc1: {  	[dreg:$0x1] =	wrdreg $0xFFFFFFFF  }
0xc2: {  	_ =	task.clear_ibuf [dreg:s7], $0x2FFFF;
	_ =	strace $0x9FFFFFFF  }
0xc3: {  	(tm) =	ssettm $0x7FFFFFFF  }
tec
execute0_lowered:
.L_overlay_start_1:
0x0: {  	(tag) =	ssettag $0x1  }
0x1: {  	s5 =	rddreg [dreg:$0x0]  }
0x2: {  	s8 =	rddreg [dreg:$0x1];
	s0 =	srdreg.scid  }
0x3: {  	s2 =	rddreg [dreg:$0x2];
	s1 =	stileid.u32;
	s3 =	simm.s32 $0x0  }
0x4: {  	s6 =	sand.u32 $0x1, s0;
	s0 =	rddreg [dreg:$0x3];
	s13 =	smul.u32 $0x2780, s1  }
0x5: {  	[smem:$0x7FF] =	sst s3;
	s9 =	smul.u32 $0x4F000, s1  }
0x6: {  	s14 =	sshll.u32 s1, $0xB;
	p0 =	seq.s32 s1, $0xF;
	s4 =	smul.u32 $0x138800, s6  }
0x7: {  	s31 =	sshll.u32 s1, $0x4;
	s7 =	smul.u32 $0x27100, s6;
	_ =	strace $0x8000004A  }
0x8: {  	s11 =	ssub.s32 $0x2, s6;
	s30 =	smul.u32 $0x2710, s6;
	s28 =	sadd.s32 s13, s5  }
0x9: {  	s12 =	sshrl.u32 s11, $0x1;
	s9 =	sshrl.u32 s9, $0x2;
	s10 =	sadd.s32 s4, s5  }
0xa: {  	s7 =	sadd.s32 s7, s5;
	s11 =	ssub.s32 s11, s12;
	s12 =	sadd.s32 s9, s2  }
0xb: {  	s4 =	sadd.s32 $0x37400, s28;
	s9 =	sadd.s32 $0x128400, s2;
	s5 =	sadd.s32 $0x5C480, s5  }
0xc: {  	s8 =	sadd.s32 s30, s8;
	s15 =	sadd.s32 $0x5E600, s7;
	s29 =	sadd.s32 s14, s10  }
0xd: {  	s6 =	smax.u32 s11, $0x1;
	s11 =	sshll.u32 @!p0 s1, $0x6;
	s8 =	sadd.s32 s31, s8  }
0xe: {  	s9 =	sshrl.u32 @p0 s9, $0x3;
	s7 =	sadd.s32 $0x2A8C00, s29;
	s10 =	sor.u32 @!p0 $0x1C01, s11  }
0xf: {  	s11 =	sshrl.u32 @!p0 s12, $0x3;
	s12 =	sadd.s32 @p0 $0x25080, s15;
	s13 =	sadd.s32 @!p0 s13, s15  }
.LBB2_1:
0x10: {  	s14 =	simm.s32 @p0 $0x1FC1  }
0x11: {  	[spmem:s9], [sflag:s14] =	dma.local @p0 [hbm:s5], $0x2080  }
0x12: {  	s14 =	simm.s32 @p0 $0x1  }
0x13: {  	_ =	swait.ge @p0 [sflag:s14], $0x2080  }
0x14: {  	[sflag:s14] =	ssyncset.done @p0 $0x0  }
0x15: {  	[sflag:s14] =	ssyncadd.s32 @p0 $0xFFFFDF80;
	s14 =	simm.s32 @!p0 $0x1  }
0x16: {  	[spmem:s11], [sflag:s10] =	dma.local @!p0 [hbm:s4], $0x2780  }
0x17: {  	_ =	swait.ge @!p0 [sflag:s14], $0x2780  }
0x18: {  	s15 =	sadd.s32 $0x0, s1;
	[sflag:s14] =	ssyncset.done @!p0 $0x0  }
0x19: {  	p1 =	sgt.u32 s15, $0x270;
	[sflag:s14] =	ssyncadd.s32 @!p0 $0xFFFFD880  }
0x1a: {  	s16 =	simm.s32 @!p1 $0x2;
	s14 =	simm.s32 @!p1 $0x0;
	[bflag:$0x0] =	sbarrier.arrive $0xFFFF  }
0x1b: {  	[tilespmem:s14], [sflag:$0x2] =	stream.linear.gather @!p1 [hbm4b:s8+s14], $0x80, $0x38;
	[tilespmem:$0x17900] =	vst v63  }
0x1c: {  	_ =	swait.ge @!p1 [sflag:s16], $0x80  }
0x1d: {  	[sflag:s16] =	ssyncset.done @!p1 $0x0;
	p1 =	por p1, p1  }
0x1e: {  	[sflag:s16] =	ssyncadd.s32 @!p1 $0xFFFFFF80;
	s18 =	simm.s32 @!p1 $0x80  }
0x1f: {  	[tilespmem:s18], [sflag:$0x2] =	stream.linear.gather @!p1 [hbm4b:s7+s14], $0x4000, $0x38;
	[tilespmem:$0x17900] =	vst v63  }
0x20: {  	_ =	swait.ge @!p1 [sflag:s16], $0x4000  }
0x21: {  	[sflag:s16] =	ssyncset.done @!p1 $0x0  }
0x22: {  	s31 =	sadd.s32 $0x10, s1;
	s17 =	simm.s32 @!p1 $0x1;
	[sflag:s16] =	ssyncadd.s32 @!p1 $0xFFFFC000  }
0x23: {  	[spmem:s2] =	stream.indirect.scatter.add.f32 @!p1 [tilespmem:s18], [sflag:$0x1], $0x80, s14, s18, $0xb8;
	[tilespmem:$0x17900] =	vst v63  }
0x24: {  	s15 =	simm.s32 $0x20;
	p2 =	sgt.u32 s31, $0x270;
	_ =	swait.ge @!p1 [sflag:s17], $0x4000  }
0x25: {  	s16 =	sadd.s32 $0x100, s8;
	s14 =	sadd.s32 $0x8000, s7;
	[sflag:s17] =	ssyncset.done @!p1 $0x0  }
.LBB2_2:
0x26: {  	s18 =	simm.s32 @!p2 $0x0;
	s19 =	simm.s32 @!p2 $0x2;
	[sflag:s17] =	ssyncadd.s32 @!p1 $0xFFFFC000  }
0x27: {  	[tilespmem:s18], [sflag:$0x2] =	stream.linear.gather @!p2 [hbm4b:s16+s18], $0x80, $0x38;
	[tilespmem:$0x17900] =	vst v63  }
0x28: {  	s20 =	smov.u32 s15;
	s15 =	sadd.s32 $0x10, s15;
	_ =	swait.ge @!p2 [sflag:s19], $0x80  }
0x29: {  	p1 =	por p2, p2;
	p3 =	sne.s32 s15, $0x280;
	[sflag:s19] =	ssyncset.done @!p2 $0x0  }
0x2a: {  	s21 =	simm.s32 @!p1 $0x80;
	[sflag:s19] =	ssyncadd.s32 @!p1 $0xFFFFFF80  }
0x2b: {  	[tilespmem:s21], [sflag:$0x2] =	stream.linear.gather @!p1 [hbm4b:s14+s18], $0x4000, $0x38;
	[tilespmem:$0x17900] =	vst v63  }
0x2c: {  	_ =	swait.ge @!p1 [sflag:s19], $0x4000  }
.Ltmp0:
0x2d: {  	[sflag:s19] =	ssyncset.done @!p1 $0x0;
	(pc) =	sbr.rel @p3 .LBB2_2-.Ltmp0, $4  }
0x2e: {  	s17 =	simm.s32 @!p1 $0x1;
	[sflag:s19] =	ssyncadd.s32 @!p1 $0xFFFFC000  }
0x2f: {  	[spmem:s2] =	stream.indirect.scatter.add.f32 @!p1 [tilespmem:s21], [sflag:$0x1], $0x80, s18, s21, $0xb8;
	[tilespmem:$0x17900] =	vst v63  }
0x30: {  	s16 =	sadd.s32 $0x100, s16;
	s18 =	sadd.s32 s20, s1;
	_ =	swait.ge @!p1 [sflag:s17], $0x4000  }
0x31: {  	s14 =	sadd.s32 $0x8000, s14;
	p2 =	sgt.u32 s18, $0x270;
	[sflag:s17] =	ssyncset.done @!p1 $0x0  }
0x32: {  	s15 =	simm.s32 @!p2 $0x0;
	s18 =	simm.s32 @!p2 $0x2;
	[sflag:s17] =	ssyncadd.s32 @!p1 $0xFFFFC000  }
0x33: {  	[tilespmem:s15], [sflag:$0x2] =	stream.linear.gather @!p2 [hbm4b:s16+s15], $0x80, $0x38;
	[tilespmem:$0x17900] =	vst v63  }
0x34: {  	_ =	swait.ge @!p2 [sflag:s18], $0x80  }
0x35: {  	p1 =	por p2, p2;
	[sflag:s18] =	ssyncset.done @!p2 $0x0  }
0x36: {  	s16 =	simm.s32 @!p1 $0x80;
	[sflag:s18] =	ssyncadd.s32 @!p1 $0xFFFFFF80  }
0x37: {  	[tilespmem:s16], [sflag:$0x2] =	stream.linear.gather @!p1 [hbm4b:s14+s15], $0x4000, $0x38;
	[tilespmem:$0x17900] =	vst v63  }
0x38: {  	_ =	swait.ge @!p1 [sflag:s18], $0x4000  }
0x39: {  	[sflag:s18] =	ssyncset.done @!p1 $0x0  }
0x3a: {  	s14 =	simm.s32 @!p1 $0x1;
	[sflag:s18] =	ssyncadd.s32 @!p1 $0xFFFFC000  }
0x3b: {  	[spmem:s2] =	stream.indirect.scatter.add.f32 @!p1 [tilespmem:s16], [sflag:$0x1], $0x80, s15, s16, $0xb8;
	[tilespmem:$0x17900] =	vst v63  }
0x3c: {  	_ =	swait.ge @!p1 [sflag:s14], $0x4000  }
0x3d: {  	[sflag:s14] =	ssyncset.done @!p1 $0x0  }
0x3e: {  	[sflag:s14] =	ssyncadd.s32 @!p1 $0xFFFFC000  }
0x3f: {  	s14 =	simm.s32 @p0 $0x1FC1;
	[bflag:$0x0] =	sbarrier.arrive $0xFFFF  }
0x40: {  	[hbm:s12], [sflag:s14] =	dma.local @p0 [spmem:s9], $0x2080  }
0x41: {  	s14 =	simm.s32 @p0 $0x1  }
0x42: {  	s3 =	sadd.s32 $0x1, s3;
	_ =	swait.ge @p0 [sflag:s14], $0x2080  }
0x43: {  	p1 =	sne.s32 s3, s6;
	[sflag:s14] =	ssyncset.done @p0 $0x0  }
.Ltmp1:
0x44: {  	[sflag:s14] =	ssyncadd.s32 @p0 $0xFFFFDF80;
	s14 =	simm.s32 @!p0 $0x1;
	(pc) =	sbr.rel @p1 .LBB2_1-.Ltmp1, $4  }
0x45: {  	[hbm:s13], [sflag:s10] =	dma.local @!p0 [spmem:s11], $0x2780  }
0x46: {  	_ =	swait.ge @!p0 [sflag:s14], $0x2780  }
0x47: {  	[sflag:s14] =	ssyncset.done @!p0 $0x0  }
0x48: {  	[sflag:s14] =	ssyncadd.s32 @!p0 $0xFFFFD880  }
0x49: {  	_ =	sfence.sel $0x180000  }
0x4a: {  	[bflag:$0x0] =	sbarrier.arrive $0xFFFF  }
0x4b: {  	p0 =	sne.s32 s1, $0x0;
	_ =	strace $0x9000004A  }
0x4c: {  	s0 =	sadd.s32 @!p0 $0x100000, s0;
	[bflag:$0x2] =	sbarrier.arrive $0xFFFF  }
0x4d: {  	[sflag:s0] =	ssyncadd.tile.s32 @!p0 $0x1;
	_ =	shalt  }
.Lfunc_end2:
_tile_overlayer_lowered:
.L_overlay_start_2:
0x4e: {  	(tag) =	ssettag $0x2  }
0x4f: {  	s0 =	rddreg [dreg:$0x0];
	s2 =	stileid.u32  }
0x50: {  	s1 =	rddreg [dreg:$0x1];
	p0 =	sne.s32 s2, $0x0  }
0x51: {  	s3 =	rddreg [dreg:$0x2];
	[bflag:$0x3] =	sbarrier.arrive $0xFFFF;
	s2 =	simm.s32 @!p0 $0x1C01  }
0x52: {  	[timem:s3], [sflag:s2] =	dma.local @!p0 [hbm:s0], s1  }
0x53: {  	s0 =	simm.s32 @!p0 $0x1  }
0x54: {  	_ =	swait.ge @!p0 [sflag:s0], s1  }
0x55: {  	s1 =	ssub.s32 @!p0 $0x0, s1;
	[sflag:s0] =	ssyncset.done @!p0 $0x0  }
0x56: {  	[sflag:s0] =	ssyncadd.s32 @!p0 s1  }
0x57: {  	[bflag:$0x3] =	sbarrier.arrive $0xFFFF  }
0x58: {  	_ =	shalt  }

// kernel: kernel.34.cloned.1.call-start
scs
__scs_entry_jumppad:
0x0: {  	(pc) =	sbr.rel $0x88, $3  }
0x1: {  	(tag) =	ssettag $0x0;
	lr =	simm.s32 $0x1  }
0x2: {  	[smem:$0x3F93] =	sst lr;
	_ =	strace $0xD0000000  }
0x3: {  	_ = 	snop  }
0x4: {  	_ = 	snop  }
0x5: {  	_ = 	snop  }
0x6: {  	_ = 	snop  }
0x7: {  	_ = 	snop  }
__scs_overlays_trampoline_lowered:
0x8: {  	[smem:$0x3FA2] =	sst s0  }
0x9: {  	[smem:$0x3FA3] =	sst s1  }
0xa: {  	[smem:$0x3FA4] =	sst s2  }
0xb: {  	[smem:$0x3FA5] =	sst s3  }
0xc: {  	[smem:$0x3FA6] =	sst s4  }
0xd: {  	[smem:$0x3FA7] =	sst s5  }
0xe: {  	[smem:$0x3FA8] =	sst s6  }
0xf: {  	[smem:$0x3FA9] =	sst s7  }
0x10: {  	[smem:$0x3FAA] =	sst s8  }
0x11: {  	[smem:$0x3FAB] =	sst s9;
	s0 =	simm.s32 @!p0 $0x0  }
0x12: {  	s1 =	sld [smem:$0x3F91];
	s0 =	simm.s32 @p0 $0x1  }
0x13: {  	[smem:$0x3FAC] =	sst s0;
	s0 =	simm.s32 @!p1 $0x0  }
0x14: {  	s2 =	sld [smem:$0x3F90];
	s0 =	simm.s32 @p1 $0x1  }
0x15: {  	[smem:$0x3FAD] =	sst s0;
	s0 =	simm.s32 @!p2 $0x0  }
0x16: {  	s3 =	sld [smem:$0x3FDB];
	s0 =	simm.s32 @p2 $0x1  }
0x17: {  	s4 =	simm.s32 $0x1BF5;
	[smem:$0x3FAF] =	sst s0  }
0x18: {  	s0 =	sld [smem:$0x3F92];
	_ =	swait.ge [sflag:s4], $0x0  }
0x19: {  	s7 =	sld [smem:$0x3F93]  }
0x1a: {  	s8 =	sadd.s32 $0xFFFFE003, lr  }
0x1b: {  	s9 =	sadd.s32 $0xFFFFFEF7, lr;
	s5 =	simm.s32 $0xFFFFFFFF;
	p2 =	slt.u32 s8, $0xFFFFF086  }
0x1c: {  	p1 =	slt.u32 s9, $0xF7A;
	s5 =	simm.s32 @!p2 $0x0  }
0x1d: {  	s5 =	simm.s32 @p1 $0x1;
	p0 =	seq.s32 s7, s2  }
0x1e: {  	s7 =	smul.u32 @!p0 $0xF7A, s2;
	p2 =	seq.s32 @!p0 s5, $0x0  }
0x1f: {  	s9 =	smul.u32 $0xF7A, s1;
	s8 =	simm.s32 @!p0 $0x1BF5;
	p2 =	por !p2, p0  }
0x20: {  	[sflag:s8] =	ssyncset.s32 @!p0 $0xFFFFF086;
	s6 =	sadd.s32 @!p0 s3, s7;
	s7 =	simm.s32 @!p0 $0x108  }
0x21: {  	s3 =	sadd.s32 s3, s9;
	s6 =	sadd.s32 @!p0 $0x88, s6;
	s7 =	simm.s32 @p2 $0x1082  }
0x22: {  	[simem:s7], [sflag:s8] =	dma.local @!p0 [hbm:s6], $0xF7A  }
0x23: {  	s9 =	sor.u32 $0xD0000000, s2;
	s6 =	simm.s32 $0x108;
	_ =	swait.ge @!p0 [sflag:s8], $0x0  }
0x24: {  	s3 =	sadd.s32 $0x88, s3;
	s6 =	simm.s32 @!p1 $0x1082;
	[sflag:s4] =	ssyncset.s32 $0xFFFFF086  }
0x25: {  	[simem:s6], [sflag:s4] =	dma.local [hbm:s3], $0xF7A  }
0x26: {  	[smem:$0x3F93] =	sst s1;
	(tag) =	ssettag s2;
	_ =	strace s9  }
0x27: {  	s1 =	sld [smem:$0x3FA3]  }
0x28: {  	s2 =	sld [smem:$0x3FA4]  }
0x29: {  	s4 =	sld [smem:$0x3FA6]  }
0x2a: {  	p0 =	seq.s32 s5, $0x0;
	s5 =	sld [smem:$0x3FA7]  }
0x2b: {  	s6 =	sld [smem:$0x3FA8]  }
0x2c: {  	s7 =	sld [smem:$0x3FA9]  }
0x2d: {  	s3 =	simm.s32 $0x108;
	s8 =	sld [smem:$0x3FAA]  }
0x2e: {  	s3 =	simm.s32 @!p0 $0x1082;
	s9 =	sld [smem:$0x3FAB]  }
0x2f: {  	lr =	sadd.s32 s0, s3;
	s0 =	sld [smem:$0x3FA2]  }
0x30: {  	s3 =	sld [smem:$0x3FA5]  }
0x31: {  	[smem:$0x3FAE] =	sst s10  }
0x32: {  	s10 =	sld [smem:$0x3FAC];
	_ =	sdelay $0x3  }
0x33: {  	p0 =	seq.s32 s10, $0x1;
	s10 =	sld [smem:$0x3FAE];
	_ =	sdelay $0x3  }
0x34: {  	[smem:$0x3FAE] =	sst s10  }
0x35: {  	s10 =	sld [smem:$0x3FAD];
	_ =	sdelay $0x3  }
0x36: {  	p1 =	seq.s32 s10, $0x1;
	s10 =	sld [smem:$0x3FAE];
	_ =	sdelay $0x3  }
0x37: {  	[smem:$0x3FAE] =	sst s10  }
0x38: {  	s10 =	sld [smem:$0x3FAF]  }
0x39: {  	_ = 	snop;
	(pc) =	sbr.ind lr, $3  }
0x3a: {  	_ = 	snop  }
0x3b: {  	_ = 	snop  }
0x3c: {  	p2 =	seq.s32 s10, $0x1;
	s10 =	sld [smem:$0x3FAE]  }
0x3d: {  	_ =	shalt  }
0x3e: {  	_ =	shalt  }
0x3f: {  	_ =	shalt  }
0x40: {  	_ =	shalt  }
0x41: {  	_ =	shalt  }
0x42: {  	_ =	shalt  }
0x43: {  	_ =	shalt  }
0x44: {  	_ =	shalt  }
0x45: {  	_ =	shalt  }
0x46: {  	_ =	shalt  }
0x47: {  	_ =	shalt  }
0x48: {  	_ =	shalt  }
0x49: {  	_ =	shalt  }
0x4a: {  	_ =	shalt  }
0x4b: {  	_ =	shalt  }
0x4c: {  	_ =	shalt  }
0x4d: {  	_ =	shalt  }
0x4e: {  	_ =	shalt  }
0x4f: {  	_ =	shalt  }
0x50: {  	_ =	shalt  }
0x51: {  	_ =	shalt  }
0x52: {  	_ =	shalt  }
0x53: {  	_ =	shalt  }
0x54: {  	_ =	shalt  }
0x55: {  	_ =	shalt  }
0x56: {  	_ =	shalt  }
0x57: {  	_ =	shalt  }
0x58: {  	_ =	shalt  }
0x59: {  	_ =	shalt  }
0x5a: {  	_ =	shalt  }
0x5b: {  	_ =	shalt  }
0x5c: {  	_ =	shalt  }
0x5d: {  	_ =	shalt  }
0x5e: {  	_ =	shalt  }
0x5f: {  	_ =	shalt  }
0x60: {  	_ =	shalt  }
0x61: {  	_ =	shalt  }
0x62: {  	_ =	shalt  }
0x63: {  	_ =	shalt  }
0x64: {  	_ =	shalt  }
0x65: {  	_ =	shalt  }
0x66: {  	_ =	shalt  }
0x67: {  	_ =	shalt  }
0x68: {  	_ =	shalt  }
0x69: {  	_ =	shalt  }
0x6a: {  	_ =	shalt  }
0x6b: {  	_ =	shalt  }
0x6c: {  	_ =	shalt  }
0x6d: {  	_ =	shalt  }
0x6e: {  	_ =	shalt  }
0x6f: {  	_ =	shalt  }
0x70: {  	_ =	shalt  }
0x71: {  	_ =	shalt  }
0x72: {  	_ =	shalt  }
0x73: {  	_ =	shalt  }
0x74: {  	_ =	shalt  }
0x75: {  	_ =	shalt  }
0x76: {  	_ =	shalt  }
0x77: {  	_ =	shalt  }
0x78: {  	_ =	shalt  }
0x79: {  	_ =	shalt  }
0x7a: {  	_ =	shalt  }
0x7b: {  	_ =	shalt  }
0x7c: {  	_ =	shalt  }
0x7d: {  	_ =	shalt  }
0x7e: {  	_ =	shalt  }
0x7f: {  	_ =	shalt  }
0x80: {  	_ =	shalt  }
0x81: {  	_ =	shalt  }
0x82: {  	_ =	shalt  }
0x83: {  	_ =	shalt  }
0x84: {  	_ =	shalt  }
0x85: {  	_ =	shalt  }
0x86: {  	_ =	shalt  }
0x87: {  	_ =	shalt  }
.Lfunc_end0:
.L_simem_size_0:
called_computation.2_lowered:
.L_overlay_start_0:
0x88: {  	s2 =	sld [smem:$0x3FD9]  }
0x89: {  	s3 =	sld [smem:$0x3FFE];
	_ =	sdelay $0x1  }
0x8a: {  	s1 =	srdreg.scid  }
0x8b: {  	s0 =	sand.u32 $0x1, s1  }
0x8c: {  	s16 =	sshll.u32 s0, $0xA;
	s2 =	sadd.s32 s3, s2  }
0x8d: {  	s2 =	sadd.s32 s2, s16  }
0x8e: {  	[smem:$0x3FBA] =	sst s2  }
0x8f: {  	_ = 	snop  }
0x90: {  	(tm) =	ssettm $0x1  }
0x91: {  	s17 =	sld [smem:$0x3FFB];
	_ =	sdelay $0x3  }
0x92: {  	_ =	strace s17  }
0x93: {  	s2 =	sld [smem:$0x3FFC];
	_ =	sdelay $0x3  }
0x94: {  	_ =	strace s2  }
0x95: {  	s2 =	sld [smem:$0x3FFD];
	_ =	sdelay $0x3  }
0x96: {  	_ =	strace s2  }
0x97: {  	_ =	strace $0x8FFFFFFF  }
0x98: {  	s18 =	sld [smem:$0x3FDB];
	_ =	sdelay $0x1  }
0x99: {  	s19 =	simm.s32 $_scs_section_size  }
0x9a: {  	s4 =	simm.s32 $_size__tile_overlayer_lowered;
	s5 =	simm.s32 $_tile_overlayer_lowered  }
0x9b: {  	s22 =	simm.s32 $0x1BFF;
	s21 =	sshll.u32 s5, $0x1;
	s2 =	sadd.s32 s19, s18  }
0x9c: {  	s6 =	simm.s32 $0x0;
	s20 =	sshll.u32 s4, $0x1;
	s4 =	sadd.s32 s21, s2  }
0x9d: {  	[timem:s6], [sflag:s22] =	dma.local [hbm:s4], s20  }
0x9e: {  	_ =	swait.ge [sflag:s22], s20  }
0x9f: {  	s3 =	ssub.s32 $0x0, s20;
	[sflag:s22] =	ssyncset.done $0x0  }
0xa0: {  	[sflag:s22] =	ssyncadd.s32 s3;
	_ =	sdelay $0x1  }
0xa1: {  	s23 =	simm.s32 $0x1B8B  }
0xa2: {  	_ =	swait.ge [sflag:s23], $0x1  }
0xa3: {  	[sflag:s23] =	ssyncset.done $0x0  }
0xa4: {  	s25 =	simm.s32 $0x1B8E;
	s24 =	sld [smem:$0x3FFE];
	[sflag:s23] =	ssyncadd.s32 $0xFFFFFFFF  }
0xa5: {  	s26 =	simm.s32 $execute0_lowered;
	[smem:$0x3FD2] =	sst s25  }
0xa6: {  	s4 =	sshll.u32 s26, $0x1;
	_ =	strace $0x8000004C;
	[dreg:$0x1] =	wrdreg $0xFFFFFFFF  }
0xa7: {  	s28 =	simm.s32 $_size_execute0_lowered;
	s2 =	sadd.s32 s2, s4;
	[dreg:$0x0] =	wrdreg $0x0  }
0xa8: {  	s4 =	sshll.u32 s28, $0x1;
	[dreg:$0x2] =	wrdreg s2  }
0xa9: {  	[dreg:$0x3] =	wrdreg s4  }
0xaa: {  	[dreg:$0x4] =	wrdreg $0xC0  }
0xab: {  	_ =	task [dreg:s6], $0x5FFFF  }
0xac: {  	[dreg:$0x1] =	wrdreg $0xFFFFFFFF  }
0xad: {  	[dreg:$0x0] =	wrdreg $0x60  }
0xae: {  	[dreg:$0x2] =	wrdreg s24  }
0xaf: {  	[dreg:$0x3] =	wrdreg $0x9  }
0xb0: {  	_ =	task.clear_ibuf [dreg:s6], $0x4FFFF;
	_ =	strace $0x9000004C  }
0xb1: {  	s29 =	simm.s32 $0x9;
	_ =	strace $0x8000004E  }
0xb2: {  	_ =	swait.ge [sflag:s29], $0x1  }
0xb3: {  	[sflag:s29] =	ssyncadd.s32 $0xFFFFFFFF  }
0xb4: {  	_ =	strace $0x9000004E  }
0xb5: {  	_ =	sfence  }
0xb6: {  	s30 =	sld [smem:$0x0];
	_ =	sdelay $0x2  }
0xb7: {  	s31 =	sshll.u32 s1, $0xD;
	s1 =	sshrl.u32 s1, $0x2  }
0xb8: {  	s3 =	sand.u32 $0x4000, s31;
	s1 =	sadd.s32 s1, s30  }
0xb9: {  	s0 =	sor.u32 s3, s0;
	s1 =	sshll.u32 s1, $0x11  }
0xba: {  	s0 =	sor.u32 s1, s0  }
0xbb: {  	s0 =	sadd.s32 $0x8F2B, s0  }
0xbc: {  	[sflag:s0] =	ssyncadd.remote.s32 $0x1  }
0xbd: {  	_ =	sfence.sel $0xFFFF  }
0xbe: {  	[dreg:$0x0] =	wrdreg $0xFFFFFFFF;
	(pc) =	sbr.abs _section_cstart, $3  }
0xbf: {  	[dreg:$0x1] =	wrdreg $0xFFFFFFFF  }
0xc0: {  	_ =	task.clear_ibuf [dreg:s6], $0x2FFFF;
	_ =	strace $0x9FFFFFFF  }
0xc1: {  	(tm) =	ssettm $0x7FFFFFFF  }
tec
execute0_lowered:
.L_overlay_start_1:
0x0: {  	(tag) =	ssettag $0x1  }
0x1: {  	s4 =	rddreg [dreg:$0x0]  }
0x2: {  	s0 =	rddreg [dreg:$0x1];
	s1 =	simm.s32 $0x0;
	s5 =	srdreg.scid  }
0x3: {  	s2 =	stileid.u32;
	[smem:$0x7FF] =	sst s1  }
0x4: {  	s3 =	sadd.s32 $0x10200, s4;
	s5 =	sand.u32 $0x1, s5;
	s6 =	sshll.u32 s2, $0x5  }
0x5: {  	s7 =	sshll.u32 s2, $0xC;
	_ =	strace $0x8000004D;
	s8 =	ssub.s32 $0x2, s5  }
0x6: {  	s6 =	sadd.s32 s6, s4;
	s7 =	sadd.s32 s7, s4;
	s9 =	sshll.u32 s5, $0xB  }
0x7: {  	s5 =	sshll.u32 s5, $0x4;
	s4 =	sshll.u32 s2, $0x1;
	s30 =	sshrl.u32 s8, $0x1  }
0x8: {  	s7 =	sadd.s32 s9, s7;
	s31 =	sadd.s32 s5, s6;
	s8 =	ssub.s32 s8, s30  }
0x9: {  	s6 =	sadd.s32 $0x2A8C00, s7;
	s7 =	sadd.s32 $0xB200, s31;
	s5 =	smax.u32 s8, $0x1  }
.LBB2_1:
0xa: {  	s8 =	sadd.s32 $0x0, s4  }
0xb: {  	p0 =	sgt.u32 s8, $0x4E1  }
0xc: {  	s8 =	simm.s32 @!p0 $0x0;
	s9 =	simm.s32 @!p0 $0x3  }
0xd: {  	[tilespmem:s8], [sflag:$0x3] =	stream.linear.gather @!p0 [hbm4b:s7+s8], $0x80, $0x38;
	[tilespmem:$0x4080] =	vst v63  }
0xe: {  	_ =	swait.ge @!p0 [sflag:s9], $0x80  }
0xf: {  	[sflag:s9] =	ssyncset.done @!p0 $0x0;
	p0 =	por p0, p0  }
0x10: {  	[sflag:s9] =	ssyncadd.s32 @!p0 $0xFFFFFF80;
	s10 =	simm.s32 @!p0 $0x80;
	s11 =	simm.s32 @!p0 $0x1  }
0x11: {  	[tilespmem:s10], [sflag:$0x1] =	stream.indirect.gather @!p0 [hbm4b:s3+s10], $0x80, s8, s10, $0xb8;
	[tilespmem:$0x4080] =	vst v63  }
0x12: {  	_ =	swait.ge @!p0 [sflag:s11], $0x4000  }
0x13: {  	[sflag:s11] =	ssyncset.done @!p0 $0x0  }
0x14: {  	s31 =	sadd.s32 $0x20, s4;
	[sflag:s11] =	ssyncadd.s32 @!p0 $0xFFFFC000;
	s11 =	simm.s32 @!p0 $0x2  }
0x15: {  	[hbm4b:s6+s8] =	stream.linear.scatter @!p0 [tilespmem:s10], [sflag:$0x2], $0x4000, $0x38;
	[tilespmem:$0x4080] =	vst v63  }
0x16: {  	p1 =	sgt.u32 s31, $0x4E1;
	s9 =	simm.s32 $0x40;
	_ =	swait.ge @!p0 [sflag:s11], $0x4000  }
0x17: {  	s10 =	sadd.s32 $0x200, s7;
	s8 =	sadd.s32 $0x10000, s6;
	[sflag:s11] =	ssyncset.done @!p0 $0x0  }
.LBB2_2:
0x18: {  	s12 =	simm.s32 @!p1 $0x0;
	s13 =	simm.s32 @!p1 $0x3;
	[sflag:s11] =	ssyncadd.s32 @!p0 $0xFFFFC000  }
0x19: {  	[tilespmem:s12], [sflag:$0x3] =	stream.linear.gather @!p1 [hbm4b:s10+s12], $0x80, $0x38;
	[tilespmem:$0x4080] =	vst v63  }
0x1a: {  	s14 =	smov.u32 s9;
	s9 =	sadd.s32 $0x20, s9;
	_ =	swait.ge @!p1 [sflag:s13], $0x80  }
0x1b: {  	p0 =	por p1, p1;
	p2 =	sne.s32 s9, $0x500;
	[sflag:s13] =	ssyncset.done @!p1 $0x0  }
0x1c: {  	s11 =	simm.s32 @!p0 $0x1;
	[sflag:s13] =	ssyncadd.s32 @!p0 $0xFFFFFF80;
	s13 =	simm.s32 @!p0 $0x80  }
0x1d: {  	[tilespmem:s13], [sflag:$0x1] =	stream.indirect.gather @!p0 [hbm4b:s3+s13], $0x80, s12, s13, $0xb8;
	[tilespmem:$0x4080] =	vst v63  }
0x1e: {  	_ =	swait.ge @!p0 [sflag:s11], $0x4000  }
.Ltmp0:
0x1f: {  	[sflag:s11] =	ssyncset.done @!p0 $0x0;
	(pc) =	sbr.rel @p2 .LBB2_2-.Ltmp0, $4  }
0x20: {  	[sflag:s11] =	ssyncadd.s32 @!p0 $0xFFFFC000;
	s11 =	simm.s32 @!p0 $0x2  }
0x21: {  	[hbm4b:s8+s12] =	stream.linear.scatter @!p0 [tilespmem:s13], [sflag:$0x2], $0x4000, $0x38;
	[tilespmem:$0x4080] =	vst v63  }
0x22: {  	s10 =	sadd.s32 $0x200, s10;
	s12 =	sadd.s32 s14, s4;
	_ =	swait.ge @!p0 [sflag:s11], $0x4000  }
0x23: {  	s8 =	sadd.s32 $0x10000, s8;
	p1 =	sgt.u32 s12, $0x4E1;
	[sflag:s11] =	ssyncset.done @!p0 $0x0  }
0x24: {  	s9 =	simm.s32 @!p1 $0x0;
	s12 =	simm.s32 @!p1 $0x3;
	[sflag:s11] =	ssyncadd.s32 @!p0 $0xFFFFC000  }
0x25: {  	[tilespmem:s9], [sflag:$0x3] =	stream.linear.gather @!p1 [hbm4b:s10+s9], $0x80, $0x38;
	[tilespmem:$0x4080] =	vst v63  }
0x26: {  	_ =	swait.ge @!p1 [sflag:s12], $0x80  }
0x27: {  	p0 =	por p1, p1;
	[sflag:s12] =	ssyncset.done @!p1 $0x0  }
0x28: {  	s10 =	simm.s32 @!p0 $0x80;
	s11 =	simm.s32 @!p0 $0x1;
	[sflag:s12] =	ssyncadd.s32 @!p0 $0xFFFFFF80  }
0x29: {  	[tilespmem:s10], [sflag:$0x1] =	stream.indirect.gather @!p0 [hbm4b:s3+s10], $0x80, s9, s10, $0xb8;
	[tilespmem:$0x4080] =	vst v63  }
0x2a: {  	s1 =	sadd.s32 $0x1, s1;
	_ =	swait.ge @!p0 [sflag:s11], $0x4000  }
0x2b: {  	p1 =	sne.s32 s1, s5;
	[sflag:s11] =	ssyncset.done @!p0 $0x0  }
.Ltmp1:
0x2c: {  	[sflag:s11] =	ssyncadd.s32 @!p0 $0xFFFFC000;
	s11 =	simm.s32 @!p0 $0x2;
	(pc) =	sbr.rel @p1 .LBB2_1-.Ltmp1, $4  }
0x2d: {  	[hbm4b:s8+s9] =	stream.linear.scatter @!p0 [tilespmem:s10], [sflag:$0x2], $0x4000, $0x38;
	[tilespmem:$0x4080] =	vst v63  }
0x2e: {  	_ =	swait.ge @!p0 [sflag:s11], $0x4000  }
0x2f: {  	[sflag:s11] =	ssyncset.done @!p0 $0x0  }
0x30: {  	[sflag:s11] =	ssyncadd.s32 @!p0 $0xFFFFC000  }
0x31: {  	_ =	sfence.sel $0x180000  }
0x32: {  	[bflag:$0x0] =	sbarrier.arrive $0xFFFF  }
0x33: {  	p0 =	sne.s32 s2, $0x0;
	_ =	strace $0x9000004D  }
0x34: {  	s0 =	sadd.s32 @!p0 $0x100000, s0;
	[bflag:$0x2] =	sbarrier.arrive $0xFFFF  }
0x35: {  	[sflag:s0] =	ssyncadd.tile.s32 @!p0 $0x1;
	_ =	shalt  }
.Lfunc_end2:
_tile_overlayer_lowered:
.L_overlay_start_2:
0x36: {  	(tag) =	ssettag $0x2  }
0x37: {  	s0 =	rddreg [dreg:$0x0];
	s2 =	stileid.u32  }
0x38: {  	s1 =	rddreg [dreg:$0x1];
	p0 =	sne.s32 s2, $0x0  }
0x39: {  	s3 =	rddreg [dreg:$0x2];
	[bflag:$0x3] =	sbarrier.arrive $0xFFFF;
	s2 =	simm.s32 @!p0 $0x1C02  }
0x3a: {  	[timem:s3], [sflag:s2] =	dma.local @!p0 [hbm:s0], s1  }
0x3b: {  	s0 =	simm.s32 @!p0 $0x2  }
0x3c: {  	_ =	swait.ge @!p0 [sflag:s0], s1  }
0x3d: {  	s1 =	ssub.s32 @!p0 $0x0, s1;
	[sflag:s0] =	ssyncset.done @!p0 $0x0  }
0x3e: {  	[sflag:s0] =	ssyncadd.s32 @!p0 s1  }
0x3f: {  	[bflag:$0x3] =	sbarrier.arrive $0xFFFF  }
0x40: {  	_ =	shalt  }

// kernel: kernel.37.cloned.1.call-start
scs
__scs_entry_jumppad:
0x0: {  	(pc) =	sbr.rel $0x88, $3  }
0x1: {  	(tag) =	ssettag $0x0;
	lr =	simm.s32 $0x1  }
0x2: {  	[smem:$0x3F93] =	sst lr;
	_ =	strace $0xD0000000  }
0x3: {  	_ = 	snop  }
0x4: {  	_ = 	snop  }
0x5: {  	_ = 	snop  }
0x6: {  	_ = 	snop  }
0x7: {  	_ = 	snop  }
__scs_overlays_trampoline_lowered:
0x8: {  	[smem:$0x3FA2] =	sst s0  }
0x9: {  	[smem:$0x3FA3] =	sst s1  }
0xa: {  	[smem:$0x3FA4] =	sst s2  }
0xb: {  	[smem:$0x3FA5] =	sst s3  }
0xc: {  	[smem:$0x3FA6] =	sst s4  }
0xd: {  	[smem:$0x3FA7] =	sst s5  }
0xe: {  	[smem:$0x3FA8] =	sst s6  }
0xf: {  	[smem:$0x3FA9] =	sst s7  }
0x10: {  	[smem:$0x3FAA] =	sst s8  }
0x11: {  	[smem:$0x3FAB] =	sst s9;
	s0 =	simm.s32 @!p0 $0x0  }
0x12: {  	s1 =	sld [smem:$0x3F91];
	s0 =	simm.s32 @p0 $0x1  }
0x13: {  	[smem:$0x3FAC] =	sst s0;
	s0 =	simm.s32 @!p1 $0x0  }
0x14: {  	s2 =	sld [smem:$0x3F90];
	s0 =	simm.s32 @p1 $0x1  }
0x15: {  	[smem:$0x3FAD] =	sst s0;
	s0 =	simm.s32 @!p2 $0x0  }
0x16: {  	s3 =	sld [smem:$0x3FDB];
	s0 =	simm.s32 @p2 $0x1  }
0x17: {  	s4 =	simm.s32 $0x1BF5;
	[smem:$0x3FAF] =	sst s0  }
0x18: {  	s0 =	sld [smem:$0x3F92];
	_ =	swait.ge [sflag:s4], $0x0  }
0x19: {  	s7 =	sld [smem:$0x3F93]  }
0x1a: {  	s8 =	sadd.s32 $0xFFFFE003, lr  }
0x1b: {  	s9 =	sadd.s32 $0xFFFFFEF7, lr;
	s5 =	simm.s32 $0xFFFFFFFF;
	p2 =	slt.u32 s8, $0xFFFFF086  }
0x1c: {  	p1 =	slt.u32 s9, $0xF7A;
	s5 =	simm.s32 @!p2 $0x0  }
0x1d: {  	s5 =	simm.s32 @p1 $0x1;
	p0 =	seq.s32 s7, s2  }
0x1e: {  	s7 =	smul.u32 @!p0 $0xF7A, s2;
	p2 =	seq.s32 @!p0 s5, $0x0  }
0x1f: {  	s9 =	smul.u32 $0xF7A, s1;
	s8 =	simm.s32 @!p0 $0x1BF5;
	p2 =	por !p2, p0  }
0x20: {  	[sflag:s8] =	ssyncset.s32 @!p0 $0xFFFFF086;
	s6 =	sadd.s32 @!p0 s3, s7;
	s7 =	simm.s32 @!p0 $0x108  }
0x21: {  	s3 =	sadd.s32 s3, s9;
	s6 =	sadd.s32 @!p0 $0x88, s6;
	s7 =	simm.s32 @p2 $0x1082  }
0x22: {  	[simem:s7], [sflag:s8] =	dma.local @!p0 [hbm:s6], $0xF7A  }
0x23: {  	s9 =	sor.u32 $0xD0000000, s2;
	s6 =	simm.s32 $0x108;
	_ =	swait.ge @!p0 [sflag:s8], $0x0  }
0x24: {  	s3 =	sadd.s32 $0x88, s3;
	s6 =	simm.s32 @!p1 $0x1082;
	[sflag:s4] =	ssyncset.s32 $0xFFFFF086  }
0x25: {  	[simem:s6], [sflag:s4] =	dma.local [hbm:s3], $0xF7A  }
0x26: {  	[smem:$0x3F93] =	sst s1;
	(tag) =	ssettag s2;
	_ =	strace s9  }
0x27: {  	s1 =	sld [smem:$0x3FA3]  }
0x28: {  	s2 =	sld [smem:$0x3FA4]  }
0x29: {  	s4 =	sld [smem:$0x3FA6]  }
0x2a: {  	p0 =	seq.s32 s5, $0x0;
	s5 =	sld [smem:$0x3FA7]  }
0x2b: {  	s6 =	sld [smem:$0x3FA8]  }
0x2c: {  	s7 =	sld [smem:$0x3FA9]  }
0x2d: {  	s3 =	simm.s32 $0x108;
	s8 =	sld [smem:$0x3FAA]  }
0x2e: {  	s3 =	simm.s32 @!p0 $0x1082;
	s9 =	sld [smem:$0x3FAB]  }
0x2f: {  	lr =	sadd.s32 s0, s3;
	s0 =	sld [smem:$0x3FA2]  }
0x30: {  	s3 =	sld [smem:$0x3FA5]  }
0x31: {  	[smem:$0x3FAE] =	sst s10  }
0x32: {  	s10 =	sld [smem:$0x3FAC];
	_ =	sdelay $0x3  }
0x33: {  	p0 =	seq.s32 s10, $0x1;
	s10 =	sld [smem:$0x3FAE];
	_ =	sdelay $0x3  }
0x34: {  	[smem:$0x3FAE] =	sst s10  }
0x35: {  	s10 =	sld [smem:$0x3FAD];
	_ =	sdelay $0x3  }
0x36: {  	p1 =	seq.s32 s10, $0x1;
	s10 =	sld [smem:$0x3FAE];
	_ =	sdelay $0x3  }
0x37: {  	[smem:$0x3FAE] =	sst s10  }
0x38: {  	s10 =	sld [smem:$0x3FAF]  }
0x39: {  	_ = 	snop;
	(pc) =	sbr.ind lr, $3  }
0x3a: {  	_ = 	snop  }
0x3b: {  	_ = 	snop  }
0x3c: {  	p2 =	seq.s32 s10, $0x1;
	s10 =	sld [smem:$0x3FAE]  }
0x3d: {  	_ =	shalt  }
0x3e: {  	_ =	shalt  }
0x3f: {  	_ =	shalt  }
0x40: {  	_ =	shalt  }
0x41: {  	_ =	shalt  }
0x42: {  	_ =	shalt  }
0x43: {  	_ =	shalt  }
0x44: {  	_ =	shalt  }
0x45: {  	_ =	shalt  }
0x46: {  	_ =	shalt  }
0x47: {  	_ =	shalt  }
0x48: {  	_ =	shalt  }
0x49: {  	_ =	shalt  }
0x4a: {  	_ =	shalt  }
0x4b: {  	_ =	shalt  }
0x4c: {  	_ =	shalt  }
0x4d: {  	_ =	shalt  }
0x4e: {  	_ =	shalt  }
0x4f: {  	_ =	shalt  }
0x50: {  	_ =	shalt  }
0x51: {  	_ =	shalt  }
0x52: {  	_ =	shalt  }
0x53: {  	_ =	shalt  }
0x54: {  	_ =	shalt  }
0x55: {  	_ =	shalt  }
0x56: {  	_ =	shalt  }
0x57: {  	_ =	shalt  }
0x58: {  	_ =	shalt  }
0x59: {  	_ =	shalt  }
0x5a: {  	_ =	shalt  }
0x5b: {  	_ =	shalt  }
0x5c: {  	_ =	shalt  }
0x5d: {  	_ =	shalt  }
0x5e: {  	_ =	shalt  }
0x5f: {  	_ =	shalt  }
0x60: {  	_ =	shalt  }
0x61: {  	_ =	shalt  }
0x62: {  	_ =	shalt  }
0x63: {  	_ =	shalt  }
0x64: {  	_ =	shalt  }
0x65: {  	_ =	shalt  }
0x66: {  	_ =	shalt  }
0x67: {  	_ =	shalt  }
0x68: {  	_ =	shalt  }
0x69: {  	_ =	shalt  }
0x6a: {  	_ =	shalt  }
0x6b: {  	_ =	shalt  }
0x6c: {  	_ =	shalt  }
0x6d: {  	_ =	shalt  }
0x6e: {  	_ =	shalt  }
0x6f: {  	_ =	shalt  }
0x70: {  	_ =	shalt  }
0x71: {  	_ =	shalt  }
0x72: {  	_ =	shalt  }
0x73: {  	_ =	shalt  }
0x74: {  	_ =	shalt  }
0x75: {  	_ =	shalt  }
0x76: {  	_ =	shalt  }
0x77: {  	_ =	shalt  }
0x78: {  	_ =	shalt  }
0x79: {  	_ =	shalt  }
0x7a: {  	_ =	shalt  }
0x7b: {  	_ =	shalt  }
0x7c: {  	_ =	shalt  }
0x7d: {  	_ =	shalt  }
0x7e: {  	_ =	shalt  }
0x7f: {  	_ =	shalt  }
0x80: {  	_ =	shalt  }
0x81: {  	_ =	shalt  }
0x82: {  	_ =	shalt  }
0x83: {  	_ =	shalt  }
0x84: {  	_ =	shalt  }
0x85: {  	_ =	shalt  }
0x86: {  	_ =	shalt  }
0x87: {  	_ =	shalt  }
.Lfunc_end0:
.L_simem_size_0:
called_computation.3_lowered:
.L_overlay_start_0:
0x88: {  	s2 =	sld [smem:$0x3FD9]  }
0x89: {  	s3 =	sld [smem:$0x3FFE];
	_ =	sdelay $0x1  }
0x8a: {  	s1 =	srdreg.scid  }
0x8b: {  	s0 =	sand.u32 $0x1, s1  }
0x8c: {  	s17 =	sshll.u32 s0, $0xA;
	s2 =	sadd.s32 s3, s2  }
0x8d: {  	s2 =	sadd.s32 s2, s17  }
0x8e: {  	[smem:$0x3FBA] =	sst s2  }
0x8f: {  	_ = 	snop  }
0x90: {  	s2 =	sld [smem:$0x3FD0];
	(tm) =	ssettm $0x1  }
0x91: {  	s18 =	sld [smem:$0x3FFB];
	_ =	sdelay $0x3  }
0x92: {  	_ =	strace s18  }
0x93: {  	s3 =	sld [smem:$0x3FFC];
	_ =	sdelay $0x3  }
0x94: {  	_ =	strace s3  }
0x95: {  	s3 =	sld [smem:$0x3FFD];
	_ =	sdelay $0x3  }
0x96: {  	_ =	strace s3  }
0x97: {  	_ =	strace $0x8FFFFFFF  }
0x98: {  	s19 =	sld [smem:$0x3FDB];
	_ =	sdelay $0x1  }
0x99: {  	s4 =	simm.s32 $_scs_section_size  }
0x9a: {  	s5 =	simm.s32 $_size__tile_overlayer_lowered;
	s6 =	simm.s32 $_tile_overlayer_lowered  }
0x9b: {  	s22 =	simm.s32 $0x1BFF;
	s21 =	sshll.u32 s6, $0x1;
	s3 =	sadd.s32 s4, s19  }
0x9c: {  	s7 =	simm.s32 $0x0;
	s20 =	sshll.u32 s5, $0x1;
	s5 =	sadd.s32 s21, s3  }
0x9d: {  	[timem:s7], [sflag:s22] =	dma.local [hbm:s5], s20  }
0x9e: {  	_ =	swait.ge [sflag:s22], s20  }
0x9f: {  	s4 =	ssub.s32 $0x0, s20;
	[sflag:s22] =	ssyncset.done $0x0  }
0xa0: {  	[sflag:s22] =	ssyncadd.s32 s4;
	_ =	sdelay $0x1  }
0xa1: {  	s23 =	simm.s32 $0x1B8B  }
0xa2: {  	_ =	swait.ge [sflag:s23], $0x1  }
0xa3: {  	[sflag:s23] =	ssyncset.done $0x0  }
0xa4: {  	s25 =	simm.s32 $0x1B8E;
	s24 =	sld [smem:$0x3FFE];
	[sflag:s23] =	ssyncadd.s32 $0xFFFFFFFF  }
0xa5: {  	s26 =	simm.s32 $execute0_lowered;
	[smem:$0x3FD2] =	sst s25  }
0xa6: {  	s5 =	sshll.u32 s26, $0x1;
	_ =	strace $0x8000004F;
	[dreg:$0x1] =	wrdreg $0xFFFFFFFF  }
0xa7: {  	s28 =	simm.s32 $_size_execute0_lowered;
	s3 =	sadd.s32 s3, s5;
	[dreg:$0x0] =	wrdreg $0x0  }
0xa8: {  	s5 =	sshll.u32 s28, $0x1;
	[dreg:$0x2] =	wrdreg s3  }
0xa9: {  	[dreg:$0x3] =	wrdreg s5  }
0xaa: {  	[dreg:$0x4] =	wrdreg $0xC0  }
0xab: {  	_ =	task [dreg:s7], $0x5FFFF  }
0xac: {  	[dreg:$0x1] =	wrdreg $0xFFFFFFFF  }
0xad: {  	[dreg:$0x0] =	wrdreg $0x60  }
0xae: {  	[dreg:$0x2] =	wrdreg s24  }
0xaf: {  	[dreg:$0x3] =	wrdreg s2  }
0xb0: {  	[dreg:$0x4] =	wrdreg $0x40800  }
0xb1: {  	[dreg:$0x5] =	wrdreg $0x9  }
0xb2: {  	_ =	task.clear_ibuf [dreg:s7], $0x6FFFF;
	_ =	strace $0x9000004F  }
0xb3: {  	s29 =	simm.s32 $0x9;
	_ =	strace $0x80000051  }
0xb4: {  	_ =	swait.ge [sflag:s29], $0x1  }
0xb5: {  	[sflag:s29] =	ssyncadd.s32 $0xFFFFFFFF  }
0xb6: {  	_ =	strace $0x90000051  }
0xb7: {  	_ =	sfence  }
0xb8: {  	s30 =	sld [smem:$0x0];
	_ =	sdelay $0x2  }
0xb9: {  	s31 =	sshll.u32 s1, $0xD;
	s1 =	sshrl.u32 s1, $0x2  }
0xba: {  	s3 =	sand.u32 $0x4000, s31;
	s1 =	sadd.s32 s1, s30  }
0xbb: {  	s0 =	sor.u32 s3, s0;
	s1 =	sshll.u32 s1, $0x11  }
0xbc: {  	s0 =	sor.u32 s1, s0  }
0xbd: {  	s0 =	sadd.s32 $0x8F2B, s0  }
0xbe: {  	[sflag:s0] =	ssyncadd.remote.s32 $0x1  }
0xbf: {  	_ =	sfence.sel $0xFFFF  }
0xc0: {  	[dreg:$0x0] =	wrdreg $0xFFFFFFFF;
	(pc) =	sbr.abs _section_cstart, $3  }
0xc1: {  	[dreg:$0x1] =	wrdreg $0xFFFFFFFF  }
0xc2: {  	_ =	task.clear_ibuf [dreg:s7], $0x2FFFF;
	_ =	strace $0x9FFFFFFF  }
0xc3: {  	(tm) =	ssettm $0x7FFFFFFF  }
tec
execute0_lowered:
.L_overlay_start_1:
0x0: {  	(tag) =	ssettag $0x1  }
0x1: {  	s5 =	rddreg [dreg:$0x0]  }
0x2: {  	s8 =	rddreg [dreg:$0x1];
	s0 =	srdreg.scid  }
0x3: {  	s2 =	rddreg [dreg:$0x2];
	s1 =	stileid.u32;
	s3 =	simm.s32 $0x0  }
0x4: {  	s6 =	sand.u32 $0x1, s0;
	s0 =	rddreg [dreg:$0x3];
	s13 =	smul.u32 $0x2780, s1  }
0x5: {  	[smem:$0x7FF] =	sst s3;
	s9 =	smul.u32 $0x4F000, s1  }
0x6: {  	s14 =	sshll.u32 s1, $0xB;
	p0 =	seq.s32 s1, $0xF;
	s4 =	smul.u32 $0x138800, s6  }
0x7: {  	s31 =	sshll.u32 s1, $0x4;
	s7 =	smul.u32 $0x27100, s6;
	_ =	strace $0x80000050  }
0x8: {  	s11 =	ssub.s32 $0x2, s6;
	s30 =	smul.u32 $0x2710, s6;
	s28 =	sadd.s32 s13, s5  }
0x9: {  	s12 =	sshrl.u32 s11, $0x1;
	s9 =	sshrl.u32 s9, $0x2;
	s10 =	sadd.s32 s4, s5  }
0xa: {  	s7 =	sadd.s32 s7, s5;
	s11 =	ssub.s32 s11, s12;
	s12 =	sadd.s32 s9, s2  }
0xb: {  	s4 =	sadd.s32 $0x37400, s28;
	s9 =	sadd.s32 $0x128400, s2;
	s5 =	sadd.s32 $0x5C480, s5  }
0xc: {  	s8 =	sadd.s32 s30, s8;
	s15 =	sadd.s32 $0x5E600, s7;
	s29 =	sadd.s32 s14, s10  }
0xd: {  	s6 =	smax.u32 s11, $0x1;
	s11 =	sshll.u32 @!p0 s1, $0x6;
	s8 =	sadd.s32 s31, s8  }
0xe: {  	s9 =	sshrl.u32 @p0 s9, $0x3;
	s7 =	sadd.s32 $0xEDDC00, s29;
	s10 =	sor.u32 @!p0 $0x1C01, s11  }
0xf: {  	s11 =	sshrl.u32 @!p0 s12, $0x3;
	s12 =	sadd.s32 @p0 $0x25080, s15;
	s13 =	sadd.s32 @!p0 s13, s15  }
.LBB2_1:
0x10: {  	s14 =	simm.s32 @p0 $0x1FC1  }
0x11: {  	[spmem:s9], [sflag:s14] =	dma.local @p0 [hbm:s5], $0x2080  }
0x12: {  	s14 =	simm.s32 @p0 $0x1  }
0x13: {  	_ =	swait.ge @p0 [sflag:s14], $0x2080  }
0x14: {  	[sflag:s14] =	ssyncset.done @p0 $0x0  }
0x15: {  	[sflag:s14] =	ssyncadd.s32 @p0 $0xFFFFDF80;
	s14 =	simm.s32 @!p0 $0x1  }
0x16: {  	[spmem:s11], [sflag:s10] =	dma.local @!p0 [hbm:s4], $0x2780  }
0x17: {  	_ =	swait.ge @!p0 [sflag:s14], $0x2780  }
0x18: {  	s15 =	sadd.s32 $0x0, s1;
	[sflag:s14] =	ssyncset.done @!p0 $0x0  }
0x19: {  	p1 =	sgt.u32 s15, $0x270;
	[sflag:s14] =	ssyncadd.s32 @!p0 $0xFFFFD880  }
0x1a: {  	s16 =	simm.s32 @!p1 $0x2;
	s14 =	simm.s32 @!p1 $0x0;
	[bflag:$0x0] =	sbarrier.arrive $0xFFFF  }
0x1b: {  	[tilespmem:s14], [sflag:$0x2] =	stream.linear.gather @!p1 [hbm4b:s8+s14], $0x80, $0x38;
	[tilespmem:$0x17900] =	vst v63  }
0x1c: {  	_ =	swait.ge @!p1 [sflag:s16], $0x80  }
0x1d: {  	[sflag:s16] =	ssyncset.done @!p1 $0x0;
	p1 =	por p1, p1  }
0x1e: {  	[sflag:s16] =	ssyncadd.s32 @!p1 $0xFFFFFF80;
	s18 =	simm.s32 @!p1 $0x80  }
0x1f: {  	[tilespmem:s18], [sflag:$0x2] =	stream.linear.gather @!p1 [hbm4b:s7+s14], $0x4000, $0x38;
	[tilespmem:$0x17900] =	vst v63  }
0x20: {  	_ =	swait.ge @!p1 [sflag:s16], $0x4000  }
0x21: {  	[sflag:s16] =	ssyncset.done @!p1 $0x0  }
0x22: {  	s31 =	sadd.s32 $0x10, s1;
	s17 =	simm.s32 @!p1 $0x1;
	[sflag:s16] =	ssyncadd.s32 @!p1 $0xFFFFC000  }
0x23: {  	[spmem:s2] =	stream.indirect.scatter.add.f32 @!p1 [tilespmem:s18], [sflag:$0x1], $0x80, s14, s18, $0xb8;
	[tilespmem:$0x17900] =	vst v63  }
0x24: {  	s15 =	simm.s32 $0x20;
	p2 =	sgt.u32 s31, $0x270;
	_ =	swait.ge @!p1 [sflag:s17], $0x4000  }
0x25: {  	s16 =	sadd.s32 $0x100, s8;
	s14 =	sadd.s32 $0x8000, s7;
	[sflag:s17] =	ssyncset.done @!p1 $0x0  }
.LBB2_2:
0x26: {  	s18 =	simm.s32 @!p2 $0x0;
	s19 =	simm.s32 @!p2 $0x2;
	[sflag:s17] =	ssyncadd.s32 @!p1 $0xFFFFC000  }
0x27: {  	[tilespmem:s18], [sflag:$0x2] =	stream.linear.gather @!p2 [hbm4b:s16+s18], $0x80, $0x38;
	[tilespmem:$0x17900] =	vst v63  }
0x28: {  	s20 =	smov.u32 s15;
	s15 =	sadd.s32 $0x10, s15;
	_ =	swait.ge @!p2 [sflag:s19], $0x80  }
0x29: {  	p1 =	por p2, p2;
	p3 =	sne.s32 s15, $0x280;
	[sflag:s19] =	ssyncset.done @!p2 $0x0  }
0x2a: {  	s21 =	simm.s32 @!p1 $0x80;
	[sflag:s19] =	ssyncadd.s32 @!p1 $0xFFFFFF80  }
0x2b: {  	[tilespmem:s21], [sflag:$0x2] =	stream.linear.gather @!p1 [hbm4b:s14+s18], $0x4000, $0x38;
	[tilespmem:$0x17900] =	vst v63  }
0x2c: {  	_ =	swait.ge @!p1 [sflag:s19], $0x4000  }
.Ltmp0:
0x2d: {  	[sflag:s19] =	ssyncset.done @!p1 $0x0;
	(pc) =	sbr.rel @p3 .LBB2_2-.Ltmp0, $4  }
0x2e: {  	s17 =	simm.s32 @!p1 $0x1;
	[sflag:s19] =	ssyncadd.s32 @!p1 $0xFFFFC000  }
0x2f: {  	[spmem:s2] =	stream.indirect.scatter.add.f32 @!p1 [tilespmem:s21], [sflag:$0x1], $0x80, s18, s21, $0xb8;
	[tilespmem:$0x17900] =	vst v63  }
0x30: {  	s16 =	sadd.s32 $0x100, s16;
	s18 =	sadd.s32 s20, s1;
	_ =	swait.ge @!p1 [sflag:s17], $0x4000  }
0x31: {  	s14 =	sadd.s32 $0x8000, s14;
	p2 =	sgt.u32 s18, $0x270;
	[sflag:s17] =	ssyncset.done @!p1 $0x0  }
0x32: {  	s15 =	simm.s32 @!p2 $0x0;
	s18 =	simm.s32 @!p2 $0x2;
	[sflag:s17] =	ssyncadd.s32 @!p1 $0xFFFFC000  }
0x33: {  	[tilespmem:s15], [sflag:$0x2] =	stream.linear.gather @!p2 [hbm4b:s16+s15], $0x80, $0x38;
	[tilespmem:$0x17900] =	vst v63  }
0x34: {  	_ =	swait.ge @!p2 [sflag:s18], $0x80  }
0x35: {  	p1 =	por p2, p2;
	[sflag:s18] =	ssyncset.done @!p2 $0x0  }
0x36: {  	s16 =	simm.s32 @!p1 $0x80;
	[sflag:s18] =	ssyncadd.s32 @!p1 $0xFFFFFF80  }
0x37: {  	[tilespmem:s16], [sflag:$0x2] =	stream.linear.gather @!p1 [hbm4b:s14+s15], $0x4000, $0x38;
	[tilespmem:$0x17900] =	vst v63  }
0x38: {  	_ =	swait.ge @!p1 [sflag:s18], $0x4000  }
0x39: {  	[sflag:s18] =	ssyncset.done @!p1 $0x0  }
0x3a: {  	s14 =	simm.s32 @!p1 $0x1;
	[sflag:s18] =	ssyncadd.s32 @!p1 $0xFFFFC000  }
0x3b: {  	[spmem:s2] =	stream.indirect.scatter.add.f32 @!p1 [tilespmem:s16], [sflag:$0x1], $0x80, s15, s16, $0xb8;
	[tilespmem:$0x17900] =	vst v63  }
0x3c: {  	_ =	swait.ge @!p1 [sflag:s14], $0x4000  }
0x3d: {  	[sflag:s14] =	ssyncset.done @!p1 $0x0  }
0x3e: {  	[sflag:s14] =	ssyncadd.s32 @!p1 $0xFFFFC000  }
0x3f: {  	s14 =	simm.s32 @p0 $0x1FC1;
	[bflag:$0x0] =	sbarrier.arrive $0xFFFF  }
0x40: {  	[hbm:s12], [sflag:s14] =	dma.local @p0 [spmem:s9], $0x2080  }
0x41: {  	s14 =	simm.s32 @p0 $0x1  }
0x42: {  	s3 =	sadd.s32 $0x1, s3;
	_ =	swait.ge @p0 [sflag:s14], $0x2080  }
0x43: {  	p1 =	sne.s32 s3, s6;
	[sflag:s14] =	ssyncset.done @p0 $0x0  }
.Ltmp1:
0x44: {  	[sflag:s14] =	ssyncadd.s32 @p0 $0xFFFFDF80;
	s14 =	simm.s32 @!p0 $0x1;
	(pc) =	sbr.rel @p1 .LBB2_1-.Ltmp1, $4  }
0x45: {  	[hbm:s13], [sflag:s10] =	dma.local @!p0 [spmem:s11], $0x2780  }
0x46: {  	_ =	swait.ge @!p0 [sflag:s14], $0x2780  }
0x47: {  	[sflag:s14] =	ssyncset.done @!p0 $0x0  }
0x48: {  	[sflag:s14] =	ssyncadd.s32 @!p0 $0xFFFFD880  }
0x49: {  	_ =	sfence.sel $0x180000  }
0x4a: {  	[bflag:$0x0] =	sbarrier.arrive $0xFFFF  }
0x4b: {  	p0 =	sne.s32 s1, $0x0;
	_ =	strace $0x90000050  }
0x4c: {  	s0 =	sadd.s32 @!p0 $0x100000, s0;
	[bflag:$0x2] =	sbarrier.arrive $0xFFFF  }
0x4d: {  	[sflag:s0] =	ssyncadd.tile.s32 @!p0 $0x1;
	_ =	shalt  }
.Lfunc_end2:
_tile_overlayer_lowered:
.L_overlay_start_2:
0x4e: {  	(tag) =	ssettag $0x2  }
0x4f: {  	s0 =	rddreg [dreg:$0x0];
	s2 =	stileid.u32  }
0x50: {  	s1 =	rddreg [dreg:$0x1];
	p0 =	sne.s32 s2, $0x0  }
0x51: {  	s3 =	rddreg [dreg:$0x2];
	[bflag:$0x3] =	sbarrier.arrive $0xFFFF;
	s2 =	simm.s32 @!p0 $0x1C01  }
0x52: {  	[timem:s3], [sflag:s2] =	dma.local @!p0 [hbm:s0], s1  }
0x53: {  	s0 =	simm.s32 @!p0 $0x1  }
0x54: {  	_ =	swait.ge @!p0 [sflag:s0], s1  }
0x55: {  	s1 =	ssub.s32 @!p0 $0x0, s1;
	[sflag:s0] =	ssyncset.done @!p0 $0x0  }
0x56: {  	[sflag:s0] =	ssyncadd.s32 @!p0 s1  }
0x57: {  	[bflag:$0x3] =	sbarrier.arrive $0xFFFF  }
0x58: {  	_ =	shalt  }

// kernel: kernel.40.cloned.1.call-start
scs
__scs_entry_jumppad:
0x0: {  	(pc) =	sbr.rel $0x88, $3  }
0x1: {  	(tag) =	ssettag $0x0;
	lr =	simm.s32 $0x1  }
0x2: {  	[smem:$0x3F93] =	sst lr;
	_ =	strace $0xD0000000  }
0x3: {  	_ = 	snop  }
0x4: {  	_ = 	snop  }
0x5: {  	_ = 	snop  }
0x6: {  	_ = 	snop  }
0x7: {  	_ = 	snop  }
__scs_overlays_trampoline_lowered:
0x8: {  	[smem:$0x3FA2] =	sst s0  }
0x9: {  	[smem:$0x3FA3] =	sst s1  }
0xa: {  	[smem:$0x3FA4] =	sst s2  }
0xb: {  	[smem:$0x3FA5] =	sst s3  }
0xc: {  	[smem:$0x3FA6] =	sst s4  }
0xd: {  	[smem:$0x3FA7] =	sst s5  }
0xe: {  	[smem:$0x3FA8] =	sst s6  }
0xf: {  	[smem:$0x3FA9] =	sst s7  }
0x10: {  	[smem:$0x3FAA] =	sst s8  }
0x11: {  	[smem:$0x3FAB] =	sst s9;
	s0 =	simm.s32 @!p0 $0x0  }
0x12: {  	s1 =	sld [smem:$0x3F91];
	s0 =	simm.s32 @p0 $0x1  }
0x13: {  	[smem:$0x3FAC] =	sst s0;
	s0 =	simm.s32 @!p1 $0x0  }
0x14: {  	s2 =	sld [smem:$0x3F90];
	s0 =	simm.s32 @p1 $0x1  }
0x15: {  	[smem:$0x3FAD] =	sst s0;
	s0 =	simm.s32 @!p2 $0x0  }
0x16: {  	s3 =	sld [smem:$0x3FDB];
	s0 =	simm.s32 @p2 $0x1  }
0x17: {  	s4 =	simm.s32 $0x1BF5;
	[smem:$0x3FAF] =	sst s0  }
0x18: {  	s0 =	sld [smem:$0x3F92];
	_ =	swait.ge [sflag:s4], $0x0  }
0x19: {  	s7 =	sld [smem:$0x3F93]  }
0x1a: {  	s8 =	sadd.s32 $0xFFFFE003, lr  }
0x1b: {  	s9 =	sadd.s32 $0xFFFFFEF7, lr;
	s5 =	simm.s32 $0xFFFFFFFF;
	p2 =	slt.u32 s8, $0xFFFFF086  }
0x1c: {  	p1 =	slt.u32 s9, $0xF7A;
	s5 =	simm.s32 @!p2 $0x0  }
0x1d: {  	s5 =	simm.s32 @p1 $0x1;
	p0 =	seq.s32 s7, s2  }
0x1e: {  	s7 =	smul.u32 @!p0 $0xF7A, s2;
	p2 =	seq.s32 @!p0 s5, $0x0  }
0x1f: {  	s9 =	smul.u32 $0xF7A, s1;
	s8 =	simm.s32 @!p0 $0x1BF5;
	p2 =	por !p2, p0  }
0x20: {  	[sflag:s8] =	ssyncset.s32 @!p0 $0xFFFFF086;
	s6 =	sadd.s32 @!p0 s3, s7;
	s7 =	simm.s32 @!p0 $0x108  }
0x21: {  	s3 =	sadd.s32 s3, s9;
	s6 =	sadd.s32 @!p0 $0x88, s6;
	s7 =	simm.s32 @p2 $0x1082  }
0x22: {  	[simem:s7], [sflag:s8] =	dma.local @!p0 [hbm:s6], $0xF7A  }
0x23: {  	s9 =	sor.u32 $0xD0000000, s2;
	s6 =	simm.s32 $0x108;
	_ =	swait.ge @!p0 [sflag:s8], $0x0  }
0x24: {  	s3 =	sadd.s32 $0x88, s3;
	s6 =	simm.s32 @!p1 $0x1082;
	[sflag:s4] =	ssyncset.s32 $0xFFFFF086  }
0x25: {  	[simem:s6], [sflag:s4] =	dma.local [hbm:s3], $0xF7A  }
0x26: {  	[smem:$0x3F93] =	sst s1;
	(tag) =	ssettag s2;
	_ =	strace s9  }
0x27: {  	s1 =	sld [smem:$0x3FA3]  }
0x28: {  	s2 =	sld [smem:$0x3FA4]  }
0x29: {  	s4 =	sld [smem:$0x3FA6]  }
0x2a: {  	p0 =	seq.s32 s5, $0x0;
	s5 =	sld [smem:$0x3FA7]  }
0x2b: {  	s6 =	sld [smem:$0x3FA8]  }
0x2c: {  	s7 =	sld [smem:$0x3FA9]  }
0x2d: {  	s3 =	simm.s32 $0x108;
	s8 =	sld [smem:$0x3FAA]  }
0x2e: {  	s3 =	simm.s32 @!p0 $0x1082;
	s9 =	sld [smem:$0x3FAB]  }
0x2f: {  	lr =	sadd.s32 s0, s3;
	s0 =	sld [smem:$0x3FA2]  }
0x30: {  	s3 =	sld [smem:$0x3FA5]  }
0x31: {  	[smem:$0x3FAE] =	sst s10  }
0x32: {  	s10 =	sld [smem:$0x3FAC];
	_ =	sdelay $0x3  }
0x33: {  	p0 =	seq.s32 s10, $0x1;
	s10 =	sld [smem:$0x3FAE];
	_ =	sdelay $0x3  }
0x34: {  	[smem:$0x3FAE] =	sst s10  }
0x35: {  	s10 =	sld [smem:$0x3FAD];
	_ =	sdelay $0x3  }
0x36: {  	p1 =	seq.s32 s10, $0x1;
	s10 =	sld [smem:$0x3FAE];
	_ =	sdelay $0x3  }
0x37: {  	[smem:$0x3FAE] =	sst s10  }
0x38: {  	s10 =	sld [smem:$0x3FAF]  }
0x39: {  	_ = 	snop;
	(pc) =	sbr.ind lr, $3  }
0x3a: {  	_ = 	snop  }
0x3b: {  	_ = 	snop  }
0x3c: {  	p2 =	seq.s32 s10, $0x1;
	s10 =	sld [smem:$0x3FAE]  }
0x3d: {  	_ =	shalt  }
0x3e: {  	_ =	shalt  }
0x3f: {  	_ =	shalt  }
0x40: {  	_ =	shalt  }
0x41: {  	_ =	shalt  }
0x42: {  	_ =	shalt  }
0x43: {  	_ =	shalt  }
0x44: {  	_ =	shalt  }
0x45: {  	_ =	shalt  }
0x46: {  	_ =	shalt  }
0x47: {  	_ =	shalt  }
0x48: {  	_ =	shalt  }
0x49: {  	_ =	shalt  }
0x4a: {  	_ =	shalt  }
0x4b: {  	_ =	shalt  }
0x4c: {  	_ =	shalt  }
0x4d: {  	_ =	shalt  }
0x4e: {  	_ =	shalt  }
0x4f: {  	_ =	shalt  }
0x50: {  	_ =	shalt  }
0x51: {  	_ =	shalt  }
0x52: {  	_ =	shalt  }
0x53: {  	_ =	shalt  }
0x54: {  	_ =	shalt  }
0x55: {  	_ =	shalt  }
0x56: {  	_ =	shalt  }
0x57: {  	_ =	shalt  }
0x58: {  	_ =	shalt  }
0x59: {  	_ =	shalt  }
0x5a: {  	_ =	shalt  }
0x5b: {  	_ =	shalt  }
0x5c: {  	_ =	shalt  }
0x5d: {  	_ =	shalt  }
0x5e: {  	_ =	shalt  }
0x5f: {  	_ =	shalt  }
0x60: {  	_ =	shalt  }
0x61: {  	_ =	shalt  }
0x62: {  	_ =	shalt  }
0x63: {  	_ =	shalt  }
0x64: {  	_ =	shalt  }
0x65: {  	_ =	shalt  }
0x66: {  	_ =	shalt  }
0x67: {  	_ =	shalt  }
0x68: {  	_ =	shalt  }
0x69: {  	_ =	shalt  }
0x6a: {  	_ =	shalt  }
0x6b: {  	_ =	shalt  }
0x6c: {  	_ =	shalt  }
0x6d: {  	_ =	shalt  }
0x6e: {  	_ =	shalt  }
0x6f: {  	_ =	shalt  }
0x70: {  	_ =	shalt  }
0x71: {  	_ =	shalt  }
0x72: {  	_ =	shalt  }
0x73: {  	_ =	shalt  }
0x74: {  	_ =	shalt  }
0x75: {  	_ =	shalt  }
0x76: {  	_ =	shalt  }
0x77: {  	_ =	shalt  }
0x78: {  	_ =	shalt  }
0x79: {  	_ =	shalt  }
0x7a: {  	_ =	shalt  }
0x7b: {  	_ =	shalt  }
0x7c: {  	_ =	shalt  }
0x7d: {  	_ =	shalt  }
0x7e: {  	_ =	shalt  }
0x7f: {  	_ =	shalt  }
0x80: {  	_ =	shalt  }
0x81: {  	_ =	shalt  }
0x82: {  	_ =	shalt  }
0x83: {  	_ =	shalt  }
0x84: {  	_ =	shalt  }
0x85: {  	_ =	shalt  }
0x86: {  	_ =	shalt  }
0x87: {  	_ =	shalt  }
.Lfunc_end0:
.L_simem_size_0:
called_computation.4_lowered:
.L_overlay_start_0:
0x88: {  	s2 =	sld [smem:$0x3FD9]  }
0x89: {  	s3 =	sld [smem:$0x3FFE];
	_ =	sdelay $0x1  }
0x8a: {  	s1 =	srdreg.scid  }
0x8b: {  	s0 =	sand.u32 $0x1, s1  }
0x8c: {  	s16 =	sshll.u32 s0, $0xA;
	s2 =	sadd.s32 s3, s2  }
0x8d: {  	s2 =	sadd.s32 s2, s16  }
0x8e: {  	[smem:$0x3FBA] =	sst s2  }
0x8f: {  	_ = 	snop  }
0x90: {  	(tm) =	ssettm $0x1  }
0x91: {  	s17 =	sld [smem:$0x3FFB];
	_ =	sdelay $0x3  }
0x92: {  	_ =	strace s17  }
0x93: {  	s2 =	sld [smem:$0x3FFC];
	_ =	sdelay $0x3  }
0x94: {  	_ =	strace s2  }
0x95: {  	s2 =	sld [smem:$0x3FFD];
	_ =	sdelay $0x3  }
0x96: {  	_ =	strace s2  }
0x97: {  	_ =	strace $0x8FFFFFFF  }
0x98: {  	s18 =	sld [smem:$0x3FDB];
	_ =	sdelay $0x1  }
0x99: {  	s19 =	simm.s32 $_scs_section_size  }
0x9a: {  	s4 =	simm.s32 $_size__tile_overlayer_lowered;
	s5 =	simm.s32 $_tile_overlayer_lowered  }
0x9b: {  	s22 =	simm.s32 $0x1BFF;
	s21 =	sshll.u32 s5, $0x1;
	s2 =	sadd.s32 s19, s18  }
0x9c: {  	s6 =	simm.s32 $0x0;
	s20 =	sshll.u32 s4, $0x1;
	s4 =	sadd.s32 s21, s2  }
0x9d: {  	[timem:s6], [sflag:s22] =	dma.local [hbm:s4], s20  }
0x9e: {  	_ =	swait.ge [sflag:s22], s20  }
0x9f: {  	s3 =	ssub.s32 $0x0, s20;
	[sflag:s22] =	ssyncset.done $0x0  }
0xa0: {  	[sflag:s22] =	ssyncadd.s32 s3;
	_ =	sdelay $0x1  }
0xa1: {  	s23 =	simm.s32 $0x1B8B  }
0xa2: {  	_ =	swait.ge [sflag:s23], $0x1  }
0xa3: {  	[sflag:s23] =	ssyncset.done $0x0  }
0xa4: {  	s25 =	simm.s32 $0x1B8E;
	s24 =	sld [smem:$0x3FFE];
	[sflag:s23] =	ssyncadd.s32 $0xFFFFFFFF  }
0xa5: {  	s26 =	simm.s32 $execute0_lowered;
	[smem:$0x3FD2] =	sst s25  }
0xa6: {  	s4 =	sshll.u32 s26, $0x1;
	_ =	strace $0x80000052;
	[dreg:$0x1] =	wrdreg $0xFFFFFFFF  }
0xa7: {  	s28 =	simm.s32 $_size_execute0_lowered;
	s2 =	sadd.s32 s2, s4;
	[dreg:$0x0] =	wrdreg $0x0  }
0xa8: {  	s4 =	sshll.u32 s28, $0x1;
	[dreg:$0x2] =	wrdreg s2  }
0xa9: {  	[dreg:$0x3] =	wrdreg s4  }
0xaa: {  	[dreg:$0x4] =	wrdreg $0xC0  }
0xab: {  	_ =	task [dreg:s6], $0x5FFFF  }
0xac: {  	[dreg:$0x1] =	wrdreg $0xFFFFFFFF  }
0xad: {  	[dreg:$0x0] =	wrdreg $0x60  }
0xae: {  	[dreg:$0x2] =	wrdreg s24  }
0xaf: {  	[dreg:$0x3] =	wrdreg $0x9  }
0xb0: {  	_ =	task.clear_ibuf [dreg:s6], $0x4FFFF;
	_ =	strace $0x90000052  }
0xb1: {  	s29 =	simm.s32 $0x9;
	_ =	strace $0x80000054  }
0xb2: {  	_ =	swait.ge [sflag:s29], $0x1  }
0xb3: {  	[sflag:s29] =	ssyncadd.s32 $0xFFFFFFFF  }
0xb4: {  	_ =	strace $0x90000054  }
0xb5: {  	_ =	sfence  }
0xb6: {  	s30 =	sld [smem:$0x0];
	_ =	sdelay $0x2  }
0xb7: {  	s31 =	sshll.u32 s1, $0xD;
	s1 =	sshrl.u32 s1, $0x2  }
0xb8: {  	s3 =	sand.u32 $0x4000, s31;
	s1 =	sadd.s32 s1, s30  }
0xb9: {  	s0 =	sor.u32 s3, s0;
	s1 =	sshll.u32 s1, $0x11  }
0xba: {  	s0 =	sor.u32 s1, s0  }
0xbb: {  	s0 =	sadd.s32 $0x8F2B, s0  }
0xbc: {  	[sflag:s0] =	ssyncadd.remote.s32 $0x1  }
0xbd: {  	_ =	sfence.sel $0xFFFF  }
0xbe: {  	[dreg:$0x0] =	wrdreg $0xFFFFFFFF;
	(pc) =	sbr.abs _section_cstart, $3  }
0xbf: {  	[dreg:$0x1] =	wrdreg $0xFFFFFFFF  }
0xc0: {  	_ =	task.clear_ibuf [dreg:s6], $0x2FFFF;
	_ =	strace $0x9FFFFFFF  }
0xc1: {  	(tm) =	ssettm $0x7FFFFFFF  }
tec
execute0_lowered:
.L_overlay_start_1:
0x0: {  	(tag) =	ssettag $0x1  }
0x1: {  	s4 =	rddreg [dreg:$0x0]  }
0x2: {  	s0 =	rddreg [dreg:$0x1];
	s1 =	simm.s32 $0x0;
	s5 =	srdreg.scid  }
0x3: {  	s2 =	stileid.u32;
	[smem:$0x7FF] =	sst s1  }
0x4: {  	s3 =	sadd.s32 $0x10200, s4;
	s5 =	sand.u32 $0x1, s5;
	s6 =	sshll.u32 s2, $0x5  }
0x5: {  	s7 =	sshll.u32 s2, $0xC;
	_ =	strace $0x80000053;
	s8 =	ssub.s32 $0x2, s5  }
0x6: {  	s6 =	sadd.s32 s6, s4;
	s7 =	sadd.s32 s7, s4;
	s9 =	sshll.u32 s5, $0xB  }
0x7: {  	s5 =	sshll.u32 s5, $0x4;
	s4 =	sshll.u32 s2, $0x1;
	s30 =	sshrl.u32 s8, $0x1  }
0x8: {  	s7 =	sadd.s32 s9, s7;
	s31 =	sadd.s32 s5, s6;
	s8 =	ssub.s32 s8, s30  }
0x9: {  	s6 =	sadd.s32 $0x2A8C00, s7;
	s7 =	sadd.s32 $0xB200, s31;
	s5 =	smax.u32 s8, $0x1  }
.LBB2_1:
0xa: {  	s8 =	sadd.s32 $0x0, s4  }
0xb: {  	p0 =	sgt.u32 s8, $0x4E1  }
0xc: {  	s8 =	simm.s32 @!p0 $0x0;
	s9 =	simm.s32 @!p0 $0x3  }
0xd: {  	[tilespmem:s8], [sflag:$0x3] =	stream.linear.gather @!p0 [hbm4b:s7+s8], $0x80, $0x38;
	[tilespmem:$0x4080] =	vst v63  }
0xe: {  	_ =	swait.ge @!p0 [sflag:s9], $0x80  }
0xf: {  	[sflag:s9] =	ssyncset.done @!p0 $0x0;
	p0 =	por p0, p0  }
0x10: {  	[sflag:s9] =	ssyncadd.s32 @!p0 $0xFFFFFF80;
	s10 =	simm.s32 @!p0 $0x80;
	s11 =	simm.s32 @!p0 $0x1  }
0x11: {  	[tilespmem:s10], [sflag:$0x1] =	stream.indirect.gather @!p0 [hbm4b:s3+s10], $0x80, s8, s10, $0xb8;
	[tilespmem:$0x4080] =	vst v63  }
0x12: {  	_ =	swait.ge @!p0 [sflag:s11], $0x4000  }
0x13: {  	[sflag:s11] =	ssyncset.done @!p0 $0x0  }
0x14: {  	s31 =	sadd.s32 $0x20, s4;
	[sflag:s11] =	ssyncadd.s32 @!p0 $0xFFFFC000;
	s11 =	simm.s32 @!p0 $0x2  }
0x15: {  	[hbm4b:s6+s8] =	stream.linear.scatter @!p0 [tilespmem:s10], [sflag:$0x2], $0x4000, $0x38;
	[tilespmem:$0x4080] =	vst v63  }
0x16: {  	p1 =	sgt.u32 s31, $0x4E1;
	s9 =	simm.s32 $0x40;
	_ =	swait.ge @!p0 [sflag:s11], $0x4000  }
0x17: {  	s10 =	sadd.s32 $0x200, s7;
	s8 =	sadd.s32 $0x10000, s6;
	[sflag:s11] =	ssyncset.done @!p0 $0x0  }
.LBB2_2:
0x18: {  	s12 =	simm.s32 @!p1 $0x0;
	s13 =	simm.s32 @!p1 $0x3;
	[sflag:s11] =	ssyncadd.s32 @!p0 $0xFFFFC000  }
0x19: {  	[tilespmem:s12], [sflag:$0x3] =	stream.linear.gather @!p1 [hbm4b:s10+s12], $0x80, $0x38;
	[tilespmem:$0x4080] =	vst v63  }
0x1a: {  	s14 =	smov.u32 s9;
	s9 =	sadd.s32 $0x20, s9;
	_ =	swait.ge @!p1 [sflag:s13], $0x80  }
0x1b: {  	p0 =	por p1, p1;
	p2 =	sne.s32 s9, $0x500;
	[sflag:s13] =	ssyncset.done @!p1 $0x0  }
0x1c: {  	s11 =	simm.s32 @!p0 $0x1;
	[sflag:s13] =	ssyncadd.s32 @!p0 $0xFFFFFF80;
	s13 =	simm.s32 @!p0 $0x80  }
0x1d: {  	[tilespmem:s13], [sflag:$0x1] =	stream.indirect.gather @!p0 [hbm4b:s3+s13], $0x80, s12, s13, $0xb8;
	[tilespmem:$0x4080] =	vst v63  }
0x1e: {  	_ =	swait.ge @!p0 [sflag:s11], $0x4000  }
.Ltmp0:
0x1f: {  	[sflag:s11] =	ssyncset.done @!p0 $0x0;
	(pc) =	sbr.rel @p2 .LBB2_2-.Ltmp0, $4  }
0x20: {  	[sflag:s11] =	ssyncadd.s32 @!p0 $0xFFFFC000;
	s11 =	simm.s32 @!p0 $0x2  }
0x21: {  	[hbm4b:s8+s12] =	stream.linear.scatter @!p0 [tilespmem:s13], [sflag:$0x2], $0x4000, $0x38;
	[tilespmem:$0x4080] =	vst v63  }
0x22: {  	s10 =	sadd.s32 $0x200, s10;
	s12 =	sadd.s32 s14, s4;
	_ =	swait.ge @!p0 [sflag:s11], $0x4000  }
0x23: {  	s8 =	sadd.s32 $0x10000, s8;
	p1 =	sgt.u32 s12, $0x4E1;
	[sflag:s11] =	ssyncset.done @!p0 $0x0  }
0x24: {  	s9 =	simm.s32 @!p1 $0x0;
	s12 =	simm.s32 @!p1 $0x3;
	[sflag:s11] =	ssyncadd.s32 @!p0 $0xFFFFC000  }
0x25: {  	[tilespmem:s9], [sflag:$0x3] =	stream.linear.gather @!p1 [hbm4b:s10+s9], $0x80, $0x38;
	[tilespmem:$0x4080] =	vst v63  }
0x26: {  	_ =	swait.ge @!p1 [sflag:s12], $0x80  }
0x27: {  	p0 =	por p1, p1;
	[sflag:s12] =	ssyncset.done @!p1 $0x0  }
0x28: {  	s10 =	simm.s32 @!p0 $0x80;
	s11 =	simm.s32 @!p0 $0x1;
	[sflag:s12] =	ssyncadd.s32 @!p0 $0xFFFFFF80  }
0x29: {  	[tilespmem:s10], [sflag:$0x1] =	stream.indirect.gather @!p0 [hbm4b:s3+s10], $0x80, s9, s10, $0xb8;
	[tilespmem:$0x4080] =	vst v63  }
0x2a: {  	s1 =	sadd.s32 $0x1, s1;
	_ =	swait.ge @!p0 [sflag:s11], $0x4000  }
0x2b: {  	p1 =	sne.s32 s1, s5;
	[sflag:s11] =	ssyncset.done @!p0 $0x0  }
.Ltmp1:
0x2c: {  	[sflag:s11] =	ssyncadd.s32 @!p0 $0xFFFFC000;
	s11 =	simm.s32 @!p0 $0x2;
	(pc) =	sbr.rel @p1 .LBB2_1-.Ltmp1, $4  }
0x2d: {  	[hbm4b:s8+s9] =	stream.linear.scatter @!p0 [tilespmem:s10], [sflag:$0x2], $0x4000, $0x38;
	[tilespmem:$0x4080] =	vst v63  }
0x2e: {  	_ =	swait.ge @!p0 [sflag:s11], $0x4000  }
0x2f: {  	[sflag:s11] =	ssyncset.done @!p0 $0x0  }
0x30: {  	[sflag:s11] =	ssyncadd.s32 @!p0 $0xFFFFC000  }
0x31: {  	_ =	sfence.sel $0x180000  }
0x32: {  	[bflag:$0x0] =	sbarrier.arrive $0xFFFF  }
0x33: {  	p0 =	sne.s32 s2, $0x0;
	_ =	strace $0x90000053  }
0x34: {  	s0 =	sadd.s32 @!p0 $0x100000, s0;
	[bflag:$0x2] =	sbarrier.arrive $0xFFFF  }
0x35: {  	[sflag:s0] =	ssyncadd.tile.s32 @!p0 $0x1;
	_ =	shalt  }
.Lfunc_end2:
_tile_overlayer_lowered:
.L_overlay_start_2:
0x36: {  	(tag) =	ssettag $0x2  }
0x37: {  	s0 =	rddreg [dreg:$0x0];
	s2 =	stileid.u32  }
0x38: {  	s1 =	rddreg [dreg:$0x1];
	p0 =	sne.s32 s2, $0x0  }
0x39: {  	s3 =	rddreg [dreg:$0x2];
	[bflag:$0x3] =	sbarrier.arrive $0xFFFF;
	s2 =	simm.s32 @!p0 $0x1C02  }
0x3a: {  	[timem:s3], [sflag:s2] =	dma.local @!p0 [hbm:s0], s1  }
0x3b: {  	s0 =	simm.s32 @!p0 $0x2  }
0x3c: {  	_ =	swait.ge @!p0 [sflag:s0], s1  }
0x3d: {  	s1 =	ssub.s32 @!p0 $0x0, s1;
	[sflag:s0] =	ssyncset.done @!p0 $0x0  }
0x3e: {  	[sflag:s0] =	ssyncadd.s32 @!p0 s1  }
0x3f: {  	[bflag:$0x3] =	sbarrier.arrive $0xFFFF  }
0x40: {  	_ =	shalt  }

// kernel: kernel.43.cloned.1.call-start
scs
__scs_entry_jumppad:
0x0: {  	(pc) =	sbr.rel $0x88, $3  }
0x1: {  	(tag) =	ssettag $0x0;
	lr =	simm.s32 $0x1  }
0x2: {  	[smem:$0x3F93] =	sst lr;
	_ =	strace $0xD0000000  }
0x3: {  	_ = 	snop  }
0x4: {  	_ = 	snop  }
0x5: {  	_ = 	snop  }
0x6: {  	_ = 	snop  }
0x7: {  	_ = 	snop  }
__scs_overlays_trampoline_lowered:
0x8: {  	[smem:$0x3FA2] =	sst s0  }
0x9: {  	[smem:$0x3FA3] =	sst s1  }
0xa: {  	[smem:$0x3FA4] =	sst s2  }
0xb: {  	[smem:$0x3FA5] =	sst s3  }
0xc: {  	[smem:$0x3FA6] =	sst s4  }
0xd: {  	[smem:$0x3FA7] =	sst s5  }
0xe: {  	[smem:$0x3FA8] =	sst s6  }
0xf: {  	[smem:$0x3FA9] =	sst s7  }
0x10: {  	[smem:$0x3FAA] =	sst s8  }
0x11: {  	[smem:$0x3FAB] =	sst s9;
	s0 =	simm.s32 @!p0 $0x0  }
0x12: {  	s1 =	sld [smem:$0x3F91];
	s0 =	simm.s32 @p0 $0x1  }
0x13: {  	[smem:$0x3FAC] =	sst s0;
	s0 =	simm.s32 @!p1 $0x0  }
0x14: {  	s2 =	sld [smem:$0x3F90];
	s0 =	simm.s32 @p1 $0x1  }
0x15: {  	[smem:$0x3FAD] =	sst s0;
	s0 =	simm.s32 @!p2 $0x0  }
0x16: {  	s3 =	sld [smem:$0x3FDB];
	s0 =	simm.s32 @p2 $0x1  }
0x17: {  	s4 =	simm.s32 $0x1BF5;
	[smem:$0x3FAF] =	sst s0  }
0x18: {  	s0 =	sld [smem:$0x3F92];
	_ =	swait.ge [sflag:s4], $0x0  }
0x19: {  	s7 =	sld [smem:$0x3F93]  }
0x1a: {  	s8 =	sadd.s32 $0xFFFFE003, lr  }
0x1b: {  	s9 =	sadd.s32 $0xFFFFFEF7, lr;
	s5 =	simm.s32 $0xFFFFFFFF;
	p2 =	slt.u32 s8, $0xFFFFF086  }
0x1c: {  	p1 =	slt.u32 s9, $0xF7A;
	s5 =	simm.s32 @!p2 $0x0  }
0x1d: {  	s5 =	simm.s32 @p1 $0x1;
	p0 =	seq.s32 s7, s2  }
0x1e: {  	s7 =	smul.u32 @!p0 $0xF7A, s2;
	p2 =	seq.s32 @!p0 s5, $0x0  }
0x1f: {  	s9 =	smul.u32 $0xF7A, s1;
	s8 =	simm.s32 @!p0 $0x1BF5;
	p2 =	por !p2, p0  }
0x20: {  	[sflag:s8] =	ssyncset.s32 @!p0 $0xFFFFF086;
	s6 =	sadd.s32 @!p0 s3, s7;
	s7 =	simm.s32 @!p0 $0x108  }
0x21: {  	s3 =	sadd.s32 s3, s9;
	s6 =	sadd.s32 @!p0 $0x88, s6;
	s7 =	simm.s32 @p2 $0x1082  }
0x22: {  	[simem:s7], [sflag:s8] =	dma.local @!p0 [hbm:s6], $0xF7A  }
0x23: {  	s9 =	sor.u32 $0xD0000000, s2;
	s6 =	simm.s32 $0x108;
	_ =	swait.ge @!p0 [sflag:s8], $0x0  }
0x24: {  	s3 =	sadd.s32 $0x88, s3;
	s6 =	simm.s32 @!p1 $0x1082;
	[sflag:s4] =	ssyncset.s32 $0xFFFFF086  }
0x25: {  	[simem:s6], [sflag:s4] =	dma.local [hbm:s3], $0xF7A  }
0x26: {  	[smem:$0x3F93] =	sst s1;
	(tag) =	ssettag s2;
	_ =	strace s9  }
0x27: {  	s1 =	sld [smem:$0x3FA3]  }
0x28: {  	s2 =	sld [smem:$0x3FA4]  }
0x29: {  	s4 =	sld [smem:$0x3FA6]  }
0x2a: {  	p0 =	seq.s32 s5, $0x0;
	s5 =	sld [smem:$0x3FA7]  }
0x2b: {  	s6 =	sld [smem:$0x3FA8]  }
0x2c: {  	s7 =	sld [smem:$0x3FA9]  }
0x2d: {  	s3 =	simm.s32 $0x108;
	s8 =	sld [smem:$0x3FAA]  }
0x2e: {  	s3 =	simm.s32 @!p0 $0x1082;
	s9 =	sld [smem:$0x3FAB]  }
0x2f: {  	lr =	sadd.s32 s0, s3;
	s0 =	sld [smem:$0x3FA2]  }
0x30: {  	s3 =	sld [smem:$0x3FA5]  }
0x31: {  	[smem:$0x3FAE] =	sst s10  }
0x32: {  	s10 =	sld [smem:$0x3FAC];
	_ =	sdelay $0x3  }
0x33: {  	p0 =	seq.s32 s10, $0x1;
	s10 =	sld [smem:$0x3FAE];
	_ =	sdelay $0x3  }
0x34: {  	[smem:$0x3FAE] =	sst s10  }
0x35: {  	s10 =	sld [smem:$0x3FAD];
	_ =	sdelay $0x3  }
0x36: {  	p1 =	seq.s32 s10, $0x1;
	s10 =	sld [smem:$0x3FAE];
	_ =	sdelay $0x3  }
0x37: {  	[smem:$0x3FAE] =	sst s10  }
0x38: {  	s10 =	sld [smem:$0x3FAF]  }
0x39: {  	_ = 	snop;
	(pc) =	sbr.ind lr, $3  }
0x3a: {  	_ = 	snop  }
0x3b: {  	_ = 	snop  }
0x3c: {  	p2 =	seq.s32 s10, $0x1;
	s10 =	sld [smem:$0x3FAE]  }
0x3d: {  	_ =	shalt  }
0x3e: {  	_ =	shalt  }
0x3f: {  	_ =	shalt  }
0x40: {  	_ =	shalt  }
0x41: {  	_ =	shalt  }
0x42: {  	_ =	shalt  }
0x43: {  	_ =	shalt  }
0x44: {  	_ =	shalt  }
0x45: {  	_ =	shalt  }
0x46: {  	_ =	shalt  }
0x47: {  	_ =	shalt  }
0x48: {  	_ =	shalt  }
0x49: {  	_ =	shalt  }
0x4a: {  	_ =	shalt  }
0x4b: {  	_ =	shalt  }
0x4c: {  	_ =	shalt  }
0x4d: {  	_ =	shalt  }
0x4e: {  	_ =	shalt  }
0x4f: {  	_ =	shalt  }
0x50: {  	_ =	shalt  }
0x51: {  	_ =	shalt  }
0x52: {  	_ =	shalt  }
0x53: {  	_ =	shalt  }
0x54: {  	_ =	shalt  }
0x55: {  	_ =	shalt  }
0x56: {  	_ =	shalt  }
0x57: {  	_ =	shalt  }
0x58: {  	_ =	shalt  }
0x59: {  	_ =	shalt  }
0x5a: {  	_ =	shalt  }
0x5b: {  	_ =	shalt  }
0x5c: {  	_ =	shalt  }
0x5d: {  	_ =	shalt  }
0x5e: {  	_ =	shalt  }
0x5f: {  	_ =	shalt  }
0x60: {  	_ =	shalt  }
0x61: {  	_ =	shalt  }
0x62: {  	_ =	shalt  }
0x63: {  	_ =	shalt  }
0x64: {  	_ =	shalt  }
0x65: {  	_ =	shalt  }
0x66: {  	_ =	shalt  }
0x67: {  	_ =	shalt  }
0x68: {  	_ =	shalt  }
0x69: {  	_ =	shalt  }
0x6a: {  	_ =	shalt  }
0x6b: {  	_ =	shalt  }
0x6c: {  	_ =	shalt  }
0x6d: {  	_ =	shalt  }
0x6e: {  	_ =	shalt  }
0x6f: {  	_ =	shalt  }
0x70: {  	_ =	shalt  }
0x71: {  	_ =	shalt  }
0x72: {  	_ =	shalt  }
0x73: {  	_ =	shalt  }
0x74: {  	_ =	shalt  }
0x75: {  	_ =	shalt  }
0x76: {  	_ =	shalt  }
0x77: {  	_ =	shalt  }
0x78: {  	_ =	shalt  }
0x79: {  	_ =	shalt  }
0x7a: {  	_ =	shalt  }
0x7b: {  	_ =	shalt  }
0x7c: {  	_ =	shalt  }
0x7d: {  	_ =	shalt  }
0x7e: {  	_ =	shalt  }
0x7f: {  	_ =	shalt  }
0x80: {  	_ =	shalt  }
0x81: {  	_ =	shalt  }
0x82: {  	_ =	shalt  }
0x83: {  	_ =	shalt  }
0x84: {  	_ =	shalt  }
0x85: {  	_ =	shalt  }
0x86: {  	_ =	shalt  }
0x87: {  	_ =	shalt  }
.Lfunc_end0:
.L_simem_size_0:
called_computation.5_lowered:
.L_overlay_start_0:
0x88: {  	s2 =	sld [smem:$0x3FD9]  }
0x89: {  	s3 =	sld [smem:$0x3FFE];
	_ =	sdelay $0x1  }
0x8a: {  	s1 =	srdreg.scid  }
0x8b: {  	s0 =	sand.u32 $0x1, s1  }
0x8c: {  	s17 =	sshll.u32 s0, $0xA;
	s2 =	sadd.s32 s3, s2  }
0x8d: {  	s2 =	sadd.s32 s2, s17  }
0x8e: {  	[smem:$0x3FBA] =	sst s2  }
0x8f: {  	_ = 	snop  }
0x90: {  	s2 =	sld [smem:$0x3FD0];
	(tm) =	ssettm $0x1  }
0x91: {  	s18 =	sld [smem:$0x3FFB];
	_ =	sdelay $0x3  }
0x92: {  	_ =	strace s18  }
0x93: {  	s3 =	sld [smem:$0x3FFC];
	_ =	sdelay $0x3  }
0x94: {  	_ =	strace s3  }
0x95: {  	s3 =	sld [smem:$0x3FFD];
	_ =	sdelay $0x3  }
0x96: {  	_ =	strace s3  }
0x97: {  	_ =	strace $0x8FFFFFFF  }
0x98: {  	s19 =	sld [smem:$0x3FDB];
	_ =	sdelay $0x1  }
0x99: {  	s4 =	simm.s32 $_scs_section_size  }
0x9a: {  	s5 =	simm.s32 $_size__tile_overlayer_lowered;
	s6 =	simm.s32 $_tile_overlayer_lowered  }
0x9b: {  	s22 =	simm.s32 $0x1BFF;
	s21 =	sshll.u32 s6, $0x1;
	s3 =	sadd.s32 s4, s19  }
0x9c: {  	s7 =	simm.s32 $0x0;
	s20 =	sshll.u32 s5, $0x1;
	s5 =	sadd.s32 s21, s3  }
0x9d: {  	[timem:s7], [sflag:s22] =	dma.local [hbm:s5], s20  }
0x9e: {  	_ =	swait.ge [sflag:s22], s20  }
0x9f: {  	s4 =	ssub.s32 $0x0, s20;
	[sflag:s22] =	ssyncset.done $0x0  }
0xa0: {  	[sflag:s22] =	ssyncadd.s32 s4;
	_ =	sdelay $0x1  }
0xa1: {  	s23 =	simm.s32 $0x1B8B  }
0xa2: {  	_ =	swait.ge [sflag:s23], $0x1  }
0xa3: {  	[sflag:s23] =	ssyncset.done $0x0  }
0xa4: {  	s25 =	simm.s32 $0x1B8E;
	s24 =	sld [smem:$0x3FFE];
	[sflag:s23] =	ssyncadd.s32 $0xFFFFFFFF  }
0xa5: {  	s26 =	simm.s32 $execute0_lowered;
	[smem:$0x3FD2] =	sst s25  }
0xa6: {  	s5 =	sshll.u32 s26, $0x1;
	_ =	strace $0x80000055;
	[dreg:$0x1] =	wrdreg $0xFFFFFFFF  }
0xa7: {  	s28 =	simm.s32 $_size_execute0_lowered;
	s3 =	sadd.s32 s3, s5;
	[dreg:$0x0] =	wrdreg $0x0  }
0xa8: {  	s5 =	sshll.u32 s28, $0x1;
	[dreg:$0x2] =	wrdreg s3  }
0xa9: {  	[dreg:$0x3] =	wrdreg s5  }
0xaa: {  	[dreg:$0x4] =	wrdreg $0xC0  }
0xab: {  	_ =	task [dreg:s7], $0x5FFFF  }
0xac: {  	[dreg:$0x1] =	wrdreg $0xFFFFFFFF  }
0xad: {  	[dreg:$0x0] =	wrdreg $0x60  }
0xae: {  	[dreg:$0x2] =	wrdreg s24  }
0xaf: {  	[dreg:$0x3] =	wrdreg s2  }
0xb0: {  	[dreg:$0x4] =	wrdreg $0x40800  }
0xb1: {  	[dreg:$0x5] =	wrdreg $0x9  }
0xb2: {  	_ =	task.clear_ibuf [dreg:s7], $0x6FFFF;
	_ =	strace $0x90000055  }
0xb3: {  	s29 =	simm.s32 $0x9;
	_ =	strace $0x80000057  }
0xb4: {  	_ =	swait.ge [sflag:s29], $0x1  }
0xb5: {  	[sflag:s29] =	ssyncadd.s32 $0xFFFFFFFF  }
0xb6: {  	_ =	strace $0x90000057  }
0xb7: {  	_ =	sfence  }
0xb8: {  	s30 =	sld [smem:$0x0];
	_ =	sdelay $0x2  }
0xb9: {  	s31 =	sshll.u32 s1, $0xD;
	s1 =	sshrl.u32 s1, $0x2  }
0xba: {  	s3 =	sand.u32 $0x4000, s31;
	s1 =	sadd.s32 s1, s30  }
0xbb: {  	s0 =	sor.u32 s3, s0;
	s1 =	sshll.u32 s1, $0x11  }
0xbc: {  	s0 =	sor.u32 s1, s0  }
0xbd: {  	s0 =	sadd.s32 $0x8F2B, s0  }
0xbe: {  	[sflag:s0] =	ssyncadd.remote.s32 $0x1  }
0xbf: {  	_ =	sfence.sel $0xFFFF  }
0xc0: {  	[dreg:$0x0] =	wrdreg $0xFFFFFFFF;
	(pc) =	sbr.abs _section_cstart, $3  }
0xc1: {  	[dreg:$0x1] =	wrdreg $0xFFFFFFFF  }
0xc2: {  	_ =	task.clear_ibuf [dreg:s7], $0x2FFFF;
	_ =	strace $0x9FFFFFFF  }
0xc3: {  	(tm) =	ssettm $0x7FFFFFFF  }
tec
execute0_lowered:
.L_overlay_start_1:
0x0: {  	(tag) =	ssettag $0x1  }
0x1: {  	s5 =	rddreg [dreg:$0x0]  }
0x2: {  	s8 =	rddreg [dreg:$0x1];
	s0 =	srdreg.scid  }
0x3: {  	s2 =	rddreg [dreg:$0x2];
	s1 =	stileid.u32;
	s3 =	simm.s32 $0x0  }
0x4: {  	s6 =	sand.u32 $0x1, s0;
	s0 =	rddreg [dreg:$0x3];
	s13 =	smul.u32 $0x2780, s1  }
0x5: {  	[smem:$0x7FF] =	sst s3;
	s9 =	smul.u32 $0x4F000, s1  }
0x6: {  	s14 =	sshll.u32 s1, $0xB;
	p0 =	seq.s32 s1, $0xF;
	s4 =	smul.u32 $0x138800, s6  }
0x7: {  	s31 =	sshll.u32 s1, $0x4;
	s7 =	smul.u32 $0x27100, s6;
	_ =	strace $0x80000056  }
0x8: {  	s11 =	ssub.s32 $0x2, s6;
	s30 =	smul.u32 $0x2710, s6;
	s28 =	sadd.s32 s13, s5  }
0x9: {  	s12 =	sshrl.u32 s11, $0x1;
	s9 =	sshrl.u32 s9, $0x2;
	s10 =	sadd.s32 s4, s5  }
0xa: {  	s7 =	sadd.s32 s7, s5;
	s11 =	ssub.s32 s11, s12;
	s12 =	sadd.s32 s9, s2  }
0xb: {  	s4 =	sadd.s32 $0x37400, s28;
	s9 =	sadd.s32 $0x128400, s2;
	s5 =	sadd.s32 $0x5C480, s5  }
0xc: {  	s8 =	sadd.s32 s30, s8;
	s15 =	sadd.s32 $0x5E600, s7;
	s29 =	sadd.s32 s14, s10  }
0xd: {  	s6 =	smax.u32 s11, $0x1;
	s11 =	sshll.u32 @!p0 s1, $0x6;
	s8 =	sadd.s32 s31, s8  }
0xe: {  	s9 =	sshrl.u32 @p0 s9, $0x3;
	s7 =	sadd.s32 $0xEDDC00, s29;
	s10 =	sor.u32 @!p0 $0x1C01, s11  }
0xf: {  	s11 =	sshrl.u32 @!p0 s12, $0x3;
	s12 =	sadd.s32 @p0 $0x25080, s15;
	s13 =	sadd.s32 @!p0 s13, s15  }
.LBB2_1:
0x10: {  	s14 =	simm.s32 @p0 $0x1FC1  }
0x11: {  	[spmem:s9], [sflag:s14] =	dma.local @p0 [hbm:s5], $0x2080  }
0x12: {  	s14 =	simm.s32 @p0 $0x1  }
0x13: {  	_ =	swait.ge @p0 [sflag:s14], $0x2080  }
0x14: {  	[sflag:s14] =	ssyncset.done @p0 $0x0  }
0x15: {  	[sflag:s14] =	ssyncadd.s32 @p0 $0xFFFFDF80;
	s14 =	simm.s32 @!p0 $0x1  }
0x16: {  	[spmem:s11], [sflag:s10] =	dma.local @!p0 [hbm:s4], $0x2780  }
0x17: {  	_ =	swait.ge @!p0 [sflag:s14], $0x2780  }
0x18: {  	s15 =	sadd.s32 $0x0, s1;
	[sflag:s14] =	ssyncset.done @!p0 $0x0  }
0x19: {  	p1 =	sgt.u32 s15, $0x270;
	[sflag:s14] =	ssyncadd.s32 @!p0 $0xFFFFD880  }
0x1a: {  	s16 =	simm.s32 @!p1 $0x2;
	s14 =	simm.s32 @!p1 $0x0;
	[bflag:$0x0] =	sbarrier.arrive $0xFFFF  }
0x1b: {  	[tilespmem:s14], [sflag:$0x2] =	stream.linear.gather @!p1 [hbm4b:s8+s14], $0x80, $0x38;
	[tilespmem:$0x17900] =	vst v63  }
0x1c: {  	_ =	swait.ge @!p1 [sflag:s16], $0x80  }
0x1d: {  	[sflag:s16] =	ssyncset.done @!p1 $0x0;
	p1 =	por p1, p1  }
0x1e: {  	[sflag:s16] =	ssyncadd.s32 @!p1 $0xFFFFFF80;
	s18 =	simm.s32 @!p1 $0x80  }
0x1f: {  	[tilespmem:s18], [sflag:$0x2] =	stream.linear.gather @!p1 [hbm4b:s7+s14], $0x4000, $0x38;
	[tilespmem:$0x17900] =	vst v63  }
0x20: {  	_ =	swait.ge @!p1 [sflag:s16], $0x4000  }
0x21: {  	[sflag:s16] =	ssyncset.done @!p1 $0x0  }
0x22: {  	s31 =	sadd.s32 $0x10, s1;
	s17 =	simm.s32 @!p1 $0x1;
	[sflag:s16] =	ssyncadd.s32 @!p1 $0xFFFFC000  }
0x23: {  	[spmem:s2] =	stream.indirect.scatter.add.f32 @!p1 [tilespmem:s18], [sflag:$0x1], $0x80, s14, s18, $0xb8;
	[tilespmem:$0x17900] =	vst v63  }
0x24: {  	s15 =	simm.s32 $0x20;
	p2 =	sgt.u32 s31, $0x270;
	_ =	swait.ge @!p1 [sflag:s17], $0x4000  }
0x25: {  	s16 =	sadd.s32 $0x100, s8;
	s14 =	sadd.s32 $0x8000, s7;
	[sflag:s17] =	ssyncset.done @!p1 $0x0  }
.LBB2_2:
0x26: {  	s18 =	simm.s32 @!p2 $0x0;
	s19 =	simm.s32 @!p2 $0x2;
	[sflag:s17] =	ssyncadd.s32 @!p1 $0xFFFFC000  }
0x27: {  	[tilespmem:s18], [sflag:$0x2] =	stream.linear.gather @!p2 [hbm4b:s16+s18], $0x80, $0x38;
	[tilespmem:$0x17900] =	vst v63  }
0x28: {  	s20 =	smov.u32 s15;
	s15 =	sadd.s32 $0x10, s15;
	_ =	swait.ge @!p2 [sflag:s19], $0x80  }
0x29: {  	p1 =	por p2, p2;
	p3 =	sne.s32 s15, $0x280;
	[sflag:s19] =	ssyncset.done @!p2 $0x0  }
0x2a: {  	s21 =	simm.s32 @!p1 $0x80;
	[sflag:s19] =	ssyncadd.s32 @!p1 $0xFFFFFF80  }
0x2b: {  	[tilespmem:s21], [sflag:$0x2] =	stream.linear.gather @!p1 [hbm4b:s14+s18], $0x4000, $0x38;
	[tilespmem:$0x17900] =	vst v63  }
0x2c: {  	_ =	swait.ge @!p1 [sflag:s19], $0x4000  }
.Ltmp0:
0x2d: {  	[sflag:s19] =	ssyncset.done @!p1 $0x0;
	(pc) =	sbr.rel @p3 .LBB2_2-.Ltmp0, $4  }
0x2e: {  	s17 =	simm.s32 @!p1 $0x1;
	[sflag:s19] =	ssyncadd.s32 @!p1 $0xFFFFC000  }
0x2f: {  	[spmem:s2] =	stream.indirect.scatter.add.f32 @!p1 [tilespmem:s21], [sflag:$0x1], $0x80, s18, s21, $0xb8;
	[tilespmem:$0x17900] =	vst v63  }
0x30: {  	s16 =	sadd.s32 $0x100, s16;
	s18 =	sadd.s32 s20, s1;
	_ =	swait.ge @!p1 [sflag:s17], $0x4000  }
0x31: {  	s14 =	sadd.s32 $0x8000, s14;
	p2 =	sgt.u32 s18, $0x270;
	[sflag:s17] =	ssyncset.done @!p1 $0x0  }
0x32: {  	s15 =	simm.s32 @!p2 $0x0;
	s18 =	simm.s32 @!p2 $0x2;
	[sflag:s17] =	ssyncadd.s32 @!p1 $0xFFFFC000  }
0x33: {  	[tilespmem:s15], [sflag:$0x2] =	stream.linear.gather @!p2 [hbm4b:s16+s15], $0x80, $0x38;
	[tilespmem:$0x17900] =	vst v63  }
0x34: {  	_ =	swait.ge @!p2 [sflag:s18], $0x80  }
0x35: {  	p1 =	por p2, p2;
	[sflag:s18] =	ssyncset.done @!p2 $0x0  }
0x36: {  	s16 =	simm.s32 @!p1 $0x80;
	[sflag:s18] =	ssyncadd.s32 @!p1 $0xFFFFFF80  }
0x37: {  	[tilespmem:s16], [sflag:$0x2] =	stream.linear.gather @!p1 [hbm4b:s14+s15], $0x4000, $0x38;
	[tilespmem:$0x17900] =	vst v63  }
0x38: {  	_ =	swait.ge @!p1 [sflag:s18], $0x4000  }
0x39: {  	[sflag:s18] =	ssyncset.done @!p1 $0x0  }
0x3a: {  	s14 =	simm.s32 @!p1 $0x1;
	[sflag:s18] =	ssyncadd.s32 @!p1 $0xFFFFC000  }
0x3b: {  	[spmem:s2] =	stream.indirect.scatter.add.f32 @!p1 [tilespmem:s16], [sflag:$0x1], $0x80, s15, s16, $0xb8;
	[tilespmem:$0x17900] =	vst v63  }
0x3c: {  	_ =	swait.ge @!p1 [sflag:s14], $0x4000  }
0x3d: {  	[sflag:s14] =	ssyncset.done @!p1 $0x0  }
0x3e: {  	[sflag:s14] =	ssyncadd.s32 @!p1 $0xFFFFC000  }
0x3f: {  	s14 =	simm.s32 @p0 $0x1FC1;
	[bflag:$0x0] =	sbarrier.arrive $0xFFFF  }
0x40: {  	[hbm:s12], [sflag:s14] =	dma.local @p0 [spmem:s9], $0x2080  }
0x41: {  	s14 =	simm.s32 @p0 $0x1  }
0x42: {  	s3 =	sadd.s32 $0x1, s3;
	_ =	swait.ge @p0 [sflag:s14], $0x2080  }
0x43: {  	p1 =	sne.s32 s3, s6;
	[sflag:s14] =	ssyncset.done @p0 $0x0  }
.Ltmp1:
0x44: {  	[sflag:s14] =	ssyncadd.s32 @p0 $0xFFFFDF80;
	s14 =	simm.s32 @!p0 $0x1;
	(pc) =	sbr.rel @p1 .LBB2_1-.Ltmp1, $4  }
0x45: {  	[hbm:s13], [sflag:s10] =	dma.local @!p0 [spmem:s11], $0x2780  }
0x46: {  	_ =	swait.ge @!p0 [sflag:s14], $0x2780  }
0x47: {  	[sflag:s14] =	ssyncset.done @!p0 $0x0  }
0x48: {  	[sflag:s14] =	ssyncadd.s32 @!p0 $0xFFFFD880  }
0x49: {  	_ =	sfence.sel $0x180000  }
0x4a: {  	[bflag:$0x0] =	sbarrier.arrive $0xFFFF  }
0x4b: {  	p0 =	sne.s32 s1, $0x0;
	_ =	strace $0x90000056  }
0x4c: {  	s0 =	sadd.s32 @!p0 $0x100000, s0;
	[bflag:$0x2] =	sbarrier.arrive $0xFFFF  }
0x4d: {  	[sflag:s0] =	ssyncadd.tile.s32 @!p0 $0x1;
	_ =	shalt  }
.Lfunc_end2:
_tile_overlayer_lowered:
.L_overlay_start_2:
0x4e: {  	(tag) =	ssettag $0x2  }
0x4f: {  	s0 =	rddreg [dreg:$0x0];
	s2 =	stileid.u32  }
0x50: {  	s1 =	rddreg [dreg:$0x1];
	p0 =	sne.s32 s2, $0x0  }
0x51: {  	s3 =	rddreg [dreg:$0x2];
	[bflag:$0x3] =	sbarrier.arrive $0xFFFF;
	s2 =	simm.s32 @!p0 $0x1C01  }
0x52: {  	[timem:s3], [sflag:s2] =	dma.local @!p0 [hbm:s0], s1  }
0x53: {  	s0 =	simm.s32 @!p0 $0x1  }
0x54: {  	_ =	swait.ge @!p0 [sflag:s0], s1  }
0x55: {  	s1 =	ssub.s32 @!p0 $0x0, s1;
	[sflag:s0] =	ssyncset.done @!p0 $0x0  }
0x56: {  	[sflag:s0] =	ssyncadd.s32 @!p0 s1  }
0x57: {  	[bflag:$0x3] =	sbarrier.arrive $0xFFFF  }
0x58: {  	_ =	shalt  }

// kernel: kernel.46.cloned.1.call-start
scs
__scs_entry_jumppad:
0x0: {  	(pc) =	sbr.rel $0x88, $3  }
0x1: {  	(tag) =	ssettag $0x0;
	lr =	simm.s32 $0x1  }
0x2: {  	[smem:$0x3F93] =	sst lr;
	_ =	strace $0xD0000000  }
0x3: {  	_ = 	snop  }
0x4: {  	_ = 	snop  }
0x5: {  	_ = 	snop  }
0x6: {  	_ = 	snop  }
0x7: {  	_ = 	snop  }
__scs_overlays_trampoline_lowered:
0x8: {  	[smem:$0x3FA2] =	sst s0  }
0x9: {  	[smem:$0x3FA3] =	sst s1  }
0xa: {  	[smem:$0x3FA4] =	sst s2  }
0xb: {  	[smem:$0x3FA5] =	sst s3  }
0xc: {  	[smem:$0x3FA6] =	sst s4  }
0xd: {  	[smem:$0x3FA7] =	sst s5  }
0xe: {  	[smem:$0x3FA8] =	sst s6  }
0xf: {  	[smem:$0x3FA9] =	sst s7  }
0x10: {  	[smem:$0x3FAA] =	sst s8  }
0x11: {  	[smem:$0x3FAB] =	sst s9;
	s0 =	simm.s32 @!p0 $0x0  }
0x12: {  	s1 =	sld [smem:$0x3F91];
	s0 =	simm.s32 @p0 $0x1  }
0x13: {  	[smem:$0x3FAC] =	sst s0;
	s0 =	simm.s32 @!p1 $0x0  }
0x14: {  	s2 =	sld [smem:$0x3F90];
	s0 =	simm.s32 @p1 $0x1  }
0x15: {  	[smem:$0x3FAD] =	sst s0;
	s0 =	simm.s32 @!p2 $0x0  }
0x16: {  	s3 =	sld [smem:$0x3FDB];
	s0 =	simm.s32 @p2 $0x1  }
0x17: {  	s4 =	simm.s32 $0x1BF5;
	[smem:$0x3FAF] =	sst s0  }
0x18: {  	s0 =	sld [smem:$0x3F92];
	_ =	swait.ge [sflag:s4], $0x0  }
0x19: {  	s7 =	sld [smem:$0x3F93]  }
0x1a: {  	s8 =	sadd.s32 $0xFFFFE003, lr  }
0x1b: {  	s9 =	sadd.s32 $0xFFFFFEF7, lr;
	s5 =	simm.s32 $0xFFFFFFFF;
	p2 =	slt.u32 s8, $0xFFFFF086  }
0x1c: {  	p1 =	slt.u32 s9, $0xF7A;
	s5 =	simm.s32 @!p2 $0x0  }
0x1d: {  	s5 =	simm.s32 @p1 $0x1;
	p0 =	seq.s32 s7, s2  }
0x1e: {  	s7 =	smul.u32 @!p0 $0xF7A, s2;
	p2 =	seq.s32 @!p0 s5, $0x0  }
0x1f: {  	s9 =	smul.u32 $0xF7A, s1;
	s8 =	simm.s32 @!p0 $0x1BF5;
	p2 =	por !p2, p0  }
0x20: {  	[sflag:s8] =	ssyncset.s32 @!p0 $0xFFFFF086;
	s6 =	sadd.s32 @!p0 s3, s7;
	s7 =	simm.s32 @!p0 $0x108  }
0x21: {  	s3 =	sadd.s32 s3, s9;
	s6 =	sadd.s32 @!p0 $0x88, s6;
	s7 =	simm.s32 @p2 $0x1082  }
0x22: {  	[simem:s7], [sflag:s8] =	dma.local @!p0 [hbm:s6], $0xF7A  }
0x23: {  	s9 =	sor.u32 $0xD0000000, s2;
	s6 =	simm.s32 $0x108;
	_ =	swait.ge @!p0 [sflag:s8], $0x0  }
0x24: {  	s3 =	sadd.s32 $0x88, s3;
	s6 =	simm.s32 @!p1 $0x1082;
	[sflag:s4] =	ssyncset.s32 $0xFFFFF086  }
0x25: {  	[simem:s6], [sflag:s4] =	dma.local [hbm:s3], $0xF7A  }
0x26: {  	[smem:$0x3F93] =	sst s1;
	(tag) =	ssettag s2;
	_ =	strace s9  }
0x27: {  	s1 =	sld [smem:$0x3FA3]  }
0x28: {  	s2 =	sld [smem:$0x3FA4]  }
0x29: {  	s4 =	sld [smem:$0x3FA6]  }
0x2a: {  	p0 =	seq.s32 s5, $0x0;
	s5 =	sld [smem:$0x3FA7]  }
0x2b: {  	s6 =	sld [smem:$0x3FA8]  }
0x2c: {  	s7 =	sld [smem:$0x3FA9]  }
0x2d: {  	s3 =	simm.s32 $0x108;
	s8 =	sld [smem:$0x3FAA]  }
0x2e: {  	s3 =	simm.s32 @!p0 $0x1082;
	s9 =	sld [smem:$0x3FAB]  }
0x2f: {  	lr =	sadd.s32 s0, s3;
	s0 =	sld [smem:$0x3FA2]  }
0x30: {  	s3 =	sld [smem:$0x3FA5]  }
0x31: {  	[smem:$0x3FAE] =	sst s10  }
0x32: {  	s10 =	sld [smem:$0x3FAC];
	_ =	sdelay $0x3  }
0x33: {  	p0 =	seq.s32 s10, $0x1;
	s10 =	sld [smem:$0x3FAE];
	_ =	sdelay $0x3  }
0x34: {  	[smem:$0x3FAE] =	sst s10  }
0x35: {  	s10 =	sld [smem:$0x3FAD];
	_ =	sdelay $0x3  }
0x36: {  	p1 =	seq.s32 s10, $0x1;
	s10 =	sld [smem:$0x3FAE];
	_ =	sdelay $0x3  }
0x37: {  	[smem:$0x3FAE] =	sst s10  }
0x38: {  	s10 =	sld [smem:$0x3FAF]  }
0x39: {  	_ = 	snop;
	(pc) =	sbr.ind lr, $3  }
0x3a: {  	_ = 	snop  }
0x3b: {  	_ = 	snop  }
0x3c: {  	p2 =	seq.s32 s10, $0x1;
	s10 =	sld [smem:$0x3FAE]  }
0x3d: {  	_ =	shalt  }
0x3e: {  	_ =	shalt  }
0x3f: {  	_ =	shalt  }
0x40: {  	_ =	shalt  }
0x41: {  	_ =	shalt  }
0x42: {  	_ =	shalt  }
0x43: {  	_ =	shalt  }
0x44: {  	_ =	shalt  }
0x45: {  	_ =	shalt  }
0x46: {  	_ =	shalt  }
0x47: {  	_ =	shalt  }
0x48: {  	_ =	shalt  }
0x49: {  	_ =	shalt  }
0x4a: {  	_ =	shalt  }
0x4b: {  	_ =	shalt  }
0x4c: {  	_ =	shalt  }
0x4d: {  	_ =	shalt  }
0x4e: {  	_ =	shalt  }
0x4f: {  	_ =	shalt  }
0x50: {  	_ =	shalt  }
0x51: {  	_ =	shalt  }
0x52: {  	_ =	shalt  }
0x53: {  	_ =	shalt  }
0x54: {  	_ =	shalt  }
0x55: {  	_ =	shalt  }
0x56: {  	_ =	shalt  }
0x57: {  	_ =	shalt  }
0x58: {  	_ =	shalt  }
0x59: {  	_ =	shalt  }
0x5a: {  	_ =	shalt  }
0x5b: {  	_ =	shalt  }
0x5c: {  	_ =	shalt  }
0x5d: {  	_ =	shalt  }
0x5e: {  	_ =	shalt  }
0x5f: {  	_ =	shalt  }
0x60: {  	_ =	shalt  }
0x61: {  	_ =	shalt  }
0x62: {  	_ =	shalt  }
0x63: {  	_ =	shalt  }
0x64: {  	_ =	shalt  }
0x65: {  	_ =	shalt  }
0x66: {  	_ =	shalt  }
0x67: {  	_ =	shalt  }
0x68: {  	_ =	shalt  }
0x69: {  	_ =	shalt  }
0x6a: {  	_ =	shalt  }
0x6b: {  	_ =	shalt  }
0x6c: {  	_ =	shalt  }
0x6d: {  	_ =	shalt  }
0x6e: {  	_ =	shalt  }
0x6f: {  	_ =	shalt  }
0x70: {  	_ =	shalt  }
0x71: {  	_ =	shalt  }
0x72: {  	_ =	shalt  }
0x73: {  	_ =	shalt  }
0x74: {  	_ =	shalt  }
0x75: {  	_ =	shalt  }
0x76: {  	_ =	shalt  }
0x77: {  	_ =	shalt  }
0x78: {  	_ =	shalt  }
0x79: {  	_ =	shalt  }
0x7a: {  	_ =	shalt  }
0x7b: {  	_ =	shalt  }
0x7c: {  	_ =	shalt  }
0x7d: {  	_ =	shalt  }
0x7e: {  	_ =	shalt  }
0x7f: {  	_ =	shalt  }
0x80: {  	_ =	shalt  }
0x81: {  	_ =	shalt  }
0x82: {  	_ =	shalt  }
0x83: {  	_ =	shalt  }
0x84: {  	_ =	shalt  }
0x85: {  	_ =	shalt  }
0x86: {  	_ =	shalt  }
0x87: {  	_ =	shalt  }
.Lfunc_end0:
.L_simem_size_0:
called_computation.6_lowered:
.L_overlay_start_0:
0x88: {  	s2 =	sld [smem:$0x3FD9]  }
0x89: {  	s3 =	sld [smem:$0x3FFE];
	_ =	sdelay $0x1  }
0x8a: {  	s1 =	srdreg.scid  }
0x8b: {  	s0 =	sand.u32 $0x1, s1  }
0x8c: {  	s16 =	sshll.u32 s0, $0xA;
	s2 =	sadd.s32 s3, s2  }
0x8d: {  	s2 =	sadd.s32 s2, s16  }
0x8e: {  	[smem:$0x3FBA] =	sst s2  }
0x8f: {  	_ = 	snop  }
0x90: {  	(tm) =	ssettm $0x1  }
0x91: {  	s17 =	sld [smem:$0x3FFB];
	_ =	sdelay $0x3  }
0x92: {  	_ =	strace s17  }
0x93: {  	s2 =	sld [smem:$0x3FFC];
	_ =	sdelay $0x3  }
0x94: {  	_ =	strace s2  }
0x95: {  	s2 =	sld [smem:$0x3FFD];
	_ =	sdelay $0x3  }
0x96: {  	_ =	strace s2  }
0x97: {  	_ =	strace $0x8FFFFFFF  }
0x98: {  	s18 =	sld [smem:$0x3FDB];
	_ =	sdelay $0x1  }
0x99: {  	s19 =	simm.s32 $_scs_section_size  }
0x9a: {  	s4 =	simm.s32 $_size__tile_overlayer_lowered;
	s5 =	simm.s32 $_tile_overlayer_lowered  }
0x9b: {  	s22 =	simm.s32 $0x1BFF;
	s21 =	sshll.u32 s5, $0x1;
	s2 =	sadd.s32 s19, s18  }
0x9c: {  	s6 =	simm.s32 $0x0;
	s20 =	sshll.u32 s4, $0x1;
	s4 =	sadd.s32 s21, s2  }
0x9d: {  	[timem:s6], [sflag:s22] =	dma.local [hbm:s4], s20  }
0x9e: {  	_ =	swait.ge [sflag:s22], s20  }
0x9f: {  	s3 =	ssub.s32 $0x0, s20;
	[sflag:s22] =	ssyncset.done $0x0  }
0xa0: {  	[sflag:s22] =	ssyncadd.s32 s3;
	_ =	sdelay $0x1  }
0xa1: {  	s23 =	simm.s32 $0x1B8B  }
0xa2: {  	_ =	swait.ge [sflag:s23], $0x1  }
0xa3: {  	[sflag:s23] =	ssyncset.done $0x0  }
0xa4: {  	s25 =	simm.s32 $0x1B8E;
	s24 =	sld [smem:$0x3FFE];
	[sflag:s23] =	ssyncadd.s32 $0xFFFFFFFF  }
0xa5: {  	s26 =	simm.s32 $execute0_lowered;
	[smem:$0x3FD2] =	sst s25  }
0xa6: {  	s4 =	sshll.u32 s26, $0x1;
	_ =	strace $0x80000058;
	[dreg:$0x1] =	wrdreg $0xFFFFFFFF  }
0xa7: {  	s28 =	simm.s32 $_size_execute0_lowered;
	s2 =	sadd.s32 s2, s4;
	[dreg:$0x0] =	wrdreg $0x0  }
0xa8: {  	s4 =	sshll.u32 s28, $0x1;
	[dreg:$0x2] =	wrdreg s2  }
0xa9: {  	[dreg:$0x3] =	wrdreg s4  }
0xaa: {  	[dreg:$0x4] =	wrdreg $0xC0  }
0xab: {  	_ =	task [dreg:s6], $0x5FFFF  }
0xac: {  	[dreg:$0x1] =	wrdreg $0xFFFFFFFF  }
0xad: {  	[dreg:$0x0] =	wrdreg $0x60  }
0xae: {  	[dreg:$0x2] =	wrdreg s24  }
0xaf: {  	[dreg:$0x3] =	wrdreg $0x9  }
0xb0: {  	_ =	task.clear_ibuf [dreg:s6], $0x4FFFF;
	_ =	strace $0x90000058  }
0xb1: {  	s29 =	simm.s32 $0x9;
	_ =	strace $0x8000005A  }
0xb2: {  	_ =	swait.ge [sflag:s29], $0x1  }
0xb3: {  	[sflag:s29] =	ssyncadd.s32 $0xFFFFFFFF  }
0xb4: {  	_ =	strace $0x9000005A  }
0xb5: {  	_ =	sfence  }
0xb6: {  	s30 =	sld [smem:$0x0];
	_ =	sdelay $0x2  }
0xb7: {  	s31 =	sshll.u32 s1, $0xD;
	s1 =	sshrl.u32 s1, $0x2  }
0xb8: {  	s3 =	sand.u32 $0x4000, s31;
	s1 =	sadd.s32 s1, s30  }
0xb9: {  	s0 =	sor.u32 s3, s0;
	s1 =	sshll.u32 s1, $0x11  }
0xba: {  	s0 =	sor.u32 s1, s0  }
0xbb: {  	s0 =	sadd.s32 $0x8F2B, s0  }
0xbc: {  	[sflag:s0] =	ssyncadd.remote.s32 $0x1  }
0xbd: {  	_ =	sfence.sel $0xFFFF  }
0xbe: {  	[dreg:$0x0] =	wrdreg $0xFFFFFFFF;
	(pc) =	sbr.abs _section_cstart, $3  }
0xbf: {  	[dreg:$0x1] =	wrdreg $0xFFFFFFFF  }
0xc0: {  	_ =	task.clear_ibuf [dreg:s6], $0x2FFFF;
	_ =	strace $0x9FFFFFFF  }
0xc1: {  	(tm) =	ssettm $0x7FFFFFFF  }
tec
execute0_lowered:
.L_overlay_start_1:
0x0: {  	(tag) =	ssettag $0x1  }
0x1: {  	s4 =	rddreg [dreg:$0x0]  }
0x2: {  	s0 =	rddreg [dreg:$0x1];
	s1 =	simm.s32 $0x0;
	s5 =	srdreg.scid  }
0x3: {  	s2 =	stileid.u32;
	[smem:$0x7FF] =	sst s1  }
0x4: {  	s3 =	sadd.s32 $0x10200, s4;
	s5 =	sand.u32 $0x1, s5;
	s6 =	sshll.u32 s2, $0x5  }
0x5: {  	s7 =	sshll.u32 s2, $0xC;
	_ =	strace $0x80000059;
	s8 =	ssub.s32 $0x2, s5  }
0x6: {  	s6 =	sadd.s32 s6, s4;
	s7 =	sadd.s32 s7, s4;
	s9 =	sshll.u32 s5, $0xB  }
0x7: {  	s5 =	sshll.u32 s5, $0x4;
	s4 =	sshll.u32 s2, $0x1;
	s30 =	sshrl.u32 s8, $0x1  }
0x8: {  	s7 =	sadd.s32 s9, s7;
	s31 =	sadd.s32 s5, s6;
	s8 =	ssub.s32 s8, s30  }
0x9: {  	s6 =	sadd.s32 $0x2A8C00, s7;
	s7 =	sadd.s32 $0xB200, s31;
	s5 =	smax.u32 s8, $0x1  }
.LBB2_1:
0xa: {  	s8 =	sadd.s32 $0x0, s4  }
0xb: {  	p0 =	sgt.u32 s8, $0x4E1  }
0xc: {  	s8 =	simm.s32 @!p0 $0x0;
	s9 =	simm.s32 @!p0 $0x3  }
0xd: {  	[tilespmem:s8], [sflag:$0x3] =	stream.linear.gather @!p0 [hbm4b:s7+s8], $0x80, $0x38;
	[tilespmem:$0x4080] =	vst v63  }
0xe: {  	_ =	swait.ge @!p0 [sflag:s9], $0x80  }
0xf: {  	[sflag:s9] =	ssyncset.done @!p0 $0x0;
	p0 =	por p0, p0  }
0x10: {  	[sflag:s9] =	ssyncadd.s32 @!p0 $0xFFFFFF80;
	s10 =	simm.s32 @!p0 $0x80;
	s11 =	simm.s32 @!p0 $0x1  }
0x11: {  	[tilespmem:s10], [sflag:$0x1] =	stream.indirect.gather @!p0 [hbm4b:s3+s10], $0x80, s8, s10, $0xb8;
	[tilespmem:$0x4080] =	vst v63  }
0x12: {  	_ =	swait.ge @!p0 [sflag:s11], $0x4000  }
0x13: {  	[sflag:s11] =	ssyncset.done @!p0 $0x0  }
0x14: {  	s31 =	sadd.s32 $0x20, s4;
	[sflag:s11] =	ssyncadd.s32 @!p0 $0xFFFFC000;
	s11 =	simm.s32 @!p0 $0x2  }
0x15: {  	[hbm4b:s6+s8] =	stream.linear.scatter @!p0 [tilespmem:s10], [sflag:$0x2], $0x4000, $0x38;
	[tilespmem:$0x4080] =	vst v63  }
0x16: {  	p1 =	sgt.u32 s31, $0x4E1;
	s9 =	simm.s32 $0x40;
	_ =	swait.ge @!p0 [sflag:s11], $0x4000  }
0x17: {  	s10 =	sadd.s32 $0x200, s7;
	s8 =	sadd.s32 $0x10000, s6;
	[sflag:s11] =	ssyncset.done @!p0 $0x0  }
.LBB2_2:
0x18: {  	s12 =	simm.s32 @!p1 $0x0;
	s13 =	simm.s32 @!p1 $0x3;
	[sflag:s11] =	ssyncadd.s32 @!p0 $0xFFFFC000  }
0x19: {  	[tilespmem:s12], [sflag:$0x3] =	stream.linear.gather @!p1 [hbm4b:s10+s12], $0x80, $0x38;
	[tilespmem:$0x4080] =	vst v63  }
0x1a: {  	s14 =	smov.u32 s9;
	s9 =	sadd.s32 $0x20, s9;
	_ =	swait.ge @!p1 [sflag:s13], $0x80  }
0x1b: {  	p0 =	por p1, p1;
	p2 =	sne.s32 s9, $0x500;
	[sflag:s13] =	ssyncset.done @!p1 $0x0  }
0x1c: {  	s11 =	simm.s32 @!p0 $0x1;
	[sflag:s13] =	ssyncadd.s32 @!p0 $0xFFFFFF80;
	s13 =	simm.s32 @!p0 $0x80  }
0x1d: {  	[tilespmem:s13], [sflag:$0x1] =	stream.indirect.gather @!p0 [hbm4b:s3+s13], $0x80, s12, s13, $0xb8;
	[tilespmem:$0x4080] =	vst v63  }
0x1e: {  	_ =	swait.ge @!p0 [sflag:s11], $0x4000  }
.Ltmp0:
0x1f: {  	[sflag:s11] =	ssyncset.done @!p0 $0x0;
	(pc) =	sbr.rel @p2 .LBB2_2-.Ltmp0, $4  }
0x20: {  	[sflag:s11] =	ssyncadd.s32 @!p0 $0xFFFFC000;
	s11 =	simm.s32 @!p0 $0x2  }
0x21: {  	[hbm4b:s8+s12] =	stream.linear.scatter @!p0 [tilespmem:s13], [sflag:$0x2], $0x4000, $0x38;
	[tilespmem:$0x4080] =	vst v63  }
0x22: {  	s10 =	sadd.s32 $0x200, s10;
	s12 =	sadd.s32 s14, s4;
	_ =	swait.ge @!p0 [sflag:s11], $0x4000  }
0x23: {  	s8 =	sadd.s32 $0x10000, s8;
	p1 =	sgt.u32 s12, $0x4E1;
	[sflag:s11] =	ssyncset.done @!p0 $0x0  }
0x24: {  	s9 =	simm.s32 @!p1 $0x0;
	s12 =	simm.s32 @!p1 $0x3;
	[sflag:s11] =	ssyncadd.s32 @!p0 $0xFFFFC000  }
0x25: {  	[tilespmem:s9], [sflag:$0x3] =	stream.linear.gather @!p1 [hbm4b:s10+s9], $0x80, $0x38;
	[tilespmem:$0x4080] =	vst v63  }
0x26: {  	_ =	swait.ge @!p1 [sflag:s12], $0x80  }
0x27: {  	p0 =	por p1, p1;
	[sflag:s12] =	ssyncset.done @!p1 $0x0  }
0x28: {  	s10 =	simm.s32 @!p0 $0x80;
	s11 =	simm.s32 @!p0 $0x1;
	[sflag:s12] =	ssyncadd.s32 @!p0 $0xFFFFFF80  }
0x29: {  	[tilespmem:s10], [sflag:$0x1] =	stream.indirect.gather @!p0 [hbm4b:s3+s10], $0x80, s9, s10, $0xb8;
	[tilespmem:$0x4080] =	vst v63  }
0x2a: {  	s1 =	sadd.s32 $0x1, s1;
	_ =	swait.ge @!p0 [sflag:s11], $0x4000  }
0x2b: {  	p1 =	sne.s32 s1, s5;
	[sflag:s11] =	ssyncset.done @!p0 $0x0  }
.Ltmp1:
0x2c: {  	[sflag:s11] =	ssyncadd.s32 @!p0 $0xFFFFC000;
	s11 =	simm.s32 @!p0 $0x2;
	(pc) =	sbr.rel @p1 .LBB2_1-.Ltmp1, $4  }
0x2d: {  	[hbm4b:s8+s9] =	stream.linear.scatter @!p0 [tilespmem:s10], [sflag:$0x2], $0x4000, $0x38;
	[tilespmem:$0x4080] =	vst v63  }
0x2e: {  	_ =	swait.ge @!p0 [sflag:s11], $0x4000  }
0x2f: {  	[sflag:s11] =	ssyncset.done @!p0 $0x0  }
0x30: {  	[sflag:s11] =	ssyncadd.s32 @!p0 $0xFFFFC000  }
0x31: {  	_ =	sfence.sel $0x180000  }
0x32: {  	[bflag:$0x0] =	sbarrier.arrive $0xFFFF  }
0x33: {  	p0 =	sne.s32 s2, $0x0;
	_ =	strace $0x90000059  }
0x34: {  	s0 =	sadd.s32 @!p0 $0x100000, s0;
	[bflag:$0x2] =	sbarrier.arrive $0xFFFF  }
0x35: {  	[sflag:s0] =	ssyncadd.tile.s32 @!p0 $0x1;
	_ =	shalt  }
.Lfunc_end2:
_tile_overlayer_lowered:
.L_overlay_start_2:
0x36: {  	(tag) =	ssettag $0x2  }
0x37: {  	s0 =	rddreg [dreg:$0x0];
	s2 =	stileid.u32  }
0x38: {  	s1 =	rddreg [dreg:$0x1];
	p0 =	sne.s32 s2, $0x0  }
0x39: {  	s3 =	rddreg [dreg:$0x2];
	[bflag:$0x3] =	sbarrier.arrive $0xFFFF;
	s2 =	simm.s32 @!p0 $0x1C02  }
0x3a: {  	[timem:s3], [sflag:s2] =	dma.local @!p0 [hbm:s0], s1  }
0x3b: {  	s0 =	simm.s32 @!p0 $0x2  }
0x3c: {  	_ =	swait.ge @!p0 [sflag:s0], s1  }
0x3d: {  	s1 =	ssub.s32 @!p0 $0x0, s1;
	[sflag:s0] =	ssyncset.done @!p0 $0x0  }
0x3e: {  	[sflag:s0] =	ssyncadd.s32 @!p0 s1  }
0x3f: {  	[bflag:$0x3] =	sbarrier.arrive $0xFFFF  }
0x40: {  	_ =	shalt  }

// kernel: kernel.49.cloned.1.call-start
scs
__scs_entry_jumppad:
0x0: {  	(pc) =	sbr.rel $0x88, $3  }
0x1: {  	(tag) =	ssettag $0x0;
	lr =	simm.s32 $0x1  }
0x2: {  	[smem:$0x3F93] =	sst lr;
	_ =	strace $0xD0000000  }
0x3: {  	_ = 	snop  }
0x4: {  	_ = 	snop  }
0x5: {  	_ = 	snop  }
0x6: {  	_ = 	snop  }
0x7: {  	_ = 	snop  }
__scs_overlays_trampoline_lowered:
0x8: {  	[smem:$0x3FA2] =	sst s0  }
0x9: {  	[smem:$0x3FA3] =	sst s1  }
0xa: {  	[smem:$0x3FA4] =	sst s2  }
0xb: {  	[smem:$0x3FA5] =	sst s3  }
0xc: {  	[smem:$0x3FA6] =	sst s4  }
0xd: {  	[smem:$0x3FA7] =	sst s5  }
0xe: {  	[smem:$0x3FA8] =	sst s6  }
0xf: {  	[smem:$0x3FA9] =	sst s7  }
0x10: {  	[smem:$0x3FAA] =	sst s8  }
0x11: {  	[smem:$0x3FAB] =	sst s9;
	s0 =	simm.s32 @!p0 $0x0  }
0x12: {  	s1 =	sld [smem:$0x3F91];
	s0 =	simm.s32 @p0 $0x1  }
0x13: {  	[smem:$0x3FAC] =	sst s0;
	s0 =	simm.s32 @!p1 $0x0  }
0x14: {  	s2 =	sld [smem:$0x3F90];
	s0 =	simm.s32 @p1 $0x1  }
0x15: {  	[smem:$0x3FAD] =	sst s0;
	s0 =	simm.s32 @!p2 $0x0  }
0x16: {  	s3 =	sld [smem:$0x3FDB];
	s0 =	simm.s32 @p2 $0x1  }
0x17: {  	s4 =	simm.s32 $0x1BF5;
	[smem:$0x3FAF] =	sst s0  }
0x18: {  	s0 =	sld [smem:$0x3F92];
	_ =	swait.ge [sflag:s4], $0x0  }
0x19: {  	s7 =	sld [smem:$0x3F93]  }
0x1a: {  	s8 =	sadd.s32 $0xFFFFE003, lr  }
0x1b: {  	s9 =	sadd.s32 $0xFFFFFEF7, lr;
	s5 =	simm.s32 $0xFFFFFFFF;
	p2 =	slt.u32 s8, $0xFFFFF086  }
0x1c: {  	p1 =	slt.u32 s9, $0xF7A;
	s5 =	simm.s32 @!p2 $0x0  }
0x1d: {  	s5 =	simm.s32 @p1 $0x1;
	p0 =	seq.s32 s7, s2  }
0x1e: {  	s7 =	smul.u32 @!p0 $0xF7A, s2;
	p2 =	seq.s32 @!p0 s5, $0x0  }
0x1f: {  	s9 =	smul.u32 $0xF7A, s1;
	s8 =	simm.s32 @!p0 $0x1BF5;
	p2 =	por !p2, p0  }
0x20: {  	[sflag:s8] =	ssyncset.s32 @!p0 $0xFFFFF086;
	s6 =	sadd.s32 @!p0 s3, s7;
	s7 =	simm.s32 @!p0 $0x108  }
0x21: {  	s3 =	sadd.s32 s3, s9;
	s6 =	sadd.s32 @!p0 $0x88, s6;
	s7 =	simm.s32 @p2 $0x1082  }
0x22: {  	[simem:s7], [sflag:s8] =	dma.local @!p0 [hbm:s6], $0xF7A  }
0x23: {  	s9 =	sor.u32 $0xD0000000, s2;
	s6 =	simm.s32 $0x108;
	_ =	swait.ge @!p0 [sflag:s8], $0x0  }
0x24: {  	s3 =	sadd.s32 $0x88, s3;
	s6 =	simm.s32 @!p1 $0x1082;
	[sflag:s4] =	ssyncset.s32 $0xFFFFF086  }
0x25: {  	[simem:s6], [sflag:s4] =	dma.local [hbm:s3], $0xF7A  }
0x26: {  	[smem:$0x3F93] =	sst s1;
	(tag) =	ssettag s2;
	_ =	strace s9  }
0x27: {  	s1 =	sld [smem:$0x3FA3]  }
0x28: {  	s2 =	sld [smem:$0x3FA4]  }
0x29: {  	s4 =	sld [smem:$0x3FA6]  }
0x2a: {  	p0 =	seq.s32 s5, $0x0;
	s5 =	sld [smem:$0x3FA7]  }
0x2b: {  	s6 =	sld [smem:$0x3FA8]  }
0x2c: {  	s7 =	sld [smem:$0x3FA9]  }
0x2d: {  	s3 =	simm.s32 $0x108;
	s8 =	sld [smem:$0x3FAA]  }
0x2e: {  	s3 =	simm.s32 @!p0 $0x1082;
	s9 =	sld [smem:$0x3FAB]  }
0x2f: {  	lr =	sadd.s32 s0, s3;
	s0 =	sld [smem:$0x3FA2]  }
0x30: {  	s3 =	sld [smem:$0x3FA5]  }
0x31: {  	[smem:$0x3FAE] =	sst s10  }
0x32: {  	s10 =	sld [smem:$0x3FAC];
	_ =	sdelay $0x3  }
0x33: {  	p0 =	seq.s32 s10, $0x1;
	s10 =	sld [smem:$0x3FAE];
	_ =	sdelay $0x3  }
0x34: {  	[smem:$0x3FAE] =	sst s10  }
0x35: {  	s10 =	sld [smem:$0x3FAD];
	_ =	sdelay $0x3  }
0x36: {  	p1 =	seq.s32 s10, $0x1;
	s10 =	sld [smem:$0x3FAE];
	_ =	sdelay $0x3  }
0x37: {  	[smem:$0x3FAE] =	sst s10  }
0x38: {  	s10 =	sld [smem:$0x3FAF]  }
0x39: {  	_ = 	snop;
	(pc) =	sbr.ind lr, $3  }
0x3a: {  	_ = 	snop  }
0x3b: {  	_ = 	snop  }
0x3c: {  	p2 =	seq.s32 s10, $0x1;
	s10 =	sld [smem:$0x3FAE]  }
0x3d: {  	_ =	shalt  }
0x3e: {  	_ =	shalt  }
0x3f: {  	_ =	shalt  }
0x40: {  	_ =	shalt  }
0x41: {  	_ =	shalt  }
0x42: {  	_ =	shalt  }
0x43: {  	_ =	shalt  }
0x44: {  	_ =	shalt  }
0x45: {  	_ =	shalt  }
0x46: {  	_ =	shalt  }
0x47: {  	_ =	shalt  }
0x48: {  	_ =	shalt  }
0x49: {  	_ =	shalt  }
0x4a: {  	_ =	shalt  }
0x4b: {  	_ =	shalt  }
0x4c: {  	_ =	shalt  }
0x4d: {  	_ =	shalt  }
0x4e: {  	_ =	shalt  }
0x4f: {  	_ =	shalt  }
0x50: {  	_ =	shalt  }
0x51: {  	_ =	shalt  }
0x52: {  	_ =	shalt  }
0x53: {  	_ =	shalt  }
0x54: {  	_ =	shalt  }
0x55: {  	_ =	shalt  }
0x56: {  	_ =	shalt  }
0x57: {  	_ =	shalt  }
0x58: {  	_ =	shalt  }
0x59: {  	_ =	shalt  }
0x5a: {  	_ =	shalt  }
0x5b: {  	_ =	shalt  }
0x5c: {  	_ =	shalt  }
0x5d: {  	_ =	shalt  }
0x5e: {  	_ =	shalt  }
0x5f: {  	_ =	shalt  }
0x60: {  	_ =	shalt  }
0x61: {  	_ =	shalt  }
0x62: {  	_ =	shalt  }
0x63: {  	_ =	shalt  }
0x64: {  	_ =	shalt  }
0x65: {  	_ =	shalt  }
0x66: {  	_ =	shalt  }
0x67: {  	_ =	shalt  }
0x68: {  	_ =	shalt  }
0x69: {  	_ =	shalt  }
0x6a: {  	_ =	shalt  }
0x6b: {  	_ =	shalt  }
0x6c: {  	_ =	shalt  }
0x6d: {  	_ =	shalt  }
0x6e: {  	_ =	shalt  }
0x6f: {  	_ =	shalt  }
0x70: {  	_ =	shalt  }
0x71: {  	_ =	shalt  }
0x72: {  	_ =	shalt  }
0x73: {  	_ =	shalt  }
0x74: {  	_ =	shalt  }
0x75: {  	_ =	shalt  }
0x76: {  	_ =	shalt  }
0x77: {  	_ =	shalt  }
0x78: {  	_ =	shalt  }
0x79: {  	_ =	shalt  }
0x7a: {  	_ =	shalt  }
0x7b: {  	_ =	shalt  }
0x7c: {  	_ =	shalt  }
0x7d: {  	_ =	shalt  }
0x7e: {  	_ =	shalt  }
0x7f: {  	_ =	shalt  }
0x80: {  	_ =	shalt  }
0x81: {  	_ =	shalt  }
0x82: {  	_ =	shalt  }
0x83: {  	_ =	shalt  }
0x84: {  	_ =	shalt  }
0x85: {  	_ =	shalt  }
0x86: {  	_ =	shalt  }
0x87: {  	_ =	shalt  }
.Lfunc_end0:
.L_simem_size_0:
called_computation.7_lowered:
.L_overlay_start_0:
0x88: {  	s2 =	sld [smem:$0x3FD9]  }
0x89: {  	s3 =	sld [smem:$0x3FFE];
	_ =	sdelay $0x1  }
0x8a: {  	s1 =	srdreg.scid  }
0x8b: {  	s0 =	sand.u32 $0x1, s1  }
0x8c: {  	s17 =	sshll.u32 s0, $0xA;
	s2 =	sadd.s32 s3, s2  }
0x8d: {  	s2 =	sadd.s32 s2, s17  }
0x8e: {  	[smem:$0x3FBA] =	sst s2  }
0x8f: {  	_ = 	snop  }
0x90: {  	s2 =	sld [smem:$0x3FD0];
	(tm) =	ssettm $0x1  }
0x91: {  	s18 =	sld [smem:$0x3FFB];
	_ =	sdelay $0x3  }
0x92: {  	_ =	strace s18  }
0x93: {  	s3 =	sld [smem:$0x3FFC];
	_ =	sdelay $0x3  }
0x94: {  	_ =	strace s3  }
0x95: {  	s3 =	sld [smem:$0x3FFD];
	_ =	sdelay $0x3  }
0x96: {  	_ =	strace s3  }
0x97: {  	_ =	strace $0x8FFFFFFF  }
0x98: {  	s19 =	sld [smem:$0x3FDB];
	_ =	sdelay $0x1  }
0x99: {  	s4 =	simm.s32 $_scs_section_size  }
0x9a: {  	s5 =	simm.s32 $_size__tile_overlayer_lowered;
	s6 =	simm.s32 $_tile_overlayer_lowered  }
0x9b: {  	s22 =	simm.s32 $0x1BFF;
	s21 =	sshll.u32 s6, $0x1;
	s3 =	sadd.s32 s4, s19  }
0x9c: {  	s7 =	simm.s32 $0x0;
	s20 =	sshll.u32 s5, $0x1;
	s5 =	sadd.s32 s21, s3  }
0x9d: {  	[timem:s7], [sflag:s22] =	dma.local [hbm:s5], s20  }
0x9e: {  	_ =	swait.ge [sflag:s22], s20  }
0x9f: {  	s4 =	ssub.s32 $0x0, s20;
	[sflag:s22] =	ssyncset.done $0x0  }
0xa0: {  	[sflag:s22] =	ssyncadd.s32 s4;
	_ =	sdelay $0x1  }
0xa1: {  	s23 =	simm.s32 $0x1B8B  }
0xa2: {  	_ =	swait.ge [sflag:s23], $0x1  }
0xa3: {  	[sflag:s23] =	ssyncset.done $0x0  }
0xa4: {  	s25 =	simm.s32 $0x1B8E;
	s24 =	sld [smem:$0x3FFE];
	[sflag:s23] =	ssyncadd.s32 $0xFFFFFFFF  }
0xa5: {  	s26 =	simm.s32 $execute0_lowered;
	[smem:$0x3FD2] =	sst s25  }
0xa6: {  	s5 =	sshll.u32 s26, $0x1;
	_ =	strace $0x8000005B;
	[dreg:$0x1] =	wrdreg $0xFFFFFFFF  }
0xa7: {  	s28 =	simm.s32 $_size_execute0_lowered;
	s3 =	sadd.s32 s3, s5;
	[dreg:$0x0] =	wrdreg $0x0  }
0xa8: {  	s5 =	sshll.u32 s28, $0x1;
	[dreg:$0x2] =	wrdreg s3  }
0xa9: {  	[dreg:$0x3] =	wrdreg s5  }
0xaa: {  	[dreg:$0x4] =	wrdreg $0xC0  }
0xab: {  	_ =	task [dreg:s7], $0x5FFFF  }
0xac: {  	[dreg:$0x1] =	wrdreg $0xFFFFFFFF  }
0xad: {  	[dreg:$0x0] =	wrdreg $0x60  }
0xae: {  	[dreg:$0x2] =	wrdreg s24  }
0xaf: {  	[dreg:$0x3] =	wrdreg s2  }
0xb0: {  	[dreg:$0x4] =	wrdreg $0x40800  }
0xb1: {  	[dreg:$0x5] =	wrdreg $0x9  }
0xb2: {  	_ =	task.clear_ibuf [dreg:s7], $0x6FFFF;
	_ =	strace $0x9000005B  }
0xb3: {  	s29 =	simm.s32 $0x9;
	_ =	strace $0x8000005D  }
0xb4: {  	_ =	swait.ge [sflag:s29], $0x1  }
0xb5: {  	[sflag:s29] =	ssyncadd.s32 $0xFFFFFFFF  }
0xb6: {  	_ =	strace $0x9000005D  }
0xb7: {  	_ =	sfence  }
0xb8: {  	s30 =	sld [smem:$0x0];
	_ =	sdelay $0x2  }
0xb9: {  	s31 =	sshll.u32 s1, $0xD;
	s1 =	sshrl.u32 s1, $0x2  }
0xba: {  	s3 =	sand.u32 $0x4000, s31;
	s1 =	sadd.s32 s1, s30  }
0xbb: {  	s0 =	sor.u32 s3, s0;
	s1 =	sshll.u32 s1, $0x11  }
0xbc: {  	s0 =	sor.u32 s1, s0  }
0xbd: {  	s0 =	sadd.s32 $0x8F2B, s0  }
0xbe: {  	[sflag:s0] =	ssyncadd.remote.s32 $0x1  }
0xbf: {  	_ =	sfence.sel $0xFFFF  }
0xc0: {  	[dreg:$0x0] =	wrdreg $0xFFFFFFFF;
	(pc) =	sbr.abs _section_cstart, $3  }
0xc1: {  	[dreg:$0x1] =	wrdreg $0xFFFFFFFF  }
0xc2: {  	_ =	task.clear_ibuf [dreg:s7], $0x2FFFF;
	_ =	strace $0x9FFFFFFF  }
0xc3: {  	(tm) =	ssettm $0x7FFFFFFF  }
tec
execute0_lowered:
.L_overlay_start_1:
0x0: {  	(tag) =	ssettag $0x1  }
0x1: {  	s5 =	rddreg [dreg:$0x0]  }
0x2: {  	s8 =	rddreg [dreg:$0x1];
	s0 =	srdreg.scid  }
0x3: {  	s2 =	rddreg [dreg:$0x2];
	s1 =	stileid.u32;
	s3 =	simm.s32 $0x0  }
0x4: {  	s6 =	sand.u32 $0x1, s0;
	s0 =	rddreg [dreg:$0x3];
	s13 =	smul.u32 $0x2780, s1  }
0x5: {  	[smem:$0x7FF] =	sst s3;
	s9 =	smul.u32 $0x4F000, s1  }
0x6: {  	s14 =	sshll.u32 s1, $0xB;
	p0 =	seq.s32 s1, $0xF;
	s4 =	smul.u32 $0x138800, s6  }
0x7: {  	s31 =	sshll.u32 s1, $0x4;
	s7 =	smul.u32 $0x27100, s6;
	_ =	strace $0x8000005C  }
0x8: {  	s11 =	ssub.s32 $0x2, s6;
	s30 =	smul.u32 $0x2710, s6;
	s28 =	sadd.s32 s13, s5  }
0x9: {  	s12 =	sshrl.u32 s11, $0x1;
	s9 =	sshrl.u32 s9, $0x2;
	s10 =	sadd.s32 s4, s5  }
0xa: {  	s7 =	sadd.s32 s7, s5;
	s11 =	ssub.s32 s11, s12;
	s12 =	sadd.s32 s9, s2  }
0xb: {  	s4 =	sadd.s32 $0x37400, s28;
	s9 =	sadd.s32 $0x128400, s2;
	s5 =	sadd.s32 $0x5C480, s5  }
0xc: {  	s8 =	sadd.s32 s30, s8;
	s15 =	sadd.s32 $0x5E600, s7;
	s29 =	sadd.s32 s14, s10  }
0xd: {  	s6 =	smax.u32 s11, $0x1;
	s11 =	sshll.u32 @!p0 s1, $0x6;
	s8 =	sadd.s32 s31, s8  }
0xe: {  	s9 =	sshrl.u32 @p0 s9, $0x3;
	s7 =	sadd.s32 $0xEDDC00, s29;
	s10 =	sor.u32 @!p0 $0x1C01, s11  }
0xf: {  	s11 =	sshrl.u32 @!p0 s12, $0x3;
	s12 =	sadd.s32 @p0 $0x25080, s15;
	s13 =	sadd.s32 @!p0 s13, s15  }
.LBB2_1:
0x10: {  	s14 =	simm.s32 @p0 $0x1FC1  }
0x11: {  	[spmem:s9], [sflag:s14] =	dma.local @p0 [hbm:s5], $0x2080  }
0x12: {  	s14 =	simm.s32 @p0 $0x1  }
0x13: {  	_ =	swait.ge @p0 [sflag:s14], $0x2080  }
0x14: {  	[sflag:s14] =	ssyncset.done @p0 $0x0  }
0x15: {  	[sflag:s14] =	ssyncadd.s32 @p0 $0xFFFFDF80;
	s14 =	simm.s32 @!p0 $0x1  }
0x16: {  	[spmem:s11], [sflag:s10] =	dma.local @!p0 [hbm:s4], $0x2780  }
0x17: {  	_ =	swait.ge @!p0 [sflag:s14], $0x2780  }
0x18: {  	s15 =	sadd.s32 $0x0, s1;
	[sflag:s14] =	ssyncset.done @!p0 $0x0  }
0x19: {  	p1 =	sgt.u32 s15, $0x270;
	[sflag:s14] =	ssyncadd.s32 @!p0 $0xFFFFD880  }
0x1a: {  	s16 =	simm.s32 @!p1 $0x2;
	s14 =	simm.s32 @!p1 $0x0;
	[bflag:$0x0] =	sbarrier.arrive $0xFFFF  }
0x1b: {  	[tilespmem:s14], [sflag:$0x2] =	stream.linear.gather @!p1 [hbm4b:s8+s14], $0x80, $0x38;
	[tilespmem:$0x17900] =	vst v63  }
0x1c: {  	_ =	swait.ge @!p1 [sflag:s16], $0x80  }
0x1d: {  	[sflag:s16] =	ssyncset.done @!p1 $0x0;
	p1 =	por p1, p1  }
0x1e: {  	[sflag:s16] =	ssyncadd.s32 @!p1 $0xFFFFFF80;
	s18 =	simm.s32 @!p1 $0x80  }
0x1f: {  	[tilespmem:s18], [sflag:$0x2] =	stream.linear.gather @!p1 [hbm4b:s7+s14], $0x4000, $0x38;
	[tilespmem:$0x17900] =	vst v63  }
0x20: {  	_ =	swait.ge @!p1 [sflag:s16], $0x4000  }
0x21: {  	[sflag:s16] =	ssyncset.done @!p1 $0x0  }
0x22: {  	s31 =	sadd.s32 $0x10, s1;
	s17 =	simm.s32 @!p1 $0x1;
	[sflag:s16] =	ssyncadd.s32 @!p1 $0xFFFFC000  }
0x23: {  	[spmem:s2] =	stream.indirect.scatter.add.f32 @!p1 [tilespmem:s18], [sflag:$0x1], $0x80, s14, s18, $0xb8;
	[tilespmem:$0x17900] =	vst v63  }
0x24: {  	s15 =	simm.s32 $0x20;
	p2 =	sgt.u32 s31, $0x270;
	_ =	swait.ge @!p1 [sflag:s17], $0x4000  }
0x25: {  	s16 =	sadd.s32 $0x100, s8;
	s14 =	sadd.s32 $0x8000, s7;
	[sflag:s17] =	ssyncset.done @!p1 $0x0  }
.LBB2_2:
0x26: {  	s18 =	simm.s32 @!p2 $0x0;
	s19 =	simm.s32 @!p2 $0x2;
	[sflag:s17] =	ssyncadd.s32 @!p1 $0xFFFFC000  }
0x27: {  	[tilespmem:s18], [sflag:$0x2] =	stream.linear.gather @!p2 [hbm4b:s16+s18], $0x80, $0x38;
	[tilespmem:$0x17900] =	vst v63  }
0x28: {  	s20 =	smov.u32 s15;
	s15 =	sadd.s32 $0x10, s15;
	_ =	swait.ge @!p2 [sflag:s19], $0x80  }
0x29: {  	p1 =	por p2, p2;
	p3 =	sne.s32 s15, $0x280;
	[sflag:s19] =	ssyncset.done @!p2 $0x0  }
0x2a: {  	s21 =	simm.s32 @!p1 $0x80;
	[sflag:s19] =	ssyncadd.s32 @!p1 $0xFFFFFF80  }
0x2b: {  	[tilespmem:s21], [sflag:$0x2] =	stream.linear.gather @!p1 [hbm4b:s14+s18], $0x4000, $0x38;
	[tilespmem:$0x17900] =	vst v63  }
0x2c: {  	_ =	swait.ge @!p1 [sflag:s19], $0x4000  }
.Ltmp0:
0x2d: {  	[sflag:s19] =	ssyncset.done @!p1 $0x0;
	(pc) =	sbr.rel @p3 .LBB2_2-.Ltmp0, $4  }
0x2e: {  	s17 =	simm.s32 @!p1 $0x1;
	[sflag:s19] =	ssyncadd.s32 @!p1 $0xFFFFC000  }
0x2f: {  	[spmem:s2] =	stream.indirect.scatter.add.f32 @!p1 [tilespmem:s21], [sflag:$0x1], $0x80, s18, s21, $0xb8;
	[tilespmem:$0x17900] =	vst v63  }
0x30: {  	s16 =	sadd.s32 $0x100, s16;
	s18 =	sadd.s32 s20, s1;
	_ =	swait.ge @!p1 [sflag:s17], $0x4000  }
0x31: {  	s14 =	sadd.s32 $0x8000, s14;
	p2 =	sgt.u32 s18, $0x270;
	[sflag:s17] =	ssyncset.done @!p1 $0x0  }
0x32: {  	s15 =	simm.s32 @!p2 $0x0;
	s18 =	simm.s32 @!p2 $0x2;
	[sflag:s17] =	ssyncadd.s32 @!p1 $0xFFFFC000  }
0x33: {  	[tilespmem:s15], [sflag:$0x2] =	stream.linear.gather @!p2 [hbm4b:s16+s15], $0x80, $0x38;
	[tilespmem:$0x17900] =	vst v63  }
0x34: {  	_ =	swait.ge @!p2 [sflag:s18], $0x80  }
0x35: {  	p1 =	por p2, p2;
	[sflag:s18] =	ssyncset.done @!p2 $0x0  }
0x36: {  	s16 =	simm.s32 @!p1 $0x80;
	[sflag:s18] =	ssyncadd.s32 @!p1 $0xFFFFFF80  }
0x37: {  	[tilespmem:s16], [sflag:$0x2] =	stream.linear.gather @!p1 [hbm4b:s14+s15], $0x4000, $0x38;
	[tilespmem:$0x17900] =	vst v63  }
0x38: {  	_ =	swait.ge @!p1 [sflag:s18], $0x4000  }
0x39: {  	[sflag:s18] =	ssyncset.done @!p1 $0x0  }
0x3a: {  	s14 =	simm.s32 @!p1 $0x1;
	[sflag:s18] =	ssyncadd.s32 @!p1 $0xFFFFC000  }
0x3b: {  	[spmem:s2] =	stream.indirect.scatter.add.f32 @!p1 [tilespmem:s16], [sflag:$0x1], $0x80, s15, s16, $0xb8;
	[tilespmem:$0x17900] =	vst v63  }
0x3c: {  	_ =	swait.ge @!p1 [sflag:s14], $0x4000  }
0x3d: {  	[sflag:s14] =	ssyncset.done @!p1 $0x0  }
0x3e: {  	[sflag:s14] =	ssyncadd.s32 @!p1 $0xFFFFC000  }
0x3f: {  	s14 =	simm.s32 @p0 $0x1FC1;
	[bflag:$0x0] =	sbarrier.arrive $0xFFFF  }
0x40: {  	[hbm:s12], [sflag:s14] =	dma.local @p0 [spmem:s9], $0x2080  }
0x41: {  	s14 =	simm.s32 @p0 $0x1  }
0x42: {  	s3 =	sadd.s32 $0x1, s3;
	_ =	swait.ge @p0 [sflag:s14], $0x2080  }
0x43: {  	p1 =	sne.s32 s3, s6;
	[sflag:s14] =	ssyncset.done @p0 $0x0  }
.Ltmp1:
0x44: {  	[sflag:s14] =	ssyncadd.s32 @p0 $0xFFFFDF80;
	s14 =	simm.s32 @!p0 $0x1;
	(pc) =	sbr.rel @p1 .LBB2_1-.Ltmp1, $4  }
0x45: {  	[hbm:s13], [sflag:s10] =	dma.local @!p0 [spmem:s11], $0x2780  }
0x46: {  	_ =	swait.ge @!p0 [sflag:s14], $0x2780  }
0x47: {  	[sflag:s14] =	ssyncset.done @!p0 $0x0  }
0x48: {  	[sflag:s14] =	ssyncadd.s32 @!p0 $0xFFFFD880  }
0x49: {  	_ =	sfence.sel $0x180000  }
0x4a: {  	[bflag:$0x0] =	sbarrier.arrive $0xFFFF  }
0x4b: {  	p0 =	sne.s32 s1, $0x0;
	_ =	strace $0x9000005C  }
0x4c: {  	s0 =	sadd.s32 @!p0 $0x100000, s0;
	[bflag:$0x2] =	sbarrier.arrive $0xFFFF  }
0x4d: {  	[sflag:s0] =	ssyncadd.tile.s32 @!p0 $0x1;
	_ =	shalt  }
.Lfunc_end2:
_tile_overlayer_lowered:
.L_overlay_start_2:
0x4e: {  	(tag) =	ssettag $0x2  }
0x4f: {  	s0 =	rddreg [dreg:$0x0];
	s2 =	stileid.u32  }
0x50: {  	s1 =	rddreg [dreg:$0x1];
	p0 =	sne.s32 s2, $0x0  }
0x51: {  	s3 =	rddreg [dreg:$0x2];
	[bflag:$0x3] =	sbarrier.arrive $0xFFFF;
	s2 =	simm.s32 @!p0 $0x1C01  }
0x52: {  	[timem:s3], [sflag:s2] =	dma.local @!p0 [hbm:s0], s1  }
0x53: {  	s0 =	simm.s32 @!p0 $0x1  }
0x54: {  	_ =	swait.ge @!p0 [sflag:s0], s1  }
0x55: {  	s1 =	ssub.s32 @!p0 $0x0, s1;
	[sflag:s0] =	ssyncset.done @!p0 $0x0  }
0x56: {  	[sflag:s0] =	ssyncadd.s32 @!p0 s1  }
0x57: {  	[bflag:$0x3] =	sbarrier.arrive $0xFFFF  }
0x58: {  	_ =	shalt  }

// kernel: kernel.52.cloned.1.call-start
scs
__scs_entry_jumppad:
0x0: {  	(pc) =	sbr.rel $0x88, $3  }
0x1: {  	(tag) =	ssettag $0x0;
	lr =	simm.s32 $0x1  }
0x2: {  	[smem:$0x3F93] =	sst lr;
	_ =	strace $0xD0000000  }
0x3: {  	_ = 	snop  }
0x4: {  	_ = 	snop  }
0x5: {  	_ = 	snop  }
0x6: {  	_ = 	snop  }
0x7: {  	_ = 	snop  }
__scs_overlays_trampoline_lowered:
0x8: {  	[smem:$0x3FA2] =	sst s0  }
0x9: {  	[smem:$0x3FA3] =	sst s1  }
0xa: {  	[smem:$0x3FA4] =	sst s2  }
0xb: {  	[smem:$0x3FA5] =	sst s3  }
0xc: {  	[smem:$0x3FA6] =	sst s4  }
0xd: {  	[smem:$0x3FA7] =	sst s5  }
0xe: {  	[smem:$0x3FA8] =	sst s6  }
0xf: {  	[smem:$0x3FA9] =	sst s7  }
0x10: {  	[smem:$0x3FAA] =	sst s8  }
0x11: {  	[smem:$0x3FAB] =	sst s9;
	s0 =	simm.s32 @!p0 $0x0  }
0x12: {  	s1 =	sld [smem:$0x3F91];
	s0 =	simm.s32 @p0 $0x1  }
0x13: {  	[smem:$0x3FAC] =	sst s0;
	s0 =	simm.s32 @!p1 $0x0  }
0x14: {  	s2 =	sld [smem:$0x3F90];
	s0 =	simm.s32 @p1 $0x1  }
0x15: {  	[smem:$0x3FAD] =	sst s0;
	s0 =	simm.s32 @!p2 $0x0  }
0x16: {  	s3 =	sld [smem:$0x3FDB];
	s0 =	simm.s32 @p2 $0x1  }
0x17: {  	s4 =	simm.s32 $0x1BF5;
	[smem:$0x3FAF] =	sst s0  }
0x18: {  	s0 =	sld [smem:$0x3F92];
	_ =	swait.ge [sflag:s4], $0x0  }
0x19: {  	s7 =	sld [smem:$0x3F93]  }
0x1a: {  	s8 =	sadd.s32 $0xFFFFE003, lr  }
0x1b: {  	s9 =	sadd.s32 $0xFFFFFEF7, lr;
	s5 =	simm.s32 $0xFFFFFFFF;
	p2 =	slt.u32 s8, $0xFFFFF086  }
0x1c: {  	p1 =	slt.u32 s9, $0xF7A;
	s5 =	simm.s32 @!p2 $0x0  }
0x1d: {  	s5 =	simm.s32 @p1 $0x1;
	p0 =	seq.s32 s7, s2  }
0x1e: {  	s7 =	smul.u32 @!p0 $0xF7A, s2;
	p2 =	seq.s32 @!p0 s5, $0x0  }
0x1f: {  	s9 =	smul.u32 $0xF7A, s1;
	s8 =	simm.s32 @!p0 $0x1BF5;
	p2 =	por !p2, p0  }
0x20: {  	[sflag:s8] =	ssyncset.s32 @!p0 $0xFFFFF086;
	s6 =	sadd.s32 @!p0 s3, s7;
	s7 =	simm.s32 @!p0 $0x108  }
0x21: {  	s3 =	sadd.s32 s3, s9;
	s6 =	sadd.s32 @!p0 $0x88, s6;
	s7 =	simm.s32 @p2 $0x1082  }
0x22: {  	[simem:s7], [sflag:s8] =	dma.local @!p0 [hbm:s6], $0xF7A  }
0x23: {  	s9 =	sor.u32 $0xD0000000, s2;
	s6 =	simm.s32 $0x108;
	_ =	swait.ge @!p0 [sflag:s8], $0x0  }
0x24: {  	s3 =	sadd.s32 $0x88, s3;
	s6 =	simm.s32 @!p1 $0x1082;
	[sflag:s4] =	ssyncset.s32 $0xFFFFF086  }
0x25: {  	[simem:s6], [sflag:s4] =	dma.local [hbm:s3], $0xF7A  }
0x26: {  	[smem:$0x3F93] =	sst s1;
	(tag) =	ssettag s2;
	_ =	strace s9  }
0x27: {  	s1 =	sld [smem:$0x3FA3]  }
0x28: {  	s2 =	sld [smem:$0x3FA4]  }
0x29: {  	s4 =	sld [smem:$0x3FA6]  }
0x2a: {  	p0 =	seq.s32 s5, $0x0;
	s5 =	sld [smem:$0x3FA7]  }
0x2b: {  	s6 =	sld [smem:$0x3FA8]  }
0x2c: {  	s7 =	sld [smem:$0x3FA9]  }
0x2d: {  	s3 =	simm.s32 $0x108;
	s8 =	sld [smem:$0x3FAA]  }
0x2e: {  	s3 =	simm.s32 @!p0 $0x1082;
	s9 =	sld [smem:$0x3FAB]  }
0x2f: {  	lr =	sadd.s32 s0, s3;
	s0 =	sld [smem:$0x3FA2]  }
0x30: {  	s3 =	sld [smem:$0x3FA5]  }
0x31: {  	[smem:$0x3FAE] =	sst s10  }
0x32: {  	s10 =	sld [smem:$0x3FAC];
	_ =	sdelay $0x3  }
0x33: {  	p0 =	seq.s32 s10, $0x1;
	s10 =	sld [smem:$0x3FAE];
	_ =	sdelay $0x3  }
0x34: {  	[smem:$0x3FAE] =	sst s10  }
0x35: {  	s10 =	sld [smem:$0x3FAD];
	_ =	sdelay $0x3  }
0x36: {  	p1 =	seq.s32 s10, $0x1;
	s10 =	sld [smem:$0x3FAE];
	_ =	sdelay $0x3  }
0x37: {  	[smem:$0x3FAE] =	sst s10  }
0x38: {  	s10 =	sld [smem:$0x3FAF]  }
0x39: {  	_ = 	snop;
	(pc) =	sbr.ind lr, $3  }
0x3a: {  	_ = 	snop  }
0x3b: {  	_ = 	snop  }
0x3c: {  	p2 =	seq.s32 s10, $0x1;
	s10 =	sld [smem:$0x3FAE]  }
0x3d: {  	_ =	shalt  }
0x3e: {  	_ =	shalt  }
0x3f: {  	_ =	shalt  }
0x40: {  	_ =	shalt  }
0x41: {  	_ =	shalt  }
0x42: {  	_ =	shalt  }
0x43: {  	_ =	shalt  }
0x44: {  	_ =	shalt  }
0x45: {  	_ =	shalt  }
0x46: {  	_ =	shalt  }
0x47: {  	_ =	shalt  }
0x48: {  	_ =	shalt  }
0x49: {  	_ =	shalt  }
0x4a: {  	_ =	shalt  }
0x4b: {  	_ =	shalt  }
0x4c: {  	_ =	shalt  }
0x4d: {  	_ =	shalt  }
0x4e: {  	_ =	shalt  }
0x4f: {  	_ =	shalt  }
0x50: {  	_ =	shalt  }
0x51: {  	_ =	shalt  }
0x52: {  	_ =	shalt  }
0x53: {  	_ =	shalt  }
0x54: {  	_ =	shalt  }
0x55: {  	_ =	shalt  }
0x56: {  	_ =	shalt  }
0x57: {  	_ =	shalt  }
0x58: {  	_ =	shalt  }
0x59: {  	_ =	shalt  }
0x5a: {  	_ =	shalt  }
0x5b: {  	_ =	shalt  }
0x5c: {  	_ =	shalt  }
0x5d: {  	_ =	shalt  }
0x5e: {  	_ =	shalt  }
0x5f: {  	_ =	shalt  }
0x60: {  	_ =	shalt  }
0x61: {  	_ =	shalt  }
0x62: {  	_ =	shalt  }
0x63: {  	_ =	shalt  }
0x64: {  	_ =	shalt  }
0x65: {  	_ =	shalt  }
0x66: {  	_ =	shalt  }
0x67: {  	_ =	shalt  }
0x68: {  	_ =	shalt  }
0x69: {  	_ =	shalt  }
0x6a: {  	_ =	shalt  }
0x6b: {  	_ =	shalt  }
0x6c: {  	_ =	shalt  }
0x6d: {  	_ =	shalt  }
0x6e: {  	_ =	shalt  }
0x6f: {  	_ =	shalt  }
0x70: {  	_ =	shalt  }
0x71: {  	_ =	shalt  }
0x72: {  	_ =	shalt  }
0x73: {  	_ =	shalt  }
0x74: {  	_ =	shalt  }
0x75: {  	_ =	shalt  }
0x76: {  	_ =	shalt  }
0x77: {  	_ =	shalt  }
0x78: {  	_ =	shalt  }
0x79: {  	_ =	shalt  }
0x7a: {  	_ =	shalt  }
0x7b: {  	_ =	shalt  }
0x7c: {  	_ =	shalt  }
0x7d: {  	_ =	shalt  }
0x7e: {  	_ =	shalt  }
0x7f: {  	_ =	shalt  }
0x80: {  	_ =	shalt  }
0x81: {  	_ =	shalt  }
0x82: {  	_ =	shalt  }
0x83: {  	_ =	shalt  }
0x84: {  	_ =	shalt  }
0x85: {  	_ =	shalt  }
0x86: {  	_ =	shalt  }
0x87: {  	_ =	shalt  }
.Lfunc_end0:
.L_simem_size_0:
called_computation.8_lowered:
.L_overlay_start_0:
0x88: {  	s2 =	sld [smem:$0x3FD9]  }
0x89: {  	s3 =	sld [smem:$0x3FFE];
	_ =	sdelay $0x1  }
0x8a: {  	s1 =	srdreg.scid  }
0x8b: {  	s0 =	sand.u32 $0x1, s1  }
0x8c: {  	s16 =	sshll.u32 s0, $0xA;
	s2 =	sadd.s32 s3, s2  }
0x8d: {  	s2 =	sadd.s32 s2, s16  }
0x8e: {  	[smem:$0x3FBA] =	sst s2  }
0x8f: {  	_ = 	snop  }
0x90: {  	(tm) =	ssettm $0x1  }
0x91: {  	s17 =	sld [smem:$0x3FFB];
	_ =	sdelay $0x3  }
0x92: {  	_ =	strace s17  }
0x93: {  	s2 =	sld [smem:$0x3FFC];
	_ =	sdelay $0x3  }
0x94: {  	_ =	strace s2  }
0x95: {  	s2 =	sld [smem:$0x3FFD];
	_ =	sdelay $0x3  }
0x96: {  	_ =	strace s2  }
0x97: {  	_ =	strace $0x8FFFFFFF  }
0x98: {  	s18 =	sld [smem:$0x3FDB];
	_ =	sdelay $0x1  }
0x99: {  	s19 =	simm.s32 $_scs_section_size  }
0x9a: {  	s4 =	simm.s32 $_size__tile_overlayer_lowered;
	s5 =	simm.s32 $_tile_overlayer_lowered  }
0x9b: {  	s22 =	simm.s32 $0x1BFF;
	s21 =	sshll.u32 s5, $0x1;
	s2 =	sadd.s32 s19, s18  }
0x9c: {  	s6 =	simm.s32 $0x0;
	s20 =	sshll.u32 s4, $0x1;
	s4 =	sadd.s32 s21, s2  }
0x9d: {  	[timem:s6], [sflag:s22] =	dma.local [hbm:s4], s20  }
0x9e: {  	_ =	swait.ge [sflag:s22], s20  }
0x9f: {  	s3 =	ssub.s32 $0x0, s20;
	[sflag:s22] =	ssyncset.done $0x0  }
0xa0: {  	[sflag:s22] =	ssyncadd.s32 s3;
	_ =	sdelay $0x1  }
0xa1: {  	s23 =	simm.s32 $0x1B8B  }
0xa2: {  	_ =	swait.ge [sflag:s23], $0x1  }
0xa3: {  	[sflag:s23] =	ssyncset.done $0x0  }
0xa4: {  	s25 =	simm.s32 $0x1B8E;
	s24 =	sld [smem:$0x3FFE];
	[sflag:s23] =	ssyncadd.s32 $0xFFFFFFFF  }
0xa5: {  	s26 =	simm.s32 $execute0_lowered;
	[smem:$0x3FD2] =	sst s25  }
0xa6: {  	s4 =	sshll.u32 s26, $0x1;
	_ =	strace $0x8000005E;
	[dreg:$0x1] =	wrdreg $0xFFFFFFFF  }
0xa7: {  	s28 =	simm.s32 $_size_execute0_lowered;
	s2 =	sadd.s32 s2, s4;
	[dreg:$0x0] =	wrdreg $0x0  }
0xa8: {  	s4 =	sshll.u32 s28, $0x1;
	[dreg:$0x2] =	wrdreg s2  }
0xa9: {  	[dreg:$0x3] =	wrdreg s4  }
0xaa: {  	[dreg:$0x4] =	wrdreg $0xC0  }
0xab: {  	_ =	task [dreg:s6], $0x5FFFF  }
0xac: {  	[dreg:$0x1] =	wrdreg $0xFFFFFFFF  }
0xad: {  	[dreg:$0x0] =	wrdreg $0x60  }
0xae: {  	[dreg:$0x2] =	wrdreg s24  }
0xaf: {  	[dreg:$0x3] =	wrdreg $0x9  }
0xb0: {  	_ =	task.clear_ibuf [dreg:s6], $0x4FFFF;
	_ =	strace $0x9000005E  }
0xb1: {  	s29 =	simm.s32 $0x9;
	_ =	strace $0x80000060  }
0xb2: {  	_ =	swait.ge [sflag:s29], $0x1  }
0xb3: {  	[sflag:s29] =	ssyncadd.s32 $0xFFFFFFFF  }
0xb4: {  	_ =	strace $0x90000060  }
0xb5: {  	_ =	sfence  }
0xb6: {  	s30 =	sld [smem:$0x0];
	_ =	sdelay $0x2  }
0xb7: {  	s31 =	sshll.u32 s1, $0xD;
	s1 =	sshrl.u32 s1, $0x2  }
0xb8: {  	s3 =	sand.u32 $0x4000, s31;
	s1 =	sadd.s32 s1, s30  }
0xb9: {  	s0 =	sor.u32 s3, s0;
	s1 =	sshll.u32 s1, $0x11  }
0xba: {  	s0 =	sor.u32 s1, s0  }
0xbb: {  	s0 =	sadd.s32 $0x8F2B, s0  }
0xbc: {  	[sflag:s0] =	ssyncadd.remote.s32 $0x1  }
0xbd: {  	_ =	sfence.sel $0xFFFF  }
0xbe: {  	[dreg:$0x0] =	wrdreg $0xFFFFFFFF;
	(pc) =	sbr.abs _section_cstart, $3  }
0xbf: {  	[dreg:$0x1] =	wrdreg $0xFFFFFFFF  }
0xc0: {  	_ =	task.clear_ibuf [dreg:s6], $0x2FFFF;
	_ =	strace $0x9FFFFFFF  }
0xc1: {  	(tm) =	ssettm $0x7FFFFFFF  }
tec
execute0_lowered:
.L_overlay_start_1:
0x0: {  	(tag) =	ssettag $0x1  }
0x1: {  	s4 =	rddreg [dreg:$0x0]  }
0x2: {  	s0 =	rddreg [dreg:$0x1];
	s1 =	simm.s32 $0x0;
	s5 =	srdreg.scid  }
0x3: {  	s2 =	stileid.u32;
	[smem:$0x7FF] =	sst s1  }
0x4: {  	s3 =	sadd.s32 $0x10200, s4;
	s5 =	sand.u32 $0x1, s5;
	s6 =	sshll.u32 s2, $0x5  }
0x5: {  	s7 =	sshll.u32 s2, $0xC;
	_ =	strace $0x8000005F;
	s8 =	ssub.s32 $0x2, s5  }
0x6: {  	s6 =	sadd.s32 s6, s4;
	s7 =	sadd.s32 s7, s4;
	s9 =	sshll.u32 s5, $0xB  }
0x7: {  	s5 =	sshll.u32 s5, $0x4;
	s4 =	sshll.u32 s2, $0x1;
	s30 =	sshrl.u32 s8, $0x1  }
0x8: {  	s7 =	sadd.s32 s9, s7;
	s31 =	sadd.s32 s5, s6;
	s8 =	ssub.s32 s8, s30  }
0x9: {  	s6 =	sadd.s32 $0x2A8C00, s7;
	s7 =	sadd.s32 $0xB200, s31;
	s5 =	smax.u32 s8, $0x1  }
.LBB2_1:
0xa: {  	s8 =	sadd.s32 $0x0, s4  }
0xb: {  	p0 =	sgt.u32 s8, $0x4E1  }
0xc: {  	s8 =	simm.s32 @!p0 $0x0;
	s9 =	simm.s32 @!p0 $0x3  }
0xd: {  	[tilespmem:s8], [sflag:$0x3] =	stream.linear.gather @!p0 [hbm4b:s7+s8], $0x80, $0x38;
	[tilespmem:$0x4080] =	vst v63  }
0xe: {  	_ =	swait.ge @!p0 [sflag:s9], $0x80  }
0xf: {  	[sflag:s9] =	ssyncset.done @!p0 $0x0;
	p0 =	por p0, p0  }
0x10: {  	[sflag:s9] =	ssyncadd.s32 @!p0 $0xFFFFFF80;
	s10 =	simm.s32 @!p0 $0x80;
	s11 =	simm.s32 @!p0 $0x1  }
0x11: {  	[tilespmem:s10], [sflag:$0x1] =	stream.indirect.gather @!p0 [hbm4b:s3+s10], $0x80, s8, s10, $0xb8;
	[tilespmem:$0x4080] =	vst v63  }
0x12: {  	_ =	swait.ge @!p0 [sflag:s11], $0x4000  }
0x13: {  	[sflag:s11] =	ssyncset.done @!p0 $0x0  }
0x14: {  	s31 =	sadd.s32 $0x20, s4;
	[sflag:s11] =	ssyncadd.s32 @!p0 $0xFFFFC000;
	s11 =	simm.s32 @!p0 $0x2  }
0x15: {  	[hbm4b:s6+s8] =	stream.linear.scatter @!p0 [tilespmem:s10], [sflag:$0x2], $0x4000, $0x38;
	[tilespmem:$0x4080] =	vst v63  }
0x16: {  	p1 =	sgt.u32 s31, $0x4E1;
	s9 =	simm.s32 $0x40;
	_ =	swait.ge @!p0 [sflag:s11], $0x4000  }
0x17: {  	s10 =	sadd.s32 $0x200, s7;
	s8 =	sadd.s32 $0x10000, s6;
	[sflag:s11] =	ssyncset.done @!p0 $0x0  }
.LBB2_2:
0x18: {  	s12 =	simm.s32 @!p1 $0x0;
	s13 =	simm.s32 @!p1 $0x3;
	[sflag:s11] =	ssyncadd.s32 @!p0 $0xFFFFC000  }
0x19: {  	[tilespmem:s12], [sflag:$0x3] =	stream.linear.gather @!p1 [hbm4b:s10+s12], $0x80, $0x38;
	[tilespmem:$0x4080] =	vst v63  }
0x1a: {  	s14 =	smov.u32 s9;
	s9 =	sadd.s32 $0x20, s9;
	_ =	swait.ge @!p1 [sflag:s13], $0x80  }
0x1b: {  	p0 =	por p1, p1;
	p2 =	sne.s32 s9, $0x500;
	[sflag:s13] =	ssyncset.done @!p1 $0x0  }
0x1c: {  	s11 =	simm.s32 @!p0 $0x1;
	[sflag:s13] =	ssyncadd.s32 @!p0 $0xFFFFFF80;
	s13 =	simm.s32 @!p0 $0x80  }
0x1d: {  	[tilespmem:s13], [sflag:$0x1] =	stream.indirect.gather @!p0 [hbm4b:s3+s13], $0x80, s12, s13, $0xb8;
	[tilespmem:$0x4080] =	vst v63  }
0x1e: {  	_ =	swait.ge @!p0 [sflag:s11], $0x4000  }
.Ltmp0:
0x1f: {  	[sflag:s11] =	ssyncset.done @!p0 $0x0;
	(pc) =	sbr.rel @p2 .LBB2_2-.Ltmp0, $4  }
0x20: {  	[sflag:s11] =	ssyncadd.s32 @!p0 $0xFFFFC000;
	s11 =	simm.s32 @!p0 $0x2  }
0x21: {  	[hbm4b:s8+s12] =	stream.linear.scatter @!p0 [tilespmem:s13], [sflag:$0x2], $0x4000, $0x38;
	[tilespmem:$0x4080] =	vst v63  }
0x22: {  	s10 =	sadd.s32 $0x200, s10;
	s12 =	sadd.s32 s14, s4;
	_ =	swait.ge @!p0 [sflag:s11], $0x4000  }
0x23: {  	s8 =	sadd.s32 $0x10000, s8;
	p1 =	sgt.u32 s12, $0x4E1;
	[sflag:s11] =	ssyncset.done @!p0 $0x0  }
0x24: {  	s9 =	simm.s32 @!p1 $0x0;
	s12 =	simm.s32 @!p1 $0x3;
	[sflag:s11] =	ssyncadd.s32 @!p0 $0xFFFFC000  }
0x25: {  	[tilespmem:s9], [sflag:$0x3] =	stream.linear.gather @!p1 [hbm4b:s10+s9], $0x80, $0x38;
	[tilespmem:$0x4080] =	vst v63  }
0x26: {  	_ =	swait.ge @!p1 [sflag:s12], $0x80  }
0x27: {  	p0 =	por p1, p1;
	[sflag:s12] =	ssyncset.done @!p1 $0x0  }
0x28: {  	s10 =	simm.s32 @!p0 $0x80;
	s11 =	simm.s32 @!p0 $0x1;
	[sflag:s12] =	ssyncadd.s32 @!p0 $0xFFFFFF80  }
0x29: {  	[tilespmem:s10], [sflag:$0x1] =	stream.indirect.gather @!p0 [hbm4b:s3+s10], $0x80, s9, s10, $0xb8;
	[tilespmem:$0x4080] =	vst v63  }
0x2a: {  	s1 =	sadd.s32 $0x1, s1;
	_ =	swait.ge @!p0 [sflag:s11], $0x4000  }
0x2b: {  	p1 =	sne.s32 s1, s5;
	[sflag:s11] =	ssyncset.done @!p0 $0x0  }
.Ltmp1:
0x2c: {  	[sflag:s11] =	ssyncadd.s32 @!p0 $0xFFFFC000;
	s11 =	simm.s32 @!p0 $0x2;
	(pc) =	sbr.rel @p1 .LBB2_1-.Ltmp1, $4  }
0x2d: {  	[hbm4b:s8+s9] =	stream.linear.scatter @!p0 [tilespmem:s10], [sflag:$0x2], $0x4000, $0x38;
	[tilespmem:$0x4080] =	vst v63  }
0x2e: {  	_ =	swait.ge @!p0 [sflag:s11], $0x4000  }
0x2f: {  	[sflag:s11] =	ssyncset.done @!p0 $0x0  }
0x30: {  	[sflag:s11] =	ssyncadd.s32 @!p0 $0xFFFFC000  }
0x31: {  	_ =	sfence.sel $0x180000  }
0x32: {  	[bflag:$0x0] =	sbarrier.arrive $0xFFFF  }
0x33: {  	p0 =	sne.s32 s2, $0x0;
	_ =	strace $0x9000005F  }
0x34: {  	s0 =	sadd.s32 @!p0 $0x100000, s0;
	[bflag:$0x2] =	sbarrier.arrive $0xFFFF  }
0x35: {  	[sflag:s0] =	ssyncadd.tile.s32 @!p0 $0x1;
	_ =	shalt  }
.Lfunc_end2:
_tile_overlayer_lowered:
.L_overlay_start_2:
0x36: {  	(tag) =	ssettag $0x2  }
0x37: {  	s0 =	rddreg [dreg:$0x0];
	s2 =	stileid.u32  }
0x38: {  	s1 =	rddreg [dreg:$0x1];
	p0 =	sne.s32 s2, $0x0  }
0x39: {  	s3 =	rddreg [dreg:$0x2];
	[bflag:$0x3] =	sbarrier.arrive $0xFFFF;
	s2 =	simm.s32 @!p0 $0x1C02  }
0x3a: {  	[timem:s3], [sflag:s2] =	dma.local @!p0 [hbm:s0], s1  }
0x3b: {  	s0 =	simm.s32 @!p0 $0x2  }
0x3c: {  	_ =	swait.ge @!p0 [sflag:s0], s1  }
0x3d: {  	s1 =	ssub.s32 @!p0 $0x0, s1;
	[sflag:s0] =	ssyncset.done @!p0 $0x0  }
0x3e: {  	[sflag:s0] =	ssyncadd.s32 @!p0 s1  }
0x3f: {  	[bflag:$0x3] =	sbarrier.arrive $0xFFFF  }
0x40: {  	_ =	shalt  }

// kernel: kernel.55.cloned.1.call-start
scs
__scs_entry_jumppad:
0x0: {  	(pc) =	sbr.rel $0x88, $3  }
0x1: {  	(tag) =	ssettag $0x0;
	lr =	simm.s32 $0x1  }
0x2: {  	[smem:$0x3F93] =	sst lr;
	_ =	strace $0xD0000000  }
0x3: {  	_ = 	snop  }
0x4: {  	_ = 	snop  }
0x5: {  	_ = 	snop  }
0x6: {  	_ = 	snop  }
0x7: {  	_ = 	snop  }
__scs_overlays_trampoline_lowered:
0x8: {  	[smem:$0x3FA2] =	sst s0  }
0x9: {  	[smem:$0x3FA3] =	sst s1  }
0xa: {  	[smem:$0x3FA4] =	sst s2  }
0xb: {  	[smem:$0x3FA5] =	sst s3  }
0xc: {  	[smem:$0x3FA6] =	sst s4  }
0xd: {  	[smem:$0x3FA7] =	sst s5  }
0xe: {  	[smem:$0x3FA8] =	sst s6  }
0xf: {  	[smem:$0x3FA9] =	sst s7  }
0x10: {  	[smem:$0x3FAA] =	sst s8  }
0x11: {  	[smem:$0x3FAB] =	sst s9;
	s0 =	simm.s32 @!p0 $0x0  }
0x12: {  	s1 =	sld [smem:$0x3F91];
	s0 =	simm.s32 @p0 $0x1  }
0x13: {  	[smem:$0x3FAC] =	sst s0;
	s0 =	simm.s32 @!p1 $0x0  }
0x14: {  	s2 =	sld [smem:$0x3F90];
	s0 =	simm.s32 @p1 $0x1  }
0x15: {  	[smem:$0x3FAD] =	sst s0;
	s0 =	simm.s32 @!p2 $0x0  }
0x16: {  	s3 =	sld [smem:$0x3FDB];
	s0 =	simm.s32 @p2 $0x1  }
0x17: {  	s4 =	simm.s32 $0x1BF5;
	[smem:$0x3FAF] =	sst s0  }
0x18: {  	s0 =	sld [smem:$0x3F92];
	_ =	swait.ge [sflag:s4], $0x0  }
0x19: {  	s7 =	sld [smem:$0x3F93]  }
0x1a: {  	s8 =	sadd.s32 $0xFFFFE003, lr  }
0x1b: {  	s9 =	sadd.s32 $0xFFFFFEF7, lr;
	s5 =	simm.s32 $0xFFFFFFFF;
	p2 =	slt.u32 s8, $0xFFFFF086  }
0x1c: {  	p1 =	slt.u32 s9, $0xF7A;
	s5 =	simm.s32 @!p2 $0x0  }
0x1d: {  	s5 =	simm.s32 @p1 $0x1;
	p0 =	seq.s32 s7, s2  }
0x1e: {  	s7 =	smul.u32 @!p0 $0xF7A, s2;
	p2 =	seq.s32 @!p0 s5, $0x0  }
0x1f: {  	s9 =	smul.u32 $0xF7A, s1;
	s8 =	simm.s32 @!p0 $0x1BF5;
	p2 =	por !p2, p0  }
0x20: {  	[sflag:s8] =	ssyncset.s32 @!p0 $0xFFFFF086;
	s6 =	sadd.s32 @!p0 s3, s7;
	s7 =	simm.s32 @!p0 $0x108  }
0x21: {  	s3 =	sadd.s32 s3, s9;
	s6 =	sadd.s32 @!p0 $0x88, s6;
	s7 =	simm.s32 @p2 $0x1082  }
0x22: {  	[simem:s7], [sflag:s8] =	dma.local @!p0 [hbm:s6], $0xF7A  }
0x23: {  	s9 =	sor.u32 $0xD0000000, s2;
	s6 =	simm.s32 $0x108;
	_ =	swait.ge @!p0 [sflag:s8], $0x0  }
0x24: {  	s3 =	sadd.s32 $0x88, s3;
	s6 =	simm.s32 @!p1 $0x1082;
	[sflag:s4] =	ssyncset.s32 $0xFFFFF086  }
0x25: {  	[simem:s6], [sflag:s4] =	dma.local [hbm:s3], $0xF7A  }
0x26: {  	[smem:$0x3F93] =	sst s1;
	(tag) =	ssettag s2;
	_ =	strace s9  }
0x27: {  	s1 =	sld [smem:$0x3FA3]  }
0x28: {  	s2 =	sld [smem:$0x3FA4]  }
0x29: {  	s4 =	sld [smem:$0x3FA6]  }
0x2a: {  	p0 =	seq.s32 s5, $0x0;
	s5 =	sld [smem:$0x3FA7]  }
0x2b: {  	s6 =	sld [smem:$0x3FA8]  }
0x2c: {  	s7 =	sld [smem:$0x3FA9]  }
0x2d: {  	s3 =	simm.s32 $0x108;
	s8 =	sld [smem:$0x3FAA]  }
0x2e: {  	s3 =	simm.s32 @!p0 $0x1082;
	s9 =	sld [smem:$0x3FAB]  }
0x2f: {  	lr =	sadd.s32 s0, s3;
	s0 =	sld [smem:$0x3FA2]  }
0x30: {  	s3 =	sld [smem:$0x3FA5]  }
0x31: {  	[smem:$0x3FAE] =	sst s10  }
0x32: {  	s10 =	sld [smem:$0x3FAC];
	_ =	sdelay $0x3  }
0x33: {  	p0 =	seq.s32 s10, $0x1;
	s10 =	sld [smem:$0x3FAE];
	_ =	sdelay $0x3  }
0x34: {  	[smem:$0x3FAE] =	sst s10  }
0x35: {  	s10 =	sld [smem:$0x3FAD];
	_ =	sdelay $0x3  }
0x36: {  	p1 =	seq.s32 s10, $0x1;
	s10 =	sld [smem:$0x3FAE];
	_ =	sdelay $0x3  }
0x37: {  	[smem:$0x3FAE] =	sst s10  }
0x38: {  	s10 =	sld [smem:$0x3FAF]  }
0x39: {  	_ = 	snop;
	(pc) =	sbr.ind lr, $3  }
0x3a: {  	_ = 	snop  }
0x3b: {  	_ = 	snop  }
0x3c: {  	p2 =	seq.s32 s10, $0x1;
	s10 =	sld [smem:$0x3FAE]  }
0x3d: {  	_ =	shalt  }
0x3e: {  	_ =	shalt  }
0x3f: {  	_ =	shalt  }
0x40: {  	_ =	shalt  }
0x41: {  	_ =	shalt  }
0x42: {  	_ =	shalt  }
0x43: {  	_ =	shalt  }
0x44: {  	_ =	shalt  }
0x45: {  	_ =	shalt  }
0x46: {  	_ =	shalt  }
0x47: {  	_ =	shalt  }
0x48: {  	_ =	shalt  }
0x49: {  	_ =	shalt  }
0x4a: {  	_ =	shalt  }
0x4b: {  	_ =	shalt  }
0x4c: {  	_ =	shalt  }
0x4d: {  	_ =	shalt  }
0x4e: {  	_ =	shalt  }
0x4f: {  	_ =	shalt  }
0x50: {  	_ =	shalt  }
0x51: {  	_ =	shalt  }
0x52: {  	_ =	shalt  }
0x53: {  	_ =	shalt  }
0x54: {  	_ =	shalt  }
0x55: {  	_ =	shalt  }
0x56: {  	_ =	shalt  }
0x57: {  	_ =	shalt  }
0x58: {  	_ =	shalt  }
0x59: {  	_ =	shalt  }
0x5a: {  	_ =	shalt  }
0x5b: {  	_ =	shalt  }
0x5c: {  	_ =	shalt  }
0x5d: {  	_ =	shalt  }
0x5e: {  	_ =	shalt  }
0x5f: {  	_ =	shalt  }
0x60: {  	_ =	shalt  }
0x61: {  	_ =	shalt  }
0x62: {  	_ =	shalt  }
0x63: {  	_ =	shalt  }
0x64: {  	_ =	shalt  }
0x65: {  	_ =	shalt  }
0x66: {  	_ =	shalt  }
0x67: {  	_ =	shalt  }
0x68: {  	_ =	shalt  }
0x69: {  	_ =	shalt  }
0x6a: {  	_ =	shalt  }
0x6b: {  	_ =	shalt  }
0x6c: {  	_ =	shalt  }
0x6d: {  	_ =	shalt  }
0x6e: {  	_ =	shalt  }
0x6f: {  	_ =	shalt  }
0x70: {  	_ =	shalt  }
0x71: {  	_ =	shalt  }
0x72: {  	_ =	shalt  }
0x73: {  	_ =	shalt  }
0x74: {  	_ =	shalt  }
0x75: {  	_ =	shalt  }
0x76: {  	_ =	shalt  }
0x77: {  	_ =	shalt  }
0x78: {  	_ =	shalt  }
0x79: {  	_ =	shalt  }
0x7a: {  	_ =	shalt  }
0x7b: {  	_ =	shalt  }
0x7c: {  	_ =	shalt  }
0x7d: {  	_ =	shalt  }
0x7e: {  	_ =	shalt  }
0x7f: {  	_ =	shalt  }
0x80: {  	_ =	shalt  }
0x81: {  	_ =	shalt  }
0x82: {  	_ =	shalt  }
0x83: {  	_ =	shalt  }
0x84: {  	_ =	shalt  }
0x85: {  	_ =	shalt  }
0x86: {  	_ =	shalt  }
0x87: {  	_ =	shalt  }
.Lfunc_end0:
.L_simem_size_0:
called_computation.9_lowered:
.L_overlay_start_0:
0x88: {  	s2 =	sld [smem:$0x3FD9]  }
0x89: {  	s3 =	sld [smem:$0x3FFE];
	_ =	sdelay $0x1  }
0x8a: {  	s1 =	srdreg.scid  }
0x8b: {  	s0 =	sand.u32 $0x1, s1  }
0x8c: {  	s17 =	sshll.u32 s0, $0xA;
	s2 =	sadd.s32 s3, s2  }
0x8d: {  	s2 =	sadd.s32 s2, s17  }
0x8e: {  	[smem:$0x3FBA] =	sst s2  }
0x8f: {  	_ = 	snop  }
0x90: {  	s2 =	sld [smem:$0x3FD0];
	(tm) =	ssettm $0x1  }
0x91: {  	s18 =	sld [smem:$0x3FFB];
	_ =	sdelay $0x3  }
0x92: {  	_ =	strace s18  }
0x93: {  	s3 =	sld [smem:$0x3FFC];
	_ =	sdelay $0x3  }
0x94: {  	_ =	strace s3  }
0x95: {  	s3 =	sld [smem:$0x3FFD];
	_ =	sdelay $0x3  }
0x96: {  	_ =	strace s3  }
0x97: {  	_ =	strace $0x8FFFFFFF  }
0x98: {  	s19 =	sld [smem:$0x3FDB];
	_ =	sdelay $0x1  }
0x99: {  	s4 =	simm.s32 $_scs_section_size  }
0x9a: {  	s5 =	simm.s32 $_size__tile_overlayer_lowered;
	s6 =	simm.s32 $_tile_overlayer_lowered  }
0x9b: {  	s22 =	simm.s32 $0x1BFF;
	s21 =	sshll.u32 s6, $0x1;
	s3 =	sadd.s32 s4, s19  }
0x9c: {  	s7 =	simm.s32 $0x0;
	s20 =	sshll.u32 s5, $0x1;
	s5 =	sadd.s32 s21, s3  }
0x9d: {  	[timem:s7], [sflag:s22] =	dma.local [hbm:s5], s20  }
0x9e: {  	_ =	swait.ge [sflag:s22], s20  }
0x9f: {  	s4 =	ssub.s32 $0x0, s20;
	[sflag:s22] =	ssyncset.done $0x0  }
0xa0: {  	[sflag:s22] =	ssyncadd.s32 s4;
	_ =	sdelay $0x1  }
0xa1: {  	s23 =	simm.s32 $0x1B8B  }
0xa2: {  	_ =	swait.ge [sflag:s23], $0x1  }
0xa3: {  	[sflag:s23] =	ssyncset.done $0x0  }
0xa4: {  	s25 =	simm.s32 $0x1B8E;
	s24 =	sld [smem:$0x3FFE];
	[sflag:s23] =	ssyncadd.s32 $0xFFFFFFFF  }
0xa5: {  	s26 =	simm.s32 $execute0_lowered;
	[smem:$0x3FD2] =	sst s25  }
0xa6: {  	s5 =	sshll.u32 s26, $0x1;
	_ =	strace $0x80000061;
	[dreg:$0x1] =	wrdreg $0xFFFFFFFF  }
0xa7: {  	s28 =	simm.s32 $_size_execute0_lowered;
	s3 =	sadd.s32 s3, s5;
	[dreg:$0x0] =	wrdreg $0x0  }
0xa8: {  	s5 =	sshll.u32 s28, $0x1;
	[dreg:$0x2] =	wrdreg s3  }
0xa9: {  	[dreg:$0x3] =	wrdreg s5  }
0xaa: {  	[dreg:$0x4] =	wrdreg $0xC0  }
0xab: {  	_ =	task [dreg:s7], $0x5FFFF  }
0xac: {  	[dreg:$0x1] =	wrdreg $0xFFFFFFFF  }
0xad: {  	[dreg:$0x0] =	wrdreg $0x60  }
0xae: {  	[dreg:$0x2] =	wrdreg s24  }
0xaf: {  	[dreg:$0x3] =	wrdreg s2  }
0xb0: {  	[dreg:$0x4] =	wrdreg $0x40800  }
0xb1: {  	[dreg:$0x5] =	wrdreg $0x9  }
0xb2: {  	_ =	task.clear_ibuf [dreg:s7], $0x6FFFF;
	_ =	strace $0x90000061  }
0xb3: {  	s29 =	simm.s32 $0x9;
	_ =	strace $0x80000063  }
0xb4: {  	_ =	swait.ge [sflag:s29], $0x1  }
0xb5: {  	[sflag:s29] =	ssyncadd.s32 $0xFFFFFFFF  }
0xb6: {  	_ =	strace $0x90000063  }
0xb7: {  	_ =	sfence  }
0xb8: {  	s30 =	sld [smem:$0x0];
	_ =	sdelay $0x2  }
0xb9: {  	s31 =	sshll.u32 s1, $0xD;
	s1 =	sshrl.u32 s1, $0x2  }
0xba: {  	s3 =	sand.u32 $0x4000, s31;
	s1 =	sadd.s32 s1, s30  }
0xbb: {  	s0 =	sor.u32 s3, s0;
	s1 =	sshll.u32 s1, $0x11  }
0xbc: {  	s0 =	sor.u32 s1, s0  }
0xbd: {  	s0 =	sadd.s32 $0x8F2B, s0  }
0xbe: {  	[sflag:s0] =	ssyncadd.remote.s32 $0x1  }
0xbf: {  	_ =	sfence.sel $0xFFFF  }
0xc0: {  	[dreg:$0x0] =	wrdreg $0xFFFFFFFF;
	(pc) =	sbr.abs _section_cstart, $3  }
0xc1: {  	[dreg:$0x1] =	wrdreg $0xFFFFFFFF  }
0xc2: {  	_ =	task.clear_ibuf [dreg:s7], $0x2FFFF;
	_ =	strace $0x9FFFFFFF  }
0xc3: {  	(tm) =	ssettm $0x7FFFFFFF  }
tec
execute0_lowered:
.L_overlay_start_1:
0x0: {  	(tag) =	ssettag $0x1  }
0x1: {  	s5 =	rddreg [dreg:$0x0]  }
0x2: {  	s8 =	rddreg [dreg:$0x1];
	s0 =	srdreg.scid  }
0x3: {  	s2 =	rddreg [dreg:$0x2];
	s1 =	stileid.u32;
	s3 =	simm.s32 $0x0  }
0x4: {  	s6 =	sand.u32 $0x1, s0;
	s0 =	rddreg [dreg:$0x3];
	s13 =	smul.u32 $0x2780, s1  }
0x5: {  	[smem:$0x7FF] =	sst s3;
	s9 =	smul.u32 $0x4F000, s1  }
0x6: {  	s14 =	sshll.u32 s1, $0xB;
	p0 =	seq.s32 s1, $0xF;
	s4 =	smul.u32 $0x138800, s6  }
0x7: {  	s31 =	sshll.u32 s1, $0x4;
	s7 =	smul.u32 $0x27100, s6;
	_ =	strace $0x80000062  }
0x8: {  	s11 =	ssub.s32 $0x2, s6;
	s30 =	smul.u32 $0x2710, s6;
	s28 =	sadd.s32 s13, s5  }
0x9: {  	s12 =	sshrl.u32 s11, $0x1;
	s9 =	sshrl.u32 s9, $0x2;
	s10 =	sadd.s32 s4, s5  }
0xa: {  	s7 =	sadd.s32 s7, s5;
	s11 =	ssub.s32 s11, s12;
	s12 =	sadd.s32 s9, s2  }
0xb: {  	s4 =	sadd.s32 $0x37400, s28;
	s9 =	sadd.s32 $0x128400, s2;
	s5 =	sadd.s32 $0x5C480, s5  }
0xc: {  	s8 =	sadd.s32 s30, s8;
	s15 =	sadd.s32 $0x5E600, s7;
	s29 =	sadd.s32 s14, s10  }
0xd: {  	s6 =	smax.u32 s11, $0x1;
	s11 =	sshll.u32 @!p0 s1, $0x6;
	s8 =	sadd.s32 s31, s8  }
0xe: {  	s9 =	sshrl.u32 @p0 s9, $0x3;
	s7 =	sadd.s32 $0xEDDC00, s29;
	s10 =	sor.u32 @!p0 $0x1C01, s11  }
0xf: {  	s11 =	sshrl.u32 @!p0 s12, $0x3;
	s12 =	sadd.s32 @p0 $0x25080, s15;
	s13 =	sadd.s32 @!p0 s13, s15  }
.LBB2_1:
0x10: {  	s14 =	simm.s32 @p0 $0x1FC1  }
0x11: {  	[spmem:s9], [sflag:s14] =	dma.local @p0 [hbm:s5], $0x2080  }
0x12: {  	s14 =	simm.s32 @p0 $0x1  }
0x13: {  	_ =	swait.ge @p0 [sflag:s14], $0x2080  }
0x14: {  	[sflag:s14] =	ssyncset.done @p0 $0x0  }
0x15: {  	[sflag:s14] =	ssyncadd.s32 @p0 $0xFFFFDF80;
	s14 =	simm.s32 @!p0 $0x1  }
0x16: {  	[spmem:s11], [sflag:s10] =	dma.local @!p0 [hbm:s4], $0x2780  }
0x17: {  	_ =	swait.ge @!p0 [sflag:s14], $0x2780  }
0x18: {  	s15 =	sadd.s32 $0x0, s1;
	[sflag:s14] =	ssyncset.done @!p0 $0x0  }
0x19: {  	p1 =	sgt.u32 s15, $0x270;
	[sflag:s14] =	ssyncadd.s32 @!p0 $0xFFFFD880  }
0x1a: {  	s16 =	simm.s32 @!p1 $0x2;
	s14 =	simm.s32 @!p1 $0x0;
	[bflag:$0x0] =	sbarrier.arrive $0xFFFF  }
0x1b: {  	[tilespmem:s14], [sflag:$0x2] =	stream.linear.gather @!p1 [hbm4b:s8+s14], $0x80, $0x38;
	[tilespmem:$0x17900] =	vst v63  }
0x1c: {  	_ =	swait.ge @!p1 [sflag:s16], $0x80  }
0x1d: {  	[sflag:s16] =	ssyncset.done @!p1 $0x0;
	p1 =	por p1, p1  }
0x1e: {  	[sflag:s16] =	ssyncadd.s32 @!p1 $0xFFFFFF80;
	s18 =	simm.s32 @!p1 $0x80  }
0x1f: {  	[tilespmem:s18], [sflag:$0x2] =	stream.linear.gather @!p1 [hbm4b:s7+s14], $0x4000, $0x38;
	[tilespmem:$0x17900] =	vst v63  }
0x20: {  	_ =	swait.ge @!p1 [sflag:s16], $0x4000  }
0x21: {  	[sflag:s16] =	ssyncset.done @!p1 $0x0  }
0x22: {  	s31 =	sadd.s32 $0x10, s1;
	s17 =	simm.s32 @!p1 $0x1;
	[sflag:s16] =	ssyncadd.s32 @!p1 $0xFFFFC000  }
0x23: {  	[spmem:s2] =	stream.indirect.scatter.add.f32 @!p1 [tilespmem:s18], [sflag:$0x1], $0x80, s14, s18, $0xb8;
	[tilespmem:$0x17900] =	vst v63  }
0x24: {  	s15 =	simm.s32 $0x20;
	p2 =	sgt.u32 s31, $0x270;
	_ =	swait.ge @!p1 [sflag:s17], $0x4000  }
0x25: {  	s16 =	sadd.s32 $0x100, s8;
	s14 =	sadd.s32 $0x8000, s7;
	[sflag:s17] =	ssyncset.done @!p1 $0x0  }
.LBB2_2:
0x26: {  	s18 =	simm.s32 @!p2 $0x0;
	s19 =	simm.s32 @!p2 $0x2;
	[sflag:s17] =	ssyncadd.s32 @!p1 $0xFFFFC000  }
0x27: {  	[tilespmem:s18], [sflag:$0x2] =	stream.linear.gather @!p2 [hbm4b:s16+s18], $0x80, $0x38;
	[tilespmem:$0x17900] =	vst v63  }
0x28: {  	s20 =	smov.u32 s15;
	s15 =	sadd.s32 $0x10, s15;
	_ =	swait.ge @!p2 [sflag:s19], $0x80  }
0x29: {  	p1 =	por p2, p2;
	p3 =	sne.s32 s15, $0x280;
	[sflag:s19] =	ssyncset.done @!p2 $0x0  }
0x2a: {  	s21 =	simm.s32 @!p1 $0x80;
	[sflag:s19] =	ssyncadd.s32 @!p1 $0xFFFFFF80  }
0x2b: {  	[tilespmem:s21], [sflag:$0x2] =	stream.linear.gather @!p1 [hbm4b:s14+s18], $0x4000, $0x38;
	[tilespmem:$0x17900] =	vst v63  }
0x2c: {  	_ =	swait.ge @!p1 [sflag:s19], $0x4000  }
.Ltmp0:
0x2d: {  	[sflag:s19] =	ssyncset.done @!p1 $0x0;
	(pc) =	sbr.rel @p3 .LBB2_2-.Ltmp0, $4  }
0x2e: {  	s17 =	simm.s32 @!p1 $0x1;
	[sflag:s19] =	ssyncadd.s32 @!p1 $0xFFFFC000  }
0x2f: {  	[spmem:s2] =	stream.indirect.scatter.add.f32 @!p1 [tilespmem:s21], [sflag:$0x1], $0x80, s18, s21, $0xb8;
	[tilespmem:$0x17900] =	vst v63  }
0x30: {  	s16 =	sadd.s32 $0x100, s16;
	s18 =	sadd.s32 s20, s1;
	_ =	swait.ge @!p1 [sflag:s17], $0x4000  }
0x31: {  	s14 =	sadd.s32 $0x8000, s14;
	p2 =	sgt.u32 s18, $0x270;
	[sflag:s17] =	ssyncset.done @!p1 $0x0  }
0x32: {  	s15 =	simm.s32 @!p2 $0x0;
	s18 =	simm.s32 @!p2 $0x2;
	[sflag:s17] =	ssyncadd.s32 @!p1 $0xFFFFC000  }
0x33: {  	[tilespmem:s15], [sflag:$0x2] =	stream.linear.gather @!p2 [hbm4b:s16+s15], $0x80, $0x38;
	[tilespmem:$0x17900] =	vst v63  }
0x34: {  	_ =	swait.ge @!p2 [sflag:s18], $0x80  }
0x35: {  	p1 =	por p2, p2;
	[sflag:s18] =	ssyncset.done @!p2 $0x0  }
0x36: {  	s16 =	simm.s32 @!p1 $0x80;
	[sflag:s18] =	ssyncadd.s32 @!p1 $0xFFFFFF80  }
0x37: {  	[tilespmem:s16], [sflag:$0x2] =	stream.linear.gather @!p1 [hbm4b:s14+s15], $0x4000, $0x38;
	[tilespmem:$0x17900] =	vst v63  }
0x38: {  	_ =	swait.ge @!p1 [sflag:s18], $0x4000  }
0x39: {  	[sflag:s18] =	ssyncset.done @!p1 $0x0  }
0x3a: {  	s14 =	simm.s32 @!p1 $0x1;
	[sflag:s18] =	ssyncadd.s32 @!p1 $0xFFFFC000  }
0x3b: {  	[spmem:s2] =	stream.indirect.scatter.add.f32 @!p1 [tilespmem:s16], [sflag:$0x1], $0x80, s15, s16, $0xb8;
	[tilespmem:$0x17900] =	vst v63  }
0x3c: {  	_ =	swait.ge @!p1 [sflag:s14], $0x4000  }
0x3d: {  	[sflag:s14] =	ssyncset.done @!p1 $0x0  }
0x3e: {  	[sflag:s14] =	ssyncadd.s32 @!p1 $0xFFFFC000  }
0x3f: {  	s14 =	simm.s32 @p0 $0x1FC1;
	[bflag:$0x0] =	sbarrier.arrive $0xFFFF  }
0x40: {  	[hbm:s12], [sflag:s14] =	dma.local @p0 [spmem:s9], $0x2080  }
0x41: {  	s14 =	simm.s32 @p0 $0x1  }
0x42: {  	s3 =	sadd.s32 $0x1, s3;
	_ =	swait.ge @p0 [sflag:s14], $0x2080  }
0x43: {  	p1 =	sne.s32 s3, s6;
	[sflag:s14] =	ssyncset.done @p0 $0x0  }
.Ltmp1:
0x44: {  	[sflag:s14] =	ssyncadd.s32 @p0 $0xFFFFDF80;
	s14 =	simm.s32 @!p0 $0x1;
	(pc) =	sbr.rel @p1 .LBB2_1-.Ltmp1, $4  }
0x45: {  	[hbm:s13], [sflag:s10] =	dma.local @!p0 [spmem:s11], $0x2780  }
0x46: {  	_ =	swait.ge @!p0 [sflag:s14], $0x2780  }
0x47: {  	[sflag:s14] =	ssyncset.done @!p0 $0x0  }
0x48: {  	[sflag:s14] =	ssyncadd.s32 @!p0 $0xFFFFD880  }
0x49: {  	_ =	sfence.sel $0x180000  }
0x4a: {  	[bflag:$0x0] =	sbarrier.arrive $0xFFFF  }
0x4b: {  	p0 =	sne.s32 s1, $0x0;
	_ =	strace $0x90000062  }
0x4c: {  	s0 =	sadd.s32 @!p0 $0x100000, s0;
	[bflag:$0x2] =	sbarrier.arrive $0xFFFF  }
0x4d: {  	[sflag:s0] =	ssyncadd.tile.s32 @!p0 $0x1;
	_ =	shalt  }
.Lfunc_end2:
_tile_overlayer_lowered:
.L_overlay_start_2:
0x4e: {  	(tag) =	ssettag $0x2  }
0x4f: {  	s0 =	rddreg [dreg:$0x0];
	s2 =	stileid.u32  }
0x50: {  	s1 =	rddreg [dreg:$0x1];
	p0 =	sne.s32 s2, $0x0  }
0x51: {  	s3 =	rddreg [dreg:$0x2];
	[bflag:$0x3] =	sbarrier.arrive $0xFFFF;
	s2 =	simm.s32 @!p0 $0x1C01  }
0x52: {  	[timem:s3], [sflag:s2] =	dma.local @!p0 [hbm:s0], s1  }
0x53: {  	s0 =	simm.s32 @!p0 $0x1  }
0x54: {  	_ =	swait.ge @!p0 [sflag:s0], s1  }
0x55: {  	s1 =	ssub.s32 @!p0 $0x0, s1;
	[sflag:s0] =	ssyncset.done @!p0 $0x0  }
0x56: {  	[sflag:s0] =	ssyncadd.s32 @!p0 s1  }
0x57: {  	[bflag:$0x3] =	sbarrier.arrive $0xFFFF  }
0x58: {  	_ =	shalt  }

// kernel: kernel.58.cloned.1.call-start
scs
__scs_entry_jumppad:
0x0: {  	(pc) =	sbr.rel $0x88, $3  }
0x1: {  	(tag) =	ssettag $0x0;
	lr =	simm.s32 $0x1  }
0x2: {  	[smem:$0x3F93] =	sst lr;
	_ =	strace $0xD0000000  }
0x3: {  	_ = 	snop  }
0x4: {  	_ = 	snop  }
0x5: {  	_ = 	snop  }
0x6: {  	_ = 	snop  }
0x7: {  	_ = 	snop  }
__scs_overlays_trampoline_lowered:
0x8: {  	[smem:$0x3FA2] =	sst s0  }
0x9: {  	[smem:$0x3FA3] =	sst s1  }
0xa: {  	[smem:$0x3FA4] =	sst s2  }
0xb: {  	[smem:$0x3FA5] =	sst s3  }
0xc: {  	[smem:$0x3FA6] =	sst s4  }
0xd: {  	[smem:$0x3FA7] =	sst s5  }
0xe: {  	[smem:$0x3FA8] =	sst s6  }
0xf: {  	[smem:$0x3FA9] =	sst s7  }
0x10: {  	[smem:$0x3FAA] =	sst s8  }
0x11: {  	[smem:$0x3FAB] =	sst s9;
	s0 =	simm.s32 @!p0 $0x0  }
0x12: {  	s1 =	sld [smem:$0x3F91];
	s0 =	simm.s32 @p0 $0x1  }
0x13: {  	[smem:$0x3FAC] =	sst s0;
	s0 =	simm.s32 @!p1 $0x0  }
0x14: {  	s2 =	sld [smem:$0x3F90];
	s0 =	simm.s32 @p1 $0x1  }
0x15: {  	[smem:$0x3FAD] =	sst s0;
	s0 =	simm.s32 @!p2 $0x0  }
0x16: {  	s3 =	sld [smem:$0x3FDB];
	s0 =	simm.s32 @p2 $0x1  }
0x17: {  	s4 =	simm.s32 $0x1BF5;
	[smem:$0x3FAF] =	sst s0  }
0x18: {  	s0 =	sld [smem:$0x3F92];
	_ =	swait.ge [sflag:s4], $0x0  }
0x19: {  	s7 =	sld [smem:$0x3F93]  }
0x1a: {  	s8 =	sadd.s32 $0xFFFFE003, lr  }
0x1b: {  	s9 =	sadd.s32 $0xFFFFFEF7, lr;
	s5 =	simm.s32 $0xFFFFFFFF;
	p2 =	slt.u32 s8, $0xFFFFF086  }
0x1c: {  	p1 =	slt.u32 s9, $0xF7A;
	s5 =	simm.s32 @!p2 $0x0  }
0x1d: {  	s5 =	simm.s32 @p1 $0x1;
	p0 =	seq.s32 s7, s2  }
0x1e: {  	s7 =	smul.u32 @!p0 $0xF7A, s2;
	p2 =	seq.s32 @!p0 s5, $0x0  }
0x1f: {  	s9 =	smul.u32 $0xF7A, s1;
	s8 =	simm.s32 @!p0 $0x1BF5;
	p2 =	por !p2, p0  }
0x20: {  	[sflag:s8] =	ssyncset.s32 @!p0 $0xFFFFF086;
	s6 =	sadd.s32 @!p0 s3, s7;
	s7 =	simm.s32 @!p0 $0x108  }
0x21: {  	s3 =	sadd.s32 s3, s9;
	s6 =	sadd.s32 @!p0 $0x88, s6;
	s7 =	simm.s32 @p2 $0x1082  }
0x22: {  	[simem:s7], [sflag:s8] =	dma.local @!p0 [hbm:s6], $0xF7A  }
0x23: {  	s9 =	sor.u32 $0xD0000000, s2;
	s6 =	simm.s32 $0x108;
	_ =	swait.ge @!p0 [sflag:s8], $0x0  }
0x24: {  	s3 =	sadd.s32 $0x88, s3;
	s6 =	simm.s32 @!p1 $0x1082;
	[sflag:s4] =	ssyncset.s32 $0xFFFFF086  }
0x25: {  	[simem:s6], [sflag:s4] =	dma.local [hbm:s3], $0xF7A  }
0x26: {  	[smem:$0x3F93] =	sst s1;
	(tag) =	ssettag s2;
	_ =	strace s9  }
0x27: {  	s1 =	sld [smem:$0x3FA3]  }
0x28: {  	s2 =	sld [smem:$0x3FA4]  }
0x29: {  	s4 =	sld [smem:$0x3FA6]  }
0x2a: {  	p0 =	seq.s32 s5, $0x0;
	s5 =	sld [smem:$0x3FA7]  }
0x2b: {  	s6 =	sld [smem:$0x3FA8]  }
0x2c: {  	s7 =	sld [smem:$0x3FA9]  }
0x2d: {  	s3 =	simm.s32 $0x108;
	s8 =	sld [smem:$0x3FAA]  }
0x2e: {  	s3 =	simm.s32 @!p0 $0x1082;
	s9 =	sld [smem:$0x3FAB]  }
0x2f: {  	lr =	sadd.s32 s0, s3;
	s0 =	sld [smem:$0x3FA2]  }
0x30: {  	s3 =	sld [smem:$0x3FA5]  }
0x31: {  	[smem:$0x3FAE] =	sst s10  }
0x32: {  	s10 =	sld [smem:$0x3FAC];
	_ =	sdelay $0x3  }
0x33: {  	p0 =	seq.s32 s10, $0x1;
	s10 =	sld [smem:$0x3FAE];
	_ =	sdelay $0x3  }
0x34: {  	[smem:$0x3FAE] =	sst s10  }
0x35: {  	s10 =	sld [smem:$0x3FAD];
	_ =	sdelay $0x3  }
0x36: {  	p1 =	seq.s32 s10, $0x1;
	s10 =	sld [smem:$0x3FAE];
	_ =	sdelay $0x3  }
0x37: {  	[smem:$0x3FAE] =	sst s10  }
0x38: {  	s10 =	sld [smem:$0x3FAF]  }
0x39: {  	_ = 	snop;
	(pc) =	sbr.ind lr, $3  }
0x3a: {  	_ = 	snop  }
0x3b: {  	_ = 	snop  }
0x3c: {  	p2 =	seq.s32 s10, $0x1;
	s10 =	sld [smem:$0x3FAE]  }
0x3d: {  	_ =	shalt  }
0x3e: {  	_ =	shalt  }
0x3f: {  	_ =	shalt  }
0x40: {  	_ =	shalt  }
0x41: {  	_ =	shalt  }
0x42: {  	_ =	shalt  }
0x43: {  	_ =	shalt  }
0x44: {  	_ =	shalt  }
0x45: {  	_ =	shalt  }
0x46: {  	_ =	shalt  }
0x47: {  	_ =	shalt  }
0x48: {  	_ =	shalt  }
0x49: {  	_ =	shalt  }
0x4a: {  	_ =	shalt  }
0x4b: {  	_ =	shalt  }
0x4c: {  	_ =	shalt  }
0x4d: {  	_ =	shalt  }
0x4e: {  	_ =	shalt  }
0x4f: {  	_ =	shalt  }
0x50: {  	_ =	shalt  }
0x51: {  	_ =	shalt  }
0x52: {  	_ =	shalt  }
0x53: {  	_ =	shalt  }
0x54: {  	_ =	shalt  }
0x55: {  	_ =	shalt  }
0x56: {  	_ =	shalt  }
0x57: {  	_ =	shalt  }
0x58: {  	_ =	shalt  }
0x59: {  	_ =	shalt  }
0x5a: {  	_ =	shalt  }
0x5b: {  	_ =	shalt  }
0x5c: {  	_ =	shalt  }
0x5d: {  	_ =	shalt  }
0x5e: {  	_ =	shalt  }
0x5f: {  	_ =	shalt  }
0x60: {  	_ =	shalt  }
0x61: {  	_ =	shalt  }
0x62: {  	_ =	shalt  }
0x63: {  	_ =	shalt  }
0x64: {  	_ =	shalt  }
0x65: {  	_ =	shalt  }
0x66: {  	_ =	shalt  }
0x67: {  	_ =	shalt  }
0x68: {  	_ =	shalt  }
0x69: {  	_ =	shalt  }
0x6a: {  	_ =	shalt  }
0x6b: {  	_ =	shalt  }
0x6c: {  	_ =	shalt  }
0x6d: {  	_ =	shalt  }
0x6e: {  	_ =	shalt  }
0x6f: {  	_ =	shalt  }
0x70: {  	_ =	shalt  }
0x71: {  	_ =	shalt  }
0x72: {  	_ =	shalt  }
0x73: {  	_ =	shalt  }
0x74: {  	_ =	shalt  }
0x75: {  	_ =	shalt  }
0x76: {  	_ =	shalt  }
0x77: {  	_ =	shalt  }
0x78: {  	_ =	shalt  }
0x79: {  	_ =	shalt  }
0x7a: {  	_ =	shalt  }
0x7b: {  	_ =	shalt  }
0x7c: {  	_ =	shalt  }
0x7d: {  	_ =	shalt  }
0x7e: {  	_ =	shalt  }
0x7f: {  	_ =	shalt  }
0x80: {  	_ =	shalt  }
0x81: {  	_ =	shalt  }
0x82: {  	_ =	shalt  }
0x83: {  	_ =	shalt  }
0x84: {  	_ =	shalt  }
0x85: {  	_ =	shalt  }
0x86: {  	_ =	shalt  }
0x87: {  	_ =	shalt  }
.Lfunc_end0:
.L_simem_size_0:
called_computation.10_lowered:
.L_overlay_start_0:
0x88: {  	s2 =	sld [smem:$0x3FD9]  }
0x89: {  	s3 =	sld [smem:$0x3FFE];
	_ =	sdelay $0x1  }
0x8a: {  	s1 =	srdreg.scid  }
0x8b: {  	s0 =	sand.u32 $0x1, s1  }
0x8c: {  	s16 =	sshll.u32 s0, $0xA;
	s2 =	sadd.s32 s3, s2  }
0x8d: {  	s2 =	sadd.s32 s2, s16  }
0x8e: {  	[smem:$0x3FBA] =	sst s2  }
0x8f: {  	_ = 	snop  }
0x90: {  	(tm) =	ssettm $0x1  }
0x91: {  	s17 =	sld [smem:$0x3FFB];
	_ =	sdelay $0x3  }
0x92: {  	_ =	strace s17  }
0x93: {  	s2 =	sld [smem:$0x3FFC];
	_ =	sdelay $0x3  }
0x94: {  	_ =	strace s2  }
0x95: {  	s2 =	sld [smem:$0x3FFD];
	_ =	sdelay $0x3  }
0x96: {  	_ =	strace s2  }
0x97: {  	_ =	strace $0x8FFFFFFF  }
0x98: {  	s18 =	sld [smem:$0x3FDB];
	_ =	sdelay $0x1  }
0x99: {  	s19 =	simm.s32 $_scs_section_size  }
0x9a: {  	s4 =	simm.s32 $_size__tile_overlayer_lowered;
	s5 =	simm.s32 $_tile_overlayer_lowered  }
0x9b: {  	s22 =	simm.s32 $0x1BFF;
	s21 =	sshll.u32 s5, $0x1;
	s2 =	sadd.s32 s19, s18  }
0x9c: {  	s6 =	simm.s32 $0x0;
	s20 =	sshll.u32 s4, $0x1;
	s4 =	sadd.s32 s21, s2  }
0x9d: {  	[timem:s6], [sflag:s22] =	dma.local [hbm:s4], s20  }
0x9e: {  	_ =	swait.ge [sflag:s22], s20  }
0x9f: {  	s3 =	ssub.s32 $0x0, s20;
	[sflag:s22] =	ssyncset.done $0x0  }
0xa0: {  	[sflag:s22] =	ssyncadd.s32 s3;
	_ =	sdelay $0x1  }
0xa1: {  	s23 =	simm.s32 $0x1B8B  }
0xa2: {  	_ =	swait.ge [sflag:s23], $0x1  }
0xa3: {  	[sflag:s23] =	ssyncset.done $0x0  }
0xa4: {  	s25 =	simm.s32 $0x1B8E;
	s24 =	sld [smem:$0x3FFE];
	[sflag:s23] =	ssyncadd.s32 $0xFFFFFFFF  }
0xa5: {  	s26 =	simm.s32 $execute0_lowered;
	[smem:$0x3FD2] =	sst s25  }
0xa6: {  	s4 =	sshll.u32 s26, $0x1;
	_ =	strace $0x80000064;
	[dreg:$0x1] =	wrdreg $0xFFFFFFFF  }
0xa7: {  	s28 =	simm.s32 $_size_execute0_lowered;
	s2 =	sadd.s32 s2, s4;
	[dreg:$0x0] =	wrdreg $0x0  }
0xa8: {  	s4 =	sshll.u32 s28, $0x1;
	[dreg:$0x2] =	wrdreg s2  }
0xa9: {  	[dreg:$0x3] =	wrdreg s4  }
0xaa: {  	[dreg:$0x4] =	wrdreg $0xC0  }
0xab: {  	_ =	task [dreg:s6], $0x5FFFF  }
0xac: {  	[dreg:$0x1] =	wrdreg $0xFFFFFFFF  }
0xad: {  	[dreg:$0x0] =	wrdreg $0x60  }
0xae: {  	[dreg:$0x2] =	wrdreg s24  }
0xaf: {  	[dreg:$0x3] =	wrdreg $0x9  }
0xb0: {  	_ =	task.clear_ibuf [dreg:s6], $0x4FFFF;
	_ =	strace $0x90000064  }
0xb1: {  	s29 =	simm.s32 $0x9;
	_ =	strace $0x80000066  }
0xb2: {  	_ =	swait.ge [sflag:s29], $0x1  }
0xb3: {  	[sflag:s29] =	ssyncadd.s32 $0xFFFFFFFF  }
0xb4: {  	_ =	strace $0x90000066  }
0xb5: {  	_ =	sfence  }
0xb6: {  	s30 =	sld [smem:$0x0];
	_ =	sdelay $0x2  }
0xb7: {  	s31 =	sshll.u32 s1, $0xD;
	s1 =	sshrl.u32 s1, $0x2  }
0xb8: {  	s3 =	sand.u32 $0x4000, s31;
	s1 =	sadd.s32 s1, s30  }
0xb9: {  	s0 =	sor.u32 s3, s0;
	s1 =	sshll.u32 s1, $0x11  }
0xba: {  	s0 =	sor.u32 s1, s0  }
0xbb: {  	s0 =	sadd.s32 $0x8F2B, s0  }
0xbc: {  	[sflag:s0] =	ssyncadd.remote.s32 $0x1  }
0xbd: {  	_ =	sfence.sel $0xFFFF  }
0xbe: {  	[dreg:$0x0] =	wrdreg $0xFFFFFFFF;
	(pc) =	sbr.abs _section_cstart, $3  }
0xbf: {  	[dreg:$0x1] =	wrdreg $0xFFFFFFFF  }
0xc0: {  	_ =	task.clear_ibuf [dreg:s6], $0x2FFFF;
	_ =	strace $0x9FFFFFFF  }
0xc1: {  	(tm) =	ssettm $0x7FFFFFFF  }
tec
execute0_lowered:
.L_overlay_start_1:
0x0: {  	(tag) =	ssettag $0x1  }
0x1: {  	s4 =	rddreg [dreg:$0x0]  }
0x2: {  	s0 =	rddreg [dreg:$0x1];
	s1 =	simm.s32 $0x0;
	s5 =	srdreg.scid  }
0x3: {  	s2 =	stileid.u32;
	[smem:$0x7FF] =	sst s1  }
0x4: {  	s3 =	sadd.s32 $0x10200, s4;
	s5 =	sand.u32 $0x1, s5;
	s6 =	sshll.u32 s2, $0x5  }
0x5: {  	s7 =	sshll.u32 s2, $0xC;
	_ =	strace $0x80000065;
	s8 =	ssub.s32 $0x2, s5  }
0x6: {  	s6 =	sadd.s32 s6, s4;
	s7 =	sadd.s32 s7, s4;
	s9 =	sshll.u32 s5, $0xB  }
0x7: {  	s5 =	sshll.u32 s5, $0x4;
	s4 =	sshll.u32 s2, $0x1;
	s30 =	sshrl.u32 s8, $0x1  }
0x8: {  	s7 =	sadd.s32 s9, s7;
	s31 =	sadd.s32 s5, s6;
	s8 =	ssub.s32 s8, s30  }
0x9: {  	s6 =	sadd.s32 $0x2A8C00, s7;
	s7 =	sadd.s32 $0xB200, s31;
	s5 =	smax.u32 s8, $0x1  }
.LBB2_1:
0xa: {  	s8 =	sadd.s32 $0x0, s4  }
0xb: {  	p0 =	sgt.u32 s8, $0x4E1  }
0xc: {  	s8 =	simm.s32 @!p0 $0x0;
	s9 =	simm.s32 @!p0 $0x3  }
0xd: {  	[tilespmem:s8], [sflag:$0x3] =	stream.linear.gather @!p0 [hbm4b:s7+s8], $0x80, $0x38;
	[tilespmem:$0x4080] =	vst v63  }
0xe: {  	_ =	swait.ge @!p0 [sflag:s9], $0x80  }
0xf: {  	[sflag:s9] =	ssyncset.done @!p0 $0x0;
	p0 =	por p0, p0  }
0x10: {  	[sflag:s9] =	ssyncadd.s32 @!p0 $0xFFFFFF80;
	s10 =	simm.s32 @!p0 $0x80;
	s11 =	simm.s32 @!p0 $0x1  }
0x11: {  	[tilespmem:s10], [sflag:$0x1] =	stream.indirect.gather @!p0 [hbm4b:s3+s10], $0x80, s8, s10, $0xb8;
	[tilespmem:$0x4080] =	vst v63  }
0x12: {  	_ =	swait.ge @!p0 [sflag:s11], $0x4000  }
0x13: {  	[sflag:s11] =	ssyncset.done @!p0 $0x0  }
0x14: {  	s31 =	sadd.s32 $0x20, s4;
	[sflag:s11] =	ssyncadd.s32 @!p0 $0xFFFFC000;
	s11 =	simm.s32 @!p0 $0x2  }
0x15: {  	[hbm4b:s6+s8] =	stream.linear.scatter @!p0 [tilespmem:s10], [sflag:$0x2], $0x4000, $0x38;
	[tilespmem:$0x4080] =	vst v63  }
0x16: {  	p1 =	sgt.u32 s31, $0x4E1;
	s9 =	simm.s32 $0x40;
	_ =	swait.ge @!p0 [sflag:s11], $0x4000  }
0x17: {  	s10 =	sadd.s32 $0x200, s7;
	s8 =	sadd.s32 $0x10000, s6;
	[sflag:s11] =	ssyncset.done @!p0 $0x0  }
.LBB2_2:
0x18: {  	s12 =	simm.s32 @!p1 $0x0;
	s13 =	simm.s32 @!p1 $0x3;
	[sflag:s11] =	ssyncadd.s32 @!p0 $0xFFFFC000  }
0x19: {  	[tilespmem:s12], [sflag:$0x3] =	stream.linear.gather @!p1 [hbm4b:s10+s12], $0x80, $0x38;
	[tilespmem:$0x4080] =	vst v63  }
0x1a: {  	s14 =	smov.u32 s9;
	s9 =	sadd.s32 $0x20, s9;
	_ =	swait.ge @!p1 [sflag:s13], $0x80  }
0x1b: {  	p0 =	por p1, p1;
	p2 =	sne.s32 s9, $0x500;
	[sflag:s13] =	ssyncset.done @!p1 $0x0  }
0x1c: {  	s11 =	simm.s32 @!p0 $0x1;
	[sflag:s13] =	ssyncadd.s32 @!p0 $0xFFFFFF80;
	s13 =	simm.s32 @!p0 $0x80  }
0x1d: {  	[tilespmem:s13], [sflag:$0x1] =	stream.indirect.gather @!p0 [hbm4b:s3+s13], $0x80, s12, s13, $0xb8;
	[tilespmem:$0x4080] =	vst v63  }
0x1e: {  	_ =	swait.ge @!p0 [sflag:s11], $0x4000  }
.Ltmp0:
0x1f: {  	[sflag:s11] =	ssyncset.done @!p0 $0x0;
	(pc) =	sbr.rel @p2 .LBB2_2-.Ltmp0, $4  }
0x20: {  	[sflag:s11] =	ssyncadd.s32 @!p0 $0xFFFFC000;
	s11 =	simm.s32 @!p0 $0x2  }
0x21: {  	[hbm4b:s8+s12] =	stream.linear.scatter @!p0 [tilespmem:s13], [sflag:$0x2], $0x4000, $0x38;
	[tilespmem:$0x4080] =	vst v63  }
0x22: {  	s10 =	sadd.s32 $0x200, s10;
	s12 =	sadd.s32 s14, s4;
	_ =	swait.ge @!p0 [sflag:s11], $0x4000  }
0x23: {  	s8 =	sadd.s32 $0x10000, s8;
	p1 =	sgt.u32 s12, $0x4E1;
	[sflag:s11] =	ssyncset.done @!p0 $0x0  }
0x24: {  	s9 =	simm.s32 @!p1 $0x0;
	s12 =	simm.s32 @!p1 $0x3;
	[sflag:s11] =	ssyncadd.s32 @!p0 $0xFFFFC000  }
0x25: {  	[tilespmem:s9], [sflag:$0x3] =	stream.linear.gather @!p1 [hbm4b:s10+s9], $0x80, $0x38;
	[tilespmem:$0x4080] =	vst v63  }
0x26: {  	_ =	swait.ge @!p1 [sflag:s12], $0x80  }
0x27: {  	p0 =	por p1, p1;
	[sflag:s12] =	ssyncset.done @!p1 $0x0  }
0x28: {  	s10 =	simm.s32 @!p0 $0x80;
	s11 =	simm.s32 @!p0 $0x1;
	[sflag:s12] =	ssyncadd.s32 @!p0 $0xFFFFFF80  }
0x29: {  	[tilespmem:s10], [sflag:$0x1] =	stream.indirect.gather @!p0 [hbm4b:s3+s10], $0x80, s9, s10, $0xb8;
	[tilespmem:$0x4080] =	vst v63  }
0x2a: {  	s1 =	sadd.s32 $0x1, s1;
	_ =	swait.ge @!p0 [sflag:s11], $0x4000  }
0x2b: {  	p1 =	sne.s32 s1, s5;
	[sflag:s11] =	ssyncset.done @!p0 $0x0  }
.Ltmp1:
0x2c: {  	[sflag:s11] =	ssyncadd.s32 @!p0 $0xFFFFC000;
	s11 =	simm.s32 @!p0 $0x2;
	(pc) =	sbr.rel @p1 .LBB2_1-.Ltmp1, $4  }
0x2d: {  	[hbm4b:s8+s9] =	stream.linear.scatter @!p0 [tilespmem:s10], [sflag:$0x2], $0x4000, $0x38;
	[tilespmem:$0x4080] =	vst v63  }
0x2e: {  	_ =	swait.ge @!p0 [sflag:s11], $0x4000  }
0x2f: {  	[sflag:s11] =	ssyncset.done @!p0 $0x0  }
0x30: {  	[sflag:s11] =	ssyncadd.s32 @!p0 $0xFFFFC000  }
0x31: {  	_ =	sfence.sel $0x180000  }
0x32: {  	[bflag:$0x0] =	sbarrier.arrive $0xFFFF  }
0x33: {  	p0 =	sne.s32 s2, $0x0;
	_ =	strace $0x90000065  }
0x34: {  	s0 =	sadd.s32 @!p0 $0x100000, s0;
	[bflag:$0x2] =	sbarrier.arrive $0xFFFF  }
0x35: {  	[sflag:s0] =	ssyncadd.tile.s32 @!p0 $0x1;
	_ =	shalt  }
.Lfunc_end2:
_tile_overlayer_lowered:
.L_overlay_start_2:
0x36: {  	(tag) =	ssettag $0x2  }
0x37: {  	s0 =	rddreg [dreg:$0x0];
	s2 =	stileid.u32  }
0x38: {  	s1 =	rddreg [dreg:$0x1];
	p0 =	sne.s32 s2, $0x0  }
0x39: {  	s3 =	rddreg [dreg:$0x2];
	[bflag:$0x3] =	sbarrier.arrive $0xFFFF;
	s2 =	simm.s32 @!p0 $0x1C02  }
0x3a: {  	[timem:s3], [sflag:s2] =	dma.local @!p0 [hbm:s0], s1  }
0x3b: {  	s0 =	simm.s32 @!p0 $0x2  }
0x3c: {  	_ =	swait.ge @!p0 [sflag:s0], s1  }
0x3d: {  	s1 =	ssub.s32 @!p0 $0x0, s1;
	[sflag:s0] =	ssyncset.done @!p0 $0x0  }
0x3e: {  	[sflag:s0] =	ssyncadd.s32 @!p0 s1  }
0x3f: {  	[bflag:$0x3] =	sbarrier.arrive $0xFFFF  }
0x40: {  	_ =	shalt  }

// kernel: kernel.61.cloned.1.call-start
scs
__scs_entry_jumppad:
0x0: {  	(pc) =	sbr.rel $0x88, $3  }
0x1: {  	(tag) =	ssettag $0x0;
	lr =	simm.s32 $0x1  }
0x2: {  	[smem:$0x3F93] =	sst lr;
	_ =	strace $0xD0000000  }
0x3: {  	_ = 	snop  }
0x4: {  	_ = 	snop  }
0x5: {  	_ = 	snop  }
0x6: {  	_ = 	snop  }
0x7: {  	_ = 	snop  }
__scs_overlays_trampoline_lowered:
0x8: {  	[smem:$0x3FA2] =	sst s0  }
0x9: {  	[smem:$0x3FA3] =	sst s1  }
0xa: {  	[smem:$0x3FA4] =	sst s2  }
0xb: {  	[smem:$0x3FA5] =	sst s3  }
0xc: {  	[smem:$0x3FA6] =	sst s4  }
0xd: {  	[smem:$0x3FA7] =	sst s5  }
0xe: {  	[smem:$0x3FA8] =	sst s6  }
0xf: {  	[smem:$0x3FA9] =	sst s7  }
0x10: {  	[smem:$0x3FAA] =	sst s8  }
0x11: {  	[smem:$0x3FAB] =	sst s9;
	s0 =	simm.s32 @!p0 $0x0  }
0x12: {  	s1 =	sld [smem:$0x3F91];
	s0 =	simm.s32 @p0 $0x1  }
0x13: {  	[smem:$0x3FAC] =	sst s0;
	s0 =	simm.s32 @!p1 $0x0  }
0x14: {  	s2 =	sld [smem:$0x3F90];
	s0 =	simm.s32 @p1 $0x1  }
0x15: {  	[smem:$0x3FAD] =	sst s0;
	s0 =	simm.s32 @!p2 $0x0  }
0x16: {  	s3 =	sld [smem:$0x3FDB];
	s0 =	simm.s32 @p2 $0x1  }
0x17: {  	s4 =	simm.s32 $0x1BF5;
	[smem:$0x3FAF] =	sst s0  }
0x18: {  	s0 =	sld [smem:$0x3F92];
	_ =	swait.ge [sflag:s4], $0x0  }
0x19: {  	s7 =	sld [smem:$0x3F93]  }
0x1a: {  	s8 =	sadd.s32 $0xFFFFE003, lr  }
0x1b: {  	s9 =	sadd.s32 $0xFFFFFEF7, lr;
	s5 =	simm.s32 $0xFFFFFFFF;
	p2 =	slt.u32 s8, $0xFFFFF086  }
0x1c: {  	p1 =	slt.u32 s9, $0xF7A;
	s5 =	simm.s32 @!p2 $0x0  }
0x1d: {  	s5 =	simm.s32 @p1 $0x1;
	p0 =	seq.s32 s7, s2  }
0x1e: {  	s7 =	smul.u32 @!p0 $0xF7A, s2;
	p2 =	seq.s32 @!p0 s5, $0x0  }
0x1f: {  	s9 =	smul.u32 $0xF7A, s1;
	s8 =	simm.s32 @!p0 $0x1BF5;
	p2 =	por !p2, p0  }
0x20: {  	[sflag:s8] =	ssyncset.s32 @!p0 $0xFFFFF086;
	s6 =	sadd.s32 @!p0 s3, s7;
	s7 =	simm.s32 @!p0 $0x108  }
0x21: {  	s3 =	sadd.s32 s3, s9;
	s6 =	sadd.s32 @!p0 $0x88, s6;
	s7 =	simm.s32 @p2 $0x1082  }
0x22: {  	[simem:s7], [sflag:s8] =	dma.local @!p0 [hbm:s6], $0xF7A  }
0x23: {  	s9 =	sor.u32 $0xD0000000, s2;
	s6 =	simm.s32 $0x108;
	_ =	swait.ge @!p0 [sflag:s8], $0x0  }
0x24: {  	s3 =	sadd.s32 $0x88, s3;
	s6 =	simm.s32 @!p1 $0x1082;
	[sflag:s4] =	ssyncset.s32 $0xFFFFF086  }
0x25: {  	[simem:s6], [sflag:s4] =	dma.local [hbm:s3], $0xF7A  }
0x26: {  	[smem:$0x3F93] =	sst s1;
	(tag) =	ssettag s2;
	_ =	strace s9  }
0x27: {  	s1 =	sld [smem:$0x3FA3]  }
0x28: {  	s2 =	sld [smem:$0x3FA4]  }
0x29: {  	s4 =	sld [smem:$0x3FA6]  }
0x2a: {  	p0 =	seq.s32 s5, $0x0;
	s5 =	sld [smem:$0x3FA7]  }
0x2b: {  	s6 =	sld [smem:$0x3FA8]  }
0x2c: {  	s7 =	sld [smem:$0x3FA9]  }
0x2d: {  	s3 =	simm.s32 $0x108;
	s8 =	sld [smem:$0x3FAA]  }
0x2e: {  	s3 =	simm.s32 @!p0 $0x1082;
	s9 =	sld [smem:$0x3FAB]  }
0x2f: {  	lr =	sadd.s32 s0, s3;
	s0 =	sld [smem:$0x3FA2]  }
0x30: {  	s3 =	sld [smem:$0x3FA5]  }
0x31: {  	[smem:$0x3FAE] =	sst s10  }
0x32: {  	s10 =	sld [smem:$0x3FAC];
	_ =	sdelay $0x3  }
0x33: {  	p0 =	seq.s32 s10, $0x1;
	s10 =	sld [smem:$0x3FAE];
	_ =	sdelay $0x3  }
0x34: {  	[smem:$0x3FAE] =	sst s10  }
0x35: {  	s10 =	sld [smem:$0x3FAD];
	_ =	sdelay $0x3  }
0x36: {  	p1 =	seq.s32 s10, $0x1;
	s10 =	sld [smem:$0x3FAE];
	_ =	sdelay $0x3  }
0x37: {  	[smem:$0x3FAE] =	sst s10  }
0x38: {  	s10 =	sld [smem:$0x3FAF]  }
0x39: {  	_ = 	snop;
	(pc) =	sbr.ind lr, $3  }
0x3a: {  	_ = 	snop  }
0x3b: {  	_ = 	snop  }
0x3c: {  	p2 =	seq.s32 s10, $0x1;
	s10 =	sld [smem:$0x3FAE]  }
0x3d: {  	_ =	shalt  }
0x3e: {  	_ =	shalt  }
0x3f: {  	_ =	shalt  }
0x40: {  	_ =	shalt  }
0x41: {  	_ =	shalt  }
0x42: {  	_ =	shalt  }
0x43: {  	_ =	shalt  }
0x44: {  	_ =	shalt  }
0x45: {  	_ =	shalt  }
0x46: {  	_ =	shalt  }
0x47: {  	_ =	shalt  }
0x48: {  	_ =	shalt  }
0x49: {  	_ =	shalt  }
0x4a: {  	_ =	shalt  }
0x4b: {  	_ =	shalt  }
0x4c: {  	_ =	shalt  }
0x4d: {  	_ =	shalt  }
0x4e: {  	_ =	shalt  }
0x4f: {  	_ =	shalt  }
0x50: {  	_ =	shalt  }
0x51: {  	_ =	shalt  }
0x52: {  	_ =	shalt  }
0x53: {  	_ =	shalt  }
0x54: {  	_ =	shalt  }
0x55: {  	_ =	shalt  }
0x56: {  	_ =	shalt  }
0x57: {  	_ =	shalt  }
0x58: {  	_ =	shalt  }
0x59: {  	_ =	shalt  }
0x5a: {  	_ =	shalt  }
0x5b: {  	_ =	shalt  }
0x5c: {  	_ =	shalt  }
0x5d: {  	_ =	shalt  }
0x5e: {  	_ =	shalt  }
0x5f: {  	_ =	shalt  }
0x60: {  	_ =	shalt  }
0x61: {  	_ =	shalt  }
0x62: {  	_ =	shalt  }
0x63: {  	_ =	shalt  }
0x64: {  	_ =	shalt  }
0x65: {  	_ =	shalt  }
0x66: {  	_ =	shalt  }
0x67: {  	_ =	shalt  }
0x68: {  	_ =	shalt  }
0x69: {  	_ =	shalt  }
0x6a: {  	_ =	shalt  }
0x6b: {  	_ =	shalt  }
0x6c: {  	_ =	shalt  }
0x6d: {  	_ =	shalt  }
0x6e: {  	_ =	shalt  }
0x6f: {  	_ =	shalt  }
0x70: {  	_ =	shalt  }
0x71: {  	_ =	shalt  }
0x72: {  	_ =	shalt  }
0x73: {  	_ =	shalt  }
0x74: {  	_ =	shalt  }
0x75: {  	_ =	shalt  }
0x76: {  	_ =	shalt  }
0x77: {  	_ =	shalt  }
0x78: {  	_ =	shalt  }
0x79: {  	_ =	shalt  }
0x7a: {  	_ =	shalt  }
0x7b: {  	_ =	shalt  }
0x7c: {  	_ =	shalt  }
0x7d: {  	_ =	shalt  }
0x7e: {  	_ =	shalt  }
0x7f: {  	_ =	shalt  }
0x80: {  	_ =	shalt  }
0x81: {  	_ =	shalt  }
0x82: {  	_ =	shalt  }
0x83: {  	_ =	shalt  }
0x84: {  	_ =	shalt  }
0x85: {  	_ =	shalt  }
0x86: {  	_ =	shalt  }
0x87: {  	_ =	shalt  }
.Lfunc_end0:
.L_simem_size_0:
called_computation.11_lowered:
.L_overlay_start_0:
0x88: {  	s2 =	sld [smem:$0x3FD9]  }
0x89: {  	s3 =	sld [smem:$0x3FFE];
	_ =	sdelay $0x1  }
0x8a: {  	s1 =	srdreg.scid  }
0x8b: {  	s0 =	sand.u32 $0x1, s1  }
0x8c: {  	s17 =	sshll.u32 s0, $0xA;
	s2 =	sadd.s32 s3, s2  }
0x8d: {  	s2 =	sadd.s32 s2, s17  }
0x8e: {  	[smem:$0x3FBA] =	sst s2  }
0x8f: {  	_ = 	snop  }
0x90: {  	s2 =	sld [smem:$0x3FD0];
	(tm) =	ssettm $0x1  }
0x91: {  	s18 =	sld [smem:$0x3FFB];
	_ =	sdelay $0x3  }
0x92: {  	_ =	strace s18  }
0x93: {  	s3 =	sld [smem:$0x3FFC];
	_ =	sdelay $0x3  }
0x94: {  	_ =	strace s3  }
0x95: {  	s3 =	sld [smem:$0x3FFD];
	_ =	sdelay $0x3  }
0x96: {  	_ =	strace s3  }
0x97: {  	_ =	strace $0x8FFFFFFF  }
0x98: {  	s19 =	sld [smem:$0x3FDB];
	_ =	sdelay $0x1  }
0x99: {  	s4 =	simm.s32 $_scs_section_size  }
0x9a: {  	s5 =	simm.s32 $_size__tile_overlayer_lowered;
	s6 =	simm.s32 $_tile_overlayer_lowered  }
0x9b: {  	s22 =	simm.s32 $0x1BFF;
	s21 =	sshll.u32 s6, $0x1;
	s3 =	sadd.s32 s4, s19  }
0x9c: {  	s7 =	simm.s32 $0x0;
	s20 =	sshll.u32 s5, $0x1;
	s5 =	sadd.s32 s21, s3  }
0x9d: {  	[timem:s7], [sflag:s22] =	dma.local [hbm:s5], s20  }
0x9e: {  	_ =	swait.ge [sflag:s22], s20  }
0x9f: {  	s4 =	ssub.s32 $0x0, s20;
	[sflag:s22] =	ssyncset.done $0x0  }
0xa0: {  	[sflag:s22] =	ssyncadd.s32 s4;
	_ =	sdelay $0x1  }
0xa1: {  	s23 =	simm.s32 $0x1B8B  }
0xa2: {  	_ =	swait.ge [sflag:s23], $0x1  }
0xa3: {  	[sflag:s23] =	ssyncset.done $0x0  }
0xa4: {  	s25 =	simm.s32 $0x1B8E;
	s24 =	sld [smem:$0x3FFE];
	[sflag:s23] =	ssyncadd.s32 $0xFFFFFFFF  }
0xa5: {  	s26 =	simm.s32 $execute0_lowered;
	[smem:$0x3FD2] =	sst s25  }
0xa6: {  	s5 =	sshll.u32 s26, $0x1;
	_ =	strace $0x80000067;
	[dreg:$0x1] =	wrdreg $0xFFFFFFFF  }
0xa7: {  	s28 =	simm.s32 $_size_execute0_lowered;
	s3 =	sadd.s32 s3, s5;
	[dreg:$0x0] =	wrdreg $0x0  }
0xa8: {  	s5 =	sshll.u32 s28, $0x1;
	[dreg:$0x2] =	wrdreg s3  }
0xa9: {  	[dreg:$0x3] =	wrdreg s5  }
0xaa: {  	[dreg:$0x4] =	wrdreg $0xC0  }
0xab: {  	_ =	task [dreg:s7], $0x5FFFF  }
0xac: {  	[dreg:$0x1] =	wrdreg $0xFFFFFFFF  }
0xad: {  	[dreg:$0x0] =	wrdreg $0x60  }
0xae: {  	[dreg:$0x2] =	wrdreg s24  }
0xaf: {  	[dreg:$0x3] =	wrdreg s2  }
0xb0: {  	[dreg:$0x4] =	wrdreg $0x40800  }
0xb1: {  	[dreg:$0x5] =	wrdreg $0x9  }
0xb2: {  	_ =	task.clear_ibuf [dreg:s7], $0x6FFFF;
	_ =	strace $0x90000067  }
0xb3: {  	s29 =	simm.s32 $0x9;
	_ =	strace $0x80000069  }
0xb4: {  	_ =	swait.ge [sflag:s29], $0x1  }
0xb5: {  	[sflag:s29] =	ssyncadd.s32 $0xFFFFFFFF  }
0xb6: {  	_ =	strace $0x90000069  }
0xb7: {  	_ =	sfence  }
0xb8: {  	s30 =	sld [smem:$0x0];
	_ =	sdelay $0x2  }
0xb9: {  	s31 =	sshll.u32 s1, $0xD;
	s1 =	sshrl.u32 s1, $0x2  }
0xba: {  	s3 =	sand.u32 $0x4000, s31;
	s1 =	sadd.s32 s1, s30  }
0xbb: {  	s0 =	sor.u32 s3, s0;
	s1 =	sshll.u32 s1, $0x11  }
0xbc: {  	s0 =	sor.u32 s1, s0  }
0xbd: {  	s0 =	sadd.s32 $0x8F2B, s0  }
0xbe: {  	[sflag:s0] =	ssyncadd.remote.s32 $0x1  }
0xbf: {  	_ =	sfence.sel $0xFFFF  }
0xc0: {  	[dreg:$0x0] =	wrdreg $0xFFFFFFFF;
	(pc) =	sbr.abs _section_cstart, $3  }
0xc1: {  	[dreg:$0x1] =	wrdreg $0xFFFFFFFF  }
0xc2: {  	_ =	task.clear_ibuf [dreg:s7], $0x2FFFF;
	_ =	strace $0x9FFFFFFF  }
0xc3: {  	(tm) =	ssettm $0x7FFFFFFF  }
tec
execute0_lowered:
.L_overlay_start_1:
0x0: {  	(tag) =	ssettag $0x1  }
0x1: {  	s5 =	rddreg [dreg:$0x0]  }
0x2: {  	s8 =	rddreg [dreg:$0x1];
	s0 =	srdreg.scid  }
0x3: {  	s2 =	rddreg [dreg:$0x2];
	s1 =	stileid.u32;
	s3 =	simm.s32 $0x0  }
0x4: {  	s6 =	sand.u32 $0x1, s0;
	s0 =	rddreg [dreg:$0x3];
	s13 =	smul.u32 $0x2780, s1  }
0x5: {  	[smem:$0x7FF] =	sst s3;
	s9 =	smul.u32 $0x4F000, s1  }
0x6: {  	s14 =	sshll.u32 s1, $0xB;
	p0 =	seq.s32 s1, $0xF;
	s4 =	smul.u32 $0x138800, s6  }
0x7: {  	s31 =	sshll.u32 s1, $0x4;
	s7 =	smul.u32 $0x27100, s6;
	_ =	strace $0x80000068  }
0x8: {  	s11 =	ssub.s32 $0x2, s6;
	s30 =	smul.u32 $0x2710, s6;
	s28 =	sadd.s32 s13, s5  }
0x9: {  	s12 =	sshrl.u32 s11, $0x1;
	s9 =	sshrl.u32 s9, $0x2;
	s10 =	sadd.s32 s4, s5  }
0xa: {  	s7 =	sadd.s32 s7, s5;
	s11 =	ssub.s32 s11, s12;
	s12 =	sadd.s32 s9, s2  }
0xb: {  	s4 =	sadd.s32 $0x37400, s28;
	s9 =	sadd.s32 $0x128400, s2;
	s5 =	sadd.s32 $0x5C480, s5  }
0xc: {  	s8 =	sadd.s32 s30, s8;
	s15 =	sadd.s32 $0x5E600, s7;
	s29 =	sadd.s32 s14, s10  }
0xd: {  	s6 =	smax.u32 s11, $0x1;
	s11 =	sshll.u32 @!p0 s1, $0x6;
	s8 =	sadd.s32 s31, s8  }
0xe: {  	s9 =	sshrl.u32 @p0 s9, $0x3;
	s7 =	sadd.s32 $0xEDDC00, s29;
	s10 =	sor.u32 @!p0 $0x1C01, s11  }
0xf: {  	s11 =	sshrl.u32 @!p0 s12, $0x3;
	s12 =	sadd.s32 @p0 $0x25080, s15;
	s13 =	sadd.s32 @!p0 s13, s15  }
.LBB2_1:
0x10: {  	s14 =	simm.s32 @p0 $0x1FC1  }
0x11: {  	[spmem:s9], [sflag:s14] =	dma.local @p0 [hbm:s5], $0x2080  }
0x12: {  	s14 =	simm.s32 @p0 $0x1  }
0x13: {  	_ =	swait.ge @p0 [sflag:s14], $0x2080  }
0x14: {  	[sflag:s14] =	ssyncset.done @p0 $0x0  }
0x15: {  	[sflag:s14] =	ssyncadd.s32 @p0 $0xFFFFDF80;
	s14 =	simm.s32 @!p0 $0x1  }
0x16: {  	[spmem:s11], [sflag:s10] =	dma.local @!p0 [hbm:s4], $0x2780  }
0x17: {  	_ =	swait.ge @!p0 [sflag:s14], $0x2780  }
0x18: {  	s15 =	sadd.s32 $0x0, s1;
	[sflag:s14] =	ssyncset.done @!p0 $0x0  }
0x19: {  	p1 =	sgt.u32 s15, $0x270;
	[sflag:s14] =	ssyncadd.s32 @!p0 $0xFFFFD880  }
0x1a: {  	s16 =	simm.s32 @!p1 $0x2;
	s14 =	simm.s32 @!p1 $0x0;
	[bflag:$0x0] =	sbarrier.arrive $0xFFFF  }
0x1b: {  	[tilespmem:s14], [sflag:$0x2] =	stream.linear.gather @!p1 [hbm4b:s8+s14], $0x80, $0x38;
	[tilespmem:$0x17900] =	vst v63  }
0x1c: {  	_ =	swait.ge @!p1 [sflag:s16], $0x80  }
0x1d: {  	[sflag:s16] =	ssyncset.done @!p1 $0x0;
	p1 =	por p1, p1  }
0x1e: {  	[sflag:s16] =	ssyncadd.s32 @!p1 $0xFFFFFF80;
	s18 =	simm.s32 @!p1 $0x80  }
0x1f: {  	[tilespmem:s18], [sflag:$0x2] =	stream.linear.gather @!p1 [hbm4b:s7+s14], $0x4000, $0x38;
	[tilespmem:$0x17900] =	vst v63  }
0x20: {  	_ =	swait.ge @!p1 [sflag:s16], $0x4000  }
0x21: {  	[sflag:s16] =	ssyncset.done @!p1 $0x0  }
0x22: {  	s31 =	sadd.s32 $0x10, s1;
	s17 =	simm.s32 @!p1 $0x1;
	[sflag:s16] =	ssyncadd.s32 @!p1 $0xFFFFC000  }
0x23: {  	[spmem:s2] =	stream.indirect.scatter.add.f32 @!p1 [tilespmem:s18], [sflag:$0x1], $0x80, s14, s18, $0xb8;
	[tilespmem:$0x17900] =	vst v63  }
0x24: {  	s15 =	simm.s32 $0x20;
	p2 =	sgt.u32 s31, $0x270;
	_ =	swait.ge @!p1 [sflag:s17], $0x4000  }
0x25: {  	s16 =	sadd.s32 $0x100, s8;
	s14 =	sadd.s32 $0x8000, s7;
	[sflag:s17] =	ssyncset.done @!p1 $0x0  }
.LBB2_2:
0x26: {  	s18 =	simm.s32 @!p2 $0x0;
	s19 =	simm.s32 @!p2 $0x2;
	[sflag:s17] =	ssyncadd.s32 @!p1 $0xFFFFC000  }
0x27: {  	[tilespmem:s18], [sflag:$0x2] =	stream.linear.gather @!p2 [hbm4b:s16+s18], $0x80, $0x38;
	[tilespmem:$0x17900] =	vst v63  }
0x28: {  	s20 =	smov.u32 s15;
	s15 =	sadd.s32 $0x10, s15;
	_ =	swait.ge @!p2 [sflag:s19], $0x80  }
0x29: {  	p1 =	por p2, p2;
	p3 =	sne.s32 s15, $0x280;
	[sflag:s19] =	ssyncset.done @!p2 $0x0  }
0x2a: {  	s21 =	simm.s32 @!p1 $0x80;
	[sflag:s19] =	ssyncadd.s32 @!p1 $0xFFFFFF80  }
0x2b: {  	[tilespmem:s21], [sflag:$0x2] =	stream.linear.gather @!p1 [hbm4b:s14+s18], $0x4000, $0x38;
	[tilespmem:$0x17900] =	vst v63  }
0x2c: {  	_ =	swait.ge @!p1 [sflag:s19], $0x4000  }
.Ltmp0:
0x2d: {  	[sflag:s19] =	ssyncset.done @!p1 $0x0;
	(pc) =	sbr.rel @p3 .LBB2_2-.Ltmp0, $4  }
0x2e: {  	s17 =	simm.s32 @!p1 $0x1;
	[sflag:s19] =	ssyncadd.s32 @!p1 $0xFFFFC000  }
0x2f: {  	[spmem:s2] =	stream.indirect.scatter.add.f32 @!p1 [tilespmem:s21], [sflag:$0x1], $0x80, s18, s21, $0xb8;
	[tilespmem:$0x17900] =	vst v63  }
0x30: {  	s16 =	sadd.s32 $0x100, s16;
	s18 =	sadd.s32 s20, s1;
	_ =	swait.ge @!p1 [sflag:s17], $0x4000  }
0x31: {  	s14 =	sadd.s32 $0x8000, s14;
	p2 =	sgt.u32 s18, $0x270;
	[sflag:s17] =	ssyncset.done @!p1 $0x0  }
0x32: {  	s15 =	simm.s32 @!p2 $0x0;
	s18 =	simm.s32 @!p2 $0x2;
	[sflag:s17] =	ssyncadd.s32 @!p1 $0xFFFFC000  }
0x33: {  	[tilespmem:s15], [sflag:$0x2] =	stream.linear.gather @!p2 [hbm4b:s16+s15], $0x80, $0x38;
	[tilespmem:$0x17900] =	vst v63  }
0x34: {  	_ =	swait.ge @!p2 [sflag:s18], $0x80  }
0x35: {  	p1 =	por p2, p2;
	[sflag:s18] =	ssyncset.done @!p2 $0x0  }
0x36: {  	s16 =	simm.s32 @!p1 $0x80;
	[sflag:s18] =	ssyncadd.s32 @!p1 $0xFFFFFF80  }
0x37: {  	[tilespmem:s16], [sflag:$0x2] =	stream.linear.gather @!p1 [hbm4b:s14+s15], $0x4000, $0x38;
	[tilespmem:$0x17900] =	vst v63  }
0x38: {  	_ =	swait.ge @!p1 [sflag:s18], $0x4000  }
0x39: {  	[sflag:s18] =	ssyncset.done @!p1 $0x0  }
0x3a: {  	s14 =	simm.s32 @!p1 $0x1;
	[sflag:s18] =	ssyncadd.s32 @!p1 $0xFFFFC000  }
0x3b: {  	[spmem:s2] =	stream.indirect.scatter.add.f32 @!p1 [tilespmem:s16], [sflag:$0x1], $0x80, s15, s16, $0xb8;
	[tilespmem:$0x17900] =	vst v63  }
0x3c: {  	_ =	swait.ge @!p1 [sflag:s14], $0x4000  }
0x3d: {  	[sflag:s14] =	ssyncset.done @!p1 $0x0  }
0x3e: {  	[sflag:s14] =	ssyncadd.s32 @!p1 $0xFFFFC000  }
0x3f: {  	s14 =	simm.s32 @p0 $0x1FC1;
	[bflag:$0x0] =	sbarrier.arrive $0xFFFF  }
0x40: {  	[hbm:s12], [sflag:s14] =	dma.local @p0 [spmem:s9], $0x2080  }
0x41: {  	s14 =	simm.s32 @p0 $0x1  }
0x42: {  	s3 =	sadd.s32 $0x1, s3;
	_ =	swait.ge @p0 [sflag:s14], $0x2080  }
0x43: {  	p1 =	sne.s32 s3, s6;
	[sflag:s14] =	ssyncset.done @p0 $0x0  }
.Ltmp1:
0x44: {  	[sflag:s14] =	ssyncadd.s32 @p0 $0xFFFFDF80;
	s14 =	simm.s32 @!p0 $0x1;
	(pc) =	sbr.rel @p1 .LBB2_1-.Ltmp1, $4  }
0x45: {  	[hbm:s13], [sflag:s10] =	dma.local @!p0 [spmem:s11], $0x2780  }
0x46: {  	_ =	swait.ge @!p0 [sflag:s14], $0x2780  }
0x47: {  	[sflag:s14] =	ssyncset.done @!p0 $0x0  }
0x48: {  	[sflag:s14] =	ssyncadd.s32 @!p0 $0xFFFFD880  }
0x49: {  	_ =	sfence.sel $0x180000  }
0x4a: {  	[bflag:$0x0] =	sbarrier.arrive $0xFFFF  }
0x4b: {  	p0 =	sne.s32 s1, $0x0;
	_ =	strace $0x90000068  }
0x4c: {  	s0 =	sadd.s32 @!p0 $0x100000, s0;
	[bflag:$0x2] =	sbarrier.arrive $0xFFFF  }
0x4d: {  	[sflag:s0] =	ssyncadd.tile.s32 @!p0 $0x1;
	_ =	shalt  }
.Lfunc_end2:
_tile_overlayer_lowered:
.L_overlay_start_2:
0x4e: {  	(tag) =	ssettag $0x2  }
0x4f: {  	s0 =	rddreg [dreg:$0x0];
	s2 =	stileid.u32  }
0x50: {  	s1 =	rddreg [dreg:$0x1];
	p0 =	sne.s32 s2, $0x0  }
0x51: {  	s3 =	rddreg [dreg:$0x2];
	[bflag:$0x3] =	sbarrier.arrive $0xFFFF;
	s2 =	simm.s32 @!p0 $0x1C01  }
0x52: {  	[timem:s3], [sflag:s2] =	dma.local @!p0 [hbm:s0], s1  }
0x53: {  	s0 =	simm.s32 @!p0 $0x1  }
0x54: {  	_ =	swait.ge @!p0 [sflag:s0], s1  }
0x55: {  	s1 =	ssub.s32 @!p0 $0x0, s1;
	[sflag:s0] =	ssyncset.done @!p0 $0x0  }
0x56: {  	[sflag:s0] =	ssyncadd.s32 @!p0 s1  }
0x57: {  	[bflag:$0x3] =	sbarrier.arrive $0xFFFF  }
0x58: {  	_ =	shalt  }

</sc_bundles>
